<compile_context>
chip_gen: v7x
topology: tpu7x:2x2x1
jax: 0.10.2.dev20260603
libtpu: 0.0.44.dev20260713+nightly
codegen_flags: <defaults>
</compile_context>

<pallas_src>
import functools

import jax
import jax.numpy as jnp
from jax import lax
from jax.experimental import pallas as pl
from jax.experimental.pallas import tpu as pltpu
from jax.experimental.pallas import tpu_sc as plsc

BATCH = 4096
HIST = 200
EMBED = 64
N = BATCH * HIST
NC, NS = 2, 16
NW = NC * NS
PER_W = N // NW
CH = 256
NCHUNK = PER_W // CH
PAIRS = NCHUNK // 2


def _sc_gather(idx_flat, table):
    mesh = plsc.VectorSubcoreMesh(core_axis_name="c", subcore_axis_name="s")

    @functools.partial(
        pl.kernel,
        out_type=jax.ShapeDtypeStruct((N, EMBED), jnp.float32),
        mesh=mesh,
        scratch_types=[
            pltpu.VMEM((CH,), jnp.int32),
            pltpu.VMEM((CH,), jnp.int32),
            pltpu.VMEM((CH, EMBED), jnp.float32),
            pltpu.VMEM((CH, EMBED), jnp.float32),
            pltpu.VMEM((CH * EMBED * 2,), jnp.int32),
            pltpu.SemaphoreType.DMA,
            pltpu.SemaphoreType.DMA,
            pltpu.SemaphoreType.DMA,
            pltpu.SemaphoreType.DMA,
            pltpu.SemaphoreType.DMA,
            pltpu.SemaphoreType.DMA,
        ],
    )
    def k(idx_hbm, table_hbm, out_hbm, idx0, idx1, rows0, rows1, dummy_v,
          isem0, isem1, gsem0, gsem1, wsem0, wsem1):
        wid = lax.axis_index("s") * NC + lax.axis_index("c")
        base = wid * PER_W
        idx_s = (idx0, idx1)
        rows_v = (rows0, rows1)
        isem = (isem0, isem1)
        gsem = (gsem0, gsem1)
        wsem = (wsem0, wsem1)

        def start_idx(c, b):
            pltpu.async_copy(
                idx_hbm.at[pl.ds(base + c * CH, CH)], idx_s[b], isem[b])

        def wait_idx(b):
            pltpu.make_async_copy(
                idx_hbm.at[pl.ds(0, CH)], idx_s[b], isem[b]).wait()

        def enqueue_rows(b):
            def group(g, carry):
                vec = idx_s[b][pl.ds(g * 16, 16)]
                for j in range(16):
                    i = vec[j]
                    pltpu.async_copy(table_hbm.at[i],
                                     rows_v[b].at[g * 16 + j], gsem[b])
                return carry

            lax.fori_loop(0, CH // 16, group, 0)

        def drain_rows(b):
            pltpu.make_async_copy(
                idx_hbm.at[pl.ds(0, CH * EMBED * 2)], dummy_v, gsem[b]).wait()

        def start_wb(c, b):
            pltpu.async_copy(
                rows_v[b], out_hbm.at[pl.ds(base + c * CH, CH)], wsem[b])

        def wait_wb(b):
            pltpu.make_async_copy(
                rows_v[b], out_hbm.at[pl.ds(0, CH)], wsem[b]).wait()

        start_idx(0, 0)
        start_idx(1, 1)
        wait_idx(0)
        enqueue_rows(0)

        drain_rows(0)
        start_wb(0, 0)
        start_idx(2, 0)
        wait_idx(1)
        enqueue_rows(1)

        drain_rows(1)
        start_wb(1, 1)
        start_idx(3, 1)
        wait_wb(0)
        wait_idx(0)
        enqueue_rows(0)

        def pair_body(p, carry):
            c0 = 2 * p
            drain_rows(0)
            start_wb(c0, 0)
            start_idx(c0 + 2, 0)
            wait_wb(1)
            wait_idx(1)
            enqueue_rows(1)

            drain_rows(1)
            start_wb(c0 + 1, 1)
            start_idx(c0 + 3, 1)
            wait_wb(0)
            wait_idx(0)
            enqueue_rows(0)
            return carry

        lax.fori_loop(1, PAIRS - 1, pair_body, 0)

        drain_rows(0)
        start_wb(NCHUNK - 2, 0)
        wait_wb(1)
        wait_idx(1)
        enqueue_rows(1)

        drain_rows(1)
        start_wb(NCHUNK - 1, 1)

        wait_wb(0)
        wait_wb(1)

    return k(idx_flat, table)


def _mask_body(t_ref, m_ref):
    m_ref[...] = t_ref[...] == 0


def _tc_mask(term):
    blk = 256
    return pl.pallas_call(
        _mask_body,
        out_shape=jax.ShapeDtypeStruct((BATCH, HIST), jnp.bool_),
        in_specs=[pl.BlockSpec((blk, HIST), lambda i: (i, 0))],
        out_specs=pl.BlockSpec((blk, HIST), lambda i: (i, 0)),
        grid=(BATCH // blk,),
    )(term)


def kernel(term, table):
    idx_flat = term.reshape(N)
    rows = _sc_gather(idx_flat, table)
    embedded = rows.reshape(BATCH, HIST, EMBED)
    mask = _tc_mask(term)
    return (embedded, mask)

# --- scband reference (transcript-rebuilt; emitter-appended) ---
"""Pipeline reference for scband-term-encoder-85959475462650 (READ-ONLY COPY).

The authoritative reference and input builder live on the scoring server;
editing this copy changes nothing except your own understanding.
"""

import jax, jax.numpy as jnp
import numpy as np

VOCAB = 1000000
EMBED_DIM = 64
BATCH = 4096
HIST_LEN = 200


def setup_inputs(seed: int = 0) -> dict:
    key = jax.random.key(seed)
    k1, k2 = jax.random.split(key)
    term = jax.random.randint(k1, (BATCH, HIST_LEN), 0, VOCAB, dtype=jnp.int64 if jax.config.read('jax_enable_x64') else jnp.int32)
    table = jax.random.normal(k2, (VOCAB, EMBED_DIM), dtype=jnp.float32)
    return {"term": term, "table": table}


def reference(term, table):
    # mask = term.eq(0)
    mask = (term == 0)
    # embedded = self.embedding(term)
    embedded = jnp.take(table, term, axis=0)
    # dropout with p=0.0 is identity (eval-mode faithful)
    return (embedded, mask)

if __name__ == "__main__":
    import jax
    _d = setup_inputs()
    print(jax.jit(kernel)(*tuple(_d.values())))

</pallas_src>

<mosaic_0001>
#map = affine_map<(d0, d1) -> (0)>
#map1 = affine_map<(d0, d1) -> (0, 0)>
module attributes {stable_mosaic.version = 14 : i64} {
  func.func @k(%arg0: i32, %arg1: i32, %arg2: memref<819200xi32, #tpu.memory_space<hbm>>, %arg3: memref<1000000x64xf32, #tpu.memory_space<hbm>>, %arg4: memref<819200x64xf32, #tpu.memory_space<hbm>>, %arg5: memref<256xi32, #tpu.memory_space<vmem>>, %arg6: memref<256xi32, #tpu.memory_space<vmem>>, %arg7: memref<256x64xf32, #tpu.memory_space<vmem>>, %arg8: memref<256x64xf32, #tpu.memory_space<vmem>>, %arg9: memref<32768xi32, #tpu.memory_space<vmem>>, %arg10: memref<!tpu.dma_semaphore, #tpu.memory_space<semaphore_mem>>, %arg11: memref<!tpu.dma_semaphore, #tpu.memory_space<semaphore_mem>>, %arg12: memref<!tpu.dma_semaphore, #tpu.memory_space<semaphore_mem>>, %arg13: memref<!tpu.dma_semaphore, #tpu.memory_space<semaphore_mem>>, %arg14: memref<!tpu.dma_semaphore, #tpu.memory_space<semaphore_mem>>, %arg15: memref<!tpu.dma_semaphore, #tpu.memory_space<semaphore_mem>>) attributes {dimension_semantics = [#tpu.dimension_semantics<core_parallel>, #tpu.dimension_semantics<subcore_parallel>], iteration_bounds = array<i64: 2, 16>, scalar_prefetch = 0 : i64, scratch_operands = 11 : i64, tpu.core_type = #tpu.core_type<sc_vector_subcore>, window_params = [{transform_indices = #map}, {transform_indices = #map1}, {transform_indices = #map1}]} {
    %mul3A = arith.constant 2 : i32
    %mul3A_0 = arith.muli %arg1, %mul3A : i32
    %add3A = arith.addi %mul3A_0, %arg0 : i32
    %mul3A_1 = arith.constant 25600 : i32
    %mul3A_2 = arith.muli %add3A, %mul3A_1 : i32
    %add3A_3 = arith.constant 0 : i32
    %add3A_4 = arith.addi %mul3A_2, %add3A_3 : i32
    %dma_start3A = tpu.memref_slice %arg2[%add3A_4] : memref<819200xi32, #tpu.memory_space<hbm>> -> memref<256xi32, #tpu.memory_space<hbm>>
    %dma_start3A_5 = tpu.memref_slice %arg2[%add3A_4] : memref<819200xi32, #tpu.memory_space<hbm>> -> memref<256xi32, #tpu.memory_space<hbm>>
    tpu.enqueue_dma source(%dma_start3A_5 : memref<256xi32, #tpu.memory_space<hbm>>) target(%arg5 : memref<256xi32, #tpu.memory_space<vmem>>) target_semaphore(%arg10 : memref<!tpu.dma_semaphore, #tpu.memory_space<semaphore_mem>>)
    %add3A_6 = arith.constant 256 : i32
    %add3A_7 = arith.addi %mul3A_2, %add3A_6 : i32
    %dma_start3A_8 = tpu.memref_slice %arg2[%add3A_7] : memref<819200xi32, #tpu.memory_space<hbm>> -> memref<256xi32, #tpu.memory_space<hbm>>
    %dma_start3A_9 = tpu.memref_slice %arg2[%add3A_7] : memref<819200xi32, #tpu.memory_space<hbm>> -> memref<256xi32, #tpu.memory_space<hbm>>
    tpu.enqueue_dma source(%dma_start3A_9 : memref<256xi32, #tpu.memory_space<hbm>>) target(%arg6 : memref<256xi32, #tpu.memory_space<vmem>>) target_semaphore(%arg11 : memref<!tpu.dma_semaphore, #tpu.memory_space<semaphore_mem>>)
    %dma_wait3A = arith.constant 0 : i32
    %dma_wait3A_10 = tpu.memref_slice %arg2[%dma_wait3A] : memref<819200xi32, #tpu.memory_space<hbm>> -> memref<256xi32, #tpu.memory_space<hbm>>
    %dma_wait3A_11 = arith.constant 0 : i32
    %dma_wait3A_12 = tpu.memref_slice %arg2[%dma_wait3A_11] : memref<819200xi32, #tpu.memory_space<hbm>> -> memref<256xi32, #tpu.memory_space<hbm>>
    tpu.wait_dma2 semaphore(%arg10 : memref<!tpu.dma_semaphore, #tpu.memory_space<semaphore_mem>>) src(%dma_wait3A_12 : memref<256xi32, #tpu.memory_space<hbm>>) dst(%arg5 : memref<256xi32, #tpu.memory_space<vmem>>)
    %scan3A = arith.constant 0 : i32
    %scan3A_13 = arith.constant 0 : i32
    %scan3A_14 = arith.constant 16 : i32
    %scan3A_15 = arith.addi %scan3A_13, %scan3A_14 : i32
    %scan3A_16 = arith.constant 1 : i32
    scf.for %scan3A_126 = %scan3A_13 to %scan3A_15 step %scan3A_16  : i32 {
      %mul3A_127 = arith.constant 16 : i32
      %mul3A_128 = arith.muli %scan3A_126, %mul3A_127 : i32
      %get3A = arith.index_cast %mul3A_128 : i32 to index
      %get3A_129 = tpu.vector_load %arg5[%get3A] {strides = array<i32>} : memref<256xi32, #tpu.memory_space<vmem>>, vector<16xi32>,
      %get3A_130 = vector.shape_cast %get3A_129 : vector<16xi32> to vector<16xi32>
      %slice3A = vector.extract_strided_slice %get3A_130 {offsets = [0], sizes = [1], strides = [1]} : vector<16xi32> to vector<1xi32>
      %squeeze3A = vector.extract %slice3A[0] : i32 from vector<1xi32>
      %mul3A_131 = arith.constant 16 : i32
      %mul3A_132 = arith.muli %scan3A_126, %mul3A_131 : i32
      %add3A_133 = arith.constant 0 : i32
      %add3A_134 = arith.addi %mul3A_132, %add3A_133 : i32
      %dma_start3A_135 = arith.constant 0 : i32
      %dma_start3A_136 = tpu.memref_slice %arg7[%add3A_134, %dma_start3A_135] : memref<256x64xf32, #tpu.memory_space<vmem>> -> memref<1x64xf32, #tpu.memory_space<vmem>>
      %dma_start3A_137 = tpu.memref_squeeze %dma_start3A_136 : memref<1x64xf32, #tpu.memory_space<vmem>> -> memref<64xf32, #tpu.memory_space<vmem>>
      %dma_start3A_138 = arith.constant 0 : i32
      %dma_start3A_139 = tpu.memref_slice %arg3[%squeeze3A, %dma_start3A_138] : memref<1000000x64xf32, #tpu.memory_space<hbm>> -> memref<1x64xf32, #tpu.memory_space<hbm>>
      %dma_start3A_140 = tpu.memref_squeeze %dma_start3A_139 : memref<1x64xf32, #tpu.memory_space<hbm>> -> memref<64xf32, #tpu.memory_space<hbm>>
      %dma_start3A_141 = arith.constant 0 : i32
      %dma_start3A_142 = tpu.memref_slice %arg7[%add3A_134, %dma_start3A_141] : memref<256x64xf32, #tpu.memory_space<vmem>> -> memref<1x64xf32, #tpu.memory_space<vmem>>
      %dma_start3A_143 = tpu.memref_squeeze %dma_start3A_142 : memref<1x64xf32, #tpu.memory_space<vmem>> -> memref<64xf32, #tpu.memory_space<vmem>>
      %dma_start3A_144 = arith.constant 0 : i32
      %dma_start3A_145 = tpu.memref_slice %arg3[%squeeze3A, %dma_start3A_144] : memref<1000000x64xf32, #tpu.memory_space<hbm>> -> memref<1x64xf32, #tpu.memory_space<hbm>>
      %dma_start3A_146 = tpu.memref_squeeze %dma_start3A_145 : memref<1x64xf32, #tpu.memory_space<hbm>> -> memref<64xf32, #tpu.memory_space<hbm>>
      tpu.enqueue_dma source(%dma_start3A_146 : memref<64xf32, #tpu.memory_space<hbm>>) target(%dma_start3A_143 : memref<64xf32, #tpu.memory_space<vmem>>) target_semaphore(%arg12 : memref<!tpu.dma_semaphore, #tpu.memory_space<semaphore_mem>>)
      %slice3A_147 = vector.extract_strided_slice %get3A_130 {offsets = [1], sizes = [1], strides = [1]} : vector<16xi32> to vector<1xi32>
      %squeeze3A_148 = vector.extract %slice3A_147[0] : i32 from vector<1xi32>
      %mul3A_149 = arith.constant 16 : i32
      %mul3A_150 = arith.muli %scan3A_126, %mul3A_149 : i32
      %add3A_151 = arith.constant 1 : i32
      %add3A_152 = arith.addi %mul3A_150, %add3A_151 : i32
      %dma_start3A_153 = arith.constant 0 : i32
      %dma_start3A_154 = tpu.memref_slice %arg7[%add3A_152, %dma_start3A_153] : memref<256x64xf32, #tpu.memory_space<vmem>> -> memref<1x64xf32, #tpu.memory_space<vmem>>
      %dma_start3A_155 = tpu.memref_squeeze %dma_start3A_154 : memref<1x64xf32, #tpu.memory_space<vmem>> -> memref<64xf32, #tpu.memory_space<vmem>>
      %dma_start3A_156 = arith.constant 0 : i32
      %dma_start3A_157 = tpu.memref_slice %arg3[%squeeze3A_148, %dma_start3A_156] : memref<1000000x64xf32, #tpu.memory_space<hbm>> -> memref<1x64xf32, #tpu.memory_space<hbm>>
      %dma_start3A_158 = tpu.memref_squeeze %dma_start3A_157 : memref<1x64xf32, #tpu.memory_space<hbm>> -> memref<64xf32, #tpu.memory_space<hbm>>
      %dma_start3A_159 = arith.constant 0 : i32
      %dma_start3A_160 = tpu.memref_slice %arg7[%add3A_152, %dma_start3A_159] : memref<256x64xf32, #tpu.memory_space<vmem>> -> memref<1x64xf32, #tpu.memory_space<vmem>>
      %dma_start3A_161 = tpu.memref_squeeze %dma_start3A_160 : memref<1x64xf32, #tpu.memory_space<vmem>> -> memref<64xf32, #tpu.memory_space<vmem>>
      %dma_start3A_162 = arith.constant 0 : i32
      %dma_start3A_163 = tpu.memref_slice %arg3[%squeeze3A_148, %dma_start3A_162] : memref<1000000x64xf32, #tpu.memory_space<hbm>> -> memref<1x64xf32, #tpu.memory_space<hbm>>
      %dma_start3A_164 = tpu.memref_squeeze %dma_start3A_163 : memref<1x64xf32, #tpu.memory_space<hbm>> -> memref<64xf32, #tpu.memory_space<hbm>>
      tpu.enqueue_dma source(%dma_start3A_164 : memref<64xf32, #tpu.memory_space<hbm>>) target(%dma_start3A_161 : memref<64xf32, #tpu.memory_space<vmem>>) target_semaphore(%arg12 : memref<!tpu.dma_semaphore, #tpu.memory_space<semaphore_mem>>)
      %slice3A_165 = vector.extract_strided_slice %get3A_130 {offsets = [2], sizes = [1], strides = [1]} : vector<16xi32> to vector<1xi32>
      %squeeze3A_166 = vector.extract %slice3A_165[0] : i32 from vector<1xi32>
      %mul3A_167 = arith.constant 16 : i32
      %mul3A_168 = arith.muli %scan3A_126, %mul3A_167 : i32
      %add3A_169 = arith.constant 2 : i32
      %add3A_170 = arith.addi %mul3A_168, %add3A_169 : i32
      %dma_start3A_171 = arith.constant 0 : i32
      %dma_start3A_172 = tpu.memref_slice %arg7[%add3A_170, %dma_start3A_171] : memref<256x64xf32, #tpu.memory_space<vmem>> -> memref<1x64xf32, #tpu.memory_space<vmem>>
      %dma_start3A_173 = tpu.memref_squeeze %dma_start3A_172 : memref<1x64xf32, #tpu.memory_space<vmem>> -> memref<64xf32, #tpu.memory_space<vmem>>
      %dma_start3A_174 = arith.constant 0 : i32
      %dma_start3A_175 = tpu.memref_slice %arg3[%squeeze3A_166, %dma_start3A_174] : memref<1000000x64xf32, #tpu.memory_space<hbm>> -> memref<1x64xf32, #tpu.memory_space<hbm>>
      %dma_start3A_176 = tpu.memref_squeeze %dma_start3A_175 : memref<1x64xf32, #tpu.memory_space<hbm>> -> memref<64xf32, #tpu.memory_space<hbm>>
      %dma_start3A_177 = arith.constant 0 : i32
      %dma_start3A_178 = tpu.memref_slice %arg7[%add3A_170, %dma_start3A_177] : memref<256x64xf32, #tpu.memory_space<vmem>> -> memref<1x64xf32, #tpu.memory_space<vmem>>
      %dma_start3A_179 = tpu.memref_squeeze %dma_start3A_178 : memref<1x64xf32, #tpu.memory_space<vmem>> -> memref<64xf32, #tpu.memory_space<vmem>>
      %dma_start3A_180 = arith.constant 0 : i32
      %dma_start3A_181 = tpu.memref_slice %arg3[%squeeze3A_166, %dma_start3A_180] : memref<1000000x64xf32, #tpu.memory_space<hbm>> -> memref<1x64xf32, #tpu.memory_space<hbm>>
      %dma_start3A_182 = tpu.memref_squeeze %dma_start3A_181 : memref<1x64xf32, #tpu.memory_space<hbm>> -> memref<64xf32, #tpu.memory_space<hbm>>
      tpu.enqueue_dma source(%dma_start3A_182 : memref<64xf32, #tpu.memory_space<hbm>>) target(%dma_start3A_179 : memref<64xf32, #tpu.memory_space<vmem>>) target_semaphore(%arg12 : memref<!tpu.dma_semaphore, #tpu.memory_space<semaphore_mem>>)
      %slice3A_183 = vector.extract_strided_slice %get3A_130 {offsets = [3], sizes = [1], strides = [1]} : vector<16xi32> to vector<1xi32>
      %squeeze3A_184 = vector.extract %slice3A_183[0] : i32 from vector<1xi32>
      %mul3A_185 = arith.constant 16 : i32
      %mul3A_186 = arith.muli %scan3A_126, %mul3A_185 : i32
      %add3A_187 = arith.constant 3 : i32
      %add3A_188 = arith.addi %mul3A_186, %add3A_187 : i32
      %dma_start3A_189 = arith.constant 0 : i32
      %dma_start3A_190 = tpu.memref_slice %arg7[%add3A_188, %dma_start3A_189] : memref<256x64xf32, #tpu.memory_space<vmem>> -> memref<1x64xf32, #tpu.memory_space<vmem>>
      %dma_start3A_191 = tpu.memref_squeeze %dma_start3A_190 : memref<1x64xf32, #tpu.memory_space<vmem>> -> memref<64xf32, #tpu.memory_space<vmem>>
      %dma_start3A_192 = arith.constant 0 : i32
      %dma_start3A_193 = tpu.memref_slice %arg3[%squeeze3A_184, %dma_start3A_192] : memref<1000000x64xf32, #tpu.memory_space<hbm>> -> memref<1x64xf32, #tpu.memory_space<hbm>>
      %dma_start3A_194 = tpu.memref_squeeze %dma_start3A_193 : memref<1x64xf32, #tpu.memory_space<hbm>> -> memref<64xf32, #tpu.memory_space<hbm>>
      %dma_start3A_195 = arith.constant 0 : i32
      %dma_start3A_196 = tpu.memref_slice %arg7[%add3A_188, %dma_start3A_195] : memref<256x64xf32, #tpu.memory_space<vmem>> -> memref<1x64xf32, #tpu.memory_space<vmem>>
      %dma_start3A_197 = tpu.memref_squeeze %dma_start3A_196 : memref<1x64xf32, #tpu.memory_space<vmem>> -> memref<64xf32, #tpu.memory_space<vmem>>
      %dma_start3A_198 = arith.constant 0 : i32
      %dma_start3A_199 = tpu.memref_slice %arg3[%squeeze3A_184, %dma_start3A_198] : memref<1000000x64xf32, #tpu.memory_space<hbm>> -> memref<1x64xf32, #tpu.memory_space<hbm>>
      %dma_start3A_200 = tpu.memref_squeeze %dma_start3A_199 : memref<1x64xf32, #tpu.memory_space<hbm>> -> memref<64xf32, #tpu.memory_space<hbm>>
      tpu.enqueue_dma source(%dma_start3A_200 : memref<64xf32, #tpu.memory_space<hbm>>) target(%dma_start3A_197 : memref<64xf32, #tpu.memory_space<vmem>>) target_semaphore(%arg12 : memref<!tpu.dma_semaphore, #tpu.memory_space<semaphore_mem>>)
      %slice3A_201 = vector.extract_strided_slice %get3A_130 {offsets = [4], sizes = [1], strides = [1]} : vector<16xi32> to vector<1xi32>
      %squeeze3A_202 = vector.extract %slice3A_201[0] : i32 from vector<1xi32>
      %mul3A_203 = arith.constant 16 : i32
      %mul3A_204 = arith.muli %scan3A_126, %mul3A_203 : i32
      %add3A_205 = arith.constant 4 : i32
      %add3A_206 = arith.addi %mul3A_204, %add3A_205 : i32
      %dma_start3A_207 = arith.constant 0 : i32
      %dma_start3A_208 = tpu.memref_slice %arg7[%add3A_206, %dma_start3A_207] : memref<256x64xf32, #tpu.memory_space<vmem>> -> memref<1x64xf32, #tpu.memory_space<vmem>>
      %dma_start3A_209 = tpu.memref_squeeze %dma_start3A_208 : memref<1x64xf32, #tpu.memory_space<vmem>> -> memref<64xf32, #tpu.memory_space<vmem>>
      %dma_start3A_210 = arith.constant 0 : i32
      %dma_start3A_211 = tpu.memref_slice %arg3[%squeeze3A_202, %dma_start3A_210] : memref<1000000x64xf32, #tpu.memory_space<hbm>> -> memref<1x64xf32, #tpu.memory_space<hbm>>
      %dma_start3A_212 = tpu.memref_squeeze %dma_start3A_211 : memref<1x64xf32, #tpu.memory_space<hbm>> -> memref<64xf32, #tpu.memory_space<hbm>>
      %dma_start3A_213 = arith.constant 0 : i32
      %dma_start3A_214 = tpu.memref_slice %arg7[%add3A_206, %dma_start3A_213] : memref<256x64xf32, #tpu.memory_space<vmem>> -> memref<1x64xf32, #tpu.memory_space<vmem>>
      %dma_start3A_215 = tpu.memref_squeeze %dma_start3A_214 : memref<1x64xf32, #tpu.memory_space<vmem>> -> memref<64xf32, #tpu.memory_space<vmem>>
      %dma_start3A_216 = arith.constant 0 : i32
      %dma_start3A_217 = tpu.memref_slice %arg3[%squeeze3A_202, %dma_start3A_216] : memref<1000000x64xf32, #tpu.memory_space<hbm>> -> memref<1x64xf32, #tpu.memory_space<hbm>>
      %dma_start3A_218 = tpu.memref_squeeze %dma_start3A_217 : memref<1x64xf32, #tpu.memory_space<hbm>> -> memref<64xf32, #tpu.memory_space<hbm>>
      tpu.enqueue_dma source(%dma_start3A_218 : memref<64xf32, #tpu.memory_space<hbm>>) target(%dma_start3A_215 : memref<64xf32, #tpu.memory_space<vmem>>) target_semaphore(%arg12 : memref<!tpu.dma_semaphore, #tpu.memory_space<semaphore_mem>>)
      %slice3A_219 = vector.extract_strided_slice %get3A_130 {offsets = [5], sizes = [1], strides = [1]} : vector<16xi32> to vector<1xi32>
      %squeeze3A_220 = vector.extract %slice3A_219[0] : i32 from vector<1xi32>
      %mul3A_221 = arith.constant 16 : i32
      %mul3A_222 = arith.muli %scan3A_126, %mul3A_221 : i32
      %add3A_223 = arith.constant 5 : i32
      %add3A_224 = arith.addi %mul3A_222, %add3A_223 : i32
      %dma_start3A_225 = arith.constant 0 : i32
      %dma_start3A_226 = tpu.memref_slice %arg7[%add3A_224, %dma_start3A_225] : memref<256x64xf32, #tpu.memory_space<vmem>> -> memref<1x64xf32, #tpu.memory_space<vmem>>
      %dma_start3A_227 = tpu.memref_squeeze %dma_start3A_226 : memref<1x64xf32, #tpu.memory_space<vmem>> -> memref<64xf32, #tpu.memory_space<vmem>>
      %dma_start3A_228 = arith.constant 0 : i32
      %dma_start3A_229 = tpu.memref_slice %arg3[%squeeze3A_220, %dma_start3A_228] : memref<1000000x64xf32, #tpu.memory_space<hbm>> -> memref<1x64xf32, #tpu.memory_space<hbm>>
      %dma_start3A_230 = tpu.memref_squeeze %dma_start3A_229 : memref<1x64xf32, #tpu.memory_space<hbm>> -> memref<64xf32, #tpu.memory_space<hbm>>
      %dma_start3A_231 = arith.constant 0 : i32
      %dma_start3A_232 = tpu.memref_slice %arg7[%add3A_224, %dma_start3A_231] : memref<256x64xf32, #tpu.memory_space<vmem>> -> memref<1x64xf32, #tpu.memory_space<vmem>>
      %dma_start3A_233 = tpu.memref_squeeze %dma_start3A_232 : memref<1x64xf32, #tpu.memory_space<vmem>> -> memref<64xf32, #tpu.memory_space<vmem>>
      %dma_start3A_234 = arith.constant 0 : i32
      %dma_start3A_235 = tpu.memref_slice %arg3[%squeeze3A_220, %dma_start3A_234] : memref<1000000x64xf32, #tpu.memory_space<hbm>> -> memref<1x64xf32, #tpu.memory_space<hbm>>
      %dma_start3A_236 = tpu.memref_squeeze %dma_start3A_235 : memref<1x64xf32, #tpu.memory_space<hbm>> -> memref<64xf32, #tpu.memory_space<hbm>>
      tpu.enqueue_dma source(%dma_start3A_236 : memref<64xf32, #tpu.memory_space<hbm>>) target(%dma_start3A_233 : memref<64xf32, #tpu.memory_space<vmem>>) target_semaphore(%arg12 : memref<!tpu.dma_semaphore, #tpu.memory_space<semaphore_mem>>)
      %slice3A_237 = vector.extract_strided_slice %get3A_130 {offsets = [6], sizes = [1], strides = [1]} : vector<16xi32> to vector<1xi32>
      %squeeze3A_238 = vector.extract %slice3A_237[0] : i32 from vector<1xi32>
      %mul3A_239 = arith.constant 16 : i32
      %mul3A_240 = arith.muli %scan3A_126, %mul3A_239 : i32
      %add3A_241 = arith.constant 6 : i32
      %add3A_242 = arith.addi %mul3A_240, %add3A_241 : i32
      %dma_start3A_243 = arith.constant 0 : i32
      %dma_start3A_244 = tpu.memref_slice %arg7[%add3A_242, %dma_start3A_243] : memref<256x64xf32, #tpu.memory_space<vmem>> -> memref<1x64xf32, #tpu.memory_space<vmem>>
      %dma_start3A_245 = tpu.memref_squeeze %dma_start3A_244 : memref<1x64xf32, #tpu.memory_space<vmem>> -> memref<64xf32, #tpu.memory_space<vmem>>
      %dma_start3A_246 = arith.constant 0 : i32
      %dma_start3A_247 = tpu.memref_slice %arg3[%squeeze3A_238, %dma_start3A_246] : memref<1000000x64xf32, #tpu.memory_space<hbm>> -> memref<1x64xf32, #tpu.memory_space<hbm>>
      %dma_start3A_248 = tpu.memref_squeeze %dma_start3A_247 : memref<1x64xf32, #tpu.memory_space<hbm>> -> memref<64xf32, #tpu.memory_space<hbm>>
      %dma_start3A_249 = arith.constant 0 : i32
      %dma_start3A_250 = tpu.memref_slice %arg7[%add3A_242, %dma_start3A_249] : memref<256x64xf32, #tpu.memory_space<vmem>> -> memref<1x64xf32, #tpu.memory_space<vmem>>
      %dma_start3A_251 = tpu.memref_squeeze %dma_start3A_250 : memref<1x64xf32, #tpu.memory_space<vmem>> -> memref<64xf32, #tpu.memory_space<vmem>>
      %dma_start3A_252 = arith.constant 0 : i32
      %dma_start3A_253 = tpu.memref_slice %arg3[%squeeze3A_238, %dma_start3A_252] : memref<1000000x64xf32, #tpu.memory_space<hbm>> -> memref<1x64xf32, #tpu.memory_space<hbm>>
      %dma_start3A_254 = tpu.memref_squeeze %dma_start3A_253 : memref<1x64xf32, #tpu.memory_space<hbm>> -> memref<64xf32, #tpu.memory_space<hbm>>
      tpu.enqueue_dma source(%dma_start3A_254 : memref<64xf32, #tpu.memory_space<hbm>>) target(%dma_start3A_251 : memref<64xf32, #tpu.memory_space<vmem>>) target_semaphore(%arg12 : memref<!tpu.dma_semaphore, #tpu.memory_space<semaphore_mem>>)
      %slice3A_255 = vector.extract_strided_slice %get3A_130 {offsets = [7], sizes = [1], strides = [1]} : vector<16xi32> to vector<1xi32>
      %squeeze3A_256 = vector.extract %slice3A_255[0] : i32 from vector<1xi32>
      %mul3A_257 = arith.constant 16 : i32
      %mul3A_258 = arith.muli %scan3A_126, %mul3A_257 : i32
      %add3A_259 = arith.constant 7 : i32
      %add3A_260 = arith.addi %mul3A_258, %add3A_259 : i32
      %dma_start3A_261 = arith.constant 0 : i32
      %dma_start3A_262 = tpu.memref_slice %arg7[%add3A_260, %dma_start3A_261] : memref<256x64xf32, #tpu.memory_space<vmem>> -> memref<1x64xf32, #tpu.memory_space<vmem>>
      %dma_start3A_263 = tpu.memref_squeeze %dma_start3A_262 : memref<1x64xf32, #tpu.memory_space<vmem>> -> memref<64xf32, #tpu.memory_space<vmem>>
      %dma_start3A_264 = arith.constant 0 : i32
      %dma_start3A_265 = tpu.memref_slice %arg3[%squeeze3A_256, %dma_start3A_264] : memref<1000000x64xf32, #tpu.memory_space<hbm>> -> memref<1x64xf32, #tpu.memory_space<hbm>>
      %dma_start3A_266 = tpu.memref_squeeze %dma_start3A_265 : memref<1x64xf32, #tpu.memory_space<hbm>> -> memref<64xf32, #tpu.memory_space<hbm>>
      %dma_start3A_267 = arith.constant 0 : i32
      %dma_start3A_268 = tpu.memref_slice %arg7[%add3A_260, %dma_start3A_267] : memref<256x64xf32, #tpu.memory_space<vmem>> -> memref<1x64xf32, #tpu.memory_space<vmem>>
      %dma_start3A_269 = tpu.memref_squeeze %dma_start3A_268 : memref<1x64xf32, #tpu.memory_space<vmem>> -> memref<64xf32, #tpu.memory_space<vmem>>
      %dma_start3A_270 = arith.constant 0 : i32
      %dma_start3A_271 = tpu.memref_slice %arg3[%squeeze3A_256, %dma_start3A_270] : memref<1000000x64xf32, #tpu.memory_space<hbm>> -> memref<1x64xf32, #tpu.memory_space<hbm>>
      %dma_start3A_272 = tpu.memref_squeeze %dma_start3A_271 : memref<1x64xf32, #tpu.memory_space<hbm>> -> memref<64xf32, #tpu.memory_space<hbm>>
      tpu.enqueue_dma source(%dma_start3A_272 : memref<64xf32, #tpu.memory_space<hbm>>) target(%dma_start3A_269 : memref<64xf32, #tpu.memory_space<vmem>>) target_semaphore(%arg12 : memref<!tpu.dma_semaphore, #tpu.memory_space<semaphore_mem>>)
      %slice3A_273 = vector.extract_strided_slice %get3A_130 {offsets = [8], sizes = [1], strides = [1]} : vector<16xi32> to vector<1xi32>
      %squeeze3A_274 = vector.extract %slice3A_273[0] : i32 from vector<1xi32>
      %mul3A_275 = arith.constant 16 : i32
      %mul3A_276 = arith.muli %scan3A_126, %mul3A_275 : i32
      %add3A_277 = arith.constant 8 : i32
      %add3A_278 = arith.addi %mul3A_276, %add3A_277 : i32
      %dma_start3A_279 = arith.constant 0 : i32
      %dma_start3A_280 = tpu.memref_slice %arg7[%add3A_278, %dma_start3A_279] : memref<256x64xf32, #tpu.memory_space<vmem>> -> memref<1x64xf32, #tpu.memory_space<vmem>>
      %dma_start3A_281 = tpu.memref_squeeze %dma_start3A_280 : memref<1x64xf32, #tpu.memory_space<vmem>> -> memref<64xf32, #tpu.memory_space<vmem>>
      %dma_start3A_282 = arith.constant 0 : i32
      %dma_start3A_283 = tpu.memref_slice %arg3[%squeeze3A_274, %dma_start3A_282] : memref<1000000x64xf32, #tpu.memory_space<hbm>> -> memref<1x64xf32, #tpu.memory_space<hbm>>
      %dma_start3A_284 = tpu.memref_squeeze %dma_start3A_283 : memref<1x64xf32, #tpu.memory_space<hbm>> -> memref<64xf32, #tpu.memory_space<hbm>>
      %dma_start3A_285 = arith.constant 0 : i32
      %dma_start3A_286 = tpu.memref_slice %arg7[%add3A_278, %dma_start3A_285] : memref<256x64xf32, #tpu.memory_space<vmem>> -> memref<1x64xf32, #tpu.memory_space<vmem>>
      %dma_start3A_287 = tpu.memref_squeeze %dma_start3A_286 : memref<1x64xf32, #tpu.memory_space<vmem>> -> memref<64xf32, #tpu.memory_space<vmem>>
      %dma_start3A_288 = arith.constant 0 : i32
      %dma_start3A_289 = tpu.memref_slice %arg3[%squeeze3A_274, %dma_start3A_288] : memref<1000000x64xf32, #tpu.memory_space<hbm>> -> memref<1x64xf32, #tpu.memory_space<hbm>>
      %dma_start3A_290 = tpu.memref_squeeze %dma_start3A_289 : memref<1x64xf32, #tpu.memory_space<hbm>> -> memref<64xf32, #tpu.memory_space<hbm>>
      tpu.enqueue_dma source(%dma_start3A_290 : memref<64xf32, #tpu.memory_space<hbm>>) target(%dma_start3A_287 : memref<64xf32, #tpu.memory_space<vmem>>) target_semaphore(%arg12 : memref<!tpu.dma_semaphore, #tpu.memory_space<semaphore_mem>>)
      %slice3A_291 = vector.extract_strided_slice %get3A_130 {offsets = [9], sizes = [1], strides = [1]} : vector<16xi32> to vector<1xi32>
      %squeeze3A_292 = vector.extract %slice3A_291[0] : i32 from vector<1xi32>
      %mul3A_293 = arith.constant 16 : i32
      %mul3A_294 = arith.muli %scan3A_126, %mul3A_293 : i32
      %add3A_295 = arith.constant 9 : i32
      %add3A_296 = arith.addi %mul3A_294, %add3A_295 : i32
      %dma_start3A_297 = arith.constant 0 : i32
      %dma_start3A_298 = tpu.memref_slice %arg7[%add3A_296, %dma_start3A_297] : memref<256x64xf32, #tpu.memory_space<vmem>> -> memref<1x64xf32, #tpu.memory_space<vmem>>
      %dma_start3A_299 = tpu.memref_squeeze %dma_start3A_298 : memref<1x64xf32, #tpu.memory_space<vmem>> -> memref<64xf32, #tpu.memory_space<vmem>>
      %dma_start3A_300 = arith.constant 0 : i32
      %dma_start3A_301 = tpu.memref_slice %arg3[%squeeze3A_292, %dma_start3A_300] : memref<1000000x64xf32, #tpu.memory_space<hbm>> -> memref<1x64xf32, #tpu.memory_space<hbm>>
      %dma_start3A_302 = tpu.memref_squeeze %dma_start3A_301 : memref<1x64xf32, #tpu.memory_space<hbm>> -> memref<64xf32, #tpu.memory_space<hbm>>
      %dma_start3A_303 = arith.constant 0 : i32
      %dma_start3A_304 = tpu.memref_slice %arg7[%add3A_296, %dma_start3A_303] : memref<256x64xf32, #tpu.memory_space<vmem>> -> memref<1x64xf32, #tpu.memory_space<vmem>>
      %dma_start3A_305 = tpu.memref_squeeze %dma_start3A_304 : memref<1x64xf32, #tpu.memory_space<vmem>> -> memref<64xf32, #tpu.memory_space<vmem>>
      %dma_start3A_306 = arith.constant 0 : i32
      %dma_start3A_307 = tpu.memref_slice %arg3[%squeeze3A_292, %dma_start3A_306] : memref<1000000x64xf32, #tpu.memory_space<hbm>> -> memref<1x64xf32, #tpu.memory_space<hbm>>
      %dma_start3A_308 = tpu.memref_squeeze %dma_start3A_307 : memref<1x64xf32, #tpu.memory_space<hbm>> -> memref<64xf32, #tpu.memory_space<hbm>>
      tpu.enqueue_dma source(%dma_start3A_308 : memref<64xf32, #tpu.memory_space<hbm>>) target(%dma_start3A_305 : memref<64xf32, #tpu.memory_space<vmem>>) target_semaphore(%arg12 : memref<!tpu.dma_semaphore, #tpu.memory_space<semaphore_mem>>)
      %slice3A_309 = vector.extract_strided_slice %get3A_130 {offsets = [10], sizes = [1], strides = [1]} : vector<16xi32> to vector<1xi32>
      %squeeze3A_310 = vector.extract %slice3A_309[0] : i32 from vector<1xi32>
      %mul3A_311 = arith.constant 16 : i32
      %mul3A_312 = arith.muli %scan3A_126, %mul3A_311 : i32
      %add3A_313 = arith.constant 10 : i32
      %add3A_314 = arith.addi %mul3A_312, %add3A_313 : i32
      %dma_start3A_315 = arith.constant 0 : i32
      %dma_start3A_316 = tpu.memref_slice %arg7[%add3A_314, %dma_start3A_315] : memref<256x64xf32, #tpu.memory_space<vmem>> -> memref<1x64xf32, #tpu.memory_space<vmem>>
      %dma_start3A_317 = tpu.memref_squeeze %dma_start3A_316 : memref<1x64xf32, #tpu.memory_space<vmem>> -> memref<64xf32, #tpu.memory_space<vmem>>
      %dma_start3A_318 = arith.constant 0 : i32
      %dma_start3A_319 = tpu.memref_slice %arg3[%squeeze3A_310, %dma_start3A_318] : memref<1000000x64xf32, #tpu.memory_space<hbm>> -> memref<1x64xf32, #tpu.memory_space<hbm>>
      %dma_start3A_320 = tpu.memref_squeeze %dma_start3A_319 : memref<1x64xf32, #tpu.memory_space<hbm>> -> memref<64xf32, #tpu.memory_space<hbm>>
      %dma_start3A_321 = arith.constant 0 : i32
      %dma_start3A_322 = tpu.memref_slice %arg7[%add3A_314, %dma_start3A_321] : memref<256x64xf32, #tpu.memory_space<vmem>> -> memref<1x64xf32, #tpu.memory_space<vmem>>
      %dma_start3A_323 = tpu.memref_squeeze %dma_start3A_322 : memref<1x64xf32, #tpu.memory_space<vmem>> -> memref<64xf32, #tpu.memory_space<vmem>>
      %dma_start3A_324 = arith.constant 0 : i32
      %dma_start3A_325 = tpu.memref_slice %arg3[%squeeze3A_310, %dma_start3A_324] : memref<1000000x64xf32, #tpu.memory_space<hbm>> -> memref<1x64xf32, #tpu.memory_space<hbm>>
      %dma_start3A_326 = tpu.memref_squeeze %dma_start3A_325 : memref<1x64xf32, #tpu.memory_space<hbm>> -> memref<64xf32, #tpu.memory_space<hbm>>
      tpu.enqueue_dma source(%dma_start3A_326 : memref<64xf32, #tpu.memory_space<hbm>>) target(%dma_start3A_323 : memref<64xf32, #tpu.memory_space<vmem>>) target_semaphore(%arg12 : memref<!tpu.dma_semaphore, #tpu.memory_space<semaphore_mem>>)
      %slice3A_327 = vector.extract_strided_slice %get3A_130 {offsets = [11], sizes = [1], strides = [1]} : vector<16xi32> to vector<1xi32>
      %squeeze3A_328 = vector.extract %slice3A_327[0] : i32 from vector<1xi32>
      %mul3A_329 = arith.constant 16 : i32
      %mul3A_330 = arith.muli %scan3A_126, %mul3A_329 : i32
      %add3A_331 = arith.constant 11 : i32
      %add3A_332 = arith.addi %mul3A_330, %add3A_331 : i32
      %dma_start3A_333 = arith.constant 0 : i32
      %dma_start3A_334 = tpu.memref_slice %arg7[%add3A_332, %dma_start3A_333] : memref<256x64xf32, #tpu.memory_space<vmem>> -> memref<1x64xf32, #tpu.memory_space<vmem>>
      %dma_start3A_335 = tpu.memref_squeeze %dma_start3A_334 : memref<1x64xf32, #tpu.memory_space<vmem>> -> memref<64xf32, #tpu.memory_space<vmem>>
      %dma_start3A_336 = arith.constant 0 : i32
      %dma_start3A_337 = tpu.memref_slice %arg3[%squeeze3A_328, %dma_start3A_336] : memref<1000000x64xf32, #tpu.memory_space<hbm>> -> memref<1x64xf32, #tpu.memory_space<hbm>>
      %dma_start3A_338 = tpu.memref_squeeze %dma_start3A_337 : memref<1x64xf32, #tpu.memory_space<hbm>> -> memref<64xf32, #tpu.memory_space<hbm>>
      %dma_start3A_339 = arith.constant 0 : i32
      %dma_start3A_340 = tpu.memref_slice %arg7[%add3A_332, %dma_start3A_339] : memref<256x64xf32, #tpu.memory_space<vmem>> -> memref<1x64xf32, #tpu.memory_space<vmem>>
      %dma_start3A_341 = tpu.memref_squeeze %dma_start3A_340 : memref<1x64xf32, #tpu.memory_space<vmem>> -> memref<64xf32, #tpu.memory_space<vmem>>
      %dma_start3A_342 = arith.constant 0 : i32
      %dma_start3A_343 = tpu.memref_slice %arg3[%squeeze3A_328, %dma_start3A_342] : memref<1000000x64xf32, #tpu.memory_space<hbm>> -> memref<1x64xf32, #tpu.memory_space<hbm>>
      %dma_start3A_344 = tpu.memref_squeeze %dma_start3A_343 : memref<1x64xf32, #tpu.memory_space<hbm>> -> memref<64xf32, #tpu.memory_space<hbm>>
      tpu.enqueue_dma source(%dma_start3A_344 : memref<64xf32, #tpu.memory_space<hbm>>) target(%dma_start3A_341 : memref<64xf32, #tpu.memory_space<vmem>>) target_semaphore(%arg12 : memref<!tpu.dma_semaphore, #tpu.memory_space<semaphore_mem>>)
      %slice3A_345 = vector.extract_strided_slice %get3A_130 {offsets = [12], sizes = [1], strides = [1]} : vector<16xi32> to vector<1xi32>
      %squeeze3A_346 = vector.extract %slice3A_345[0] : i32 from vector<1xi32>
      %mul3A_347 = arith.constant 16 : i32
      %mul3A_348 = arith.muli %scan3A_126, %mul3A_347 : i32
      %add3A_349 = arith.constant 12 : i32
      %add3A_350 = arith.addi %mul3A_348, %add3A_349 : i32
      %dma_start3A_351 = arith.constant 0 : i32
      %dma_start3A_352 = tpu.memref_slice %arg7[%add3A_350, %dma_start3A_351] : memref<256x64xf32, #tpu.memory_space<vmem>> -> memref<1x64xf32, #tpu.memory_space<vmem>>
      %dma_start3A_353 = tpu.memref_squeeze %dma_start3A_352 : memref<1x64xf32, #tpu.memory_space<vmem>> -> memref<64xf32, #tpu.memory_space<vmem>>
      %dma_start3A_354 = arith.constant 0 : i32
      %dma_start3A_355 = tpu.memref_slice %arg3[%squeeze3A_346, %dma_start3A_354] : memref<1000000x64xf32, #tpu.memory_space<hbm>> -> memref<1x64xf32, #tpu.memory_space<hbm>>
      %dma_start3A_356 = tpu.memref_squeeze %dma_start3A_355 : memref<1x64xf32, #tpu.memory_space<hbm>> -> memref<64xf32, #tpu.memory_space<hbm>>
      %dma_start3A_357 = arith.constant 0 : i32
      %dma_start3A_358 = tpu.memref_slice %arg7[%add3A_350, %dma_start3A_357] : memref<256x64xf32, #tpu.memory_space<vmem>> -> memref<1x64xf32, #tpu.memory_space<vmem>>
      %dma_start3A_359 = tpu.memref_squeeze %dma_start3A_358 : memref<1x64xf32, #tpu.memory_space<vmem>> -> memref<64xf32, #tpu.memory_space<vmem>>
      %dma_start3A_360 = arith.constant 0 : i32
      %dma_start3A_361 = tpu.memref_slice %arg3[%squeeze3A_346, %dma_start3A_360] : memref<1000000x64xf32, #tpu.memory_space<hbm>> -> memref<1x64xf32, #tpu.memory_space<hbm>>
      %dma_start3A_362 = tpu.memref_squeeze %dma_start3A_361 : memref<1x64xf32, #tpu.memory_space<hbm>> -> memref<64xf32, #tpu.memory_space<hbm>>
      tpu.enqueue_dma source(%dma_start3A_362 : memref<64xf32, #tpu.memory_space<hbm>>) target(%dma_start3A_359 : memref<64xf32, #tpu.memory_space<vmem>>) target_semaphore(%arg12 : memref<!tpu.dma_semaphore, #tpu.memory_space<semaphore_mem>>)
      %slice3A_363 = vector.extract_strided_slice %get3A_130 {offsets = [13], sizes = [1], strides = [1]} : vector<16xi32> to vector<1xi32>
      %squeeze3A_364 = vector.extract %slice3A_363[0] : i32 from vector<1xi32>
      %mul3A_365 = arith.constant 16 : i32
      %mul3A_366 = arith.muli %scan3A_126, %mul3A_365 : i32
      %add3A_367 = arith.constant 13 : i32
      %add3A_368 = arith.addi %mul3A_366, %add3A_367 : i32
      %dma_start3A_369 = arith.constant 0 : i32
      %dma_start3A_370 = tpu.memref_slice %arg7[%add3A_368, %dma_start3A_369] : memref<256x64xf32, #tpu.memory_space<vmem>> -> memref<1x64xf32, #tpu.memory_space<vmem>>
      %dma_start3A_371 = tpu.memref_squeeze %dma_start3A_370 : memref<1x64xf32, #tpu.memory_space<vmem>> -> memref<64xf32, #tpu.memory_space<vmem>>
      %dma_start3A_372 = arith.constant 0 : i32
      %dma_start3A_373 = tpu.memref_slice %arg3[%squeeze3A_364, %dma_start3A_372] : memref<1000000x64xf32, #tpu.memory_space<hbm>> -> memref<1x64xf32, #tpu.memory_space<hbm>>
      %dma_start3A_374 = tpu.memref_squeeze %dma_start3A_373 : memref<1x64xf32, #tpu.memory_space<hbm>> -> memref<64xf32, #tpu.memory_space<hbm>>
      %dma_start3A_375 = arith.constant 0 : i32
      %dma_start3A_376 = tpu.memref_slice %arg7[%add3A_368, %dma_start3A_375] : memref<256x64xf32, #tpu.memory_space<vmem>> -> memref<1x64xf32, #tpu.memory_space<vmem>>
      %dma_start3A_377 = tpu.memref_squeeze %dma_start3A_376 : memref<1x64xf32, #tpu.memory_space<vmem>> -> memref<64xf32, #tpu.memory_space<vmem>>
      %dma_start3A_378 = arith.constant 0 : i32
      %dma_start3A_379 = tpu.memref_slice %arg3[%squeeze3A_364, %dma_start3A_378] : memref<1000000x64xf32, #tpu.memory_space<hbm>> -> memref<1x64xf32, #tpu.memory_space<hbm>>
      %dma_start3A_380 = tpu.memref_squeeze %dma_start3A_379 : memref<1x64xf32, #tpu.memory_space<hbm>> -> memref<64xf32, #tpu.memory_space<hbm>>
      tpu.enqueue_dma source(%dma_start3A_380 : memref<64xf32, #tpu.memory_space<hbm>>) target(%dma_start3A_377 : memref<64xf32, #tpu.memory_space<vmem>>) target_semaphore(%arg12 : memref<!tpu.dma_semaphore, #tpu.memory_space<semaphore_mem>>)
      %slice3A_381 = vector.extract_strided_slice %get3A_130 {offsets = [14], sizes = [1], strides = [1]} : vector<16xi32> to vector<1xi32>
      %squeeze3A_382 = vector.extract %slice3A_381[0] : i32 from vector<1xi32>
      %mul3A_383 = arith.constant 16 : i32
      %mul3A_384 = arith.muli %scan3A_126, %mul3A_383 : i32
      %add3A_385 = arith.constant 14 : i32
      %add3A_386 = arith.addi %mul3A_384, %add3A_385 : i32
      %dma_start3A_387 = arith.constant 0 : i32
      %dma_start3A_388 = tpu.memref_slice %arg7[%add3A_386, %dma_start3A_387] : memref<256x64xf32, #tpu.memory_space<vmem>> -> memref<1x64xf32, #tpu.memory_space<vmem>>
      %dma_start3A_389 = tpu.memref_squeeze %dma_start3A_388 : memref<1x64xf32, #tpu.memory_space<vmem>> -> memref<64xf32, #tpu.memory_space<vmem>>
      %dma_start3A_390 = arith.constant 0 : i32
      %dma_start3A_391 = tpu.memref_slice %arg3[%squeeze3A_382, %dma_start3A_390] : memref<1000000x64xf32, #tpu.memory_space<hbm>> -> memref<1x64xf32, #tpu.memory_space<hbm>>
      %dma_start3A_392 = tpu.memref_squeeze %dma_start3A_391 : memref<1x64xf32, #tpu.memory_space<hbm>> -> memref<64xf32, #tpu.memory_space<hbm>>
      %dma_start3A_393 = arith.constant 0 : i32
      %dma_start3A_394 = tpu.memref_slice %arg7[%add3A_386, %dma_start3A_393] : memref<256x64xf32, #tpu.memory_space<vmem>> -> memref<1x64xf32, #tpu.memory_space<vmem>>
      %dma_start3A_395 = tpu.memref_squeeze %dma_start3A_394 : memref<1x64xf32, #tpu.memory_space<vmem>> -> memref<64xf32, #tpu.memory_space<vmem>>
      %dma_start3A_396 = arith.constant 0 : i32
      %dma_start3A_397 = tpu.memref_slice %arg3[%squeeze3A_382, %dma_start3A_396] : memref<1000000x64xf32, #tpu.memory_space<hbm>> -> memref<1x64xf32, #tpu.memory_space<hbm>>
      %dma_start3A_398 = tpu.memref_squeeze %dma_start3A_397 : memref<1x64xf32, #tpu.memory_space<hbm>> -> memref<64xf32, #tpu.memory_space<hbm>>
      tpu.enqueue_dma source(%dma_start3A_398 : memref<64xf32, #tpu.memory_space<hbm>>) target(%dma_start3A_395 : memref<64xf32, #tpu.memory_space<vmem>>) target_semaphore(%arg12 : memref<!tpu.dma_semaphore, #tpu.memory_space<semaphore_mem>>)
      %slice3A_399 = vector.extract_strided_slice %get3A_130 {offsets = [15], sizes = [1], strides = [1]} : vector<16xi32> to vector<1xi32>
      %squeeze3A_400 = vector.extract %slice3A_399[0] : i32 from vector<1xi32>
      %mul3A_401 = arith.constant 16 : i32
      %mul3A_402 = arith.muli %scan3A_126, %mul3A_401 : i32
      %add3A_403 = arith.constant 15 : i32
      %add3A_404 = arith.addi %mul3A_402, %add3A_403 : i32
      %dma_start3A_405 = arith.constant 0 : i32
      %dma_start3A_406 = tpu.memref_slice %arg7[%add3A_404, %dma_start3A_405] : memref<256x64xf32, #tpu.memory_space<vmem>> -> memref<1x64xf32, #tpu.memory_space<vmem>>
      %dma_start3A_407 = tpu.memref_squeeze %dma_start3A_406 : memref<1x64xf32, #tpu.memory_space<vmem>> -> memref<64xf32, #tpu.memory_space<vmem>>
      %dma_start3A_408 = arith.constant 0 : i32
      %dma_start3A_409 = tpu.memref_slice %arg3[%squeeze3A_400, %dma_start3A_408] : memref<1000000x64xf32, #tpu.memory_space<hbm>> -> memref<1x64xf32, #tpu.memory_space<hbm>>
      %dma_start3A_410 = tpu.memref_squeeze %dma_start3A_409 : memref<1x64xf32, #tpu.memory_space<hbm>> -> memref<64xf32, #tpu.memory_space<hbm>>
      %dma_start3A_411 = arith.constant 0 : i32
      %dma_start3A_412 = tpu.memref_slice %arg7[%add3A_404, %dma_start3A_411] : memref<256x64xf32, #tpu.memory_space<vmem>> -> memref<1x64xf32, #tpu.memory_space<vmem>>
      %dma_start3A_413 = tpu.memref_squeeze %dma_start3A_412 : memref<1x64xf32, #tpu.memory_space<vmem>> -> memref<64xf32, #tpu.memory_space<vmem>>
      %dma_start3A_414 = arith.constant 0 : i32
      %dma_start3A_415 = tpu.memref_slice %arg3[%squeeze3A_400, %dma_start3A_414] : memref<1000000x64xf32, #tpu.memory_space<hbm>> -> memref<1x64xf32, #tpu.memory_space<hbm>>
      %dma_start3A_416 = tpu.memref_squeeze %dma_start3A_415 : memref<1x64xf32, #tpu.memory_space<hbm>> -> memref<64xf32, #tpu.memory_space<hbm>>
      tpu.enqueue_dma source(%dma_start3A_416 : memref<64xf32, #tpu.memory_space<hbm>>) target(%dma_start3A_413 : memref<64xf32, #tpu.memory_space<vmem>>) target_semaphore(%arg12 : memref<!tpu.dma_semaphore, #tpu.memory_space<semaphore_mem>>)
    }
    %scan3A_17 = arith.constant 16 : i32
    %dma_wait3A_18 = arith.constant 0 : i32
    %dma_wait3A_19 = tpu.memref_slice %arg2[%dma_wait3A_18] : memref<819200xi32, #tpu.memory_space<hbm>> -> memref<32768xi32, #tpu.memory_space<hbm>>
    %dma_wait3A_20 = arith.constant 0 : i32
    %dma_wait3A_21 = tpu.memref_slice %arg2[%dma_wait3A_20] : memref<819200xi32, #tpu.memory_space<hbm>> -> memref<32768xi32, #tpu.memory_space<hbm>>
    tpu.wait_dma2 semaphore(%arg12 : memref<!tpu.dma_semaphore, #tpu.memory_space<semaphore_mem>>) src(%dma_wait3A_21 : memref<32768xi32, #tpu.memory_space<hbm>>) dst(%arg9 : memref<32768xi32, #tpu.memory_space<vmem>>)
    %add3A_22 = arith.constant 0 : i32
    %add3A_23 = arith.addi %mul3A_2, %add3A_22 : i32
    %dma_start3A_24 = arith.constant 0 : i32
    %dma_start3A_25 = tpu.memref_slice %arg4[%add3A_23, %dma_start3A_24] : memref<819200x64xf32, #tpu.memory_space<hbm>> -> memref<256x64xf32, #tpu.memory_space<hbm>>
    %dma_start3A_26 = arith.constant 0 : i32
    %dma_start3A_27 = tpu.memref_slice %arg4[%add3A_23, %dma_start3A_26] : memref<819200x64xf32, #tpu.memory_space<hbm>> -> memref<256x64xf32, #tpu.memory_space<hbm>>
    tpu.enqueue_dma source(%arg7 : memref<256x64xf32, #tpu.memory_space<vmem>>) target(%dma_start3A_27 : memref<256x64xf32, #tpu.memory_space<hbm>>) target_semaphore(%arg14 : memref<!tpu.dma_semaphore, #tpu.memory_space<semaphore_mem>>)
    %add3A_28 = arith.constant 512 : i32
    %add3A_29 = arith.addi %mul3A_2, %add3A_28 : i32
    %dma_start3A_30 = tpu.memref_slice %arg2[%add3A_29] : memref<819200xi32, #tpu.memory_space<hbm>> -> memref<256xi32, #tpu.memory_space<hbm>>
    %dma_start3A_31 = tpu.memref_slice %arg2[%add3A_29] : memref<819200xi32, #tpu.memory_space<hbm>> -> memref<256xi32, #tpu.memory_space<hbm>>
    tpu.enqueue_dma source(%dma_start3A_31 : memref<256xi32, #tpu.memory_space<hbm>>) target(%arg5 : memref<256xi32, #tpu.memory_space<vmem>>) target_semaphore(%arg10 : memref<!tpu.dma_semaphore, #tpu.memory_space<semaphore_mem>>)
    %dma_wait3A_32 = arith.constant 0 : i32
    %dma_wait3A_33 = tpu.memref_slice %arg2[%dma_wait3A_32] : memref<819200xi32, #tpu.memory_space<hbm>> -> memref<256xi32, #tpu.memory_space<hbm>>
    %dma_wait3A_34 = arith.constant 0 : i32
    %dma_wait3A_35 = tpu.memref_slice %arg2[%dma_wait3A_34] : memref<819200xi32, #tpu.memory_space<hbm>> -> memref<256xi32, #tpu.memory_space<hbm>>
    tpu.wait_dma2 semaphore(%arg11 : memref<!tpu.dma_semaphore, #tpu.memory_space<semaphore_mem>>) src(%dma_wait3A_35 : memref<256xi32, #tpu.memory_space<hbm>>) dst(%arg6 : memref<256xi32, #tpu.memory_space<vmem>>)
    %scan3A_36 = arith.constant 0 : i32
    %scan3A_37 = arith.constant 0 : i32
    %scan3A_38 = arith.constant 16 : i32
    %scan3A_39 = arith.addi %scan3A_37, %scan3A_38 : i32
    %scan3A_40 = arith.constant 1 : i32
    scf.for %scan3A_126 = %scan3A_37 to %scan3A_39 step %scan3A_40  : i32 {
      %mul3A_127 = arith.constant 16 : i32
      %mul3A_128 = arith.muli %scan3A_126, %mul3A_127 : i32
      %get3A = arith.index_cast %mul3A_128 : i32 to index
      %get3A_129 = tpu.vector_load %arg6[%get3A] {strides = array<i32>} : memref<256xi32, #tpu.memory_space<vmem>>, vector<16xi32>,
      %get3A_130 = vector.shape_cast %get3A_129 : vector<16xi32> to vector<16xi32>
      %slice3A = vector.extract_strided_slice %get3A_130 {offsets = [0], sizes = [1], strides = [1]} : vector<16xi32> to vector<1xi32>
      %squeeze3A = vector.extract %slice3A[0] : i32 from vector<1xi32>
      %mul3A_131 = arith.constant 16 : i32
      %mul3A_132 = arith.muli %scan3A_126, %mul3A_131 : i32
      %add3A_133 = arith.constant 0 : i32
      %add3A_134 = arith.addi %mul3A_132, %add3A_133 : i32
      %dma_start3A_135 = arith.constant 0 : i32
      %dma_start3A_136 = tpu.memref_slice %arg8[%add3A_134, %dma_start3A_135] : memref<256x64xf32, #tpu.memory_space<vmem>> -> memref<1x64xf32, #tpu.memory_space<vmem>>
      %dma_start3A_137 = tpu.memref_squeeze %dma_start3A_136 : memref<1x64xf32, #tpu.memory_space<vmem>> -> memref<64xf32, #tpu.memory_space<vmem>>
      %dma_start3A_138 = arith.constant 0 : i32
      %dma_start3A_139 = tpu.memref_slice %arg3[%squeeze3A, %dma_start3A_138] : memref<1000000x64xf32, #tpu.memory_space<hbm>> -> memref<1x64xf32, #tpu.memory_space<hbm>>
      %dma_start3A_140 = tpu.memref_squeeze %dma_start3A_139 : memref<1x64xf32, #tpu.memory_space<hbm>> -> memref<64xf32, #tpu.memory_space<hbm>>
      %dma_start3A_141 = arith.constant 0 : i32
      %dma_start3A_142 = tpu.memref_slice %arg8[%add3A_134, %dma_start3A_141] : memref<256x64xf32, #tpu.memory_space<vmem>> -> memref<1x64xf32, #tpu.memory_space<vmem>>
      %dma_start3A_143 = tpu.memref_squeeze %dma_start3A_142 : memref<1x64xf32, #tpu.memory_space<vmem>> -> memref<64xf32, #tpu.memory_space<vmem>>
      %dma_start3A_144 = arith.constant 0 : i32
      %dma_start3A_145 = tpu.memref_slice %arg3[%squeeze3A, %dma_start3A_144] : memref<1000000x64xf32, #tpu.memory_space<hbm>> -> memref<1x64xf32, #tpu.memory_space<hbm>>
      %dma_start3A_146 = tpu.memref_squeeze %dma_start3A_145 : memref<1x64xf32, #tpu.memory_space<hbm>> -> memref<64xf32, #tpu.memory_space<hbm>>
      tpu.enqueue_dma source(%dma_start3A_146 : memref<64xf32, #tpu.memory_space<hbm>>) target(%dma_start3A_143 : memref<64xf32, #tpu.memory_space<vmem>>) target_semaphore(%arg13 : memref<!tpu.dma_semaphore, #tpu.memory_space<semaphore_mem>>)
      %slice3A_147 = vector.extract_strided_slice %get3A_130 {offsets = [1], sizes = [1], strides = [1]} : vector<16xi32> to vector<1xi32>
      %squeeze3A_148 = vector.extract %slice3A_147[0] : i32 from vector<1xi32>
      %mul3A_149 = arith.constant 16 : i32
      %mul3A_150 = arith.muli %scan3A_126, %mul3A_149 : i32
      %add3A_151 = arith.constant 1 : i32
      %add3A_152 = arith.addi %mul3A_150, %add3A_151 : i32
      %dma_start3A_153 = arith.constant 0 : i32
      %dma_start3A_154 = tpu.memref_slice %arg8[%add3A_152, %dma_start3A_153] : memref<256x64xf32, #tpu.memory_space<vmem>> -> memref<1x64xf32, #tpu.memory_space<vmem>>
      %dma_start3A_155 = tpu.memref_squeeze %dma_start3A_154 : memref<1x64xf32, #tpu.memory_space<vmem>> -> memref<64xf32, #tpu.memory_space<vmem>>
      %dma_start3A_156 = arith.constant 0 : i32
      %dma_start3A_157 = tpu.memref_slice %arg3[%squeeze3A_148, %dma_start3A_156] : memref<1000000x64xf32, #tpu.memory_space<hbm>> -> memref<1x64xf32, #tpu.memory_space<hbm>>
      %dma_start3A_158 = tpu.memref_squeeze %dma_start3A_157 : memref<1x64xf32, #tpu.memory_space<hbm>> -> memref<64xf32, #tpu.memory_space<hbm>>
      %dma_start3A_159 = arith.constant 0 : i32
      %dma_start3A_160 = tpu.memref_slice %arg8[%add3A_152, %dma_start3A_159] : memref<256x64xf32, #tpu.memory_space<vmem>> -> memref<1x64xf32, #tpu.memory_space<vmem>>
      %dma_start3A_161 = tpu.memref_squeeze %dma_start3A_160 : memref<1x64xf32, #tpu.memory_space<vmem>> -> memref<64xf32, #tpu.memory_space<vmem>>
      %dma_start3A_162 = arith.constant 0 : i32
      %dma_start3A_163 = tpu.memref_slice %arg3[%squeeze3A_148, %dma_start3A_162] : memref<1000000x64xf32, #tpu.memory_space<hbm>> -> memref<1x64xf32, #tpu.memory_space<hbm>>
      %dma_start3A_164 = tpu.memref_squeeze %dma_start3A_163 : memref<1x64xf32, #tpu.memory_space<hbm>> -> memref<64xf32, #tpu.memory_space<hbm>>
      tpu.enqueue_dma source(%dma_start3A_164 : memref<64xf32, #tpu.memory_space<hbm>>) target(%dma_start3A_161 : memref<64xf32, #tpu.memory_space<vmem>>) target_semaphore(%arg13 : memref<!tpu.dma_semaphore, #tpu.memory_space<semaphore_mem>>)
      %slice3A_165 = vector.extract_strided_slice %get3A_130 {offsets = [2], sizes = [1], strides = [1]} : vector<16xi32> to vector<1xi32>
      %squeeze3A_166 = vector.extract %slice3A_165[0] : i32 from vector<1xi32>
      %mul3A_167 = arith.constant 16 : i32
      %mul3A_168 = arith.muli %scan3A_126, %mul3A_167 : i32
      %add3A_169 = arith.constant 2 : i32
      %add3A_170 = arith.addi %mul3A_168, %add3A_169 : i32
      %dma_start3A_171 = arith.constant 0 : i32
      %dma_start3A_172 = tpu.memref_slice %arg8[%add3A_170, %dma_start3A_171] : memref<256x64xf32, #tpu.memory_space<vmem>> -> memref<1x64xf32, #tpu.memory_space<vmem>>
      %dma_start3A_173 = tpu.memref_squeeze %dma_start3A_172 : memref<1x64xf32, #tpu.memory_space<vmem>> -> memref<64xf32, #tpu.memory_space<vmem>>
      %dma_start3A_174 = arith.constant 0 : i32
      %dma_start3A_175 = tpu.memref_slice %arg3[%squeeze3A_166, %dma_start3A_174] : memref<1000000x64xf32, #tpu.memory_space<hbm>> -> memref<1x64xf32, #tpu.memory_space<hbm>>
      %dma_start3A_176 = tpu.memref_squeeze %dma_start3A_175 : memref<1x64xf32, #tpu.memory_space<hbm>> -> memref<64xf32, #tpu.memory_space<hbm>>
      %dma_start3A_177 = arith.constant 0 : i32
      %dma_start3A_178 = tpu.memref_slice %arg8[%add3A_170, %dma_start3A_177] : memref<256x64xf32, #tpu.memory_space<vmem>> -> memref<1x64xf32, #tpu.memory_space<vmem>>
      %dma_start3A_179 = tpu.memref_squeeze %dma_start3A_178 : memref<1x64xf32, #tpu.memory_space<vmem>> -> memref<64xf32, #tpu.memory_space<vmem>>
      %dma_start3A_180 = arith.constant 0 : i32
      %dma_start3A_181 = tpu.memref_slice %arg3[%squeeze3A_166, %dma_start3A_180] : memref<1000000x64xf32, #tpu.memory_space<hbm>> -> memref<1x64xf32, #tpu.memory_space<hbm>>
      %dma_start3A_182 = tpu.memref_squeeze %dma_start3A_181 : memref<1x64xf32, #tpu.memory_space<hbm>> -> memref<64xf32, #tpu.memory_space<hbm>>
      tpu.enqueue_dma source(%dma_start3A_182 : memref<64xf32, #tpu.memory_space<hbm>>) target(%dma_start3A_179 : memref<64xf32, #tpu.memory_space<vmem>>) target_semaphore(%arg13 : memref<!tpu.dma_semaphore, #tpu.memory_space<semaphore_mem>>)
      %slice3A_183 = vector.extract_strided_slice %get3A_130 {offsets = [3], sizes = [1], strides = [1]} : vector<16xi32> to vector<1xi32>
      %squeeze3A_184 = vector.extract %slice3A_183[0] : i32 from vector<1xi32>
      %mul3A_185 = arith.constant 16 : i32
      %mul3A_186 = arith.muli %scan3A_126, %mul3A_185 : i32
      %add3A_187 = arith.constant 3 : i32
      %add3A_188 = arith.addi %mul3A_186, %add3A_187 : i32
      %dma_start3A_189 = arith.constant 0 : i32
      %dma_start3A_190 = tpu.memref_slice %arg8[%add3A_188, %dma_start3A_189] : memref<256x64xf32, #tpu.memory_space<vmem>> -> memref<1x64xf32, #tpu.memory_space<vmem>>
      %dma_start3A_191 = tpu.memref_squeeze %dma_start3A_190 : memref<1x64xf32, #tpu.memory_space<vmem>> -> memref<64xf32, #tpu.memory_space<vmem>>
      %dma_start3A_192 = arith.constant 0 : i32
      %dma_start3A_193 = tpu.memref_slice %arg3[%squeeze3A_184, %dma_start3A_192] : memref<1000000x64xf32, #tpu.memory_space<hbm>> -> memref<1x64xf32, #tpu.memory_space<hbm>>
      %dma_start3A_194 = tpu.memref_squeeze %dma_start3A_193 : memref<1x64xf32, #tpu.memory_space<hbm>> -> memref<64xf32, #tpu.memory_space<hbm>>
      %dma_start3A_195 = arith.constant 0 : i32
      %dma_start3A_196 = tpu.memref_slice %arg8[%add3A_188, %dma_start3A_195] : memref<256x64xf32, #tpu.memory_space<vmem>> -> memref<1x64xf32, #tpu.memory_space<vmem>>
      %dma_start3A_197 = tpu.memref_squeeze %dma_start3A_196 : memref<1x64xf32, #tpu.memory_space<vmem>> -> memref<64xf32, #tpu.memory_space<vmem>>
      %dma_start3A_198 = arith.constant 0 : i32
      %dma_start3A_199 = tpu.memref_slice %arg3[%squeeze3A_184, %dma_start3A_198] : memref<1000000x64xf32, #tpu.memory_space<hbm>> -> memref<1x64xf32, #tpu.memory_space<hbm>>
      %dma_start3A_200 = tpu.memref_squeeze %dma_start3A_199 : memref<1x64xf32, #tpu.memory_space<hbm>> -> memref<64xf32, #tpu.memory_space<hbm>>
      tpu.enqueue_dma source(%dma_start3A_200 : memref<64xf32, #tpu.memory_space<hbm>>) target(%dma_start3A_197 : memref<64xf32, #tpu.memory_space<vmem>>) target_semaphore(%arg13 : memref<!tpu.dma_semaphore, #tpu.memory_space<semaphore_mem>>)
      %slice3A_201 = vector.extract_strided_slice %get3A_130 {offsets = [4], sizes = [1], strides = [1]} : vector<16xi32> to vector<1xi32>
      %squeeze3A_202 = vector.extract %slice3A_201[0] : i32 from vector<1xi32>
      %mul3A_203 = arith.constant 16 : i32
      %mul3A_204 = arith.muli %scan3A_126, %mul3A_203 : i32
      %add3A_205 = arith.constant 4 : i32
      %add3A_206 = arith.addi %mul3A_204, %add3A_205 : i32
      %dma_start3A_207 = arith.constant 0 : i32
      %dma_start3A_208 = tpu.memref_slice %arg8[%add3A_206, %dma_start3A_207] : memref<256x64xf32, #tpu.memory_space<vmem>> -> memref<1x64xf32, #tpu.memory_space<vmem>>
      %dma_start3A_209 = tpu.memref_squeeze %dma_start3A_208 : memref<1x64xf32, #tpu.memory_space<vmem>> -> memref<64xf32, #tpu.memory_space<vmem>>
      %dma_start3A_210 = arith.constant 0 : i32
      %dma_start3A_211 = tpu.memref_slice %arg3[%squeeze3A_202, %dma_start3A_210] : memref<1000000x64xf32, #tpu.memory_space<hbm>> -> memref<1x64xf32, #tpu.memory_space<hbm>>
      %dma_start3A_212 = tpu.memref_squeeze %dma_start3A_211 : memref<1x64xf32, #tpu.memory_space<hbm>> -> memref<64xf32, #tpu.memory_space<hbm>>
      %dma_start3A_213 = arith.constant 0 : i32
      %dma_start3A_214 = tpu.memref_slice %arg8[%add3A_206, %dma_start3A_213] : memref<256x64xf32, #tpu.memory_space<vmem>> -> memref<1x64xf32, #tpu.memory_space<vmem>>
      %dma_start3A_215 = tpu.memref_squeeze %dma_start3A_214 : memref<1x64xf32, #tpu.memory_space<vmem>> -> memref<64xf32, #tpu.memory_space<vmem>>
      %dma_start3A_216 = arith.constant 0 : i32
      %dma_start3A_217 = tpu.memref_slice %arg3[%squeeze3A_202, %dma_start3A_216] : memref<1000000x64xf32, #tpu.memory_space<hbm>> -> memref<1x64xf32, #tpu.memory_space<hbm>>
      %dma_start3A_218 = tpu.memref_squeeze %dma_start3A_217 : memref<1x64xf32, #tpu.memory_space<hbm>> -> memref<64xf32, #tpu.memory_space<hbm>>
      tpu.enqueue_dma source(%dma_start3A_218 : memref<64xf32, #tpu.memory_space<hbm>>) target(%dma_start3A_215 : memref<64xf32, #tpu.memory_space<vmem>>) target_semaphore(%arg13 : memref<!tpu.dma_semaphore, #tpu.memory_space<semaphore_mem>>)
      %slice3A_219 = vector.extract_strided_slice %get3A_130 {offsets = [5], sizes = [1], strides = [1]} : vector<16xi32> to vector<1xi32>
      %squeeze3A_220 = vector.extract %slice3A_219[0] : i32 from vector<1xi32>
      %mul3A_221 = arith.constant 16 : i32
      %mul3A_222 = arith.muli %scan3A_126, %mul3A_221 : i32
      %add3A_223 = arith.constant 5 : i32
      %add3A_224 = arith.addi %mul3A_222, %add3A_223 : i32
      %dma_start3A_225 = arith.constant 0 : i32
      %dma_start3A_226 = tpu.memref_slice %arg8[%add3A_224, %dma_start3A_225] : memref<256x64xf32, #tpu.memory_space<vmem>> -> memref<1x64xf32, #tpu.memory_space<vmem>>
      %dma_start3A_227 = tpu.memref_squeeze %dma_start3A_226 : memref<1x64xf32, #tpu.memory_space<vmem>> -> memref<64xf32, #tpu.memory_space<vmem>>
      %dma_start3A_228 = arith.constant 0 : i32
      %dma_start3A_229 = tpu.memref_slice %arg3[%squeeze3A_220, %dma_start3A_228] : memref<1000000x64xf32, #tpu.memory_space<hbm>> -> memref<1x64xf32, #tpu.memory_space<hbm>>
      %dma_start3A_230 = tpu.memref_squeeze %dma_start3A_229 : memref<1x64xf32, #tpu.memory_space<hbm>> -> memref<64xf32, #tpu.memory_space<hbm>>
      %dma_start3A_231 = arith.constant 0 : i32
      %dma_start3A_232 = tpu.memref_slice %arg8[%add3A_224, %dma_start3A_231] : memref<256x64xf32, #tpu.memory_space<vmem>> -> memref<1x64xf32, #tpu.memory_space<vmem>>
      %dma_start3A_233 = tpu.memref_squeeze %dma_start3A_232 : memref<1x64xf32, #tpu.memory_space<vmem>> -> memref<64xf32, #tpu.memory_space<vmem>>
      %dma_start3A_234 = arith.constant 0 : i32
      %dma_start3A_235 = tpu.memref_slice %arg3[%squeeze3A_220, %dma_start3A_234] : memref<1000000x64xf32, #tpu.memory_space<hbm>> -> memref<1x64xf32, #tpu.memory_space<hbm>>
      %dma_start3A_236 = tpu.memref_squeeze %dma_start3A_235 : memref<1x64xf32, #tpu.memory_space<hbm>> -> memref<64xf32, #tpu.memory_space<hbm>>
      tpu.enqueue_dma source(%dma_start3A_236 : memref<64xf32, #tpu.memory_space<hbm>>) target(%dma_start3A_233 : memref<64xf32, #tpu.memory_space<vmem>>) target_semaphore(%arg13 : memref<!tpu.dma_semaphore, #tpu.memory_space<semaphore_mem>>)
      %slice3A_237 = vector.extract_strided_slice %get3A_130 {offsets = [6], sizes = [1], strides = [1]} : vector<16xi32> to vector<1xi32>
      %squeeze3A_238 = vector.extract %slice3A_237[0] : i32 from vector<1xi32>
      %mul3A_239 = arith.constant 16 : i32
      %mul3A_240 = arith.muli %scan3A_126, %mul3A_239 : i32
      %add3A_241 = arith.constant 6 : i32
      %add3A_242 = arith.addi %mul3A_240, %add3A_241 : i32
      %dma_start3A_243 = arith.constant 0 : i32
      %dma_start3A_244 = tpu.memref_slice %arg8[%add3A_242, %dma_start3A_243] : memref<256x64xf32, #tpu.memory_space<vmem>> -> memref<1x64xf32, #tpu.memory_space<vmem>>
      %dma_start3A_245 = tpu.memref_squeeze %dma_start3A_244 : memref<1x64xf32, #tpu.memory_space<vmem>> -> memref<64xf32, #tpu.memory_space<vmem>>
      %dma_start3A_246 = arith.constant 0 : i32
      %dma_start3A_247 = tpu.memref_slice %arg3[%squeeze3A_238, %dma_start3A_246] : memref<1000000x64xf32, #tpu.memory_space<hbm>> -> memref<1x64xf32, #tpu.memory_space<hbm>>
      %dma_start3A_248 = tpu.memref_squeeze %dma_start3A_247 : memref<1x64xf32, #tpu.memory_space<hbm>> -> memref<64xf32, #tpu.memory_space<hbm>>
      %dma_start3A_249 = arith.constant 0 : i32
      %dma_start3A_250 = tpu.memref_slice %arg8[%add3A_242, %dma_start3A_249] : memref<256x64xf32, #tpu.memory_space<vmem>> -> memref<1x64xf32, #tpu.memory_space<vmem>>
      %dma_start3A_251 = tpu.memref_squeeze %dma_start3A_250 : memref<1x64xf32, #tpu.memory_space<vmem>> -> memref<64xf32, #tpu.memory_space<vmem>>
      %dma_start3A_252 = arith.constant 0 : i32
      %dma_start3A_253 = tpu.memref_slice %arg3[%squeeze3A_238, %dma_start3A_252] : memref<1000000x64xf32, #tpu.memory_space<hbm>> -> memref<1x64xf32, #tpu.memory_space<hbm>>
      %dma_start3A_254 = tpu.memref_squeeze %dma_start3A_253 : memref<1x64xf32, #tpu.memory_space<hbm>> -> memref<64xf32, #tpu.memory_space<hbm>>
      tpu.enqueue_dma source(%dma_start3A_254 : memref<64xf32, #tpu.memory_space<hbm>>) target(%dma_start3A_251 : memref<64xf32, #tpu.memory_space<vmem>>) target_semaphore(%arg13 : memref<!tpu.dma_semaphore, #tpu.memory_space<semaphore_mem>>)
      %slice3A_255 = vector.extract_strided_slice %get3A_130 {offsets = [7], sizes = [1], strides = [1]} : vector<16xi32> to vector<1xi32>
      %squeeze3A_256 = vector.extract %slice3A_255[0] : i32 from vector<1xi32>
      %mul3A_257 = arith.constant 16 : i32
      %mul3A_258 = arith.muli %scan3A_126, %mul3A_257 : i32
      %add3A_259 = arith.constant 7 : i32
      %add3A_260 = arith.addi %mul3A_258, %add3A_259 : i32
      %dma_start3A_261 = arith.constant 0 : i32
      %dma_start3A_262 = tpu.memref_slice %arg8[%add3A_260, %dma_start3A_261] : memref<256x64xf32, #tpu.memory_space<vmem>> -> memref<1x64xf32, #tpu.memory_space<vmem>>
      %dma_start3A_263 = tpu.memref_squeeze %dma_start3A_262 : memref<1x64xf32, #tpu.memory_space<vmem>> -> memref<64xf32, #tpu.memory_space<vmem>>
      %dma_start3A_264 = arith.constant 0 : i32
      %dma_start3A_265 = tpu.memref_slice %arg3[%squeeze3A_256, %dma_start3A_264] : memref<1000000x64xf32, #tpu.memory_space<hbm>> -> memref<1x64xf32, #tpu.memory_space<hbm>>
      %dma_start3A_266 = tpu.memref_squeeze %dma_start3A_265 : memref<1x64xf32, #tpu.memory_space<hbm>> -> memref<64xf32, #tpu.memory_space<hbm>>
      %dma_start3A_267 = arith.constant 0 : i32
      %dma_start3A_268 = tpu.memref_slice %arg8[%add3A_260, %dma_start3A_267] : memref<256x64xf32, #tpu.memory_space<vmem>> -> memref<1x64xf32, #tpu.memory_space<vmem>>
      %dma_start3A_269 = tpu.memref_squeeze %dma_start3A_268 : memref<1x64xf32, #tpu.memory_space<vmem>> -> memref<64xf32, #tpu.memory_space<vmem>>
      %dma_start3A_270 = arith.constant 0 : i32
      %dma_start3A_271 = tpu.memref_slice %arg3[%squeeze3A_256, %dma_start3A_270] : memref<1000000x64xf32, #tpu.memory_space<hbm>> -> memref<1x64xf32, #tpu.memory_space<hbm>>
      %dma_start3A_272 = tpu.memref_squeeze %dma_start3A_271 : memref<1x64xf32, #tpu.memory_space<hbm>> -> memref<64xf32, #tpu.memory_space<hbm>>
      tpu.enqueue_dma source(%dma_start3A_272 : memref<64xf32, #tpu.memory_space<hbm>>) target(%dma_start3A_269 : memref<64xf32, #tpu.memory_space<vmem>>) target_semaphore(%arg13 : memref<!tpu.dma_semaphore, #tpu.memory_space<semaphore_mem>>)
      %slice3A_273 = vector.extract_strided_slice %get3A_130 {offsets = [8], sizes = [1], strides = [1]} : vector<16xi32> to vector<1xi32>
      %squeeze3A_274 = vector.extract %slice3A_273[0] : i32 from vector<1xi32>
      %mul3A_275 = arith.constant 16 : i32
      %mul3A_276 = arith.muli %scan3A_126, %mul3A_275 : i32
      %add3A_277 = arith.constant 8 : i32
      %add3A_278 = arith.addi %mul3A_276, %add3A_277 : i32
      %dma_start3A_279 = arith.constant 0 : i32
      %dma_start3A_280 = tpu.memref_slice %arg8[%add3A_278, %dma_start3A_279] : memref<256x64xf32, #tpu.memory_space<vmem>> -> memref<1x64xf32, #tpu.memory_space<vmem>>
      %dma_start3A_281 = tpu.memref_squeeze %dma_start3A_280 : memref<1x64xf32, #tpu.memory_space<vmem>> -> memref<64xf32, #tpu.memory_space<vmem>>
      %dma_start3A_282 = arith.constant 0 : i32
      %dma_start3A_283 = tpu.memref_slice %arg3[%squeeze3A_274, %dma_start3A_282] : memref<1000000x64xf32, #tpu.memory_space<hbm>> -> memref<1x64xf32, #tpu.memory_space<hbm>>
      %dma_start3A_284 = tpu.memref_squeeze %dma_start3A_283 : memref<1x64xf32, #tpu.memory_space<hbm>> -> memref<64xf32, #tpu.memory_space<hbm>>
      %dma_start3A_285 = arith.constant 0 : i32
      %dma_start3A_286 = tpu.memref_slice %arg8[%add3A_278, %dma_start3A_285] : memref<256x64xf32, #tpu.memory_space<vmem>> -> memref<1x64xf32, #tpu.memory_space<vmem>>
      %dma_start3A_287 = tpu.memref_squeeze %dma_start3A_286 : memref<1x64xf32, #tpu.memory_space<vmem>> -> memref<64xf32, #tpu.memory_space<vmem>>
      %dma_start3A_288 = arith.constant 0 : i32
      %dma_start3A_289 = tpu.memref_slice %arg3[%squeeze3A_274, %dma_start3A_288] : memref<1000000x64xf32, #tpu.memory_space<hbm>> -> memref<1x64xf32, #tpu.memory_space<hbm>>
      %dma_start3A_290 = tpu.memref_squeeze %dma_start3A_289 : memref<1x64xf32, #tpu.memory_space<hbm>> -> memref<64xf32, #tpu.memory_space<hbm>>
      tpu.enqueue_dma source(%dma_start3A_290 : memref<64xf32, #tpu.memory_space<hbm>>) target(%dma_start3A_287 : memref<64xf32, #tpu.memory_space<vmem>>) target_semaphore(%arg13 : memref<!tpu.dma_semaphore, #tpu.memory_space<semaphore_mem>>)
      %slice3A_291 = vector.extract_strided_slice %get3A_130 {offsets = [9], sizes = [1], strides = [1]} : vector<16xi32> to vector<1xi32>
      %squeeze3A_292 = vector.extract %slice3A_291[0] : i32 from vector<1xi32>
      %mul3A_293 = arith.constant 16 : i32
      %mul3A_294 = arith.muli %scan3A_126, %mul3A_293 : i32
      %add3A_295 = arith.constant 9 : i32
      %add3A_296 = arith.addi %mul3A_294, %add3A_295 : i32
      %dma_start3A_297 = arith.constant 0 : i32
      %dma_start3A_298 = tpu.memref_slice %arg8[%add3A_296, %dma_start3A_297] : memref<256x64xf32, #tpu.memory_space<vmem>> -> memref<1x64xf32, #tpu.memory_space<vmem>>
      %dma_start3A_299 = tpu.memref_squeeze %dma_start3A_298 : memref<1x64xf32, #tpu.memory_space<vmem>> -> memref<64xf32, #tpu.memory_space<vmem>>
      %dma_start3A_300 = arith.constant 0 : i32
      %dma_start3A_301 = tpu.memref_slice %arg3[%squeeze3A_292, %dma_start3A_300] : memref<1000000x64xf32, #tpu.memory_space<hbm>> -> memref<1x64xf32, #tpu.memory_space<hbm>>
      %dma_start3A_302 = tpu.memref_squeeze %dma_start3A_301 : memref<1x64xf32, #tpu.memory_space<hbm>> -> memref<64xf32, #tpu.memory_space<hbm>>
      %dma_start3A_303 = arith.constant 0 : i32
      %dma_start3A_304 = tpu.memref_slice %arg8[%add3A_296, %dma_start3A_303] : memref<256x64xf32, #tpu.memory_space<vmem>> -> memref<1x64xf32, #tpu.memory_space<vmem>>
      %dma_start3A_305 = tpu.memref_squeeze %dma_start3A_304 : memref<1x64xf32, #tpu.memory_space<vmem>> -> memref<64xf32, #tpu.memory_space<vmem>>
      %dma_start3A_306 = arith.constant 0 : i32
      %dma_start3A_307 = tpu.memref_slice %arg3[%squeeze3A_292, %dma_start3A_306] : memref<1000000x64xf32, #tpu.memory_space<hbm>> -> memref<1x64xf32, #tpu.memory_space<hbm>>
      %dma_start3A_308 = tpu.memref_squeeze %dma_start3A_307 : memref<1x64xf32, #tpu.memory_space<hbm>> -> memref<64xf32, #tpu.memory_space<hbm>>
      tpu.enqueue_dma source(%dma_start3A_308 : memref<64xf32, #tpu.memory_space<hbm>>) target(%dma_start3A_305 : memref<64xf32, #tpu.memory_space<vmem>>) target_semaphore(%arg13 : memref<!tpu.dma_semaphore, #tpu.memory_space<semaphore_mem>>)
      %slice3A_309 = vector.extract_strided_slice %get3A_130 {offsets = [10], sizes = [1], strides = [1]} : vector<16xi32> to vector<1xi32>
      %squeeze3A_310 = vector.extract %slice3A_309[0] : i32 from vector<1xi32>
      %mul3A_311 = arith.constant 16 : i32
      %mul3A_312 = arith.muli %scan3A_126, %mul3A_311 : i32
      %add3A_313 = arith.constant 10 : i32
      %add3A_314 = arith.addi %mul3A_312, %add3A_313 : i32
      %dma_start3A_315 = arith.constant 0 : i32
      %dma_start3A_316 = tpu.memref_slice %arg8[%add3A_314, %dma_start3A_315] : memref<256x64xf32, #tpu.memory_space<vmem>> -> memref<1x64xf32, #tpu.memory_space<vmem>>
      %dma_start3A_317 = tpu.memref_squeeze %dma_start3A_316 : memref<1x64xf32, #tpu.memory_space<vmem>> -> memref<64xf32, #tpu.memory_space<vmem>>
      %dma_start3A_318 = arith.constant 0 : i32
      %dma_start3A_319 = tpu.memref_slice %arg3[%squeeze3A_310, %dma_start3A_318] : memref<1000000x64xf32, #tpu.memory_space<hbm>> -> memref<1x64xf32, #tpu.memory_space<hbm>>
      %dma_start3A_320 = tpu.memref_squeeze %dma_start3A_319 : memref<1x64xf32, #tpu.memory_space<hbm>> -> memref<64xf32, #tpu.memory_space<hbm>>
      %dma_start3A_321 = arith.constant 0 : i32
      %dma_start3A_322 = tpu.memref_slice %arg8[%add3A_314, %dma_start3A_321] : memref<256x64xf32, #tpu.memory_space<vmem>> -> memref<1x64xf32, #tpu.memory_space<vmem>>
      %dma_start3A_323 = tpu.memref_squeeze %dma_start3A_322 : memref<1x64xf32, #tpu.memory_space<vmem>> -> memref<64xf32, #tpu.memory_space<vmem>>
      %dma_start3A_324 = arith.constant 0 : i32
      %dma_start3A_325 = tpu.memref_slice %arg3[%squeeze3A_310, %dma_start3A_324] : memref<1000000x64xf32, #tpu.memory_space<hbm>> -> memref<1x64xf32, #tpu.memory_space<hbm>>
      %dma_start3A_326 = tpu.memref_squeeze %dma_start3A_325 : memref<1x64xf32, #tpu.memory_space<hbm>> -> memref<64xf32, #tpu.memory_space<hbm>>
      tpu.enqueue_dma source(%dma_start3A_326 : memref<64xf32, #tpu.memory_space<hbm>>) target(%dma_start3A_323 : memref<64xf32, #tpu.memory_space<vmem>>) target_semaphore(%arg13 : memref<!tpu.dma_semaphore, #tpu.memory_space<semaphore_mem>>)
      %slice3A_327 = vector.extract_strided_slice %get3A_130 {offsets = [11], sizes = [1], strides = [1]} : vector<16xi32> to vector<1xi32>
      %squeeze3A_328 = vector.extract %slice3A_327[0] : i32 from vector<1xi32>
      %mul3A_329 = arith.constant 16 : i32
      %mul3A_330 = arith.muli %scan3A_126, %mul3A_329 : i32
      %add3A_331 = arith.constant 11 : i32
      %add3A_332 = arith.addi %mul3A_330, %add3A_331 : i32
      %dma_start3A_333 = arith.constant 0 : i32
      %dma_start3A_334 = tpu.memref_slice %arg8[%add3A_332, %dma_start3A_333] : memref<256x64xf32, #tpu.memory_space<vmem>> -> memref<1x64xf32, #tpu.memory_space<vmem>>
      %dma_start3A_335 = tpu.memref_squeeze %dma_start3A_334 : memref<1x64xf32, #tpu.memory_space<vmem>> -> memref<64xf32, #tpu.memory_space<vmem>>
      %dma_start3A_336 = arith.constant 0 : i32
      %dma_start3A_337 = tpu.memref_slice %arg3[%squeeze3A_328, %dma_start3A_336] : memref<1000000x64xf32, #tpu.memory_space<hbm>> -> memref<1x64xf32, #tpu.memory_space<hbm>>
      %dma_start3A_338 = tpu.memref_squeeze %dma_start3A_337 : memref<1x64xf32, #tpu.memory_space<hbm>> -> memref<64xf32, #tpu.memory_space<hbm>>
      %dma_start3A_339 = arith.constant 0 : i32
      %dma_start3A_340 = tpu.memref_slice %arg8[%add3A_332, %dma_start3A_339] : memref<256x64xf32, #tpu.memory_space<vmem>> -> memref<1x64xf32, #tpu.memory_space<vmem>>
      %dma_start3A_341 = tpu.memref_squeeze %dma_start3A_340 : memref<1x64xf32, #tpu.memory_space<vmem>> -> memref<64xf32, #tpu.memory_space<vmem>>
      %dma_start3A_342 = arith.constant 0 : i32
      %dma_start3A_343 = tpu.memref_slice %arg3[%squeeze3A_328, %dma_start3A_342] : memref<1000000x64xf32, #tpu.memory_space<hbm>> -> memref<1x64xf32, #tpu.memory_space<hbm>>
      %dma_start3A_344 = tpu.memref_squeeze %dma_start3A_343 : memref<1x64xf32, #tpu.memory_space<hbm>> -> memref<64xf32, #tpu.memory_space<hbm>>
      tpu.enqueue_dma source(%dma_start3A_344 : memref<64xf32, #tpu.memory_space<hbm>>) target(%dma_start3A_341 : memref<64xf32, #tpu.memory_space<vmem>>) target_semaphore(%arg13 : memref<!tpu.dma_semaphore, #tpu.memory_space<semaphore_mem>>)
      %slice3A_345 = vector.extract_strided_slice %get3A_130 {offsets = [12], sizes = [1], strides = [1]} : vector<16xi32> to vector<1xi32>
      %squeeze3A_346 = vector.extract %slice3A_345[0] : i32 from vector<1xi32>
      %mul3A_347 = arith.constant 16 : i32
      %mul3A_348 = arith.muli %scan3A_126, %mul3A_347 : i32
      %add3A_349 = arith.constant 12 : i32
      %add3A_350 = arith.addi %mul3A_348, %add3A_349 : i32
      %dma_start3A_351 = arith.constant 0 : i32
      %dma_start3A_352 = tpu.memref_slice %arg8[%add3A_350, %dma_start3A_351] : memref<256x64xf32, #tpu.memory_space<vmem>> -> memref<1x64xf32, #tpu.memory_space<vmem>>
      %dma_start3A_353 = tpu.memref_squeeze %dma_start3A_352 : memref<1x64xf32, #tpu.memory_space<vmem>> -> memref<64xf32, #tpu.memory_space<vmem>>
      %dma_start3A_354 = arith.constant 0 : i32
      %dma_start3A_355 = tpu.memref_slice %arg3[%squeeze3A_346, %dma_start3A_354] : memref<1000000x64xf32, #tpu.memory_space<hbm>> -> memref<1x64xf32, #tpu.memory_space<hbm>>
      %dma_start3A_356 = tpu.memref_squeeze %dma_start3A_355 : memref<1x64xf32, #tpu.memory_space<hbm>> -> memref<64xf32, #tpu.memory_space<hbm>>
      %dma_start3A_357 = arith.constant 0 : i32
      %dma_start3A_358 = tpu.memref_slice %arg8[%add3A_350, %dma_start3A_357] : memref<256x64xf32, #tpu.memory_space<vmem>> -> memref<1x64xf32, #tpu.memory_space<vmem>>
      %dma_start3A_359 = tpu.memref_squeeze %dma_start3A_358 : memref<1x64xf32, #tpu.memory_space<vmem>> -> memref<64xf32, #tpu.memory_space<vmem>>
      %dma_start3A_360 = arith.constant 0 : i32
      %dma_start3A_361 = tpu.memref_slice %arg3[%squeeze3A_346, %dma_start3A_360] : memref<1000000x64xf32, #tpu.memory_space<hbm>> -> memref<1x64xf32, #tpu.memory_space<hbm>>
      %dma_start3A_362 = tpu.memref_squeeze %dma_start3A_361 : memref<1x64xf32, #tpu.memory_space<hbm>> -> memref<64xf32, #tpu.memory_space<hbm>>
      tpu.enqueue_dma source(%dma_start3A_362 : memref<64xf32, #tpu.memory_space<hbm>>) target(%dma_start3A_359 : memref<64xf32, #tpu.memory_space<vmem>>) target_semaphore(%arg13 : memref<!tpu.dma_semaphore, #tpu.memory_space<semaphore_mem>>)
      %slice3A_363 = vector.extract_strided_slice %get3A_130 {offsets = [13], sizes = [1], strides = [1]} : vector<16xi32> to vector<1xi32>
      %squeeze3A_364 = vector.extract %slice3A_363[0] : i32 from vector<1xi32>
      %mul3A_365 = arith.constant 16 : i32
      %mul3A_366 = arith.muli %scan3A_126, %mul3A_365 : i32
      %add3A_367 = arith.constant 13 : i32
      %add3A_368 = arith.addi %mul3A_366, %add3A_367 : i32
      %dma_start3A_369 = arith.constant 0 : i32
      %dma_start3A_370 = tpu.memref_slice %arg8[%add3A_368, %dma_start3A_369] : memref<256x64xf32, #tpu.memory_space<vmem>> -> memref<1x64xf32, #tpu.memory_space<vmem>>
      %dma_start3A_371 = tpu.memref_squeeze %dma_start3A_370 : memref<1x64xf32, #tpu.memory_space<vmem>> -> memref<64xf32, #tpu.memory_space<vmem>>
      %dma_start3A_372 = arith.constant 0 : i32
      %dma_start3A_373 = tpu.memref_slice %arg3[%squeeze3A_364, %dma_start3A_372] : memref<1000000x64xf32, #tpu.memory_space<hbm>> -> memref<1x64xf32, #tpu.memory_space<hbm>>
      %dma_start3A_374 = tpu.memref_squeeze %dma_start3A_373 : memref<1x64xf32, #tpu.memory_space<hbm>> -> memref<64xf32, #tpu.memory_space<hbm>>
      %dma_start3A_375 = arith.constant 0 : i32
      %dma_start3A_376 = tpu.memref_slice %arg8[%add3A_368, %dma_start3A_375] : memref<256x64xf32, #tpu.memory_space<vmem>> -> memref<1x64xf32, #tpu.memory_space<vmem>>
      %dma_start3A_377 = tpu.memref_squeeze %dma_start3A_376 : memref<1x64xf32, #tpu.memory_space<vmem>> -> memref<64xf32, #tpu.memory_space<vmem>>
      %dma_start3A_378 = arith.constant 0 : i32
      %dma_start3A_379 = tpu.memref_slice %arg3[%squeeze3A_364, %dma_start3A_378] : memref<1000000x64xf32, #tpu.memory_space<hbm>> -> memref<1x64xf32, #tpu.memory_space<hbm>>
      %dma_start3A_380 = tpu.memref_squeeze %dma_start3A_379 : memref<1x64xf32, #tpu.memory_space<hbm>> -> memref<64xf32, #tpu.memory_space<hbm>>
      tpu.enqueue_dma source(%dma_start3A_380 : memref<64xf32, #tpu.memory_space<hbm>>) target(%dma_start3A_377 : memref<64xf32, #tpu.memory_space<vmem>>) target_semaphore(%arg13 : memref<!tpu.dma_semaphore, #tpu.memory_space<semaphore_mem>>)
      %slice3A_381 = vector.extract_strided_slice %get3A_130 {offsets = [14], sizes = [1], strides = [1]} : vector<16xi32> to vector<1xi32>
      %squeeze3A_382 = vector.extract %slice3A_381[0] : i32 from vector<1xi32>
      %mul3A_383 = arith.constant 16 : i32
      %mul3A_384 = arith.muli %scan3A_126, %mul3A_383 : i32
      %add3A_385 = arith.constant 14 : i32
      %add3A_386 = arith.addi %mul3A_384, %add3A_385 : i32
      %dma_start3A_387 = arith.constant 0 : i32
      %dma_start3A_388 = tpu.memref_slice %arg8[%add3A_386, %dma_start3A_387] : memref<256x64xf32, #tpu.memory_space<vmem>> -> memref<1x64xf32, #tpu.memory_space<vmem>>
      %dma_start3A_389 = tpu.memref_squeeze %dma_start3A_388 : memref<1x64xf32, #tpu.memory_space<vmem>> -> memref<64xf32, #tpu.memory_space<vmem>>
      %dma_start3A_390 = arith.constant 0 : i32
      %dma_start3A_391 = tpu.memref_slice %arg3[%squeeze3A_382, %dma_start3A_390] : memref<1000000x64xf32, #tpu.memory_space<hbm>> -> memref<1x64xf32, #tpu.memory_space<hbm>>
      %dma_start3A_392 = tpu.memref_squeeze %dma_start3A_391 : memref<1x64xf32, #tpu.memory_space<hbm>> -> memref<64xf32, #tpu.memory_space<hbm>>
      %dma_start3A_393 = arith.constant 0 : i32
      %dma_start3A_394 = tpu.memref_slice %arg8[%add3A_386, %dma_start3A_393] : memref<256x64xf32, #tpu.memory_space<vmem>> -> memref<1x64xf32, #tpu.memory_space<vmem>>
      %dma_start3A_395 = tpu.memref_squeeze %dma_start3A_394 : memref<1x64xf32, #tpu.memory_space<vmem>> -> memref<64xf32, #tpu.memory_space<vmem>>
      %dma_start3A_396 = arith.constant 0 : i32
      %dma_start3A_397 = tpu.memref_slice %arg3[%squeeze3A_382, %dma_start3A_396] : memref<1000000x64xf32, #tpu.memory_space<hbm>> -> memref<1x64xf32, #tpu.memory_space<hbm>>
      %dma_start3A_398 = tpu.memref_squeeze %dma_start3A_397 : memref<1x64xf32, #tpu.memory_space<hbm>> -> memref<64xf32, #tpu.memory_space<hbm>>
      tpu.enqueue_dma source(%dma_start3A_398 : memref<64xf32, #tpu.memory_space<hbm>>) target(%dma_start3A_395 : memref<64xf32, #tpu.memory_space<vmem>>) target_semaphore(%arg13 : memref<!tpu.dma_semaphore, #tpu.memory_space<semaphore_mem>>)
      %slice3A_399 = vector.extract_strided_slice %get3A_130 {offsets = [15], sizes = [1], strides = [1]} : vector<16xi32> to vector<1xi32>
      %squeeze3A_400 = vector.extract %slice3A_399[0] : i32 from vector<1xi32>
      %mul3A_401 = arith.constant 16 : i32
      %mul3A_402 = arith.muli %scan3A_126, %mul3A_401 : i32
      %add3A_403 = arith.constant 15 : i32
      %add3A_404 = arith.addi %mul3A_402, %add3A_403 : i32
      %dma_start3A_405 = arith.constant 0 : i32
      %dma_start3A_406 = tpu.memref_slice %arg8[%add3A_404, %dma_start3A_405] : memref<256x64xf32, #tpu.memory_space<vmem>> -> memref<1x64xf32, #tpu.memory_space<vmem>>
      %dma_start3A_407 = tpu.memref_squeeze %dma_start3A_406 : memref<1x64xf32, #tpu.memory_space<vmem>> -> memref<64xf32, #tpu.memory_space<vmem>>
      %dma_start3A_408 = arith.constant 0 : i32
      %dma_start3A_409 = tpu.memref_slice %arg3[%squeeze3A_400, %dma_start3A_408] : memref<1000000x64xf32, #tpu.memory_space<hbm>> -> memref<1x64xf32, #tpu.memory_space<hbm>>
      %dma_start3A_410 = tpu.memref_squeeze %dma_start3A_409 : memref<1x64xf32, #tpu.memory_space<hbm>> -> memref<64xf32, #tpu.memory_space<hbm>>
      %dma_start3A_411 = arith.constant 0 : i32
      %dma_start3A_412 = tpu.memref_slice %arg8[%add3A_404, %dma_start3A_411] : memref<256x64xf32, #tpu.memory_space<vmem>> -> memref<1x64xf32, #tpu.memory_space<vmem>>
      %dma_start3A_413 = tpu.memref_squeeze %dma_start3A_412 : memref<1x64xf32, #tpu.memory_space<vmem>> -> memref<64xf32, #tpu.memory_space<vmem>>
      %dma_start3A_414 = arith.constant 0 : i32
      %dma_start3A_415 = tpu.memref_slice %arg3[%squeeze3A_400, %dma_start3A_414] : memref<1000000x64xf32, #tpu.memory_space<hbm>> -> memref<1x64xf32, #tpu.memory_space<hbm>>
      %dma_start3A_416 = tpu.memref_squeeze %dma_start3A_415 : memref<1x64xf32, #tpu.memory_space<hbm>> -> memref<64xf32, #tpu.memory_space<hbm>>
      tpu.enqueue_dma source(%dma_start3A_416 : memref<64xf32, #tpu.memory_space<hbm>>) target(%dma_start3A_413 : memref<64xf32, #tpu.memory_space<vmem>>) target_semaphore(%arg13 : memref<!tpu.dma_semaphore, #tpu.memory_space<semaphore_mem>>)
    }
    %scan3A_41 = arith.constant 16 : i32
    %dma_wait3A_42 = arith.constant 0 : i32
    %dma_wait3A_43 = tpu.memref_slice %arg2[%dma_wait3A_42] : memref<819200xi32, #tpu.memory_space<hbm>> -> memref<32768xi32, #tpu.memory_space<hbm>>
    %dma_wait3A_44 = arith.constant 0 : i32
    %dma_wait3A_45 = tpu.memref_slice %arg2[%dma_wait3A_44] : memref<819200xi32, #tpu.memory_space<hbm>> -> memref<32768xi32, #tpu.memory_space<hbm>>
    tpu.wait_dma2 semaphore(%arg13 : memref<!tpu.dma_semaphore, #tpu.memory_space<semaphore_mem>>) src(%dma_wait3A_45 : memref<32768xi32, #tpu.memory_space<hbm>>) dst(%arg9 : memref<32768xi32, #tpu.memory_space<vmem>>)
    %add3A_46 = arith.constant 256 : i32
    %add3A_47 = arith.addi %mul3A_2, %add3A_46 : i32
    %dma_start3A_48 = arith.constant 0 : i32
    %dma_start3A_49 = tpu.memref_slice %arg4[%add3A_47, %dma_start3A_48] : memref<819200x64xf32, #tpu.memory_space<hbm>> -> memref<256x64xf32, #tpu.memory_space<hbm>>
    %dma_start3A_50 = arith.constant 0 : i32
    %dma_start3A_51 = tpu.memref_slice %arg4[%add3A_47, %dma_start3A_50] : memref<819200x64xf32, #tpu.memory_space<hbm>> -> memref<256x64xf32, #tpu.memory_space<hbm>>
    tpu.enqueue_dma source(%arg8 : memref<256x64xf32, #tpu.memory_space<vmem>>) target(%dma_start3A_51 : memref<256x64xf32, #tpu.memory_space<hbm>>) target_semaphore(%arg15 : memref<!tpu.dma_semaphore, #tpu.memory_space<semaphore_mem>>)
    %add3A_52 = arith.constant 768 : i32
    %add3A_53 = arith.addi %mul3A_2, %add3A_52 : i32
    %dma_start3A_54 = tpu.memref_slice %arg2[%add3A_53] : memref<819200xi32, #tpu.memory_space<hbm>> -> memref<256xi32, #tpu.memory_space<hbm>>
    %dma_start3A_55 = tpu.memref_slice %arg2[%add3A_53] : memref<819200xi32, #tpu.memory_space<hbm>> -> memref<256xi32, #tpu.memory_space<hbm>>
    tpu.enqueue_dma source(%dma_start3A_55 : memref<256xi32, #tpu.memory_space<hbm>>) target(%arg6 : memref<256xi32, #tpu.memory_space<vmem>>) target_semaphore(%arg11 : memref<!tpu.dma_semaphore, #tpu.memory_space<semaphore_mem>>)
    %dma_wait3A_56 = arith.constant 0 : i32
    %dma_wait3A_57 = arith.constant 0 : i32
    %dma_wait3A_58 = tpu.memref_slice %arg4[%dma_wait3A_56, %dma_wait3A_57] : memref<819200x64xf32, #tpu.memory_space<hbm>> -> memref<256x64xf32, #tpu.memory_space<hbm>>
    %dma_wait3A_59 = arith.constant 0 : i32
    %dma_wait3A_60 = arith.constant 0 : i32
    %dma_wait3A_61 = tpu.memref_slice %arg4[%dma_wait3A_59, %dma_wait3A_60] : memref<819200x64xf32, #tpu.memory_space<hbm>> -> memref<256x64xf32, #tpu.memory_space<hbm>>
    tpu.wait_dma2 semaphore(%arg14 : memref<!tpu.dma_semaphore, #tpu.memory_space<semaphore_mem>>) src(%arg7 : memref<256x64xf32, #tpu.memory_space<vmem>>) dst(%dma_wait3A_61 : memref<256x64xf32, #tpu.memory_space<hbm>>)
    %dma_wait3A_62 = arith.constant 0 : i32
    %dma_wait3A_63 = tpu.memref_slice %arg2[%dma_wait3A_62] : memref<819200xi32, #tpu.memory_space<hbm>> -> memref<256xi32, #tpu.memory_space<hbm>>
    %dma_wait3A_64 = arith.constant 0 : i32
    %dma_wait3A_65 = tpu.memref_slice %arg2[%dma_wait3A_64] : memref<819200xi32, #tpu.memory_space<hbm>> -> memref<256xi32, #tpu.memory_space<hbm>>
    tpu.wait_dma2 semaphore(%arg10 : memref<!tpu.dma_semaphore, #tpu.memory_space<semaphore_mem>>) src(%dma_wait3A_65 : memref<256xi32, #tpu.memory_space<hbm>>) dst(%arg5 : memref<256xi32, #tpu.memory_space<vmem>>)
    %scan3A_66 = arith.constant 0 : i32
    %scan3A_67 = arith.constant 0 : i32
    %scan3A_68 = arith.constant 16 : i32
    %scan3A_69 = arith.addi %scan3A_67, %scan3A_68 : i32
    %scan3A_70 = arith.constant 1 : i32
    scf.for %scan3A_126 = %scan3A_67 to %scan3A_69 step %scan3A_70  : i32 {
      %mul3A_127 = arith.constant 16 : i32
      %mul3A_128 = arith.muli %scan3A_126, %mul3A_127 : i32
      %get3A = arith.index_cast %mul3A_128 : i32 to index
      %get3A_129 = tpu.vector_load %arg5[%get3A] {strides = array<i32>} : memref<256xi32, #tpu.memory_space<vmem>>, vector<16xi32>,
      %get3A_130 = vector.shape_cast %get3A_129 : vector<16xi32> to vector<16xi32>
      %slice3A = vector.extract_strided_slice %get3A_130 {offsets = [0], sizes = [1], strides = [1]} : vector<16xi32> to vector<1xi32>
      %squeeze3A = vector.extract %slice3A[0] : i32 from vector<1xi32>
      %mul3A_131 = arith.constant 16 : i32
      %mul3A_132 = arith.muli %scan3A_126, %mul3A_131 : i32
      %add3A_133 = arith.constant 0 : i32
      %add3A_134 = arith.addi %mul3A_132, %add3A_133 : i32
      %dma_start3A_135 = arith.constant 0 : i32
      %dma_start3A_136 = tpu.memref_slice %arg7[%add3A_134, %dma_start3A_135] : memref<256x64xf32, #tpu.memory_space<vmem>> -> memref<1x64xf32, #tpu.memory_space<vmem>>
      %dma_start3A_137 = tpu.memref_squeeze %dma_start3A_136 : memref<1x64xf32, #tpu.memory_space<vmem>> -> memref<64xf32, #tpu.memory_space<vmem>>
      %dma_start3A_138 = arith.constant 0 : i32
      %dma_start3A_139 = tpu.memref_slice %arg3[%squeeze3A, %dma_start3A_138] : memref<1000000x64xf32, #tpu.memory_space<hbm>> -> memref<1x64xf32, #tpu.memory_space<hbm>>
      %dma_start3A_140 = tpu.memref_squeeze %dma_start3A_139 : memref<1x64xf32, #tpu.memory_space<hbm>> -> memref<64xf32, #tpu.memory_space<hbm>>
      %dma_start3A_141 = arith.constant 0 : i32
      %dma_start3A_142 = tpu.memref_slice %arg7[%add3A_134, %dma_start3A_141] : memref<256x64xf32, #tpu.memory_space<vmem>> -> memref<1x64xf32, #tpu.memory_space<vmem>>
      %dma_start3A_143 = tpu.memref_squeeze %dma_start3A_142 : memref<1x64xf32, #tpu.memory_space<vmem>> -> memref<64xf32, #tpu.memory_space<vmem>>
      %dma_start3A_144 = arith.constant 0 : i32
      %dma_start3A_145 = tpu.memref_slice %arg3[%squeeze3A, %dma_start3A_144] : memref<1000000x64xf32, #tpu.memory_space<hbm>> -> memref<1x64xf32, #tpu.memory_space<hbm>>
      %dma_start3A_146 = tpu.memref_squeeze %dma_start3A_145 : memref<1x64xf32, #tpu.memory_space<hbm>> -> memref<64xf32, #tpu.memory_space<hbm>>
      tpu.enqueue_dma source(%dma_start3A_146 : memref<64xf32, #tpu.memory_space<hbm>>) target(%dma_start3A_143 : memref<64xf32, #tpu.memory_space<vmem>>) target_semaphore(%arg12 : memref<!tpu.dma_semaphore, #tpu.memory_space<semaphore_mem>>)
      %slice3A_147 = vector.extract_strided_slice %get3A_130 {offsets = [1], sizes = [1], strides = [1]} : vector<16xi32> to vector<1xi32>
      %squeeze3A_148 = vector.extract %slice3A_147[0] : i32 from vector<1xi32>
      %mul3A_149 = arith.constant 16 : i32
      %mul3A_150 = arith.muli %scan3A_126, %mul3A_149 : i32
      %add3A_151 = arith.constant 1 : i32
      %add3A_152 = arith.addi %mul3A_150, %add3A_151 : i32
      %dma_start3A_153 = arith.constant 0 : i32
      %dma_start3A_154 = tpu.memref_slice %arg7[%add3A_152, %dma_start3A_153] : memref<256x64xf32, #tpu.memory_space<vmem>> -> memref<1x64xf32, #tpu.memory_space<vmem>>
      %dma_start3A_155 = tpu.memref_squeeze %dma_start3A_154 : memref<1x64xf32, #tpu.memory_space<vmem>> -> memref<64xf32, #tpu.memory_space<vmem>>
      %dma_start3A_156 = arith.constant 0 : i32
      %dma_start3A_157 = tpu.memref_slice %arg3[%squeeze3A_148, %dma_start3A_156] : memref<1000000x64xf32, #tpu.memory_space<hbm>> -> memref<1x64xf32, #tpu.memory_space<hbm>>
      %dma_start3A_158 = tpu.memref_squeeze %dma_start3A_157 : memref<1x64xf32, #tpu.memory_space<hbm>> -> memref<64xf32, #tpu.memory_space<hbm>>
      %dma_start3A_159 = arith.constant 0 : i32
      %dma_start3A_160 = tpu.memref_slice %arg7[%add3A_152, %dma_start3A_159] : memref<256x64xf32, #tpu.memory_space<vmem>> -> memref<1x64xf32, #tpu.memory_space<vmem>>
      %dma_start3A_161 = tpu.memref_squeeze %dma_start3A_160 : memref<1x64xf32, #tpu.memory_space<vmem>> -> memref<64xf32, #tpu.memory_space<vmem>>
      %dma_start3A_162 = arith.constant 0 : i32
      %dma_start3A_163 = tpu.memref_slice %arg3[%squeeze3A_148, %dma_start3A_162] : memref<1000000x64xf32, #tpu.memory_space<hbm>> -> memref<1x64xf32, #tpu.memory_space<hbm>>
      %dma_start3A_164 = tpu.memref_squeeze %dma_start3A_163 : memref<1x64xf32, #tpu.memory_space<hbm>> -> memref<64xf32, #tpu.memory_space<hbm>>
      tpu.enqueue_dma source(%dma_start3A_164 : memref<64xf32, #tpu.memory_space<hbm>>) target(%dma_start3A_161 : memref<64xf32, #tpu.memory_space<vmem>>) target_semaphore(%arg12 : memref<!tpu.dma_semaphore, #tpu.memory_space<semaphore_mem>>)
      %slice3A_165 = vector.extract_strided_slice %get3A_130 {offsets = [2], sizes = [1], strides = [1]} : vector<16xi32> to vector<1xi32>
      %squeeze3A_166 = vector.extract %slice3A_165[0] : i32 from vector<1xi32>
      %mul3A_167 = arith.constant 16 : i32
      %mul3A_168 = arith.muli %scan3A_126, %mul3A_167 : i32
      %add3A_169 = arith.constant 2 : i32
      %add3A_170 = arith.addi %mul3A_168, %add3A_169 : i32
      %dma_start3A_171 = arith.constant 0 : i32
      %dma_start3A_172 = tpu.memref_slice %arg7[%add3A_170, %dma_start3A_171] : memref<256x64xf32, #tpu.memory_space<vmem>> -> memref<1x64xf32, #tpu.memory_space<vmem>>
      %dma_start3A_173 = tpu.memref_squeeze %dma_start3A_172 : memref<1x64xf32, #tpu.memory_space<vmem>> -> memref<64xf32, #tpu.memory_space<vmem>>
      %dma_start3A_174 = arith.constant 0 : i32
      %dma_start3A_175 = tpu.memref_slice %arg3[%squeeze3A_166, %dma_start3A_174] : memref<1000000x64xf32, #tpu.memory_space<hbm>> -> memref<1x64xf32, #tpu.memory_space<hbm>>
      %dma_start3A_176 = tpu.memref_squeeze %dma_start3A_175 : memref<1x64xf32, #tpu.memory_space<hbm>> -> memref<64xf32, #tpu.memory_space<hbm>>
      %dma_start3A_177 = arith.constant 0 : i32
      %dma_start3A_178 = tpu.memref_slice %arg7[%add3A_170, %dma_start3A_177] : memref<256x64xf32, #tpu.memory_space<vmem>> -> memref<1x64xf32, #tpu.memory_space<vmem>>
      %dma_start3A_179 = tpu.memref_squeeze %dma_start3A_178 : memref<1x64xf32, #tpu.memory_space<vmem>> -> memref<64xf32, #tpu.memory_space<vmem>>
      %dma_start3A_180 = arith.constant 0 : i32
      %dma_start3A_181 = tpu.memref_slice %arg3[%squeeze3A_166, %dma_start3A_180] : memref<1000000x64xf32, #tpu.memory_space<hbm>> -> memref<1x64xf32, #tpu.memory_space<hbm>>
      %dma_start3A_182 = tpu.memref_squeeze %dma_start3A_181 : memref<1x64xf32, #tpu.memory_space<hbm>> -> memref<64xf32, #tpu.memory_space<hbm>>
      tpu.enqueue_dma source(%dma_start3A_182 : memref<64xf32, #tpu.memory_space<hbm>>) target(%dma_start3A_179 : memref<64xf32, #tpu.memory_space<vmem>>) target_semaphore(%arg12 : memref<!tpu.dma_semaphore, #tpu.memory_space<semaphore_mem>>)
      %slice3A_183 = vector.extract_strided_slice %get3A_130 {offsets = [3], sizes = [1], strides = [1]} : vector<16xi32> to vector<1xi32>
      %squeeze3A_184 = vector.extract %slice3A_183[0] : i32 from vector<1xi32>
      %mul3A_185 = arith.constant 16 : i32
      %mul3A_186 = arith.muli %scan3A_126, %mul3A_185 : i32
      %add3A_187 = arith.constant 3 : i32
      %add3A_188 = arith.addi %mul3A_186, %add3A_187 : i32
      %dma_start3A_189 = arith.constant 0 : i32
      %dma_start3A_190 = tpu.memref_slice %arg7[%add3A_188, %dma_start3A_189] : memref<256x64xf32, #tpu.memory_space<vmem>> -> memref<1x64xf32, #tpu.memory_space<vmem>>
      %dma_start3A_191 = tpu.memref_squeeze %dma_start3A_190 : memref<1x64xf32, #tpu.memory_space<vmem>> -> memref<64xf32, #tpu.memory_space<vmem>>
      %dma_start3A_192 = arith.constant 0 : i32
      %dma_start3A_193 = tpu.memref_slice %arg3[%squeeze3A_184, %dma_start3A_192] : memref<1000000x64xf32, #tpu.memory_space<hbm>> -> memref<1x64xf32, #tpu.memory_space<hbm>>
      %dma_start3A_194 = tpu.memref_squeeze %dma_start3A_193 : memref<1x64xf32, #tpu.memory_space<hbm>> -> memref<64xf32, #tpu.memory_space<hbm>>
      %dma_start3A_195 = arith.constant 0 : i32
      %dma_start3A_196 = tpu.memref_slice %arg7[%add3A_188, %dma_start3A_195] : memref<256x64xf32, #tpu.memory_space<vmem>> -> memref<1x64xf32, #tpu.memory_space<vmem>>
      %dma_start3A_197 = tpu.memref_squeeze %dma_start3A_196 : memref<1x64xf32, #tpu.memory_space<vmem>> -> memref<64xf32, #tpu.memory_space<vmem>>
      %dma_start3A_198 = arith.constant 0 : i32
      %dma_start3A_199 = tpu.memref_slice %arg3[%squeeze3A_184, %dma_start3A_198] : memref<1000000x64xf32, #tpu.memory_space<hbm>> -> memref<1x64xf32, #tpu.memory_space<hbm>>
      %dma_start3A_200 = tpu.memref_squeeze %dma_start3A_199 : memref<1x64xf32, #tpu.memory_space<hbm>> -> memref<64xf32, #tpu.memory_space<hbm>>
      tpu.enqueue_dma source(%dma_start3A_200 : memref<64xf32, #tpu.memory_space<hbm>>) target(%dma_start3A_197 : memref<64xf32, #tpu.memory_space<vmem>>) target_semaphore(%arg12 : memref<!tpu.dma_semaphore, #tpu.memory_space<semaphore_mem>>)
      %slice3A_201 = vector.extract_strided_slice %get3A_130 {offsets = [4], sizes = [1], strides = [1]} : vector<16xi32> to vector<1xi32>
      %squeeze3A_202 = vector.extract %slice3A_201[0] : i32 from vector<1xi32>
      %mul3A_203 = arith.constant 16 : i32
      %mul3A_204 = arith.muli %scan3A_126, %mul3A_203 : i32
      %add3A_205 = arith.constant 4 : i32
      %add3A_206 = arith.addi %mul3A_204, %add3A_205 : i32
      %dma_start3A_207 = arith.constant 0 : i32
      %dma_start3A_208 = tpu.memref_slice %arg7[%add3A_206, %dma_start3A_207] : memref<256x64xf32, #tpu.memory_space<vmem>> -> memref<1x64xf32, #tpu.memory_space<vmem>>
      %dma_start3A_209 = tpu.memref_squeeze %dma_start3A_208 : memref<1x64xf32, #tpu.memory_space<vmem>> -> memref<64xf32, #tpu.memory_space<vmem>>
      %dma_start3A_210 = arith.constant 0 : i32
      %dma_start3A_211 = tpu.memref_slice %arg3[%squeeze3A_202, %dma_start3A_210] : memref<1000000x64xf32, #tpu.memory_space<hbm>> -> memref<1x64xf32, #tpu.memory_space<hbm>>
      %dma_start3A_212 = tpu.memref_squeeze %dma_start3A_211 : memref<1x64xf32, #tpu.memory_space<hbm>> -> memref<64xf32, #tpu.memory_space<hbm>>
      %dma_start3A_213 = arith.constant 0 : i32
      %dma_start3A_214 = tpu.memref_slice %arg7[%add3A_206, %dma_start3A_213] : memref<256x64xf32, #tpu.memory_space<vmem>> -> memref<1x64xf32, #tpu.memory_space<vmem>>
      %dma_start3A_215 = tpu.memref_squeeze %dma_start3A_214 : memref<1x64xf32, #tpu.memory_space<vmem>> -> memref<64xf32, #tpu.memory_space<vmem>>
      %dma_start3A_216 = arith.constant 0 : i32
      %dma_start3A_217 = tpu.memref_slice %arg3[%squeeze3A_202, %dma_start3A_216] : memref<1000000x64xf32, #tpu.memory_space<hbm>> -> memref<1x64xf32, #tpu.memory_space<hbm>>
      %dma_start3A_218 = tpu.memref_squeeze %dma_start3A_217 : memref<1x64xf32, #tpu.memory_space<hbm>> -> memref<64xf32, #tpu.memory_space<hbm>>
      tpu.enqueue_dma source(%dma_start3A_218 : memref<64xf32, #tpu.memory_space<hbm>>) target(%dma_start3A_215 : memref<64xf32, #tpu.memory_space<vmem>>) target_semaphore(%arg12 : memref<!tpu.dma_semaphore, #tpu.memory_space<semaphore_mem>>)
      %slice3A_219 = vector.extract_strided_slice %get3A_130 {offsets = [5], sizes = [1], strides = [1]} : vector<16xi32> to vector<1xi32>
      %squeeze3A_220 = vector.extract %slice3A_219[0] : i32 from vector<1xi32>
      %mul3A_221 = arith.constant 16 : i32
      %mul3A_222 = arith.muli %scan3A_126, %mul3A_221 : i32
      %add3A_223 = arith.constant 5 : i32
      %add3A_224 = arith.addi %mul3A_222, %add3A_223 : i32
      %dma_start3A_225 = arith.constant 0 : i32
      %dma_start3A_226 = tpu.memref_slice %arg7[%add3A_224, %dma_start3A_225] : memref<256x64xf32, #tpu.memory_space<vmem>> -> memref<1x64xf32, #tpu.memory_space<vmem>>
      %dma_start3A_227 = tpu.memref_squeeze %dma_start3A_226 : memref<1x64xf32, #tpu.memory_space<vmem>> -> memref<64xf32, #tpu.memory_space<vmem>>
      %dma_start3A_228 = arith.constant 0 : i32
      %dma_start3A_229 = tpu.memref_slice %arg3[%squeeze3A_220, %dma_start3A_228] : memref<1000000x64xf32, #tpu.memory_space<hbm>> -> memref<1x64xf32, #tpu.memory_space<hbm>>
      %dma_start3A_230 = tpu.memref_squeeze %dma_start3A_229 : memref<1x64xf32, #tpu.memory_space<hbm>> -> memref<64xf32, #tpu.memory_space<hbm>>
      %dma_start3A_231 = arith.constant 0 : i32
      %dma_start3A_232 = tpu.memref_slice %arg7[%add3A_224, %dma_start3A_231] : memref<256x64xf32, #tpu.memory_space<vmem>> -> memref<1x64xf32, #tpu.memory_space<vmem>>
      %dma_start3A_233 = tpu.memref_squeeze %dma_start3A_232 : memref<1x64xf32, #tpu.memory_space<vmem>> -> memref<64xf32, #tpu.memory_space<vmem>>
      %dma_start3A_234 = arith.constant 0 : i32
      %dma_start3A_235 = tpu.memref_slice %arg3[%squeeze3A_220, %dma_start3A_234] : memref<1000000x64xf32, #tpu.memory_space<hbm>> -> memref<1x64xf32, #tpu.memory_space<hbm>>
      %dma_start3A_236 = tpu.memref_squeeze %dma_start3A_235 : memref<1x64xf32, #tpu.memory_space<hbm>> -> memref<64xf32, #tpu.memory_space<hbm>>
      tpu.enqueue_dma source(%dma_start3A_236 : memref<64xf32, #tpu.memory_space<hbm>>) target(%dma_start3A_233 : memref<64xf32, #tpu.memory_space<vmem>>) target_semaphore(%arg12 : memref<!tpu.dma_semaphore, #tpu.memory_space<semaphore_mem>>)
      %slice3A_237 = vector.extract_strided_slice %get3A_130 {offsets = [6], sizes = [1], strides = [1]} : vector<16xi32> to vector<1xi32>
      %squeeze3A_238 = vector.extract %slice3A_237[0] : i32 from vector<1xi32>
      %mul3A_239 = arith.constant 16 : i32
      %mul3A_240 = arith.muli %scan3A_126, %mul3A_239 : i32
      %add3A_241 = arith.constant 6 : i32
      %add3A_242 = arith.addi %mul3A_240, %add3A_241 : i32
      %dma_start3A_243 = arith.constant 0 : i32
      %dma_start3A_244 = tpu.memref_slice %arg7[%add3A_242, %dma_start3A_243] : memref<256x64xf32, #tpu.memory_space<vmem>> -> memref<1x64xf32, #tpu.memory_space<vmem>>
      %dma_start3A_245 = tpu.memref_squeeze %dma_start3A_244 : memref<1x64xf32, #tpu.memory_space<vmem>> -> memref<64xf32, #tpu.memory_space<vmem>>
      %dma_start3A_246 = arith.constant 0 : i32
      %dma_start3A_247 = tpu.memref_slice %arg3[%squeeze3A_238, %dma_start3A_246] : memref<1000000x64xf32, #tpu.memory_space<hbm>> -> memref<1x64xf32, #tpu.memory_space<hbm>>
      %dma_start3A_248 = tpu.memref_squeeze %dma_start3A_247 : memref<1x64xf32, #tpu.memory_space<hbm>> -> memref<64xf32, #tpu.memory_space<hbm>>
      %dma_start3A_249 = arith.constant 0 : i32
      %dma_start3A_250 = tpu.memref_slice %arg7[%add3A_242, %dma_start3A_249] : memref<256x64xf32, #tpu.memory_space<vmem>> -> memref<1x64xf32, #tpu.memory_space<vmem>>
      %dma_start3A_251 = tpu.memref_squeeze %dma_start3A_250 : memref<1x64xf32, #tpu.memory_space<vmem>> -> memref<64xf32, #tpu.memory_space<vmem>>
      %dma_start3A_252 = arith.constant 0 : i32
      %dma_start3A_253 = tpu.memref_slice %arg3[%squeeze3A_238, %dma_start3A_252] : memref<1000000x64xf32, #tpu.memory_space<hbm>> -> memref<1x64xf32, #tpu.memory_space<hbm>>
      %dma_start3A_254 = tpu.memref_squeeze %dma_start3A_253 : memref<1x64xf32, #tpu.memory_space<hbm>> -> memref<64xf32, #tpu.memory_space<hbm>>
      tpu.enqueue_dma source(%dma_start3A_254 : memref<64xf32, #tpu.memory_space<hbm>>) target(%dma_start3A_251 : memref<64xf32, #tpu.memory_space<vmem>>) target_semaphore(%arg12 : memref<!tpu.dma_semaphore, #tpu.memory_space<semaphore_mem>>)
      %slice3A_255 = vector.extract_strided_slice %get3A_130 {offsets = [7], sizes = [1], strides = [1]} : vector<16xi32> to vector<1xi32>
      %squeeze3A_256 = vector.extract %slice3A_255[0] : i32 from vector<1xi32>
      %mul3A_257 = arith.constant 16 : i32
      %mul3A_258 = arith.muli %scan3A_126, %mul3A_257 : i32
      %add3A_259 = arith.constant 7 : i32
      %add3A_260 = arith.addi %mul3A_258, %add3A_259 : i32
      %dma_start3A_261 = arith.constant 0 : i32
      %dma_start3A_262 = tpu.memref_slice %arg7[%add3A_260, %dma_start3A_261] : memref<256x64xf32, #tpu.memory_space<vmem>> -> memref<1x64xf32, #tpu.memory_space<vmem>>
      %dma_start3A_263 = tpu.memref_squeeze %dma_start3A_262 : memref<1x64xf32, #tpu.memory_space<vmem>> -> memref<64xf32, #tpu.memory_space<vmem>>
      %dma_start3A_264 = arith.constant 0 : i32
      %dma_start3A_265 = tpu.memref_slice %arg3[%squeeze3A_256, %dma_start3A_264] : memref<1000000x64xf32, #tpu.memory_space<hbm>> -> memref<1x64xf32, #tpu.memory_space<hbm>>
      %dma_start3A_266 = tpu.memref_squeeze %dma_start3A_265 : memref<1x64xf32, #tpu.memory_space<hbm>> -> memref<64xf32, #tpu.memory_space<hbm>>
      %dma_start3A_267 = arith.constant 0 : i32
      %dma_start3A_268 = tpu.memref_slice %arg7[%add3A_260, %dma_start3A_267] : memref<256x64xf32, #tpu.memory_space<vmem>> -> memref<1x64xf32, #tpu.memory_space<vmem>>
      %dma_start3A_269 = tpu.memref_squeeze %dma_start3A_268 : memref<1x64xf32, #tpu.memory_space<vmem>> -> memref<64xf32, #tpu.memory_space<vmem>>
      %dma_start3A_270 = arith.constant 0 : i32
      %dma_start3A_271 = tpu.memref_slice %arg3[%squeeze3A_256, %dma_start3A_270] : memref<1000000x64xf32, #tpu.memory_space<hbm>> -> memref<1x64xf32, #tpu.memory_space<hbm>>
      %dma_start3A_272 = tpu.memref_squeeze %dma_start3A_271 : memref<1x64xf32, #tpu.memory_space<hbm>> -> memref<64xf32, #tpu.memory_space<hbm>>
      tpu.enqueue_dma source(%dma_start3A_272 : memref<64xf32, #tpu.memory_space<hbm>>) target(%dma_start3A_269 : memref<64xf32, #tpu.memory_space<vmem>>) target_semaphore(%arg12 : memref<!tpu.dma_semaphore, #tpu.memory_space<semaphore_mem>>)
      %slice3A_273 = vector.extract_strided_slice %get3A_130 {offsets = [8], sizes = [1], strides = [1]} : vector<16xi32> to vector<1xi32>
      %squeeze3A_274 = vector.extract %slice3A_273[0] : i32 from vector<1xi32>
      %mul3A_275 = arith.constant 16 : i32
      %mul3A_276 = arith.muli %scan3A_126, %mul3A_275 : i32
      %add3A_277 = arith.constant 8 : i32
      %add3A_278 = arith.addi %mul3A_276, %add3A_277 : i32
      %dma_start3A_279 = arith.constant 0 : i32
      %dma_start3A_280 = tpu.memref_slice %arg7[%add3A_278, %dma_start3A_279] : memref<256x64xf32, #tpu.memory_space<vmem>> -> memref<1x64xf32, #tpu.memory_space<vmem>>
      %dma_start3A_281 = tpu.memref_squeeze %dma_start3A_280 : memref<1x64xf32, #tpu.memory_space<vmem>> -> memref<64xf32, #tpu.memory_space<vmem>>
      %dma_start3A_282 = arith.constant 0 : i32
      %dma_start3A_283 = tpu.memref_slice %arg3[%squeeze3A_274, %dma_start3A_282] : memref<1000000x64xf32, #tpu.memory_space<hbm>> -> memref<1x64xf32, #tpu.memory_space<hbm>>
      %dma_start3A_284 = tpu.memref_squeeze %dma_start3A_283 : memref<1x64xf32, #tpu.memory_space<hbm>> -> memref<64xf32, #tpu.memory_space<hbm>>
      %dma_start3A_285 = arith.constant 0 : i32
      %dma_start3A_286 = tpu.memref_slice %arg7[%add3A_278, %dma_start3A_285] : memref<256x64xf32, #tpu.memory_space<vmem>> -> memref<1x64xf32, #tpu.memory_space<vmem>>
      %dma_start3A_287 = tpu.memref_squeeze %dma_start3A_286 : memref<1x64xf32, #tpu.memory_space<vmem>> -> memref<64xf32, #tpu.memory_space<vmem>>
      %dma_start3A_288 = arith.constant 0 : i32
      %dma_start3A_289 = tpu.memref_slice %arg3[%squeeze3A_274, %dma_start3A_288] : memref<1000000x64xf32, #tpu.memory_space<hbm>> -> memref<1x64xf32, #tpu.memory_space<hbm>>
      %dma_start3A_290 = tpu.memref_squeeze %dma_start3A_289 : memref<1x64xf32, #tpu.memory_space<hbm>> -> memref<64xf32, #tpu.memory_space<hbm>>
      tpu.enqueue_dma source(%dma_start3A_290 : memref<64xf32, #tpu.memory_space<hbm>>) target(%dma_start3A_287 : memref<64xf32, #tpu.memory_space<vmem>>) target_semaphore(%arg12 : memref<!tpu.dma_semaphore, #tpu.memory_space<semaphore_mem>>)
      %slice3A_291 = vector.extract_strided_slice %get3A_130 {offsets = [9], sizes = [1], strides = [1]} : vector<16xi32> to vector<1xi32>
      %squeeze3A_292 = vector.extract %slice3A_291[0] : i32 from vector<1xi32>
      %mul3A_293 = arith.constant 16 : i32
      %mul3A_294 = arith.muli %scan3A_126, %mul3A_293 : i32
      %add3A_295 = arith.constant 9 : i32
      %add3A_296 = arith.addi %mul3A_294, %add3A_295 : i32
      %dma_start3A_297 = arith.constant 0 : i32
      %dma_start3A_298 = tpu.memref_slice %arg7[%add3A_296, %dma_start3A_297] : memref<256x64xf32, #tpu.memory_space<vmem>> -> memref<1x64xf32, #tpu.memory_space<vmem>>
      %dma_start3A_299 = tpu.memref_squeeze %dma_start3A_298 : memref<1x64xf32, #tpu.memory_space<vmem>> -> memref<64xf32, #tpu.memory_space<vmem>>
      %dma_start3A_300 = arith.constant 0 : i32
      %dma_start3A_301 = tpu.memref_slice %arg3[%squeeze3A_292, %dma_start3A_300] : memref<1000000x64xf32, #tpu.memory_space<hbm>> -> memref<1x64xf32, #tpu.memory_space<hbm>>
      %dma_start3A_302 = tpu.memref_squeeze %dma_start3A_301 : memref<1x64xf32, #tpu.memory_space<hbm>> -> memref<64xf32, #tpu.memory_space<hbm>>
      %dma_start3A_303 = arith.constant 0 : i32
      %dma_start3A_304 = tpu.memref_slice %arg7[%add3A_296, %dma_start3A_303] : memref<256x64xf32, #tpu.memory_space<vmem>> -> memref<1x64xf32, #tpu.memory_space<vmem>>
      %dma_start3A_305 = tpu.memref_squeeze %dma_start3A_304 : memref<1x64xf32, #tpu.memory_space<vmem>> -> memref<64xf32, #tpu.memory_space<vmem>>
      %dma_start3A_306 = arith.constant 0 : i32
      %dma_start3A_307 = tpu.memref_slice %arg3[%squeeze3A_292, %dma_start3A_306] : memref<1000000x64xf32, #tpu.memory_space<hbm>> -> memref<1x64xf32, #tpu.memory_space<hbm>>
      %dma_start3A_308 = tpu.memref_squeeze %dma_start3A_307 : memref<1x64xf32, #tpu.memory_space<hbm>> -> memref<64xf32, #tpu.memory_space<hbm>>
      tpu.enqueue_dma source(%dma_start3A_308 : memref<64xf32, #tpu.memory_space<hbm>>) target(%dma_start3A_305 : memref<64xf32, #tpu.memory_space<vmem>>) target_semaphore(%arg12 : memref<!tpu.dma_semaphore, #tpu.memory_space<semaphore_mem>>)
      %slice3A_309 = vector.extract_strided_slice %get3A_130 {offsets = [10], sizes = [1], strides = [1]} : vector<16xi32> to vector<1xi32>
      %squeeze3A_310 = vector.extract %slice3A_309[0] : i32 from vector<1xi32>
      %mul3A_311 = arith.constant 16 : i32
      %mul3A_312 = arith.muli %scan3A_126, %mul3A_311 : i32
      %add3A_313 = arith.constant 10 : i32
      %add3A_314 = arith.addi %mul3A_312, %add3A_313 : i32
      %dma_start3A_315 = arith.constant 0 : i32
      %dma_start3A_316 = tpu.memref_slice %arg7[%add3A_314, %dma_start3A_315] : memref<256x64xf32, #tpu.memory_space<vmem>> -> memref<1x64xf32, #tpu.memory_space<vmem>>
      %dma_start3A_317 = tpu.memref_squeeze %dma_start3A_316 : memref<1x64xf32, #tpu.memory_space<vmem>> -> memref<64xf32, #tpu.memory_space<vmem>>
      %dma_start3A_318 = arith.constant 0 : i32
      %dma_start3A_319 = tpu.memref_slice %arg3[%squeeze3A_310, %dma_start3A_318] : memref<1000000x64xf32, #tpu.memory_space<hbm>> -> memref<1x64xf32, #tpu.memory_space<hbm>>
      %dma_start3A_320 = tpu.memref_squeeze %dma_start3A_319 : memref<1x64xf32, #tpu.memory_space<hbm>> -> memref<64xf32, #tpu.memory_space<hbm>>
      %dma_start3A_321 = arith.constant 0 : i32
      %dma_start3A_322 = tpu.memref_slice %arg7[%add3A_314, %dma_start3A_321] : memref<256x64xf32, #tpu.memory_space<vmem>> -> memref<1x64xf32, #tpu.memory_space<vmem>>
      %dma_start3A_323 = tpu.memref_squeeze %dma_start3A_322 : memref<1x64xf32, #tpu.memory_space<vmem>> -> memref<64xf32, #tpu.memory_space<vmem>>
      %dma_start3A_324 = arith.constant 0 : i32
      %dma_start3A_325 = tpu.memref_slice %arg3[%squeeze3A_310, %dma_start3A_324] : memref<1000000x64xf32, #tpu.memory_space<hbm>> -> memref<1x64xf32, #tpu.memory_space<hbm>>
      %dma_start3A_326 = tpu.memref_squeeze %dma_start3A_325 : memref<1x64xf32, #tpu.memory_space<hbm>> -> memref<64xf32, #tpu.memory_space<hbm>>
      tpu.enqueue_dma source(%dma_start3A_326 : memref<64xf32, #tpu.memory_space<hbm>>) target(%dma_start3A_323 : memref<64xf32, #tpu.memory_space<vmem>>) target_semaphore(%arg12 : memref<!tpu.dma_semaphore, #tpu.memory_space<semaphore_mem>>)
      %slice3A_327 = vector.extract_strided_slice %get3A_130 {offsets = [11], sizes = [1], strides = [1]} : vector<16xi32> to vector<1xi32>
      %squeeze3A_328 = vector.extract %slice3A_327[0] : i32 from vector<1xi32>
      %mul3A_329 = arith.constant 16 : i32
      %mul3A_330 = arith.muli %scan3A_126, %mul3A_329 : i32
      %add3A_331 = arith.constant 11 : i32
      %add3A_332 = arith.addi %mul3A_330, %add3A_331 : i32
      %dma_start3A_333 = arith.constant 0 : i32
      %dma_start3A_334 = tpu.memref_slice %arg7[%add3A_332, %dma_start3A_333] : memref<256x64xf32, #tpu.memory_space<vmem>> -> memref<1x64xf32, #tpu.memory_space<vmem>>
      %dma_start3A_335 = tpu.memref_squeeze %dma_start3A_334 : memref<1x64xf32, #tpu.memory_space<vmem>> -> memref<64xf32, #tpu.memory_space<vmem>>
      %dma_start3A_336 = arith.constant 0 : i32
      %dma_start3A_337 = tpu.memref_slice %arg3[%squeeze3A_328, %dma_start3A_336] : memref<1000000x64xf32, #tpu.memory_space<hbm>> -> memref<1x64xf32, #tpu.memory_space<hbm>>
      %dma_start3A_338 = tpu.memref_squeeze %dma_start3A_337 : memref<1x64xf32, #tpu.memory_space<hbm>> -> memref<64xf32, #tpu.memory_space<hbm>>
      %dma_start3A_339 = arith.constant 0 : i32
      %dma_start3A_340 = tpu.memref_slice %arg7[%add3A_332, %dma_start3A_339] : memref<256x64xf32, #tpu.memory_space<vmem>> -> memref<1x64xf32, #tpu.memory_space<vmem>>
      %dma_start3A_341 = tpu.memref_squeeze %dma_start3A_340 : memref<1x64xf32, #tpu.memory_space<vmem>> -> memref<64xf32, #tpu.memory_space<vmem>>
      %dma_start3A_342 = arith.constant 0 : i32
      %dma_start3A_343 = tpu.memref_slice %arg3[%squeeze3A_328, %dma_start3A_342] : memref<1000000x64xf32, #tpu.memory_space<hbm>> -> memref<1x64xf32, #tpu.memory_space<hbm>>
      %dma_start3A_344 = tpu.memref_squeeze %dma_start3A_343 : memref<1x64xf32, #tpu.memory_space<hbm>> -> memref<64xf32, #tpu.memory_space<hbm>>
      tpu.enqueue_dma source(%dma_start3A_344 : memref<64xf32, #tpu.memory_space<hbm>>) target(%dma_start3A_341 : memref<64xf32, #tpu.memory_space<vmem>>) target_semaphore(%arg12 : memref<!tpu.dma_semaphore, #tpu.memory_space<semaphore_mem>>)
      %slice3A_345 = vector.extract_strided_slice %get3A_130 {offsets = [12], sizes = [1], strides = [1]} : vector<16xi32> to vector<1xi32>
      %squeeze3A_346 = vector.extract %slice3A_345[0] : i32 from vector<1xi32>
      %mul3A_347 = arith.constant 16 : i32
      %mul3A_348 = arith.muli %scan3A_126, %mul3A_347 : i32
      %add3A_349 = arith.constant 12 : i32
      %add3A_350 = arith.addi %mul3A_348, %add3A_349 : i32
      %dma_start3A_351 = arith.constant 0 : i32
      %dma_start3A_352 = tpu.memref_slice %arg7[%add3A_350, %dma_start3A_351] : memref<256x64xf32, #tpu.memory_space<vmem>> -> memref<1x64xf32, #tpu.memory_space<vmem>>
      %dma_start3A_353 = tpu.memref_squeeze %dma_start3A_352 : memref<1x64xf32, #tpu.memory_space<vmem>> -> memref<64xf32, #tpu.memory_space<vmem>>
      %dma_start3A_354 = arith.constant 0 : i32
      %dma_start3A_355 = tpu.memref_slice %arg3[%squeeze3A_346, %dma_start3A_354] : memref<1000000x64xf32, #tpu.memory_space<hbm>> -> memref<1x64xf32, #tpu.memory_space<hbm>>
      %dma_start3A_356 = tpu.memref_squeeze %dma_start3A_355 : memref<1x64xf32, #tpu.memory_space<hbm>> -> memref<64xf32, #tpu.memory_space<hbm>>
      %dma_start3A_357 = arith.constant 0 : i32
      %dma_start3A_358 = tpu.memref_slice %arg7[%add3A_350, %dma_start3A_357] : memref<256x64xf32, #tpu.memory_space<vmem>> -> memref<1x64xf32, #tpu.memory_space<vmem>>
      %dma_start3A_359 = tpu.memref_squeeze %dma_start3A_358 : memref<1x64xf32, #tpu.memory_space<vmem>> -> memref<64xf32, #tpu.memory_space<vmem>>
      %dma_start3A_360 = arith.constant 0 : i32
      %dma_start3A_361 = tpu.memref_slice %arg3[%squeeze3A_346, %dma_start3A_360] : memref<1000000x64xf32, #tpu.memory_space<hbm>> -> memref<1x64xf32, #tpu.memory_space<hbm>>
      %dma_start3A_362 = tpu.memref_squeeze %dma_start3A_361 : memref<1x64xf32, #tpu.memory_space<hbm>> -> memref<64xf32, #tpu.memory_space<hbm>>
      tpu.enqueue_dma source(%dma_start3A_362 : memref<64xf32, #tpu.memory_space<hbm>>) target(%dma_start3A_359 : memref<64xf32, #tpu.memory_space<vmem>>) target_semaphore(%arg12 : memref<!tpu.dma_semaphore, #tpu.memory_space<semaphore_mem>>)
      %slice3A_363 = vector.extract_strided_slice %get3A_130 {offsets = [13], sizes = [1], strides = [1]} : vector<16xi32> to vector<1xi32>
      %squeeze3A_364 = vector.extract %slice3A_363[0] : i32 from vector<1xi32>
      %mul3A_365 = arith.constant 16 : i32
      %mul3A_366 = arith.muli %scan3A_126, %mul3A_365 : i32
      %add3A_367 = arith.constant 13 : i32
      %add3A_368 = arith.addi %mul3A_366, %add3A_367 : i32
      %dma_start3A_369 = arith.constant 0 : i32
      %dma_start3A_370 = tpu.memref_slice %arg7[%add3A_368, %dma_start3A_369] : memref<256x64xf32, #tpu.memory_space<vmem>> -> memref<1x64xf32, #tpu.memory_space<vmem>>
      %dma_start3A_371 = tpu.memref_squeeze %dma_start3A_370 : memref<1x64xf32, #tpu.memory_space<vmem>> -> memref<64xf32, #tpu.memory_space<vmem>>
      %dma_start3A_372 = arith.constant 0 : i32
      %dma_start3A_373 = tpu.memref_slice %arg3[%squeeze3A_364, %dma_start3A_372] : memref<1000000x64xf32, #tpu.memory_space<hbm>> -> memref<1x64xf32, #tpu.memory_space<hbm>>
      %dma_start3A_374 = tpu.memref_squeeze %dma_start3A_373 : memref<1x64xf32, #tpu.memory_space<hbm>> -> memref<64xf32, #tpu.memory_space<hbm>>
      %dma_start3A_375 = arith.constant 0 : i32
      %dma_start3A_376 = tpu.memref_slice %arg7[%add3A_368, %dma_start3A_375] : memref<256x64xf32, #tpu.memory_space<vmem>> -> memref<1x64xf32, #tpu.memory_space<vmem>>
      %dma_start3A_377 = tpu.memref_squeeze %dma_start3A_376 : memref<1x64xf32, #tpu.memory_space<vmem>> -> memref<64xf32, #tpu.memory_space<vmem>>
      %dma_start3A_378 = arith.constant 0 : i32
      %dma_start3A_379 = tpu.memref_slice %arg3[%squeeze3A_364, %dma_start3A_378] : memref<1000000x64xf32, #tpu.memory_space<hbm>> -> memref<1x64xf32, #tpu.memory_space<hbm>>
      %dma_start3A_380 = tpu.memref_squeeze %dma_start3A_379 : memref<1x64xf32, #tpu.memory_space<hbm>> -> memref<64xf32, #tpu.memory_space<hbm>>
      tpu.enqueue_dma source(%dma_start3A_380 : memref<64xf32, #tpu.memory_space<hbm>>) target(%dma_start3A_377 : memref<64xf32, #tpu.memory_space<vmem>>) target_semaphore(%arg12 : memref<!tpu.dma_semaphore, #tpu.memory_space<semaphore_mem>>)
      %slice3A_381 = vector.extract_strided_slice %get3A_130 {offsets = [14], sizes = [1], strides = [1]} : vector<16xi32> to vector<1xi32>
      %squeeze3A_382 = vector.extract %slice3A_381[0] : i32 from vector<1xi32>
      %mul3A_383 = arith.constant 16 : i32
      %mul3A_384 = arith.muli %scan3A_126, %mul3A_383 : i32
      %add3A_385 = arith.constant 14 : i32
      %add3A_386 = arith.addi %mul3A_384, %add3A_385 : i32
      %dma_start3A_387 = arith.constant 0 : i32
      %dma_start3A_388 = tpu.memref_slice %arg7[%add3A_386, %dma_start3A_387] : memref<256x64xf32, #tpu.memory_space<vmem>> -> memref<1x64xf32, #tpu.memory_space<vmem>>
      %dma_start3A_389 = tpu.memref_squeeze %dma_start3A_388 : memref<1x64xf32, #tpu.memory_space<vmem>> -> memref<64xf32, #tpu.memory_space<vmem>>
      %dma_start3A_390 = arith.constant 0 : i32
      %dma_start3A_391 = tpu.memref_slice %arg3[%squeeze3A_382, %dma_start3A_390] : memref<1000000x64xf32, #tpu.memory_space<hbm>> -> memref<1x64xf32, #tpu.memory_space<hbm>>
      %dma_start3A_392 = tpu.memref_squeeze %dma_start3A_391 : memref<1x64xf32, #tpu.memory_space<hbm>> -> memref<64xf32, #tpu.memory_space<hbm>>
      %dma_start3A_393 = arith.constant 0 : i32
      %dma_start3A_394 = tpu.memref_slice %arg7[%add3A_386, %dma_start3A_393] : memref<256x64xf32, #tpu.memory_space<vmem>> -> memref<1x64xf32, #tpu.memory_space<vmem>>
      %dma_start3A_395 = tpu.memref_squeeze %dma_start3A_394 : memref<1x64xf32, #tpu.memory_space<vmem>> -> memref<64xf32, #tpu.memory_space<vmem>>
      %dma_start3A_396 = arith.constant 0 : i32
      %dma_start3A_397 = tpu.memref_slice %arg3[%squeeze3A_382, %dma_start3A_396] : memref<1000000x64xf32, #tpu.memory_space<hbm>> -> memref<1x64xf32, #tpu.memory_space<hbm>>
      %dma_start3A_398 = tpu.memref_squeeze %dma_start3A_397 : memref<1x64xf32, #tpu.memory_space<hbm>> -> memref<64xf32, #tpu.memory_space<hbm>>
      tpu.enqueue_dma source(%dma_start3A_398 : memref<64xf32, #tpu.memory_space<hbm>>) target(%dma_start3A_395 : memref<64xf32, #tpu.memory_space<vmem>>) target_semaphore(%arg12 : memref<!tpu.dma_semaphore, #tpu.memory_space<semaphore_mem>>)
      %slice3A_399 = vector.extract_strided_slice %get3A_130 {offsets = [15], sizes = [1], strides = [1]} : vector<16xi32> to vector<1xi32>
      %squeeze3A_400 = vector.extract %slice3A_399[0] : i32 from vector<1xi32>
      %mul3A_401 = arith.constant 16 : i32
      %mul3A_402 = arith.muli %scan3A_126, %mul3A_401 : i32
      %add3A_403 = arith.constant 15 : i32
      %add3A_404 = arith.addi %mul3A_402, %add3A_403 : i32
      %dma_start3A_405 = arith.constant 0 : i32
      %dma_start3A_406 = tpu.memref_slice %arg7[%add3A_404, %dma_start3A_405] : memref<256x64xf32, #tpu.memory_space<vmem>> -> memref<1x64xf32, #tpu.memory_space<vmem>>
      %dma_start3A_407 = tpu.memref_squeeze %dma_start3A_406 : memref<1x64xf32, #tpu.memory_space<vmem>> -> memref<64xf32, #tpu.memory_space<vmem>>
      %dma_start3A_408 = arith.constant 0 : i32
      %dma_start3A_409 = tpu.memref_slice %arg3[%squeeze3A_400, %dma_start3A_408] : memref<1000000x64xf32, #tpu.memory_space<hbm>> -> memref<1x64xf32, #tpu.memory_space<hbm>>
      %dma_start3A_410 = tpu.memref_squeeze %dma_start3A_409 : memref<1x64xf32, #tpu.memory_space<hbm>> -> memref<64xf32, #tpu.memory_space<hbm>>
      %dma_start3A_411 = arith.constant 0 : i32
      %dma_start3A_412 = tpu.memref_slice %arg7[%add3A_404, %dma_start3A_411] : memref<256x64xf32, #tpu.memory_space<vmem>> -> memref<1x64xf32, #tpu.memory_space<vmem>>
      %dma_start3A_413 = tpu.memref_squeeze %dma_start3A_412 : memref<1x64xf32, #tpu.memory_space<vmem>> -> memref<64xf32, #tpu.memory_space<vmem>>
      %dma_start3A_414 = arith.constant 0 : i32
      %dma_start3A_415 = tpu.memref_slice %arg3[%squeeze3A_400, %dma_start3A_414] : memref<1000000x64xf32, #tpu.memory_space<hbm>> -> memref<1x64xf32, #tpu.memory_space<hbm>>
      %dma_start3A_416 = tpu.memref_squeeze %dma_start3A_415 : memref<1x64xf32, #tpu.memory_space<hbm>> -> memref<64xf32, #tpu.memory_space<hbm>>
      tpu.enqueue_dma source(%dma_start3A_416 : memref<64xf32, #tpu.memory_space<hbm>>) target(%dma_start3A_413 : memref<64xf32, #tpu.memory_space<vmem>>) target_semaphore(%arg12 : memref<!tpu.dma_semaphore, #tpu.memory_space<semaphore_mem>>)
    }
    %scan3A_71 = arith.constant 16 : i32
    %scan3A_72 = arith.constant 0 : i32
    %scan3A_73 = arith.constant 1 : i32
    %scan3A_74 = arith.constant 48 : i32
    %scan3A_75 = arith.addi %scan3A_73, %scan3A_74 : i32
    %scan3A_76 = arith.constant 1 : i32
    scf.for %scan3A_126 = %scan3A_73 to %scan3A_75 step %scan3A_76  : i32 {
      %mul3A_127 = arith.constant 2 : i32
      %mul3A_128 = arith.muli %mul3A_127, %scan3A_126 : i32
      %dma_wait3A_129 = arith.constant 0 : i32
      %dma_wait3A_130 = tpu.memref_slice %arg2[%dma_wait3A_129] : memref<819200xi32, #tpu.memory_space<hbm>> -> memref<32768xi32, #tpu.memory_space<hbm>>
      %dma_wait3A_131 = arith.constant 0 : i32
      %dma_wait3A_132 = tpu.memref_slice %arg2[%dma_wait3A_131] : memref<819200xi32, #tpu.memory_space<hbm>> -> memref<32768xi32, #tpu.memory_space<hbm>>
      tpu.wait_dma2 semaphore(%arg12 : memref<!tpu.dma_semaphore, #tpu.memory_space<semaphore_mem>>) src(%dma_wait3A_132 : memref<32768xi32, #tpu.memory_space<hbm>>) dst(%arg9 : memref<32768xi32, #tpu.memory_space<vmem>>)
      %mul3A_133 = arith.constant 256 : i32
      %mul3A_134 = arith.muli %mul3A_128, %mul3A_133 : i32
      %add3A_135 = arith.addi %mul3A_2, %mul3A_134 : i32
      %dma_start3A_136 = arith.constant 0 : i32
      %dma_start3A_137 = tpu.memref_slice %arg4[%add3A_135, %dma_start3A_136] : memref<819200x64xf32, #tpu.memory_space<hbm>> -> memref<256x64xf32, #tpu.memory_space<hbm>>
      %dma_start3A_138 = arith.constant 0 : i32
      %dma_start3A_139 = tpu.memref_slice %arg4[%add3A_135, %dma_start3A_138] : memref<819200x64xf32, #tpu.memory_space<hbm>> -> memref<256x64xf32, #tpu.memory_space<hbm>>
      tpu.enqueue_dma source(%arg7 : memref<256x64xf32, #tpu.memory_space<vmem>>) target(%dma_start3A_139 : memref<256x64xf32, #tpu.memory_space<hbm>>) target_semaphore(%arg14 : memref<!tpu.dma_semaphore, #tpu.memory_space<semaphore_mem>>)
      %add3A_140 = arith.constant 2 : i32
      %add3A_141 = arith.addi %mul3A_128, %add3A_140 : i32
      %mul3A_142 = arith.constant 256 : i32
      %mul3A_143 = arith.muli %add3A_141, %mul3A_142 : i32
      %add3A_144 = arith.addi %mul3A_2, %mul3A_143 : i32
      %dma_start3A_145 = tpu.memref_slice %arg2[%add3A_144] : memref<819200xi32, #tpu.memory_space<hbm>> -> memref<256xi32, #tpu.memory_space<hbm>>
      %dma_start3A_146 = tpu.memref_slice %arg2[%add3A_144] : memref<819200xi32, #tpu.memory_space<hbm>> -> memref<256xi32, #tpu.memory_space<hbm>>
      tpu.enqueue_dma source(%dma_start3A_146 : memref<256xi32, #tpu.memory_space<hbm>>) target(%arg5 : memref<256xi32, #tpu.memory_space<vmem>>) target_semaphore(%arg10 : memref<!tpu.dma_semaphore, #tpu.memory_space<semaphore_mem>>)
      %dma_wait3A_147 = arith.constant 0 : i32
      %dma_wait3A_148 = arith.constant 0 : i32
      %dma_wait3A_149 = tpu.memref_slice %arg4[%dma_wait3A_147, %dma_wait3A_148] : memref<819200x64xf32, #tpu.memory_space<hbm>> -> memref<256x64xf32, #tpu.memory_space<hbm>>
      %dma_wait3A_150 = arith.constant 0 : i32
      %dma_wait3A_151 = arith.constant 0 : i32
      %dma_wait3A_152 = tpu.memref_slice %arg4[%dma_wait3A_150, %dma_wait3A_151] : memref<819200x64xf32, #tpu.memory_space<hbm>> -> memref<256x64xf32, #tpu.memory_space<hbm>>
      tpu.wait_dma2 semaphore(%arg15 : memref<!tpu.dma_semaphore, #tpu.memory_space<semaphore_mem>>) src(%arg8 : memref<256x64xf32, #tpu.memory_space<vmem>>) dst(%dma_wait3A_152 : memref<256x64xf32, #tpu.memory_space<hbm>>)
      %dma_wait3A_153 = arith.constant 0 : i32
      %dma_wait3A_154 = tpu.memref_slice %arg2[%dma_wait3A_153] : memref<819200xi32, #tpu.memory_space<hbm>> -> memref<256xi32, #tpu.memory_space<hbm>>
      %dma_wait3A_155 = arith.constant 0 : i32
      %dma_wait3A_156 = tpu.memref_slice %arg2[%dma_wait3A_155] : memref<819200xi32, #tpu.memory_space<hbm>> -> memref<256xi32, #tpu.memory_space<hbm>>
      tpu.wait_dma2 semaphore(%arg11 : memref<!tpu.dma_semaphore, #tpu.memory_space<semaphore_mem>>) src(%dma_wait3A_156 : memref<256xi32, #tpu.memory_space<hbm>>) dst(%arg6 : memref<256xi32, #tpu.memory_space<vmem>>)
      %scan3A_157 = arith.constant 0 : i32
      %scan3A_158 = arith.constant 0 : i32
      %scan3A_159 = arith.constant 16 : i32
      %scan3A_160 = arith.addi %scan3A_158, %scan3A_159 : i32
      %scan3A_161 = arith.constant 1 : i32
      scf.for %scan3A_199 = %scan3A_158 to %scan3A_160 step %scan3A_161  : i32 {
        %mul3A_200 = arith.constant 16 : i32
        %mul3A_201 = arith.muli %scan3A_199, %mul3A_200 : i32
        %get3A = arith.index_cast %mul3A_201 : i32 to index
        %get3A_202 = tpu.vector_load %arg6[%get3A] {strides = array<i32>} : memref<256xi32, #tpu.memory_space<vmem>>, vector<16xi32>,
        %get3A_203 = vector.shape_cast %get3A_202 : vector<16xi32> to vector<16xi32>
        %slice3A = vector.extract_strided_slice %get3A_203 {offsets = [0], sizes = [1], strides = [1]} : vector<16xi32> to vector<1xi32>
        %squeeze3A = vector.extract %slice3A[0] : i32 from vector<1xi32>
        %mul3A_204 = arith.constant 16 : i32
        %mul3A_205 = arith.muli %scan3A_199, %mul3A_204 : i32
        %add3A_206 = arith.constant 0 : i32
        %add3A_207 = arith.addi %mul3A_205, %add3A_206 : i32
        %dma_start3A_208 = arith.constant 0 : i32
        %dma_start3A_209 = tpu.memref_slice %arg8[%add3A_207, %dma_start3A_208] : memref<256x64xf32, #tpu.memory_space<vmem>> -> memref<1x64xf32, #tpu.memory_space<vmem>>
        %dma_start3A_210 = tpu.memref_squeeze %dma_start3A_209 : memref<1x64xf32, #tpu.memory_space<vmem>> -> memref<64xf32, #tpu.memory_space<vmem>>
        %dma_start3A_211 = arith.constant 0 : i32
        %dma_start3A_212 = tpu.memref_slice %arg3[%squeeze3A, %dma_start3A_211] : memref<1000000x64xf32, #tpu.memory_space<hbm>> -> memref<1x64xf32, #tpu.memory_space<hbm>>
        %dma_start3A_213 = tpu.memref_squeeze %dma_start3A_212 : memref<1x64xf32, #tpu.memory_space<hbm>> -> memref<64xf32, #tpu.memory_space<hbm>>
        %dma_start3A_214 = arith.constant 0 : i32
        %dma_start3A_215 = tpu.memref_slice %arg8[%add3A_207, %dma_start3A_214] : memref<256x64xf32, #tpu.memory_space<vmem>> -> memref<1x64xf32, #tpu.memory_space<vmem>>
        %dma_start3A_216 = tpu.memref_squeeze %dma_start3A_215 : memref<1x64xf32, #tpu.memory_space<vmem>> -> memref<64xf32, #tpu.memory_space<vmem>>
        %dma_start3A_217 = arith.constant 0 : i32
        %dma_start3A_218 = tpu.memref_slice %arg3[%squeeze3A, %dma_start3A_217] : memref<1000000x64xf32, #tpu.memory_space<hbm>> -> memref<1x64xf32, #tpu.memory_space<hbm>>
        %dma_start3A_219 = tpu.memref_squeeze %dma_start3A_218 : memref<1x64xf32, #tpu.memory_space<hbm>> -> memref<64xf32, #tpu.memory_space<hbm>>
        tpu.enqueue_dma source(%dma_start3A_219 : memref<64xf32, #tpu.memory_space<hbm>>) target(%dma_start3A_216 : memref<64xf32, #tpu.memory_space<vmem>>) target_semaphore(%arg13 : memref<!tpu.dma_semaphore, #tpu.memory_space<semaphore_mem>>)
        %slice3A_220 = vector.extract_strided_slice %get3A_203 {offsets = [1], sizes = [1], strides = [1]} : vector<16xi32> to vector<1xi32>
        %squeeze3A_221 = vector.extract %slice3A_220[0] : i32 from vector<1xi32>
        %mul3A_222 = arith.constant 16 : i32
        %mul3A_223 = arith.muli %scan3A_199, %mul3A_222 : i32
        %add3A_224 = arith.constant 1 : i32
        %add3A_225 = arith.addi %mul3A_223, %add3A_224 : i32
        %dma_start3A_226 = arith.constant 0 : i32
        %dma_start3A_227 = tpu.memref_slice %arg8[%add3A_225, %dma_start3A_226] : memref<256x64xf32, #tpu.memory_space<vmem>> -> memref<1x64xf32, #tpu.memory_space<vmem>>
        %dma_start3A_228 = tpu.memref_squeeze %dma_start3A_227 : memref<1x64xf32, #tpu.memory_space<vmem>> -> memref<64xf32, #tpu.memory_space<vmem>>
        %dma_start3A_229 = arith.constant 0 : i32
        %dma_start3A_230 = tpu.memref_slice %arg3[%squeeze3A_221, %dma_start3A_229] : memref<1000000x64xf32, #tpu.memory_space<hbm>> -> memref<1x64xf32, #tpu.memory_space<hbm>>
        %dma_start3A_231 = tpu.memref_squeeze %dma_start3A_230 : memref<1x64xf32, #tpu.memory_space<hbm>> -> memref<64xf32, #tpu.memory_space<hbm>>
        %dma_start3A_232 = arith.constant 0 : i32
        %dma_start3A_233 = tpu.memref_slice %arg8[%add3A_225, %dma_start3A_232] : memref<256x64xf32, #tpu.memory_space<vmem>> -> memref<1x64xf32, #tpu.memory_space<vmem>>
        %dma_start3A_234 = tpu.memref_squeeze %dma_start3A_233 : memref<1x64xf32, #tpu.memory_space<vmem>> -> memref<64xf32, #tpu.memory_space<vmem>>
        %dma_start3A_235 = arith.constant 0 : i32
        %dma_start3A_236 = tpu.memref_slice %arg3[%squeeze3A_221, %dma_start3A_235] : memref<1000000x64xf32, #tpu.memory_space<hbm>> -> memref<1x64xf32, #tpu.memory_space<hbm>>
        %dma_start3A_237 = tpu.memref_squeeze %dma_start3A_236 : memref<1x64xf32, #tpu.memory_space<hbm>> -> memref<64xf32, #tpu.memory_space<hbm>>
        tpu.enqueue_dma source(%dma_start3A_237 : memref<64xf32, #tpu.memory_space<hbm>>) target(%dma_start3A_234 : memref<64xf32, #tpu.memory_space<vmem>>) target_semaphore(%arg13 : memref<!tpu.dma_semaphore, #tpu.memory_space<semaphore_mem>>)
        %slice3A_238 = vector.extract_strided_slice %get3A_203 {offsets = [2], sizes = [1], strides = [1]} : vector<16xi32> to vector<1xi32>
        %squeeze3A_239 = vector.extract %slice3A_238[0] : i32 from vector<1xi32>
        %mul3A_240 = arith.constant 16 : i32
        %mul3A_241 = arith.muli %scan3A_199, %mul3A_240 : i32
        %add3A_242 = arith.constant 2 : i32
        %add3A_243 = arith.addi %mul3A_241, %add3A_242 : i32
        %dma_start3A_244 = arith.constant 0 : i32
        %dma_start3A_245 = tpu.memref_slice %arg8[%add3A_243, %dma_start3A_244] : memref<256x64xf32, #tpu.memory_space<vmem>> -> memref<1x64xf32, #tpu.memory_space<vmem>>
        %dma_start3A_246 = tpu.memref_squeeze %dma_start3A_245 : memref<1x64xf32, #tpu.memory_space<vmem>> -> memref<64xf32, #tpu.memory_space<vmem>>
        %dma_start3A_247 = arith.constant 0 : i32
        %dma_start3A_248 = tpu.memref_slice %arg3[%squeeze3A_239, %dma_start3A_247] : memref<1000000x64xf32, #tpu.memory_space<hbm>> -> memref<1x64xf32, #tpu.memory_space<hbm>>
        %dma_start3A_249 = tpu.memref_squeeze %dma_start3A_248 : memref<1x64xf32, #tpu.memory_space<hbm>> -> memref<64xf32, #tpu.memory_space<hbm>>
        %dma_start3A_250 = arith.constant 0 : i32
        %dma_start3A_251 = tpu.memref_slice %arg8[%add3A_243, %dma_start3A_250] : memref<256x64xf32, #tpu.memory_space<vmem>> -> memref<1x64xf32, #tpu.memory_space<vmem>>
        %dma_start3A_252 = tpu.memref_squeeze %dma_start3A_251 : memref<1x64xf32, #tpu.memory_space<vmem>> -> memref<64xf32, #tpu.memory_space<vmem>>
        %dma_start3A_253 = arith.constant 0 : i32
        %dma_start3A_254 = tpu.memref_slice %arg3[%squeeze3A_239, %dma_start3A_253] : memref<1000000x64xf32, #tpu.memory_space<hbm>> -> memref<1x64xf32, #tpu.memory_space<hbm>>
        %dma_start3A_255 = tpu.memref_squeeze %dma_start3A_254 : memref<1x64xf32, #tpu.memory_space<hbm>> -> memref<64xf32, #tpu.memory_space<hbm>>
        tpu.enqueue_dma source(%dma_start3A_255 : memref<64xf32, #tpu.memory_space<hbm>>) target(%dma_start3A_252 : memref<64xf32, #tpu.memory_space<vmem>>) target_semaphore(%arg13 : memref<!tpu.dma_semaphore, #tpu.memory_space<semaphore_mem>>)
        %slice3A_256 = vector.extract_strided_slice %get3A_203 {offsets = [3], sizes = [1], strides = [1]} : vector<16xi32> to vector<1xi32>
        %squeeze3A_257 = vector.extract %slice3A_256[0] : i32 from vector<1xi32>
        %mul3A_258 = arith.constant 16 : i32
        %mul3A_259 = arith.muli %scan3A_199, %mul3A_258 : i32
        %add3A_260 = arith.constant 3 : i32
        %add3A_261 = arith.addi %mul3A_259, %add3A_260 : i32
        %dma_start3A_262 = arith.constant 0 : i32
        %dma_start3A_263 = tpu.memref_slice %arg8[%add3A_261, %dma_start3A_262] : memref<256x64xf32, #tpu.memory_space<vmem>> -> memref<1x64xf32, #tpu.memory_space<vmem>>
        %dma_start3A_264 = tpu.memref_squeeze %dma_start3A_263 : memref<1x64xf32, #tpu.memory_space<vmem>> -> memref<64xf32, #tpu.memory_space<vmem>>
        %dma_start3A_265 = arith.constant 0 : i32
        %dma_start3A_266 = tpu.memref_slice %arg3[%squeeze3A_257, %dma_start3A_265] : memref<1000000x64xf32, #tpu.memory_space<hbm>> -> memref<1x64xf32, #tpu.memory_space<hbm>>
        %dma_start3A_267 = tpu.memref_squeeze %dma_start3A_266 : memref<1x64xf32, #tpu.memory_space<hbm>> -> memref<64xf32, #tpu.memory_space<hbm>>
        %dma_start3A_268 = arith.constant 0 : i32
        %dma_start3A_269 = tpu.memref_slice %arg8[%add3A_261, %dma_start3A_268] : memref<256x64xf32, #tpu.memory_space<vmem>> -> memref<1x64xf32, #tpu.memory_space<vmem>>
        %dma_start3A_270 = tpu.memref_squeeze %dma_start3A_269 : memref<1x64xf32, #tpu.memory_space<vmem>> -> memref<64xf32, #tpu.memory_space<vmem>>
        %dma_start3A_271 = arith.constant 0 : i32
        %dma_start3A_272 = tpu.memref_slice %arg3[%squeeze3A_257, %dma_start3A_271] : memref<1000000x64xf32, #tpu.memory_space<hbm>> -> memref<1x64xf32, #tpu.memory_space<hbm>>
        %dma_start3A_273 = tpu.memref_squeeze %dma_start3A_272 : memref<1x64xf32, #tpu.memory_space<hbm>> -> memref<64xf32, #tpu.memory_space<hbm>>
        tpu.enqueue_dma source(%dma_start3A_273 : memref<64xf32, #tpu.memory_space<hbm>>) target(%dma_start3A_270 : memref<64xf32, #tpu.memory_space<vmem>>) target_semaphore(%arg13 : memref<!tpu.dma_semaphore, #tpu.memory_space<semaphore_mem>>)
        %slice3A_274 = vector.extract_strided_slice %get3A_203 {offsets = [4], sizes = [1], strides = [1]} : vector<16xi32> to vector<1xi32>
        %squeeze3A_275 = vector.extract %slice3A_274[0] : i32 from vector<1xi32>
        %mul3A_276 = arith.constant 16 : i32
        %mul3A_277 = arith.muli %scan3A_199, %mul3A_276 : i32
        %add3A_278 = arith.constant 4 : i32
        %add3A_279 = arith.addi %mul3A_277, %add3A_278 : i32
        %dma_start3A_280 = arith.constant 0 : i32
        %dma_start3A_281 = tpu.memref_slice %arg8[%add3A_279, %dma_start3A_280] : memref<256x64xf32, #tpu.memory_space<vmem>> -> memref<1x64xf32, #tpu.memory_space<vmem>>
        %dma_start3A_282 = tpu.memref_squeeze %dma_start3A_281 : memref<1x64xf32, #tpu.memory_space<vmem>> -> memref<64xf32, #tpu.memory_space<vmem>>
        %dma_start3A_283 = arith.constant 0 : i32
        %dma_start3A_284 = tpu.memref_slice %arg3[%squeeze3A_275, %dma_start3A_283] : memref<1000000x64xf32, #tpu.memory_space<hbm>> -> memref<1x64xf32, #tpu.memory_space<hbm>>
        %dma_start3A_285 = tpu.memref_squeeze %dma_start3A_284 : memref<1x64xf32, #tpu.memory_space<hbm>> -> memref<64xf32, #tpu.memory_space<hbm>>
        %dma_start3A_286 = arith.constant 0 : i32
        %dma_start3A_287 = tpu.memref_slice %arg8[%add3A_279, %dma_start3A_286] : memref<256x64xf32, #tpu.memory_space<vmem>> -> memref<1x64xf32, #tpu.memory_space<vmem>>
        %dma_start3A_288 = tpu.memref_squeeze %dma_start3A_287 : memref<1x64xf32, #tpu.memory_space<vmem>> -> memref<64xf32, #tpu.memory_space<vmem>>
        %dma_start3A_289 = arith.constant 0 : i32
        %dma_start3A_290 = tpu.memref_slice %arg3[%squeeze3A_275, %dma_start3A_289] : memref<1000000x64xf32, #tpu.memory_space<hbm>> -> memref<1x64xf32, #tpu.memory_space<hbm>>
        %dma_start3A_291 = tpu.memref_squeeze %dma_start3A_290 : memref<1x64xf32, #tpu.memory_space<hbm>> -> memref<64xf32, #tpu.memory_space<hbm>>
        tpu.enqueue_dma source(%dma_start3A_291 : memref<64xf32, #tpu.memory_space<hbm>>) target(%dma_start3A_288 : memref<64xf32, #tpu.memory_space<vmem>>) target_semaphore(%arg13 : memref<!tpu.dma_semaphore, #tpu.memory_space<semaphore_mem>>)
        %slice3A_292 = vector.extract_strided_slice %get3A_203 {offsets = [5], sizes = [1], strides = [1]} : vector<16xi32> to vector<1xi32>
        %squeeze3A_293 = vector.extract %slice3A_292[0] : i32 from vector<1xi32>
        %mul3A_294 = arith.constant 16 : i32
        %mul3A_295 = arith.muli %scan3A_199, %mul3A_294 : i32
        %add3A_296 = arith.constant 5 : i32
        %add3A_297 = arith.addi %mul3A_295, %add3A_296 : i32
        %dma_start3A_298 = arith.constant 0 : i32
        %dma_start3A_299 = tpu.memref_slice %arg8[%add3A_297, %dma_start3A_298] : memref<256x64xf32, #tpu.memory_space<vmem>> -> memref<1x64xf32, #tpu.memory_space<vmem>>
        %dma_start3A_300 = tpu.memref_squeeze %dma_start3A_299 : memref<1x64xf32, #tpu.memory_space<vmem>> -> memref<64xf32, #tpu.memory_space<vmem>>
        %dma_start3A_301 = arith.constant 0 : i32
        %dma_start3A_302 = tpu.memref_slice %arg3[%squeeze3A_293, %dma_start3A_301] : memref<1000000x64xf32, #tpu.memory_space<hbm>> -> memref<1x64xf32, #tpu.memory_space<hbm>>
        %dma_start3A_303 = tpu.memref_squeeze %dma_start3A_302 : memref<1x64xf32, #tpu.memory_space<hbm>> -> memref<64xf32, #tpu.memory_space<hbm>>
        %dma_start3A_304 = arith.constant 0 : i32
        %dma_start3A_305 = tpu.memref_slice %arg8[%add3A_297, %dma_start3A_304] : memref<256x64xf32, #tpu.memory_space<vmem>> -> memref<1x64xf32, #tpu.memory_space<vmem>>
        %dma_start3A_306 = tpu.memref_squeeze %dma_start3A_305 : memref<1x64xf32, #tpu.memory_space<vmem>> -> memref<64xf32, #tpu.memory_space<vmem>>
        %dma_start3A_307 = arith.constant 0 : i32
        %dma_start3A_308 = tpu.memref_slice %arg3[%squeeze3A_293, %dma_start3A_307] : memref<1000000x64xf32, #tpu.memory_space<hbm>> -> memref<1x64xf32, #tpu.memory_space<hbm>>
        %dma_start3A_309 = tpu.memref_squeeze %dma_start3A_308 : memref<1x64xf32, #tpu.memory_space<hbm>> -> memref<64xf32, #tpu.memory_space<hbm>>
        tpu.enqueue_dma source(%dma_start3A_309 : memref<64xf32, #tpu.memory_space<hbm>>) target(%dma_start3A_306 : memref<64xf32, #tpu.memory_space<vmem>>) target_semaphore(%arg13 : memref<!tpu.dma_semaphore, #tpu.memory_space<semaphore_mem>>)
        %slice3A_310 = vector.extract_strided_slice %get3A_203 {offsets = [6], sizes = [1], strides = [1]} : vector<16xi32> to vector<1xi32>
        %squeeze3A_311 = vector.extract %slice3A_310[0] : i32 from vector<1xi32>
        %mul3A_312 = arith.constant 16 : i32
        %mul3A_313 = arith.muli %scan3A_199, %mul3A_312 : i32
        %add3A_314 = arith.constant 6 : i32
        %add3A_315 = arith.addi %mul3A_313, %add3A_314 : i32
        %dma_start3A_316 = arith.constant 0 : i32
        %dma_start3A_317 = tpu.memref_slice %arg8[%add3A_315, %dma_start3A_316] : memref<256x64xf32, #tpu.memory_space<vmem>> -> memref<1x64xf32, #tpu.memory_space<vmem>>
        %dma_start3A_318 = tpu.memref_squeeze %dma_start3A_317 : memref<1x64xf32, #tpu.memory_space<vmem>> -> memref<64xf32, #tpu.memory_space<vmem>>
        %dma_start3A_319 = arith.constant 0 : i32
        %dma_start3A_320 = tpu.memref_slice %arg3[%squeeze3A_311, %dma_start3A_319] : memref<1000000x64xf32, #tpu.memory_space<hbm>> -> memref<1x64xf32, #tpu.memory_space<hbm>>
        %dma_start3A_321 = tpu.memref_squeeze %dma_start3A_320 : memref<1x64xf32, #tpu.memory_space<hbm>> -> memref<64xf32, #tpu.memory_space<hbm>>
        %dma_start3A_322 = arith.constant 0 : i32
        %dma_start3A_323 = tpu.memref_slice %arg8[%add3A_315, %dma_start3A_322] : memref<256x64xf32, #tpu.memory_space<vmem>> -> memref<1x64xf32, #tpu.memory_space<vmem>>
        %dma_start3A_324 = tpu.memref_squeeze %dma_start3A_323 : memref<1x64xf32, #tpu.memory_space<vmem>> -> memref<64xf32, #tpu.memory_space<vmem>>
        %dma_start3A_325 = arith.constant 0 : i32
        %dma_start3A_326 = tpu.memref_slice %arg3[%squeeze3A_311, %dma_start3A_325] : memref<1000000x64xf32, #tpu.memory_space<hbm>> -> memref<1x64xf32, #tpu.memory_space<hbm>>
        %dma_start3A_327 = tpu.memref_squeeze %dma_start3A_326 : memref<1x64xf32, #tpu.memory_space<hbm>> -> memref<64xf32, #tpu.memory_space<hbm>>
        tpu.enqueue_dma source(%dma_start3A_327 : memref<64xf32, #tpu.memory_space<hbm>>) target(%dma_start3A_324 : memref<64xf32, #tpu.memory_space<vmem>>) target_semaphore(%arg13 : memref<!tpu.dma_semaphore, #tpu.memory_space<semaphore_mem>>)
        %slice3A_328 = vector.extract_strided_slice %get3A_203 {offsets = [7], sizes = [1], strides = [1]} : vector<16xi32> to vector<1xi32>
        %squeeze3A_329 = vector.extract %slice3A_328[0] : i32 from vector<1xi32>
        %mul3A_330 = arith.constant 16 : i32
        %mul3A_331 = arith.muli %scan3A_199, %mul3A_330 : i32
        %add3A_332 = arith.constant 7 : i32
        %add3A_333 = arith.addi %mul3A_331, %add3A_332 : i32
        %dma_start3A_334 = arith.constant 0 : i32
        %dma_start3A_335 = tpu.memref_slice %arg8[%add3A_333, %dma_start3A_334] : memref<256x64xf32, #tpu.memory_space<vmem>> -> memref<1x64xf32, #tpu.memory_space<vmem>>
        %dma_start3A_336 = tpu.memref_squeeze %dma_start3A_335 : memref<1x64xf32, #tpu.memory_space<vmem>> -> memref<64xf32, #tpu.memory_space<vmem>>
        %dma_start3A_337 = arith.constant 0 : i32
        %dma_start3A_338 = tpu.memref_slice %arg3[%squeeze3A_329, %dma_start3A_337] : memref<1000000x64xf32, #tpu.memory_space<hbm>> -> memref<1x64xf32, #tpu.memory_space<hbm>>
        %dma_start3A_339 = tpu.memref_squeeze %dma_start3A_338 : memref<1x64xf32, #tpu.memory_space<hbm>> -> memref<64xf32, #tpu.memory_space<hbm>>
        %dma_start3A_340 = arith.constant 0 : i32
        %dma_start3A_341 = tpu.memref_slice %arg8[%add3A_333, %dma_start3A_340] : memref<256x64xf32, #tpu.memory_space<vmem>> -> memref<1x64xf32, #tpu.memory_space<vmem>>
        %dma_start3A_342 = tpu.memref_squeeze %dma_start3A_341 : memref<1x64xf32, #tpu.memory_space<vmem>> -> memref<64xf32, #tpu.memory_space<vmem>>
        %dma_start3A_343 = arith.constant 0 : i32
        %dma_start3A_344 = tpu.memref_slice %arg3[%squeeze3A_329, %dma_start3A_343] : memref<1000000x64xf32, #tpu.memory_space<hbm>> -> memref<1x64xf32, #tpu.memory_space<hbm>>
        %dma_start3A_345 = tpu.memref_squeeze %dma_start3A_344 : memref<1x64xf32, #tpu.memory_space<hbm>> -> memref<64xf32, #tpu.memory_space<hbm>>
        tpu.enqueue_dma source(%dma_start3A_345 : memref<64xf32, #tpu.memory_space<hbm>>) target(%dma_start3A_342 : memref<64xf32, #tpu.memory_space<vmem>>) target_semaphore(%arg13 : memref<!tpu.dma_semaphore, #tpu.memory_space<semaphore_mem>>)
        %slice3A_346 = vector.extract_strided_slice %get3A_203 {offsets = [8], sizes = [1], strides = [1]} : vector<16xi32> to vector<1xi32>
        %squeeze3A_347 = vector.extract %slice3A_346[0] : i32 from vector<1xi32>
        %mul3A_348 = arith.constant 16 : i32
        %mul3A_349 = arith.muli %scan3A_199, %mul3A_348 : i32
        %add3A_350 = arith.constant 8 : i32
        %add3A_351 = arith.addi %mul3A_349, %add3A_350 : i32
        %dma_start3A_352 = arith.constant 0 : i32
        %dma_start3A_353 = tpu.memref_slice %arg8[%add3A_351, %dma_start3A_352] : memref<256x64xf32, #tpu.memory_space<vmem>> -> memref<1x64xf32, #tpu.memory_space<vmem>>
        %dma_start3A_354 = tpu.memref_squeeze %dma_start3A_353 : memref<1x64xf32, #tpu.memory_space<vmem>> -> memref<64xf32, #tpu.memory_space<vmem>>
        %dma_start3A_355 = arith.constant 0 : i32
        %dma_start3A_356 = tpu.memref_slice %arg3[%squeeze3A_347, %dma_start3A_355] : memref<1000000x64xf32, #tpu.memory_space<hbm>> -> memref<1x64xf32, #tpu.memory_space<hbm>>
        %dma_start3A_357 = tpu.memref_squeeze %dma_start3A_356 : memref<1x64xf32, #tpu.memory_space<hbm>> -> memref<64xf32, #tpu.memory_space<hbm>>
        %dma_start3A_358 = arith.constant 0 : i32
        %dma_start3A_359 = tpu.memref_slice %arg8[%add3A_351, %dma_start3A_358] : memref<256x64xf32, #tpu.memory_space<vmem>> -> memref<1x64xf32, #tpu.memory_space<vmem>>
        %dma_start3A_360 = tpu.memref_squeeze %dma_start3A_359 : memref<1x64xf32, #tpu.memory_space<vmem>> -> memref<64xf32, #tpu.memory_space<vmem>>
        %dma_start3A_361 = arith.constant 0 : i32
        %dma_start3A_362 = tpu.memref_slice %arg3[%squeeze3A_347, %dma_start3A_361] : memref<1000000x64xf32, #tpu.memory_space<hbm>> -> memref<1x64xf32, #tpu.memory_space<hbm>>
        %dma_start3A_363 = tpu.memref_squeeze %dma_start3A_362 : memref<1x64xf32, #tpu.memory_space<hbm>> -> memref<64xf32, #tpu.memory_space<hbm>>
        tpu.enqueue_dma source(%dma_start3A_363 : memref<64xf32, #tpu.memory_space<hbm>>) target(%dma_start3A_360 : memref<64xf32, #tpu.memory_space<vmem>>) target_semaphore(%arg13 : memref<!tpu.dma_semaphore, #tpu.memory_space<semaphore_mem>>)
        %slice3A_364 = vector.extract_strided_slice %get3A_203 {offsets = [9], sizes = [1], strides = [1]} : vector<16xi32> to vector<1xi32>
        %squeeze3A_365 = vector.extract %slice3A_364[0] : i32 from vector<1xi32>
        %mul3A_366 = arith.constant 16 : i32
        %mul3A_367 = arith.muli %scan3A_199, %mul3A_366 : i32
        %add3A_368 = arith.constant 9 : i32
        %add3A_369 = arith.addi %mul3A_367, %add3A_368 : i32
        %dma_start3A_370 = arith.constant 0 : i32
        %dma_start3A_371 = tpu.memref_slice %arg8[%add3A_369, %dma_start3A_370] : memref<256x64xf32, #tpu.memory_space<vmem>> -> memref<1x64xf32, #tpu.memory_space<vmem>>
        %dma_start3A_372 = tpu.memref_squeeze %dma_start3A_371 : memref<1x64xf32, #tpu.memory_space<vmem>> -> memref<64xf32, #tpu.memory_space<vmem>>
        %dma_start3A_373 = arith.constant 0 : i32
        %dma_start3A_374 = tpu.memref_slice %arg3[%squeeze3A_365, %dma_start3A_373] : memref<1000000x64xf32, #tpu.memory_space<hbm>> -> memref<1x64xf32, #tpu.memory_space<hbm>>
        %dma_start3A_375 = tpu.memref_squeeze %dma_start3A_374 : memref<1x64xf32, #tpu.memory_space<hbm>> -> memref<64xf32, #tpu.memory_space<hbm>>
        %dma_start3A_376 = arith.constant 0 : i32
        %dma_start3A_377 = tpu.memref_slice %arg8[%add3A_369, %dma_start3A_376] : memref<256x64xf32, #tpu.memory_space<vmem>> -> memref<1x64xf32, #tpu.memory_space<vmem>>
        %dma_start3A_378 = tpu.memref_squeeze %dma_start3A_377 : memref<1x64xf32, #tpu.memory_space<vmem>> -> memref<64xf32, #tpu.memory_space<vmem>>
        %dma_start3A_379 = arith.constant 0 : i32
        %dma_start3A_380 = tpu.memref_slice %arg3[%squeeze3A_365, %dma_start3A_379] : memref<1000000x64xf32, #tpu.memory_space<hbm>> -> memref<1x64xf32, #tpu.memory_space<hbm>>
        %dma_start3A_381 = tpu.memref_squeeze %dma_start3A_380 : memref<1x64xf32, #tpu.memory_space<hbm>> -> memref<64xf32, #tpu.memory_space<hbm>>
        tpu.enqueue_dma source(%dma_start3A_381 : memref<64xf32, #tpu.memory_space<hbm>>) target(%dma_start3A_378 : memref<64xf32, #tpu.memory_space<vmem>>) target_semaphore(%arg13 : memref<!tpu.dma_semaphore, #tpu.memory_space<semaphore_mem>>)
        %slice3A_382 = vector.extract_strided_slice %get3A_203 {offsets = [10], sizes = [1], strides = [1]} : vector<16xi32> to vector<1xi32>
        %squeeze3A_383 = vector.extract %slice3A_382[0] : i32 from vector<1xi32>
        %mul3A_384 = arith.constant 16 : i32
        %mul3A_385 = arith.muli %scan3A_199, %mul3A_384 : i32
        %add3A_386 = arith.constant 10 : i32
        %add3A_387 = arith.addi %mul3A_385, %add3A_386 : i32
        %dma_start3A_388 = arith.constant 0 : i32
        %dma_start3A_389 = tpu.memref_slice %arg8[%add3A_387, %dma_start3A_388] : memref<256x64xf32, #tpu.memory_space<vmem>> -> memref<1x64xf32, #tpu.memory_space<vmem>>
        %dma_start3A_390 = tpu.memref_squeeze %dma_start3A_389 : memref<1x64xf32, #tpu.memory_space<vmem>> -> memref<64xf32, #tpu.memory_space<vmem>>
        %dma_start3A_391 = arith.constant 0 : i32
        %dma_start3A_392 = tpu.memref_slice %arg3[%squeeze3A_383, %dma_start3A_391] : memref<1000000x64xf32, #tpu.memory_space<hbm>> -> memref<1x64xf32, #tpu.memory_space<hbm>>
        %dma_start3A_393 = tpu.memref_squeeze %dma_start3A_392 : memref<1x64xf32, #tpu.memory_space<hbm>> -> memref<64xf32, #tpu.memory_space<hbm>>
        %dma_start3A_394 = arith.constant 0 : i32
        %dma_start3A_395 = tpu.memref_slice %arg8[%add3A_387, %dma_start3A_394] : memref<256x64xf32, #tpu.memory_space<vmem>> -> memref<1x64xf32, #tpu.memory_space<vmem>>
        %dma_start3A_396 = tpu.memref_squeeze %dma_start3A_395 : memref<1x64xf32, #tpu.memory_space<vmem>> -> memref<64xf32, #tpu.memory_space<vmem>>
        %dma_start3A_397 = arith.constant 0 : i32
        %dma_start3A_398 = tpu.memref_slice %arg3[%squeeze3A_383, %dma_start3A_397] : memref<1000000x64xf32, #tpu.memory_space<hbm>> -> memref<1x64xf32, #tpu.memory_space<hbm>>
        %dma_start3A_399 = tpu.memref_squeeze %dma_start3A_398 : memref<1x64xf32, #tpu.memory_space<hbm>> -> memref<64xf32, #tpu.memory_space<hbm>>
        tpu.enqueue_dma source(%dma_start3A_399 : memref<64xf32, #tpu.memory_space<hbm>>) target(%dma_start3A_396 : memref<64xf32, #tpu.memory_space<vmem>>) target_semaphore(%arg13 : memref<!tpu.dma_semaphore, #tpu.memory_space<semaphore_mem>>)
        %slice3A_400 = vector.extract_strided_slice %get3A_203 {offsets = [11], sizes = [1], strides = [1]} : vector<16xi32> to vector<1xi32>
        %squeeze3A_401 = vector.extract %slice3A_400[0] : i32 from vector<1xi32>
        %mul3A_402 = arith.constant 16 : i32
        %mul3A_403 = arith.muli %scan3A_199, %mul3A_402 : i32
        %add3A_404 = arith.constant 11 : i32
        %add3A_405 = arith.addi %mul3A_403, %add3A_404 : i32
        %dma_start3A_406 = arith.constant 0 : i32
        %dma_start3A_407 = tpu.memref_slice %arg8[%add3A_405, %dma_start3A_406] : memref<256x64xf32, #tpu.memory_space<vmem>> -> memref<1x64xf32, #tpu.memory_space<vmem>>
        %dma_start3A_408 = tpu.memref_squeeze %dma_start3A_407 : memref<1x64xf32, #tpu.memory_space<vmem>> -> memref<64xf32, #tpu.memory_space<vmem>>
        %dma_start3A_409 = arith.constant 0 : i32
        %dma_start3A_410 = tpu.memref_slice %arg3[%squeeze3A_401, %dma_start3A_409] : memref<1000000x64xf32, #tpu.memory_space<hbm>> -> memref<1x64xf32, #tpu.memory_space<hbm>>
        %dma_start3A_411 = tpu.memref_squeeze %dma_start3A_410 : memref<1x64xf32, #tpu.memory_space<hbm>> -> memref<64xf32, #tpu.memory_space<hbm>>
        %dma_start3A_412 = arith.constant 0 : i32
        %dma_start3A_413 = tpu.memref_slice %arg8[%add3A_405, %dma_start3A_412] : memref<256x64xf32, #tpu.memory_space<vmem>> -> memref<1x64xf32, #tpu.memory_space<vmem>>
        %dma_start3A_414 = tpu.memref_squeeze %dma_start3A_413 : memref<1x64xf32, #tpu.memory_space<vmem>> -> memref<64xf32, #tpu.memory_space<vmem>>
        %dma_start3A_415 = arith.constant 0 : i32
        %dma_start3A_416 = tpu.memref_slice %arg3[%squeeze3A_401, %dma_start3A_415] : memref<1000000x64xf32, #tpu.memory_space<hbm>> -> memref<1x64xf32, #tpu.memory_space<hbm>>
        %dma_start3A_417 = tpu.memref_squeeze %dma_start3A_416 : memref<1x64xf32, #tpu.memory_space<hbm>> -> memref<64xf32, #tpu.memory_space<hbm>>
        tpu.enqueue_dma source(%dma_start3A_417 : memref<64xf32, #tpu.memory_space<hbm>>) target(%dma_start3A_414 : memref<64xf32, #tpu.memory_space<vmem>>) target_semaphore(%arg13 : memref<!tpu.dma_semaphore, #tpu.memory_space<semaphore_mem>>)
        %slice3A_418 = vector.extract_strided_slice %get3A_203 {offsets = [12], sizes = [1], strides = [1]} : vector<16xi32> to vector<1xi32>
        %squeeze3A_419 = vector.extract %slice3A_418[0] : i32 from vector<1xi32>
        %mul3A_420 = arith.constant 16 : i32
        %mul3A_421 = arith.muli %scan3A_199, %mul3A_420 : i32
        %add3A_422 = arith.constant 12 : i32
        %add3A_423 = arith.addi %mul3A_421, %add3A_422 : i32
        %dma_start3A_424 = arith.constant 0 : i32
        %dma_start3A_425 = tpu.memref_slice %arg8[%add3A_423, %dma_start3A_424] : memref<256x64xf32, #tpu.memory_space<vmem>> -> memref<1x64xf32, #tpu.memory_space<vmem>>
        %dma_start3A_426 = tpu.memref_squeeze %dma_start3A_425 : memref<1x64xf32, #tpu.memory_space<vmem>> -> memref<64xf32, #tpu.memory_space<vmem>>
        %dma_start3A_427 = arith.constant 0 : i32
        %dma_start3A_428 = tpu.memref_slice %arg3[%squeeze3A_419, %dma_start3A_427] : memref<1000000x64xf32, #tpu.memory_space<hbm>> -> memref<1x64xf32, #tpu.memory_space<hbm>>
        %dma_start3A_429 = tpu.memref_squeeze %dma_start3A_428 : memref<1x64xf32, #tpu.memory_space<hbm>> -> memref<64xf32, #tpu.memory_space<hbm>>
        %dma_start3A_430 = arith.constant 0 : i32
        %dma_start3A_431 = tpu.memref_slice %arg8[%add3A_423, %dma_start3A_430] : memref<256x64xf32, #tpu.memory_space<vmem>> -> memref<1x64xf32, #tpu.memory_space<vmem>>
        %dma_start3A_432 = tpu.memref_squeeze %dma_start3A_431 : memref<1x64xf32, #tpu.memory_space<vmem>> -> memref<64xf32, #tpu.memory_space<vmem>>
        %dma_start3A_433 = arith.constant 0 : i32
        %dma_start3A_434 = tpu.memref_slice %arg3[%squeeze3A_419, %dma_start3A_433] : memref<1000000x64xf32, #tpu.memory_space<hbm>> -> memref<1x64xf32, #tpu.memory_space<hbm>>
        %dma_start3A_435 = tpu.memref_squeeze %dma_start3A_434 : memref<1x64xf32, #tpu.memory_space<hbm>> -> memref<64xf32, #tpu.memory_space<hbm>>
        tpu.enqueue_dma source(%dma_start3A_435 : memref<64xf32, #tpu.memory_space<hbm>>) target(%dma_start3A_432 : memref<64xf32, #tpu.memory_space<vmem>>) target_semaphore(%arg13 : memref<!tpu.dma_semaphore, #tpu.memory_space<semaphore_mem>>)
        %slice3A_436 = vector.extract_strided_slice %get3A_203 {offsets = [13], sizes = [1], strides = [1]} : vector<16xi32> to vector<1xi32>
        %squeeze3A_437 = vector.extract %slice3A_436[0] : i32 from vector<1xi32>
        %mul3A_438 = arith.constant 16 : i32
        %mul3A_439 = arith.muli %scan3A_199, %mul3A_438 : i32
        %add3A_440 = arith.constant 13 : i32
        %add3A_441 = arith.addi %mul3A_439, %add3A_440 : i32
        %dma_start3A_442 = arith.constant 0 : i32
        %dma_start3A_443 = tpu.memref_slice %arg8[%add3A_441, %dma_start3A_442] : memref<256x64xf32, #tpu.memory_space<vmem>> -> memref<1x64xf32, #tpu.memory_space<vmem>>
        %dma_start3A_444 = tpu.memref_squeeze %dma_start3A_443 : memref<1x64xf32, #tpu.memory_space<vmem>> -> memref<64xf32, #tpu.memory_space<vmem>>
        %dma_start3A_445 = arith.constant 0 : i32
        %dma_start3A_446 = tpu.memref_slice %arg3[%squeeze3A_437, %dma_start3A_445] : memref<1000000x64xf32, #tpu.memory_space<hbm>> -> memref<1x64xf32, #tpu.memory_space<hbm>>
        %dma_start3A_447 = tpu.memref_squeeze %dma_start3A_446 : memref<1x64xf32, #tpu.memory_space<hbm>> -> memref<64xf32, #tpu.memory_space<hbm>>
        %dma_start3A_448 = arith.constant 0 : i32
        %dma_start3A_449 = tpu.memref_slice %arg8[%add3A_441, %dma_start3A_448] : memref<256x64xf32, #tpu.memory_space<vmem>> -> memref<1x64xf32, #tpu.memory_space<vmem>>
        %dma_start3A_450 = tpu.memref_squeeze %dma_start3A_449 : memref<1x64xf32, #tpu.memory_space<vmem>> -> memref<64xf32, #tpu.memory_space<vmem>>
        %dma_start3A_451 = arith.constant 0 : i32
        %dma_start3A_452 = tpu.memref_slice %arg3[%squeeze3A_437, %dma_start3A_451] : memref<1000000x64xf32, #tpu.memory_space<hbm>> -> memref<1x64xf32, #tpu.memory_space<hbm>>
        %dma_start3A_453 = tpu.memref_squeeze %dma_start3A_452 : memref<1x64xf32, #tpu.memory_space<hbm>> -> memref<64xf32, #tpu.memory_space<hbm>>
        tpu.enqueue_dma source(%dma_start3A_453 : memref<64xf32, #tpu.memory_space<hbm>>) target(%dma_start3A_450 : memref<64xf32, #tpu.memory_space<vmem>>) target_semaphore(%arg13 : memref<!tpu.dma_semaphore, #tpu.memory_space<semaphore_mem>>)
        %slice3A_454 = vector.extract_strided_slice %get3A_203 {offsets = [14], sizes = [1], strides = [1]} : vector<16xi32> to vector<1xi32>
        %squeeze3A_455 = vector.extract %slice3A_454[0] : i32 from vector<1xi32>
        %mul3A_456 = arith.constant 16 : i32
        %mul3A_457 = arith.muli %scan3A_199, %mul3A_456 : i32
        %add3A_458 = arith.constant 14 : i32
        %add3A_459 = arith.addi %mul3A_457, %add3A_458 : i32
        %dma_start3A_460 = arith.constant 0 : i32
        %dma_start3A_461 = tpu.memref_slice %arg8[%add3A_459, %dma_start3A_460] : memref<256x64xf32, #tpu.memory_space<vmem>> -> memref<1x64xf32, #tpu.memory_space<vmem>>
        %dma_start3A_462 = tpu.memref_squeeze %dma_start3A_461 : memref<1x64xf32, #tpu.memory_space<vmem>> -> memref<64xf32, #tpu.memory_space<vmem>>
        %dma_start3A_463 = arith.constant 0 : i32
        %dma_start3A_464 = tpu.memref_slice %arg3[%squeeze3A_455, %dma_start3A_463] : memref<1000000x64xf32, #tpu.memory_space<hbm>> -> memref<1x64xf32, #tpu.memory_space<hbm>>
        %dma_start3A_465 = tpu.memref_squeeze %dma_start3A_464 : memref<1x64xf32, #tpu.memory_space<hbm>> -> memref<64xf32, #tpu.memory_space<hbm>>
        %dma_start3A_466 = arith.constant 0 : i32
        %dma_start3A_467 = tpu.memref_slice %arg8[%add3A_459, %dma_start3A_466] : memref<256x64xf32, #tpu.memory_space<vmem>> -> memref<1x64xf32, #tpu.memory_space<vmem>>
        %dma_start3A_468 = tpu.memref_squeeze %dma_start3A_467 : memref<1x64xf32, #tpu.memory_space<vmem>> -> memref<64xf32, #tpu.memory_space<vmem>>
        %dma_start3A_469 = arith.constant 0 : i32
        %dma_start3A_470 = tpu.memref_slice %arg3[%squeeze3A_455, %dma_start3A_469] : memref<1000000x64xf32, #tpu.memory_space<hbm>> -> memref<1x64xf32, #tpu.memory_space<hbm>>
        %dma_start3A_471 = tpu.memref_squeeze %dma_start3A_470 : memref<1x64xf32, #tpu.memory_space<hbm>> -> memref<64xf32, #tpu.memory_space<hbm>>
        tpu.enqueue_dma source(%dma_start3A_471 : memref<64xf32, #tpu.memory_space<hbm>>) target(%dma_start3A_468 : memref<64xf32, #tpu.memory_space<vmem>>) target_semaphore(%arg13 : memref<!tpu.dma_semaphore, #tpu.memory_space<semaphore_mem>>)
        %slice3A_472 = vector.extract_strided_slice %get3A_203 {offsets = [15], sizes = [1], strides = [1]} : vector<16xi32> to vector<1xi32>
        %squeeze3A_473 = vector.extract %slice3A_472[0] : i32 from vector<1xi32>
        %mul3A_474 = arith.constant 16 : i32
        %mul3A_475 = arith.muli %scan3A_199, %mul3A_474 : i32
        %add3A_476 = arith.constant 15 : i32
        %add3A_477 = arith.addi %mul3A_475, %add3A_476 : i32
        %dma_start3A_478 = arith.constant 0 : i32
        %dma_start3A_479 = tpu.memref_slice %arg8[%add3A_477, %dma_start3A_478] : memref<256x64xf32, #tpu.memory_space<vmem>> -> memref<1x64xf32, #tpu.memory_space<vmem>>
        %dma_start3A_480 = tpu.memref_squeeze %dma_start3A_479 : memref<1x64xf32, #tpu.memory_space<vmem>> -> memref<64xf32, #tpu.memory_space<vmem>>
        %dma_start3A_481 = arith.constant 0 : i32
        %dma_start3A_482 = tpu.memref_slice %arg3[%squeeze3A_473, %dma_start3A_481] : memref<1000000x64xf32, #tpu.memory_space<hbm>> -> memref<1x64xf32, #tpu.memory_space<hbm>>
        %dma_start3A_483 = tpu.memref_squeeze %dma_start3A_482 : memref<1x64xf32, #tpu.memory_space<hbm>> -> memref<64xf32, #tpu.memory_space<hbm>>
        %dma_start3A_484 = arith.constant 0 : i32
        %dma_start3A_485 = tpu.memref_slice %arg8[%add3A_477, %dma_start3A_484] : memref<256x64xf32, #tpu.memory_space<vmem>> -> memref<1x64xf32, #tpu.memory_space<vmem>>
        %dma_start3A_486 = tpu.memref_squeeze %dma_start3A_485 : memref<1x64xf32, #tpu.memory_space<vmem>> -> memref<64xf32, #tpu.memory_space<vmem>>
        %dma_start3A_487 = arith.constant 0 : i32
        %dma_start3A_488 = tpu.memref_slice %arg3[%squeeze3A_473, %dma_start3A_487] : memref<1000000x64xf32, #tpu.memory_space<hbm>> -> memref<1x64xf32, #tpu.memory_space<hbm>>
        %dma_start3A_489 = tpu.memref_squeeze %dma_start3A_488 : memref<1x64xf32, #tpu.memory_space<hbm>> -> memref<64xf32, #tpu.memory_space<hbm>>
        tpu.enqueue_dma source(%dma_start3A_489 : memref<64xf32, #tpu.memory_space<hbm>>) target(%dma_start3A_486 : memref<64xf32, #tpu.memory_space<vmem>>) target_semaphore(%arg13 : memref<!tpu.dma_semaphore, #tpu.memory_space<semaphore_mem>>)
      }
      %scan3A_162 = arith.constant 16 : i32
      %dma_wait3A_163 = arith.constant 0 : i32
      %dma_wait3A_164 = tpu.memref_slice %arg2[%dma_wait3A_163] : memref<819200xi32, #tpu.memory_space<hbm>> -> memref<32768xi32, #tpu.memory_space<hbm>>
      %dma_wait3A_165 = arith.constant 0 : i32
      %dma_wait3A_166 = tpu.memref_slice %arg2[%dma_wait3A_165] : memref<819200xi32, #tpu.memory_space<hbm>> -> memref<32768xi32, #tpu.memory_space<hbm>>
      tpu.wait_dma2 semaphore(%arg13 : memref<!tpu.dma_semaphore, #tpu.memory_space<semaphore_mem>>) src(%dma_wait3A_166 : memref<32768xi32, #tpu.memory_space<hbm>>) dst(%arg9 : memref<32768xi32, #tpu.memory_space<vmem>>)
      %add3A_167 = arith.constant 1 : i32
      %add3A_168 = arith.addi %mul3A_128, %add3A_167 : i32
      %mul3A_169 = arith.constant 256 : i32
      %mul3A_170 = arith.muli %add3A_168, %mul3A_169 : i32
      %add3A_171 = arith.addi %mul3A_2, %mul3A_170 : i32
      %dma_start3A_172 = arith.constant 0 : i32
      %dma_start3A_173 = tpu.memref_slice %arg4[%add3A_171, %dma_start3A_172] : memref<819200x64xf32, #tpu.memory_space<hbm>> -> memref<256x64xf32, #tpu.memory_space<hbm>>
      %dma_start3A_174 = arith.constant 0 : i32
      %dma_start3A_175 = tpu.memref_slice %arg4[%add3A_171, %dma_start3A_174] : memref<819200x64xf32, #tpu.memory_space<hbm>> -> memref<256x64xf32, #tpu.memory_space<hbm>>
      tpu.enqueue_dma source(%arg8 : memref<256x64xf32, #tpu.memory_space<vmem>>) target(%dma_start3A_175 : memref<256x64xf32, #tpu.memory_space<hbm>>) target_semaphore(%arg15 : memref<!tpu.dma_semaphore, #tpu.memory_space<semaphore_mem>>)
      %add3A_176 = arith.constant 3 : i32
      %add3A_177 = arith.addi %mul3A_128, %add3A_176 : i32
      %mul3A_178 = arith.constant 256 : i32
      %mul3A_179 = arith.muli %add3A_177, %mul3A_178 : i32
      %add3A_180 = arith.addi %mul3A_2, %mul3A_179 : i32
      %dma_start3A_181 = tpu.memref_slice %arg2[%add3A_180] : memref<819200xi32, #tpu.memory_space<hbm>> -> memref<256xi32, #tpu.memory_space<hbm>>
      %dma_start3A_182 = tpu.memref_slice %arg2[%add3A_180] : memref<819200xi32, #tpu.memory_space<hbm>> -> memref<256xi32, #tpu.memory_space<hbm>>
      tpu.enqueue_dma source(%dma_start3A_182 : memref<256xi32, #tpu.memory_space<hbm>>) target(%arg6 : memref<256xi32, #tpu.memory_space<vmem>>) target_semaphore(%arg11 : memref<!tpu.dma_semaphore, #tpu.memory_space<semaphore_mem>>)
      %dma_wait3A_183 = arith.constant 0 : i32
      %dma_wait3A_184 = arith.constant 0 : i32
      %dma_wait3A_185 = tpu.memref_slice %arg4[%dma_wait3A_183, %dma_wait3A_184] : memref<819200x64xf32, #tpu.memory_space<hbm>> -> memref<256x64xf32, #tpu.memory_space<hbm>>
      %dma_wait3A_186 = arith.constant 0 : i32
      %dma_wait3A_187 = arith.constant 0 : i32
      %dma_wait3A_188 = tpu.memref_slice %arg4[%dma_wait3A_186, %dma_wait3A_187] : memref<819200x64xf32, #tpu.memory_space<hbm>> -> memref<256x64xf32, #tpu.memory_space<hbm>>
      tpu.wait_dma2 semaphore(%arg14 : memref<!tpu.dma_semaphore, #tpu.memory_space<semaphore_mem>>) src(%arg7 : memref<256x64xf32, #tpu.memory_space<vmem>>) dst(%dma_wait3A_188 : memref<256x64xf32, #tpu.memory_space<hbm>>)
      %dma_wait3A_189 = arith.constant 0 : i32
      %dma_wait3A_190 = tpu.memref_slice %arg2[%dma_wait3A_189] : memref<819200xi32, #tpu.memory_space<hbm>> -> memref<256xi32, #tpu.memory_space<hbm>>
      %dma_wait3A_191 = arith.constant 0 : i32
      %dma_wait3A_192 = tpu.memref_slice %arg2[%dma_wait3A_191] : memref<819200xi32, #tpu.memory_space<hbm>> -> memref<256xi32, #tpu.memory_space<hbm>>
      tpu.wait_dma2 semaphore(%arg10 : memref<!tpu.dma_semaphore, #tpu.memory_space<semaphore_mem>>) src(%dma_wait3A_192 : memref<256xi32, #tpu.memory_space<hbm>>) dst(%arg5 : memref<256xi32, #tpu.memory_space<vmem>>)
      %scan3A_193 = arith.constant 0 : i32
      %scan3A_194 = arith.constant 0 : i32
      %scan3A_195 = arith.constant 16 : i32
      %scan3A_196 = arith.addi %scan3A_194, %scan3A_195 : i32
      %scan3A_197 = arith.constant 1 : i32
      scf.for %scan3A_199 = %scan3A_194 to %scan3A_196 step %scan3A_197  : i32 {
        %mul3A_200 = arith.constant 16 : i32
        %mul3A_201 = arith.muli %scan3A_199, %mul3A_200 : i32
        %get3A = arith.index_cast %mul3A_201 : i32 to index
        %get3A_202 = tpu.vector_load %arg5[%get3A] {strides = array<i32>} : memref<256xi32, #tpu.memory_space<vmem>>, vector<16xi32>,
        %get3A_203 = vector.shape_cast %get3A_202 : vector<16xi32> to vector<16xi32>
        %slice3A = vector.extract_strided_slice %get3A_203 {offsets = [0], sizes = [1], strides = [1]} : vector<16xi32> to vector<1xi32>
        %squeeze3A = vector.extract %slice3A[0] : i32 from vector<1xi32>
        %mul3A_204 = arith.constant 16 : i32
        %mul3A_205 = arith.muli %scan3A_199, %mul3A_204 : i32
        %add3A_206 = arith.constant 0 : i32
        %add3A_207 = arith.addi %mul3A_205, %add3A_206 : i32
        %dma_start3A_208 = arith.constant 0 : i32
        %dma_start3A_209 = tpu.memref_slice %arg7[%add3A_207, %dma_start3A_208] : memref<256x64xf32, #tpu.memory_space<vmem>> -> memref<1x64xf32, #tpu.memory_space<vmem>>
        %dma_start3A_210 = tpu.memref_squeeze %dma_start3A_209 : memref<1x64xf32, #tpu.memory_space<vmem>> -> memref<64xf32, #tpu.memory_space<vmem>>
        %dma_start3A_211 = arith.constant 0 : i32
        %dma_start3A_212 = tpu.memref_slice %arg3[%squeeze3A, %dma_start3A_211] : memref<1000000x64xf32, #tpu.memory_space<hbm>> -> memref<1x64xf32, #tpu.memory_space<hbm>>
        %dma_start3A_213 = tpu.memref_squeeze %dma_start3A_212 : memref<1x64xf32, #tpu.memory_space<hbm>> -> memref<64xf32, #tpu.memory_space<hbm>>
        %dma_start3A_214 = arith.constant 0 : i32
        %dma_start3A_215 = tpu.memref_slice %arg7[%add3A_207, %dma_start3A_214] : memref<256x64xf32, #tpu.memory_space<vmem>> -> memref<1x64xf32, #tpu.memory_space<vmem>>
        %dma_start3A_216 = tpu.memref_squeeze %dma_start3A_215 : memref<1x64xf32, #tpu.memory_space<vmem>> -> memref<64xf32, #tpu.memory_space<vmem>>
        %dma_start3A_217 = arith.constant 0 : i32
        %dma_start3A_218 = tpu.memref_slice %arg3[%squeeze3A, %dma_start3A_217] : memref<1000000x64xf32, #tpu.memory_space<hbm>> -> memref<1x64xf32, #tpu.memory_space<hbm>>
        %dma_start3A_219 = tpu.memref_squeeze %dma_start3A_218 : memref<1x64xf32, #tpu.memory_space<hbm>> -> memref<64xf32, #tpu.memory_space<hbm>>
        tpu.enqueue_dma source(%dma_start3A_219 : memref<64xf32, #tpu.memory_space<hbm>>) target(%dma_start3A_216 : memref<64xf32, #tpu.memory_space<vmem>>) target_semaphore(%arg12 : memref<!tpu.dma_semaphore, #tpu.memory_space<semaphore_mem>>)
        %slice3A_220 = vector.extract_strided_slice %get3A_203 {offsets = [1], sizes = [1], strides = [1]} : vector<16xi32> to vector<1xi32>
        %squeeze3A_221 = vector.extract %slice3A_220[0] : i32 from vector<1xi32>
        %mul3A_222 = arith.constant 16 : i32
        %mul3A_223 = arith.muli %scan3A_199, %mul3A_222 : i32
        %add3A_224 = arith.constant 1 : i32
        %add3A_225 = arith.addi %mul3A_223, %add3A_224 : i32
        %dma_start3A_226 = arith.constant 0 : i32
        %dma_start3A_227 = tpu.memref_slice %arg7[%add3A_225, %dma_start3A_226] : memref<256x64xf32, #tpu.memory_space<vmem>> -> memref<1x64xf32, #tpu.memory_space<vmem>>
        %dma_start3A_228 = tpu.memref_squeeze %dma_start3A_227 : memref<1x64xf32, #tpu.memory_space<vmem>> -> memref<64xf32, #tpu.memory_space<vmem>>
        %dma_start3A_229 = arith.constant 0 : i32
        %dma_start3A_230 = tpu.memref_slice %arg3[%squeeze3A_221, %dma_start3A_229] : memref<1000000x64xf32, #tpu.memory_space<hbm>> -> memref<1x64xf32, #tpu.memory_space<hbm>>
        %dma_start3A_231 = tpu.memref_squeeze %dma_start3A_230 : memref<1x64xf32, #tpu.memory_space<hbm>> -> memref<64xf32, #tpu.memory_space<hbm>>
        %dma_start3A_232 = arith.constant 0 : i32
        %dma_start3A_233 = tpu.memref_slice %arg7[%add3A_225, %dma_start3A_232] : memref<256x64xf32, #tpu.memory_space<vmem>> -> memref<1x64xf32, #tpu.memory_space<vmem>>
        %dma_start3A_234 = tpu.memref_squeeze %dma_start3A_233 : memref<1x64xf32, #tpu.memory_space<vmem>> -> memref<64xf32, #tpu.memory_space<vmem>>
        %dma_start3A_235 = arith.constant 0 : i32
        %dma_start3A_236 = tpu.memref_slice %arg3[%squeeze3A_221, %dma_start3A_235] : memref<1000000x64xf32, #tpu.memory_space<hbm>> -> memref<1x64xf32, #tpu.memory_space<hbm>>
        %dma_start3A_237 = tpu.memref_squeeze %dma_start3A_236 : memref<1x64xf32, #tpu.memory_space<hbm>> -> memref<64xf32, #tpu.memory_space<hbm>>
        tpu.enqueue_dma source(%dma_start3A_237 : memref<64xf32, #tpu.memory_space<hbm>>) target(%dma_start3A_234 : memref<64xf32, #tpu.memory_space<vmem>>) target_semaphore(%arg12 : memref<!tpu.dma_semaphore, #tpu.memory_space<semaphore_mem>>)
        %slice3A_238 = vector.extract_strided_slice %get3A_203 {offsets = [2], sizes = [1], strides = [1]} : vector<16xi32> to vector<1xi32>
        %squeeze3A_239 = vector.extract %slice3A_238[0] : i32 from vector<1xi32>
        %mul3A_240 = arith.constant 16 : i32
        %mul3A_241 = arith.muli %scan3A_199, %mul3A_240 : i32
        %add3A_242 = arith.constant 2 : i32
        %add3A_243 = arith.addi %mul3A_241, %add3A_242 : i32
        %dma_start3A_244 = arith.constant 0 : i32
        %dma_start3A_245 = tpu.memref_slice %arg7[%add3A_243, %dma_start3A_244] : memref<256x64xf32, #tpu.memory_space<vmem>> -> memref<1x64xf32, #tpu.memory_space<vmem>>
        %dma_start3A_246 = tpu.memref_squeeze %dma_start3A_245 : memref<1x64xf32, #tpu.memory_space<vmem>> -> memref<64xf32, #tpu.memory_space<vmem>>
        %dma_start3A_247 = arith.constant 0 : i32
        %dma_start3A_248 = tpu.memref_slice %arg3[%squeeze3A_239, %dma_start3A_247] : memref<1000000x64xf32, #tpu.memory_space<hbm>> -> memref<1x64xf32, #tpu.memory_space<hbm>>
        %dma_start3A_249 = tpu.memref_squeeze %dma_start3A_248 : memref<1x64xf32, #tpu.memory_space<hbm>> -> memref<64xf32, #tpu.memory_space<hbm>>
        %dma_start3A_250 = arith.constant 0 : i32
        %dma_start3A_251 = tpu.memref_slice %arg7[%add3A_243, %dma_start3A_250] : memref<256x64xf32, #tpu.memory_space<vmem>> -> memref<1x64xf32, #tpu.memory_space<vmem>>
        %dma_start3A_252 = tpu.memref_squeeze %dma_start3A_251 : memref<1x64xf32, #tpu.memory_space<vmem>> -> memref<64xf32, #tpu.memory_space<vmem>>
        %dma_start3A_253 = arith.constant 0 : i32
        %dma_start3A_254 = tpu.memref_slice %arg3[%squeeze3A_239, %dma_start3A_253] : memref<1000000x64xf32, #tpu.memory_space<hbm>> -> memref<1x64xf32, #tpu.memory_space<hbm>>
        %dma_start3A_255 = tpu.memref_squeeze %dma_start3A_254 : memref<1x64xf32, #tpu.memory_space<hbm>> -> memref<64xf32, #tpu.memory_space<hbm>>
        tpu.enqueue_dma source(%dma_start3A_255 : memref<64xf32, #tpu.memory_space<hbm>>) target(%dma_start3A_252 : memref<64xf32, #tpu.memory_space<vmem>>) target_semaphore(%arg12 : memref<!tpu.dma_semaphore, #tpu.memory_space<semaphore_mem>>)
        %slice3A_256 = vector.extract_strided_slice %get3A_203 {offsets = [3], sizes = [1], strides = [1]} : vector<16xi32> to vector<1xi32>
        %squeeze3A_257 = vector.extract %slice3A_256[0] : i32 from vector<1xi32>
        %mul3A_258 = arith.constant 16 : i32
        %mul3A_259 = arith.muli %scan3A_199, %mul3A_258 : i32
        %add3A_260 = arith.constant 3 : i32
        %add3A_261 = arith.addi %mul3A_259, %add3A_260 : i32
        %dma_start3A_262 = arith.constant 0 : i32
        %dma_start3A_263 = tpu.memref_slice %arg7[%add3A_261, %dma_start3A_262] : memref<256x64xf32, #tpu.memory_space<vmem>> -> memref<1x64xf32, #tpu.memory_space<vmem>>
        %dma_start3A_264 = tpu.memref_squeeze %dma_start3A_263 : memref<1x64xf32, #tpu.memory_space<vmem>> -> memref<64xf32, #tpu.memory_space<vmem>>
        %dma_start3A_265 = arith.constant 0 : i32
        %dma_start3A_266 = tpu.memref_slice %arg3[%squeeze3A_257, %dma_start3A_265] : memref<1000000x64xf32, #tpu.memory_space<hbm>> -> memref<1x64xf32, #tpu.memory_space<hbm>>
        %dma_start3A_267 = tpu.memref_squeeze %dma_start3A_266 : memref<1x64xf32, #tpu.memory_space<hbm>> -> memref<64xf32, #tpu.memory_space<hbm>>
        %dma_start3A_268 = arith.constant 0 : i32
        %dma_start3A_269 = tpu.memref_slice %arg7[%add3A_261, %dma_start3A_268] : memref<256x64xf32, #tpu.memory_space<vmem>> -> memref<1x64xf32, #tpu.memory_space<vmem>>
        %dma_start3A_270 = tpu.memref_squeeze %dma_start3A_269 : memref<1x64xf32, #tpu.memory_space<vmem>> -> memref<64xf32, #tpu.memory_space<vmem>>
        %dma_start3A_271 = arith.constant 0 : i32
        %dma_start3A_272 = tpu.memref_slice %arg3[%squeeze3A_257, %dma_start3A_271] : memref<1000000x64xf32, #tpu.memory_space<hbm>> -> memref<1x64xf32, #tpu.memory_space<hbm>>
        %dma_start3A_273 = tpu.memref_squeeze %dma_start3A_272 : memref<1x64xf32, #tpu.memory_space<hbm>> -> memref<64xf32, #tpu.memory_space<hbm>>
        tpu.enqueue_dma source(%dma_start3A_273 : memref<64xf32, #tpu.memory_space<hbm>>) target(%dma_start3A_270 : memref<64xf32, #tpu.memory_space<vmem>>) target_semaphore(%arg12 : memref<!tpu.dma_semaphore, #tpu.memory_space<semaphore_mem>>)
        %slice3A_274 = vector.extract_strided_slice %get3A_203 {offsets = [4], sizes = [1], strides = [1]} : vector<16xi32> to vector<1xi32>
        %squeeze3A_275 = vector.extract %slice3A_274[0] : i32 from vector<1xi32>
        %mul3A_276 = arith.constant 16 : i32
        %mul3A_277 = arith.muli %scan3A_199, %mul3A_276 : i32
        %add3A_278 = arith.constant 4 : i32
        %add3A_279 = arith.addi %mul3A_277, %add3A_278 : i32
        %dma_start3A_280 = arith.constant 0 : i32
        %dma_start3A_281 = tpu.memref_slice %arg7[%add3A_279, %dma_start3A_280] : memref<256x64xf32, #tpu.memory_space<vmem>> -> memref<1x64xf32, #tpu.memory_space<vmem>>
        %dma_start3A_282 = tpu.memref_squeeze %dma_start3A_281 : memref<1x64xf32, #tpu.memory_space<vmem>> -> memref<64xf32, #tpu.memory_space<vmem>>
        %dma_start3A_283 = arith.constant 0 : i32
        %dma_start3A_284 = tpu.memref_slice %arg3[%squeeze3A_275, %dma_start3A_283] : memref<1000000x64xf32, #tpu.memory_space<hbm>> -> memref<1x64xf32, #tpu.memory_space<hbm>>
        %dma_start3A_285 = tpu.memref_squeeze %dma_start3A_284 : memref<1x64xf32, #tpu.memory_space<hbm>> -> memref<64xf32, #tpu.memory_space<hbm>>
        %dma_start3A_286 = arith.constant 0 : i32
        %dma_start3A_287 = tpu.memref_slice %arg7[%add3A_279, %dma_start3A_286] : memref<256x64xf32, #tpu.memory_space<vmem>> -> memref<1x64xf32, #tpu.memory_space<vmem>>
        %dma_start3A_288 = tpu.memref_squeeze %dma_start3A_287 : memref<1x64xf32, #tpu.memory_space<vmem>> -> memref<64xf32, #tpu.memory_space<vmem>>
        %dma_start3A_289 = arith.constant 0 : i32
        %dma_start3A_290 = tpu.memref_slice %arg3[%squeeze3A_275, %dma_start3A_289] : memref<1000000x64xf32, #tpu.memory_space<hbm>> -> memref<1x64xf32, #tpu.memory_space<hbm>>
        %dma_start3A_291 = tpu.memref_squeeze %dma_start3A_290 : memref<1x64xf32, #tpu.memory_space<hbm>> -> memref<64xf32, #tpu.memory_space<hbm>>
        tpu.enqueue_dma source(%dma_start3A_291 : memref<64xf32, #tpu.memory_space<hbm>>) target(%dma_start3A_288 : memref<64xf32, #tpu.memory_space<vmem>>) target_semaphore(%arg12 : memref<!tpu.dma_semaphore, #tpu.memory_space<semaphore_mem>>)
        %slice3A_292 = vector.extract_strided_slice %get3A_203 {offsets = [5], sizes = [1], strides = [1]} : vector<16xi32> to vector<1xi32>
        %squeeze3A_293 = vector.extract %slice3A_292[0] : i32 from vector<1xi32>
        %mul3A_294 = arith.constant 16 : i32
        %mul3A_295 = arith.muli %scan3A_199, %mul3A_294 : i32
        %add3A_296 = arith.constant 5 : i32
        %add3A_297 = arith.addi %mul3A_295, %add3A_296 : i32
        %dma_start3A_298 = arith.constant 0 : i32
        %dma_start3A_299 = tpu.memref_slice %arg7[%add3A_297, %dma_start3A_298] : memref<256x64xf32, #tpu.memory_space<vmem>> -> memref<1x64xf32, #tpu.memory_space<vmem>>
        %dma_start3A_300 = tpu.memref_squeeze %dma_start3A_299 : memref<1x64xf32, #tpu.memory_space<vmem>> -> memref<64xf32, #tpu.memory_space<vmem>>
        %dma_start3A_301 = arith.constant 0 : i32
        %dma_start3A_302 = tpu.memref_slice %arg3[%squeeze3A_293, %dma_start3A_301] : memref<1000000x64xf32, #tpu.memory_space<hbm>> -> memref<1x64xf32, #tpu.memory_space<hbm>>
        %dma_start3A_303 = tpu.memref_squeeze %dma_start3A_302 : memref<1x64xf32, #tpu.memory_space<hbm>> -> memref<64xf32, #tpu.memory_space<hbm>>
        %dma_start3A_304 = arith.constant 0 : i32
        %dma_start3A_305 = tpu.memref_slice %arg7[%add3A_297, %dma_start3A_304] : memref<256x64xf32, #tpu.memory_space<vmem>> -> memref<1x64xf32, #tpu.memory_space<vmem>>
        %dma_start3A_306 = tpu.memref_squeeze %dma_start3A_305 : memref<1x64xf32, #tpu.memory_space<vmem>> -> memref<64xf32, #tpu.memory_space<vmem>>
        %dma_start3A_307 = arith.constant 0 : i32
        %dma_start3A_308 = tpu.memref_slice %arg3[%squeeze3A_293, %dma_start3A_307] : memref<1000000x64xf32, #tpu.memory_space<hbm>> -> memref<1x64xf32, #tpu.memory_space<hbm>>
        %dma_start3A_309 = tpu.memref_squeeze %dma_start3A_308 : memref<1x64xf32, #tpu.memory_space<hbm>> -> memref<64xf32, #tpu.memory_space<hbm>>
        tpu.enqueue_dma source(%dma_start3A_309 : memref<64xf32, #tpu.memory_space<hbm>>) target(%dma_start3A_306 : memref<64xf32, #tpu.memory_space<vmem>>) target_semaphore(%arg12 : memref<!tpu.dma_semaphore, #tpu.memory_space<semaphore_mem>>)
        %slice3A_310 = vector.extract_strided_slice %get3A_203 {offsets = [6], sizes = [1], strides = [1]} : vector<16xi32> to vector<1xi32>
        %squeeze3A_311 = vector.extract %slice3A_310[0] : i32 from vector<1xi32>
        %mul3A_312 = arith.constant 16 : i32
        %mul3A_313 = arith.muli %scan3A_199, %mul3A_312 : i32
        %add3A_314 = arith.constant 6 : i32
        %add3A_315 = arith.addi %mul3A_313, %add3A_314 : i32
        %dma_start3A_316 = arith.constant 0 : i32
        %dma_start3A_317 = tpu.memref_slice %arg7[%add3A_315, %dma_start3A_316] : memref<256x64xf32, #tpu.memory_space<vmem>> -> memref<1x64xf32, #tpu.memory_space<vmem>>
        %dma_start3A_318 = tpu.memref_squeeze %dma_start3A_317 : memref<1x64xf32, #tpu.memory_space<vmem>> -> memref<64xf32, #tpu.memory_space<vmem>>
        %dma_start3A_319 = arith.constant 0 : i32
        %dma_start3A_320 = tpu.memref_slice %arg3[%squeeze3A_311, %dma_start3A_319] : memref<1000000x64xf32, #tpu.memory_space<hbm>> -> memref<1x64xf32, #tpu.memory_space<hbm>>
        %dma_start3A_321 = tpu.memref_squeeze %dma_start3A_320 : memref<1x64xf32, #tpu.memory_space<hbm>> -> memref<64xf32, #tpu.memory_space<hbm>>
        %dma_start3A_322 = arith.constant 0 : i32
        %dma_start3A_323 = tpu.memref_slice %arg7[%add3A_315, %dma_start3A_322] : memref<256x64xf32, #tpu.memory_space<vmem>> -> memref<1x64xf32, #tpu.memory_space<vmem>>
        %dma_start3A_324 = tpu.memref_squeeze %dma_start3A_323 : memref<1x64xf32, #tpu.memory_space<vmem>> -> memref<64xf32, #tpu.memory_space<vmem>>
        %dma_start3A_325 = arith.constant 0 : i32
        %dma_start3A_326 = tpu.memref_slice %arg3[%squeeze3A_311, %dma_start3A_325] : memref<1000000x64xf32, #tpu.memory_space<hbm>> -> memref<1x64xf32, #tpu.memory_space<hbm>>
        %dma_start3A_327 = tpu.memref_squeeze %dma_start3A_326 : memref<1x64xf32, #tpu.memory_space<hbm>> -> memref<64xf32, #tpu.memory_space<hbm>>
        tpu.enqueue_dma source(%dma_start3A_327 : memref<64xf32, #tpu.memory_space<hbm>>) target(%dma_start3A_324 : memref<64xf32, #tpu.memory_space<vmem>>) target_semaphore(%arg12 : memref<!tpu.dma_semaphore, #tpu.memory_space<semaphore_mem>>)
        %slice3A_328 = vector.extract_strided_slice %get3A_203 {offsets = [7], sizes = [1], strides = [1]} : vector<16xi32> to vector<1xi32>
        %squeeze3A_329 = vector.extract %slice3A_328[0] : i32 from vector<1xi32>
        %mul3A_330 = arith.constant 16 : i32
        %mul3A_331 = arith.muli %scan3A_199, %mul3A_330 : i32
        %add3A_332 = arith.constant 7 : i32
        %add3A_333 = arith.addi %mul3A_331, %add3A_332 : i32
        %dma_start3A_334 = arith.constant 0 : i32
        %dma_start3A_335 = tpu.memref_slice %arg7[%add3A_333, %dma_start3A_334] : memref<256x64xf32, #tpu.memory_space<vmem>> -> memref<1x64xf32, #tpu.memory_space<vmem>>
        %dma_start3A_336 = tpu.memref_squeeze %dma_start3A_335 : memref<1x64xf32, #tpu.memory_space<vmem>> -> memref<64xf32, #tpu.memory_space<vmem>>
        %dma_start3A_337 = arith.constant 0 : i32
        %dma_start3A_338 = tpu.memref_slice %arg3[%squeeze3A_329, %dma_start3A_337] : memref<1000000x64xf32, #tpu.memory_space<hbm>> -> memref<1x64xf32, #tpu.memory_space<hbm>>
        %dma_start3A_339 = tpu.memref_squeeze %dma_start3A_338 : memref<1x64xf32, #tpu.memory_space<hbm>> -> memref<64xf32, #tpu.memory_space<hbm>>
        %dma_start3A_340 = arith.constant 0 : i32
        %dma_start3A_341 = tpu.memref_slice %arg7[%add3A_333, %dma_start3A_340] : memref<256x64xf32, #tpu.memory_space<vmem>> -> memref<1x64xf32, #tpu.memory_space<vmem>>
        %dma_start3A_342 = tpu.memref_squeeze %dma_start3A_341 : memref<1x64xf32, #tpu.memory_space<vmem>> -> memref<64xf32, #tpu.memory_space<vmem>>
        %dma_start3A_343 = arith.constant 0 : i32
        %dma_start3A_344 = tpu.memref_slice %arg3[%squeeze3A_329, %dma_start3A_343] : memref<1000000x64xf32, #tpu.memory_space<hbm>> -> memref<1x64xf32, #tpu.memory_space<hbm>>
        %dma_start3A_345 = tpu.memref_squeeze %dma_start3A_344 : memref<1x64xf32, #tpu.memory_space<hbm>> -> memref<64xf32, #tpu.memory_space<hbm>>
        tpu.enqueue_dma source(%dma_start3A_345 : memref<64xf32, #tpu.memory_space<hbm>>) target(%dma_start3A_342 : memref<64xf32, #tpu.memory_space<vmem>>) target_semaphore(%arg12 : memref<!tpu.dma_semaphore, #tpu.memory_space<semaphore_mem>>)
        %slice3A_346 = vector.extract_strided_slice %get3A_203 {offsets = [8], sizes = [1], strides = [1]} : vector<16xi32> to vector<1xi32>
        %squeeze3A_347 = vector.extract %slice3A_346[0] : i32 from vector<1xi32>
        %mul3A_348 = arith.constant 16 : i32
        %mul3A_349 = arith.muli %scan3A_199, %mul3A_348 : i32
        %add3A_350 = arith.constant 8 : i32
        %add3A_351 = arith.addi %mul3A_349, %add3A_350 : i32
        %dma_start3A_352 = arith.constant 0 : i32
        %dma_start3A_353 = tpu.memref_slice %arg7[%add3A_351, %dma_start3A_352] : memref<256x64xf32, #tpu.memory_space<vmem>> -> memref<1x64xf32, #tpu.memory_space<vmem>>
        %dma_start3A_354 = tpu.memref_squeeze %dma_start3A_353 : memref<1x64xf32, #tpu.memory_space<vmem>> -> memref<64xf32, #tpu.memory_space<vmem>>
        %dma_start3A_355 = arith.constant 0 : i32
        %dma_start3A_356 = tpu.memref_slice %arg3[%squeeze3A_347, %dma_start3A_355] : memref<1000000x64xf32, #tpu.memory_space<hbm>> -> memref<1x64xf32, #tpu.memory_space<hbm>>
        %dma_start3A_357 = tpu.memref_squeeze %dma_start3A_356 : memref<1x64xf32, #tpu.memory_space<hbm>> -> memref<64xf32, #tpu.memory_space<hbm>>
        %dma_start3A_358 = arith.constant 0 : i32
        %dma_start3A_359 = tpu.memref_slice %arg7[%add3A_351, %dma_start3A_358] : memref<256x64xf32, #tpu.memory_space<vmem>> -> memref<1x64xf32, #tpu.memory_space<vmem>>
        %dma_start3A_360 = tpu.memref_squeeze %dma_start3A_359 : memref<1x64xf32, #tpu.memory_space<vmem>> -> memref<64xf32, #tpu.memory_space<vmem>>
        %dma_start3A_361 = arith.constant 0 : i32
        %dma_start3A_362 = tpu.memref_slice %arg3[%squeeze3A_347, %dma_start3A_361] : memref<1000000x64xf32, #tpu.memory_space<hbm>> -> memref<1x64xf32, #tpu.memory_space<hbm>>
        %dma_start3A_363 = tpu.memref_squeeze %dma_start3A_362 : memref<1x64xf32, #tpu.memory_space<hbm>> -> memref<64xf32, #tpu.memory_space<hbm>>
        tpu.enqueue_dma source(%dma_start3A_363 : memref<64xf32, #tpu.memory_space<hbm>>) target(%dma_start3A_360 : memref<64xf32, #tpu.memory_space<vmem>>) target_semaphore(%arg12 : memref<!tpu.dma_semaphore, #tpu.memory_space<semaphore_mem>>)
        %slice3A_364 = vector.extract_strided_slice %get3A_203 {offsets = [9], sizes = [1], strides = [1]} : vector<16xi32> to vector<1xi32>
        %squeeze3A_365 = vector.extract %slice3A_364[0] : i32 from vector<1xi32>
        %mul3A_366 = arith.constant 16 : i32
        %mul3A_367 = arith.muli %scan3A_199, %mul3A_366 : i32
        %add3A_368 = arith.constant 9 : i32
        %add3A_369 = arith.addi %mul3A_367, %add3A_368 : i32
        %dma_start3A_370 = arith.constant 0 : i32
        %dma_start3A_371 = tpu.memref_slice %arg7[%add3A_369, %dma_start3A_370] : memref<256x64xf32, #tpu.memory_space<vmem>> -> memref<1x64xf32, #tpu.memory_space<vmem>>
        %dma_start3A_372 = tpu.memref_squeeze %dma_start3A_371 : memref<1x64xf32, #tpu.memory_space<vmem>> -> memref<64xf32, #tpu.memory_space<vmem>>
        %dma_start3A_373 = arith.constant 0 : i32
        %dma_start3A_374 = tpu.memref_slice %arg3[%squeeze3A_365, %dma_start3A_373] : memref<1000000x64xf32, #tpu.memory_space<hbm>> -> memref<1x64xf32, #tpu.memory_space<hbm>>
        %dma_start3A_375 = tpu.memref_squeeze %dma_start3A_374 : memref<1x64xf32, #tpu.memory_space<hbm>> -> memref<64xf32, #tpu.memory_space<hbm>>
        %dma_start3A_376 = arith.constant 0 : i32
        %dma_start3A_377 = tpu.memref_slice %arg7[%add3A_369, %dma_start3A_376] : memref<256x64xf32, #tpu.memory_space<vmem>> -> memref<1x64xf32, #tpu.memory_space<vmem>>
        %dma_start3A_378 = tpu.memref_squeeze %dma_start3A_377 : memref<1x64xf32, #tpu.memory_space<vmem>> -> memref<64xf32, #tpu.memory_space<vmem>>
        %dma_start3A_379 = arith.constant 0 : i32
        %dma_start3A_380 = tpu.memref_slice %arg3[%squeeze3A_365, %dma_start3A_379] : memref<1000000x64xf32, #tpu.memory_space<hbm>> -> memref<1x64xf32, #tpu.memory_space<hbm>>
        %dma_start3A_381 = tpu.memref_squeeze %dma_start3A_380 : memref<1x64xf32, #tpu.memory_space<hbm>> -> memref<64xf32, #tpu.memory_space<hbm>>
        tpu.enqueue_dma source(%dma_start3A_381 : memref<64xf32, #tpu.memory_space<hbm>>) target(%dma_start3A_378 : memref<64xf32, #tpu.memory_space<vmem>>) target_semaphore(%arg12 : memref<!tpu.dma_semaphore, #tpu.memory_space<semaphore_mem>>)
        %slice3A_382 = vector.extract_strided_slice %get3A_203 {offsets = [10], sizes = [1], strides = [1]} : vector<16xi32> to vector<1xi32>
        %squeeze3A_383 = vector.extract %slice3A_382[0] : i32 from vector<1xi32>
        %mul3A_384 = arith.constant 16 : i32
        %mul3A_385 = arith.muli %scan3A_199, %mul3A_384 : i32
        %add3A_386 = arith.constant 10 : i32
        %add3A_387 = arith.addi %mul3A_385, %add3A_386 : i32
        %dma_start3A_388 = arith.constant 0 : i32
        %dma_start3A_389 = tpu.memref_slice %arg7[%add3A_387, %dma_start3A_388] : memref<256x64xf32, #tpu.memory_space<vmem>> -> memref<1x64xf32, #tpu.memory_space<vmem>>
        %dma_start3A_390 = tpu.memref_squeeze %dma_start3A_389 : memref<1x64xf32, #tpu.memory_space<vmem>> -> memref<64xf32, #tpu.memory_space<vmem>>
        %dma_start3A_391 = arith.constant 0 : i32
        %dma_start3A_392 = tpu.memref_slice %arg3[%squeeze3A_383, %dma_start3A_391] : memref<1000000x64xf32, #tpu.memory_space<hbm>> -> memref<1x64xf32, #tpu.memory_space<hbm>>
        %dma_start3A_393 = tpu.memref_squeeze %dma_start3A_392 : memref<1x64xf32, #tpu.memory_space<hbm>> -> memref<64xf32, #tpu.memory_space<hbm>>
        %dma_start3A_394 = arith.constant 0 : i32
        %dma_start3A_395 = tpu.memref_slice %arg7[%add3A_387, %dma_start3A_394] : memref<256x64xf32, #tpu.memory_space<vmem>> -> memref<1x64xf32, #tpu.memory_space<vmem>>
        %dma_start3A_396 = tpu.memref_squeeze %dma_start3A_395 : memref<1x64xf32, #tpu.memory_space<vmem>> -> memref<64xf32, #tpu.memory_space<vmem>>
        %dma_start3A_397 = arith.constant 0 : i32
        %dma_start3A_398 = tpu.memref_slice %arg3[%squeeze3A_383, %dma_start3A_397] : memref<1000000x64xf32, #tpu.memory_space<hbm>> -> memref<1x64xf32, #tpu.memory_space<hbm>>
        %dma_start3A_399 = tpu.memref_squeeze %dma_start3A_398 : memref<1x64xf32, #tpu.memory_space<hbm>> -> memref<64xf32, #tpu.memory_space<hbm>>
        tpu.enqueue_dma source(%dma_start3A_399 : memref<64xf32, #tpu.memory_space<hbm>>) target(%dma_start3A_396 : memref<64xf32, #tpu.memory_space<vmem>>) target_semaphore(%arg12 : memref<!tpu.dma_semaphore, #tpu.memory_space<semaphore_mem>>)
        %slice3A_400 = vector.extract_strided_slice %get3A_203 {offsets = [11], sizes = [1], strides = [1]} : vector<16xi32> to vector<1xi32>
        %squeeze3A_401 = vector.extract %slice3A_400[0] : i32 from vector<1xi32>
        %mul3A_402 = arith.constant 16 : i32
        %mul3A_403 = arith.muli %scan3A_199, %mul3A_402 : i32
        %add3A_404 = arith.constant 11 : i32
        %add3A_405 = arith.addi %mul3A_403, %add3A_404 : i32
        %dma_start3A_406 = arith.constant 0 : i32
        %dma_start3A_407 = tpu.memref_slice %arg7[%add3A_405, %dma_start3A_406] : memref<256x64xf32, #tpu.memory_space<vmem>> -> memref<1x64xf32, #tpu.memory_space<vmem>>
        %dma_start3A_408 = tpu.memref_squeeze %dma_start3A_407 : memref<1x64xf32, #tpu.memory_space<vmem>> -> memref<64xf32, #tpu.memory_space<vmem>>
        %dma_start3A_409 = arith.constant 0 : i32
        %dma_start3A_410 = tpu.memref_slice %arg3[%squeeze3A_401, %dma_start3A_409] : memref<1000000x64xf32, #tpu.memory_space<hbm>> -> memref<1x64xf32, #tpu.memory_space<hbm>>
        %dma_start3A_411 = tpu.memref_squeeze %dma_start3A_410 : memref<1x64xf32, #tpu.memory_space<hbm>> -> memref<64xf32, #tpu.memory_space<hbm>>
        %dma_start3A_412 = arith.constant 0 : i32
        %dma_start3A_413 = tpu.memref_slice %arg7[%add3A_405, %dma_start3A_412] : memref<256x64xf32, #tpu.memory_space<vmem>> -> memref<1x64xf32, #tpu.memory_space<vmem>>
        %dma_start3A_414 = tpu.memref_squeeze %dma_start3A_413 : memref<1x64xf32, #tpu.memory_space<vmem>> -> memref<64xf32, #tpu.memory_space<vmem>>
        %dma_start3A_415 = arith.constant 0 : i32
        %dma_start3A_416 = tpu.memref_slice %arg3[%squeeze3A_401, %dma_start3A_415] : memref<1000000x64xf32, #tpu.memory_space<hbm>> -> memref<1x64xf32, #tpu.memory_space<hbm>>
        %dma_start3A_417 = tpu.memref_squeeze %dma_start3A_416 : memref<1x64xf32, #tpu.memory_space<hbm>> -> memref<64xf32, #tpu.memory_space<hbm>>
        tpu.enqueue_dma source(%dma_start3A_417 : memref<64xf32, #tpu.memory_space<hbm>>) target(%dma_start3A_414 : memref<64xf32, #tpu.memory_space<vmem>>) target_semaphore(%arg12 : memref<!tpu.dma_semaphore, #tpu.memory_space<semaphore_mem>>)
        %slice3A_418 = vector.extract_strided_slice %get3A_203 {offsets = [12], sizes = [1], strides = [1]} : vector<16xi32> to vector<1xi32>
        %squeeze3A_419 = vector.extract %slice3A_418[0] : i32 from vector<1xi32>
        %mul3A_420 = arith.constant 16 : i32
        %mul3A_421 = arith.muli %scan3A_199, %mul3A_420 : i32
        %add3A_422 = arith.constant 12 : i32
        %add3A_423 = arith.addi %mul3A_421, %add3A_422 : i32
        %dma_start3A_424 = arith.constant 0 : i32
        %dma_start3A_425 = tpu.memref_slice %arg7[%add3A_423, %dma_start3A_424] : memref<256x64xf32, #tpu.memory_space<vmem>> -> memref<1x64xf32, #tpu.memory_space<vmem>>
        %dma_start3A_426 = tpu.memref_squeeze %dma_start3A_425 : memref<1x64xf32, #tpu.memory_space<vmem>> -> memref<64xf32, #tpu.memory_space<vmem>>
        %dma_start3A_427 = arith.constant 0 : i32
        %dma_start3A_428 = tpu.memref_slice %arg3[%squeeze3A_419, %dma_start3A_427] : memref<1000000x64xf32, #tpu.memory_space<hbm>> -> memref<1x64xf32, #tpu.memory_space<hbm>>
        %dma_start3A_429 = tpu.memref_squeeze %dma_start3A_428 : memref<1x64xf32, #tpu.memory_space<hbm>> -> memref<64xf32, #tpu.memory_space<hbm>>
        %dma_start3A_430 = arith.constant 0 : i32
        %dma_start3A_431 = tpu.memref_slice %arg7[%add3A_423, %dma_start3A_430] : memref<256x64xf32, #tpu.memory_space<vmem>> -> memref<1x64xf32, #tpu.memory_space<vmem>>
        %dma_start3A_432 = tpu.memref_squeeze %dma_start3A_431 : memref<1x64xf32, #tpu.memory_space<vmem>> -> memref<64xf32, #tpu.memory_space<vmem>>
        %dma_start3A_433 = arith.constant 0 : i32
        %dma_start3A_434 = tpu.memref_slice %arg3[%squeeze3A_419, %dma_start3A_433] : memref<1000000x64xf32, #tpu.memory_space<hbm>> -> memref<1x64xf32, #tpu.memory_space<hbm>>
        %dma_start3A_435 = tpu.memref_squeeze %dma_start3A_434 : memref<1x64xf32, #tpu.memory_space<hbm>> -> memref<64xf32, #tpu.memory_space<hbm>>
        tpu.enqueue_dma source(%dma_start3A_435 : memref<64xf32, #tpu.memory_space<hbm>>) target(%dma_start3A_432 : memref<64xf32, #tpu.memory_space<vmem>>) target_semaphore(%arg12 : memref<!tpu.dma_semaphore, #tpu.memory_space<semaphore_mem>>)
        %slice3A_436 = vector.extract_strided_slice %get3A_203 {offsets = [13], sizes = [1], strides = [1]} : vector<16xi32> to vector<1xi32>
        %squeeze3A_437 = vector.extract %slice3A_436[0] : i32 from vector<1xi32>
        %mul3A_438 = arith.constant 16 : i32
        %mul3A_439 = arith.muli %scan3A_199, %mul3A_438 : i32
        %add3A_440 = arith.constant 13 : i32
        %add3A_441 = arith.addi %mul3A_439, %add3A_440 : i32
        %dma_start3A_442 = arith.constant 0 : i32
        %dma_start3A_443 = tpu.memref_slice %arg7[%add3A_441, %dma_start3A_442] : memref<256x64xf32, #tpu.memory_space<vmem>> -> memref<1x64xf32, #tpu.memory_space<vmem>>
        %dma_start3A_444 = tpu.memref_squeeze %dma_start3A_443 : memref<1x64xf32, #tpu.memory_space<vmem>> -> memref<64xf32, #tpu.memory_space<vmem>>
        %dma_start3A_445 = arith.constant 0 : i32
        %dma_start3A_446 = tpu.memref_slice %arg3[%squeeze3A_437, %dma_start3A_445] : memref<1000000x64xf32, #tpu.memory_space<hbm>> -> memref<1x64xf32, #tpu.memory_space<hbm>>
        %dma_start3A_447 = tpu.memref_squeeze %dma_start3A_446 : memref<1x64xf32, #tpu.memory_space<hbm>> -> memref<64xf32, #tpu.memory_space<hbm>>
        %dma_start3A_448 = arith.constant 0 : i32
        %dma_start3A_449 = tpu.memref_slice %arg7[%add3A_441, %dma_start3A_448] : memref<256x64xf32, #tpu.memory_space<vmem>> -> memref<1x64xf32, #tpu.memory_space<vmem>>
        %dma_start3A_450 = tpu.memref_squeeze %dma_start3A_449 : memref<1x64xf32, #tpu.memory_space<vmem>> -> memref<64xf32, #tpu.memory_space<vmem>>
        %dma_start3A_451 = arith.constant 0 : i32
        %dma_start3A_452 = tpu.memref_slice %arg3[%squeeze3A_437, %dma_start3A_451] : memref<1000000x64xf32, #tpu.memory_space<hbm>> -> memref<1x64xf32, #tpu.memory_space<hbm>>
        %dma_start3A_453 = tpu.memref_squeeze %dma_start3A_452 : memref<1x64xf32, #tpu.memory_space<hbm>> -> memref<64xf32, #tpu.memory_space<hbm>>
        tpu.enqueue_dma source(%dma_start3A_453 : memref<64xf32, #tpu.memory_space<hbm>>) target(%dma_start3A_450 : memref<64xf32, #tpu.memory_space<vmem>>) target_semaphore(%arg12 : memref<!tpu.dma_semaphore, #tpu.memory_space<semaphore_mem>>)
        %slice3A_454 = vector.extract_strided_slice %get3A_203 {offsets = [14], sizes = [1], strides = [1]} : vector<16xi32> to vector<1xi32>
        %squeeze3A_455 = vector.extract %slice3A_454[0] : i32 from vector<1xi32>
        %mul3A_456 = arith.constant 16 : i32
        %mul3A_457 = arith.muli %scan3A_199, %mul3A_456 : i32
        %add3A_458 = arith.constant 14 : i32
        %add3A_459 = arith.addi %mul3A_457, %add3A_458 : i32
        %dma_start3A_460 = arith.constant 0 : i32
        %dma_start3A_461 = tpu.memref_slice %arg7[%add3A_459, %dma_start3A_460] : memref<256x64xf32, #tpu.memory_space<vmem>> -> memref<1x64xf32, #tpu.memory_space<vmem>>
        %dma_start3A_462 = tpu.memref_squeeze %dma_start3A_461 : memref<1x64xf32, #tpu.memory_space<vmem>> -> memref<64xf32, #tpu.memory_space<vmem>>
        %dma_start3A_463 = arith.constant 0 : i32
        %dma_start3A_464 = tpu.memref_slice %arg3[%squeeze3A_455, %dma_start3A_463] : memref<1000000x64xf32, #tpu.memory_space<hbm>> -> memref<1x64xf32, #tpu.memory_space<hbm>>
        %dma_start3A_465 = tpu.memref_squeeze %dma_start3A_464 : memref<1x64xf32, #tpu.memory_space<hbm>> -> memref<64xf32, #tpu.memory_space<hbm>>
        %dma_start3A_466 = arith.constant 0 : i32
        %dma_start3A_467 = tpu.memref_slice %arg7[%add3A_459, %dma_start3A_466] : memref<256x64xf32, #tpu.memory_space<vmem>> -> memref<1x64xf32, #tpu.memory_space<vmem>>
        %dma_start3A_468 = tpu.memref_squeeze %dma_start3A_467 : memref<1x64xf32, #tpu.memory_space<vmem>> -> memref<64xf32, #tpu.memory_space<vmem>>
        %dma_start3A_469 = arith.constant 0 : i32
        %dma_start3A_470 = tpu.memref_slice %arg3[%squeeze3A_455, %dma_start3A_469] : memref<1000000x64xf32, #tpu.memory_space<hbm>> -> memref<1x64xf32, #tpu.memory_space<hbm>>
        %dma_start3A_471 = tpu.memref_squeeze %dma_start3A_470 : memref<1x64xf32, #tpu.memory_space<hbm>> -> memref<64xf32, #tpu.memory_space<hbm>>
        tpu.enqueue_dma source(%dma_start3A_471 : memref<64xf32, #tpu.memory_space<hbm>>) target(%dma_start3A_468 : memref<64xf32, #tpu.memory_space<vmem>>) target_semaphore(%arg12 : memref<!tpu.dma_semaphore, #tpu.memory_space<semaphore_mem>>)
        %slice3A_472 = vector.extract_strided_slice %get3A_203 {offsets = [15], sizes = [1], strides = [1]} : vector<16xi32> to vector<1xi32>
        %squeeze3A_473 = vector.extract %slice3A_472[0] : i32 from vector<1xi32>
        %mul3A_474 = arith.constant 16 : i32
        %mul3A_475 = arith.muli %scan3A_199, %mul3A_474 : i32
        %add3A_476 = arith.constant 15 : i32
        %add3A_477 = arith.addi %mul3A_475, %add3A_476 : i32
        %dma_start3A_478 = arith.constant 0 : i32
        %dma_start3A_479 = tpu.memref_slice %arg7[%add3A_477, %dma_start3A_478] : memref<256x64xf32, #tpu.memory_space<vmem>> -> memref<1x64xf32, #tpu.memory_space<vmem>>
        %dma_start3A_480 = tpu.memref_squeeze %dma_start3A_479 : memref<1x64xf32, #tpu.memory_space<vmem>> -> memref<64xf32, #tpu.memory_space<vmem>>
        %dma_start3A_481 = arith.constant 0 : i32
        %dma_start3A_482 = tpu.memref_slice %arg3[%squeeze3A_473, %dma_start3A_481] : memref<1000000x64xf32, #tpu.memory_space<hbm>> -> memref<1x64xf32, #tpu.memory_space<hbm>>
        %dma_start3A_483 = tpu.memref_squeeze %dma_start3A_482 : memref<1x64xf32, #tpu.memory_space<hbm>> -> memref<64xf32, #tpu.memory_space<hbm>>
        %dma_start3A_484 = arith.constant 0 : i32
        %dma_start3A_485 = tpu.memref_slice %arg7[%add3A_477, %dma_start3A_484] : memref<256x64xf32, #tpu.memory_space<vmem>> -> memref<1x64xf32, #tpu.memory_space<vmem>>
        %dma_start3A_486 = tpu.memref_squeeze %dma_start3A_485 : memref<1x64xf32, #tpu.memory_space<vmem>> -> memref<64xf32, #tpu.memory_space<vmem>>
        %dma_start3A_487 = arith.constant 0 : i32
        %dma_start3A_488 = tpu.memref_slice %arg3[%squeeze3A_473, %dma_start3A_487] : memref<1000000x64xf32, #tpu.memory_space<hbm>> -> memref<1x64xf32, #tpu.memory_space<hbm>>
        %dma_start3A_489 = tpu.memref_squeeze %dma_start3A_488 : memref<1x64xf32, #tpu.memory_space<hbm>> -> memref<64xf32, #tpu.memory_space<hbm>>
        tpu.enqueue_dma source(%dma_start3A_489 : memref<64xf32, #tpu.memory_space<hbm>>) target(%dma_start3A_486 : memref<64xf32, #tpu.memory_space<vmem>>) target_semaphore(%arg12 : memref<!tpu.dma_semaphore, #tpu.memory_space<semaphore_mem>>)
      }
      %scan3A_198 = arith.constant 16 : i32
    }
    %scan3A_77 = arith.constant 48 : i32
    %dma_wait3A_78 = arith.constant 0 : i32
    %dma_wait3A_79 = tpu.memref_slice %arg2[%dma_wait3A_78] : memref<819200xi32, #tpu.memory_space<hbm>> -> memref<32768xi32, #tpu.memory_space<hbm>>
    %dma_wait3A_80 = arith.constant 0 : i32
    %dma_wait3A_81 = tpu.memref_slice %arg2[%dma_wait3A_80] : memref<819200xi32, #tpu.memory_space<hbm>> -> memref<32768xi32, #tpu.memory_space<hbm>>
    tpu.wait_dma2 semaphore(%arg12 : memref<!tpu.dma_semaphore, #tpu.memory_space<semaphore_mem>>) src(%dma_wait3A_81 : memref<32768xi32, #tpu.memory_space<hbm>>) dst(%arg9 : memref<32768xi32, #tpu.memory_space<vmem>>)
    %add3A_82 = arith.constant 25088 : i32
    %add3A_83 = arith.addi %mul3A_2, %add3A_82 : i32
    %dma_start3A_84 = arith.constant 0 : i32
    %dma_start3A_85 = tpu.memref_slice %arg4[%add3A_83, %dma_start3A_84] : memref<819200x64xf32, #tpu.memory_space<hbm>> -> memref<256x64xf32, #tpu.memory_space<hbm>>
    %dma_start3A_86 = arith.constant 0 : i32
    %dma_start3A_87 = tpu.memref_slice %arg4[%add3A_83, %dma_start3A_86] : memref<819200x64xf32, #tpu.memory_space<hbm>> -> memref<256x64xf32, #tpu.memory_space<hbm>>
    tpu.enqueue_dma source(%arg7 : memref<256x64xf32, #tpu.memory_space<vmem>>) target(%dma_start3A_87 : memref<256x64xf32, #tpu.memory_space<hbm>>) target_semaphore(%arg14 : memref<!tpu.dma_semaphore, #tpu.memory_space<semaphore_mem>>)
    %dma_wait3A_88 = arith.constant 0 : i32
    %dma_wait3A_89 = arith.constant 0 : i32
    %dma_wait3A_90 = tpu.memref_slice %arg4[%dma_wait3A_88, %dma_wait3A_89] : memref<819200x64xf32, #tpu.memory_space<hbm>> -> memref<256x64xf32, #tpu.memory_space<hbm>>
    %dma_wait3A_91 = arith.constant 0 : i32
    %dma_wait3A_92 = arith.constant 0 : i32
    %dma_wait3A_93 = tpu.memref_slice %arg4[%dma_wait3A_91, %dma_wait3A_92] : memref<819200x64xf32, #tpu.memory_space<hbm>> -> memref<256x64xf32, #tpu.memory_space<hbm>>
    tpu.wait_dma2 semaphore(%arg15 : memref<!tpu.dma_semaphore, #tpu.memory_space<semaphore_mem>>) src(%arg8 : memref<256x64xf32, #tpu.memory_space<vmem>>) dst(%dma_wait3A_93 : memref<256x64xf32, #tpu.memory_space<hbm>>)
    %dma_wait3A_94 = arith.constant 0 : i32
    %dma_wait3A_95 = tpu.memref_slice %arg2[%dma_wait3A_94] : memref<819200xi32, #tpu.memory_space<hbm>> -> memref<256xi32, #tpu.memory_space<hbm>>
    %dma_wait3A_96 = arith.constant 0 : i32
    %dma_wait3A_97 = tpu.memref_slice %arg2[%dma_wait3A_96] : memref<819200xi32, #tpu.memory_space<hbm>> -> memref<256xi32, #tpu.memory_space<hbm>>
    tpu.wait_dma2 semaphore(%arg11 : memref<!tpu.dma_semaphore, #tpu.memory_space<semaphore_mem>>) src(%dma_wait3A_97 : memref<256xi32, #tpu.memory_space<hbm>>) dst(%arg6 : memref<256xi32, #tpu.memory_space<vmem>>)
    %scan3A_98 = arith.constant 0 : i32
    %scan3A_99 = arith.constant 0 : i32
    %scan3A_100 = arith.constant 16 : i32
    %scan3A_101 = arith.addi %scan3A_99, %scan3A_100 : i32
    %scan3A_102 = arith.constant 1 : i32
    scf.for %scan3A_126 = %scan3A_99 to %scan3A_101 step %scan3A_102  : i32 {
      %mul3A_127 = arith.constant 16 : i32
      %mul3A_128 = arith.muli %scan3A_126, %mul3A_127 : i32
      %get3A = arith.index_cast %mul3A_128 : i32 to index
      %get3A_129 = tpu.vector_load %arg6[%get3A] {strides = array<i32>} : memref<256xi32, #tpu.memory_space<vmem>>, vector<16xi32>,
      %get3A_130 = vector.shape_cast %get3A_129 : vector<16xi32> to vector<16xi32>
      %slice3A = vector.extract_strided_slice %get3A_130 {offsets = [0], sizes = [1], strides = [1]} : vector<16xi32> to vector<1xi32>
      %squeeze3A = vector.extract %slice3A[0] : i32 from vector<1xi32>
      %mul3A_131 = arith.constant 16 : i32
      %mul3A_132 = arith.muli %scan3A_126, %mul3A_131 : i32
      %add3A_133 = arith.constant 0 : i32
      %add3A_134 = arith.addi %mul3A_132, %add3A_133 : i32
      %dma_start3A_135 = arith.constant 0 : i32
      %dma_start3A_136 = tpu.memref_slice %arg8[%add3A_134, %dma_start3A_135] : memref<256x64xf32, #tpu.memory_space<vmem>> -> memref<1x64xf32, #tpu.memory_space<vmem>>
      %dma_start3A_137 = tpu.memref_squeeze %dma_start3A_136 : memref<1x64xf32, #tpu.memory_space<vmem>> -> memref<64xf32, #tpu.memory_space<vmem>>
      %dma_start3A_138 = arith.constant 0 : i32
      %dma_start3A_139 = tpu.memref_slice %arg3[%squeeze3A, %dma_start3A_138] : memref<1000000x64xf32, #tpu.memory_space<hbm>> -> memref<1x64xf32, #tpu.memory_space<hbm>>
      %dma_start3A_140 = tpu.memref_squeeze %dma_start3A_139 : memref<1x64xf32, #tpu.memory_space<hbm>> -> memref<64xf32, #tpu.memory_space<hbm>>
      %dma_start3A_141 = arith.constant 0 : i32
      %dma_start3A_142 = tpu.memref_slice %arg8[%add3A_134, %dma_start3A_141] : memref<256x64xf32, #tpu.memory_space<vmem>> -> memref<1x64xf32, #tpu.memory_space<vmem>>
      %dma_start3A_143 = tpu.memref_squeeze %dma_start3A_142 : memref<1x64xf32, #tpu.memory_space<vmem>> -> memref<64xf32, #tpu.memory_space<vmem>>
      %dma_start3A_144 = arith.constant 0 : i32
      %dma_start3A_145 = tpu.memref_slice %arg3[%squeeze3A, %dma_start3A_144] : memref<1000000x64xf32, #tpu.memory_space<hbm>> -> memref<1x64xf32, #tpu.memory_space<hbm>>
      %dma_start3A_146 = tpu.memref_squeeze %dma_start3A_145 : memref<1x64xf32, #tpu.memory_space<hbm>> -> memref<64xf32, #tpu.memory_space<hbm>>
      tpu.enqueue_dma source(%dma_start3A_146 : memref<64xf32, #tpu.memory_space<hbm>>) target(%dma_start3A_143 : memref<64xf32, #tpu.memory_space<vmem>>) target_semaphore(%arg13 : memref<!tpu.dma_semaphore, #tpu.memory_space<semaphore_mem>>)
      %slice3A_147 = vector.extract_strided_slice %get3A_130 {offsets = [1], sizes = [1], strides = [1]} : vector<16xi32> to vector<1xi32>
      %squeeze3A_148 = vector.extract %slice3A_147[0] : i32 from vector<1xi32>
      %mul3A_149 = arith.constant 16 : i32
      %mul3A_150 = arith.muli %scan3A_126, %mul3A_149 : i32
      %add3A_151 = arith.constant 1 : i32
      %add3A_152 = arith.addi %mul3A_150, %add3A_151 : i32
      %dma_start3A_153 = arith.constant 0 : i32
      %dma_start3A_154 = tpu.memref_slice %arg8[%add3A_152, %dma_start3A_153] : memref<256x64xf32, #tpu.memory_space<vmem>> -> memref<1x64xf32, #tpu.memory_space<vmem>>
      %dma_start3A_155 = tpu.memref_squeeze %dma_start3A_154 : memref<1x64xf32, #tpu.memory_space<vmem>> -> memref<64xf32, #tpu.memory_space<vmem>>
      %dma_start3A_156 = arith.constant 0 : i32
      %dma_start3A_157 = tpu.memref_slice %arg3[%squeeze3A_148, %dma_start3A_156] : memref<1000000x64xf32, #tpu.memory_space<hbm>> -> memref<1x64xf32, #tpu.memory_space<hbm>>
      %dma_start3A_158 = tpu.memref_squeeze %dma_start3A_157 : memref<1x64xf32, #tpu.memory_space<hbm>> -> memref<64xf32, #tpu.memory_space<hbm>>
      %dma_start3A_159 = arith.constant 0 : i32
      %dma_start3A_160 = tpu.memref_slice %arg8[%add3A_152, %dma_start3A_159] : memref<256x64xf32, #tpu.memory_space<vmem>> -> memref<1x64xf32, #tpu.memory_space<vmem>>
      %dma_start3A_161 = tpu.memref_squeeze %dma_start3A_160 : memref<1x64xf32, #tpu.memory_space<vmem>> -> memref<64xf32, #tpu.memory_space<vmem>>
      %dma_start3A_162 = arith.constant 0 : i32
      %dma_start3A_163 = tpu.memref_slice %arg3[%squeeze3A_148, %dma_start3A_162] : memref<1000000x64xf32, #tpu.memory_space<hbm>> -> memref<1x64xf32, #tpu.memory_space<hbm>>
      %dma_start3A_164 = tpu.memref_squeeze %dma_start3A_163 : memref<1x64xf32, #tpu.memory_space<hbm>> -> memref<64xf32, #tpu.memory_space<hbm>>
      tpu.enqueue_dma source(%dma_start3A_164 : memref<64xf32, #tpu.memory_space<hbm>>) target(%dma_start3A_161 : memref<64xf32, #tpu.memory_space<vmem>>) target_semaphore(%arg13 : memref<!tpu.dma_semaphore, #tpu.memory_space<semaphore_mem>>)
      %slice3A_165 = vector.extract_strided_slice %get3A_130 {offsets = [2], sizes = [1], strides = [1]} : vector<16xi32> to vector<1xi32>
      %squeeze3A_166 = vector.extract %slice3A_165[0] : i32 from vector<1xi32>
      %mul3A_167 = arith.constant 16 : i32
      %mul3A_168 = arith.muli %scan3A_126, %mul3A_167 : i32
      %add3A_169 = arith.constant 2 : i32
      %add3A_170 = arith.addi %mul3A_168, %add3A_169 : i32
      %dma_start3A_171 = arith.constant 0 : i32
      %dma_start3A_172 = tpu.memref_slice %arg8[%add3A_170, %dma_start3A_171] : memref<256x64xf32, #tpu.memory_space<vmem>> -> memref<1x64xf32, #tpu.memory_space<vmem>>
      %dma_start3A_173 = tpu.memref_squeeze %dma_start3A_172 : memref<1x64xf32, #tpu.memory_space<vmem>> -> memref<64xf32, #tpu.memory_space<vmem>>
      %dma_start3A_174 = arith.constant 0 : i32
      %dma_start3A_175 = tpu.memref_slice %arg3[%squeeze3A_166, %dma_start3A_174] : memref<1000000x64xf32, #tpu.memory_space<hbm>> -> memref<1x64xf32, #tpu.memory_space<hbm>>
      %dma_start3A_176 = tpu.memref_squeeze %dma_start3A_175 : memref<1x64xf32, #tpu.memory_space<hbm>> -> memref<64xf32, #tpu.memory_space<hbm>>
      %dma_start3A_177 = arith.constant 0 : i32
      %dma_start3A_178 = tpu.memref_slice %arg8[%add3A_170, %dma_start3A_177] : memref<256x64xf32, #tpu.memory_space<vmem>> -> memref<1x64xf32, #tpu.memory_space<vmem>>
      %dma_start3A_179 = tpu.memref_squeeze %dma_start3A_178 : memref<1x64xf32, #tpu.memory_space<vmem>> -> memref<64xf32, #tpu.memory_space<vmem>>
      %dma_start3A_180 = arith.constant 0 : i32
      %dma_start3A_181 = tpu.memref_slice %arg3[%squeeze3A_166, %dma_start3A_180] : memref<1000000x64xf32, #tpu.memory_space<hbm>> -> memref<1x64xf32, #tpu.memory_space<hbm>>
      %dma_start3A_182 = tpu.memref_squeeze %dma_start3A_181 : memref<1x64xf32, #tpu.memory_space<hbm>> -> memref<64xf32, #tpu.memory_space<hbm>>
      tpu.enqueue_dma source(%dma_start3A_182 : memref<64xf32, #tpu.memory_space<hbm>>) target(%dma_start3A_179 : memref<64xf32, #tpu.memory_space<vmem>>) target_semaphore(%arg13 : memref<!tpu.dma_semaphore, #tpu.memory_space<semaphore_mem>>)
      %slice3A_183 = vector.extract_strided_slice %get3A_130 {offsets = [3], sizes = [1], strides = [1]} : vector<16xi32> to vector<1xi32>
      %squeeze3A_184 = vector.extract %slice3A_183[0] : i32 from vector<1xi32>
      %mul3A_185 = arith.constant 16 : i32
      %mul3A_186 = arith.muli %scan3A_126, %mul3A_185 : i32
      %add3A_187 = arith.constant 3 : i32
      %add3A_188 = arith.addi %mul3A_186, %add3A_187 : i32
      %dma_start3A_189 = arith.constant 0 : i32
      %dma_start3A_190 = tpu.memref_slice %arg8[%add3A_188, %dma_start3A_189] : memref<256x64xf32, #tpu.memory_space<vmem>> -> memref<1x64xf32, #tpu.memory_space<vmem>>
      %dma_start3A_191 = tpu.memref_squeeze %dma_start3A_190 : memref<1x64xf32, #tpu.memory_space<vmem>> -> memref<64xf32, #tpu.memory_space<vmem>>
      %dma_start3A_192 = arith.constant 0 : i32
      %dma_start3A_193 = tpu.memref_slice %arg3[%squeeze3A_184, %dma_start3A_192] : memref<1000000x64xf32, #tpu.memory_space<hbm>> -> memref<1x64xf32, #tpu.memory_space<hbm>>
      %dma_start3A_194 = tpu.memref_squeeze %dma_start3A_193 : memref<1x64xf32, #tpu.memory_space<hbm>> -> memref<64xf32, #tpu.memory_space<hbm>>
      %dma_start3A_195 = arith.constant 0 : i32
      %dma_start3A_196 = tpu.memref_slice %arg8[%add3A_188, %dma_start3A_195] : memref<256x64xf32, #tpu.memory_space<vmem>> -> memref<1x64xf32, #tpu.memory_space<vmem>>
      %dma_start3A_197 = tpu.memref_squeeze %dma_start3A_196 : memref<1x64xf32, #tpu.memory_space<vmem>> -> memref<64xf32, #tpu.memory_space<vmem>>
      %dma_start3A_198 = arith.constant 0 : i32
      %dma_start3A_199 = tpu.memref_slice %arg3[%squeeze3A_184, %dma_start3A_198] : memref<1000000x64xf32, #tpu.memory_space<hbm>> -> memref<1x64xf32, #tpu.memory_space<hbm>>
      %dma_start3A_200 = tpu.memref_squeeze %dma_start3A_199 : memref<1x64xf32, #tpu.memory_space<hbm>> -> memref<64xf32, #tpu.memory_space<hbm>>
      tpu.enqueue_dma source(%dma_start3A_200 : memref<64xf32, #tpu.memory_space<hbm>>) target(%dma_start3A_197 : memref<64xf32, #tpu.memory_space<vmem>>) target_semaphore(%arg13 : memref<!tpu.dma_semaphore, #tpu.memory_space<semaphore_mem>>)
      %slice3A_201 = vector.extract_strided_slice %get3A_130 {offsets = [4], sizes = [1], strides = [1]} : vector<16xi32> to vector<1xi32>
      %squeeze3A_202 = vector.extract %slice3A_201[0] : i32 from vector<1xi32>
      %mul3A_203 = arith.constant 16 : i32
      %mul3A_204 = arith.muli %scan3A_126, %mul3A_203 : i32
      %add3A_205 = arith.constant 4 : i32
      %add3A_206 = arith.addi %mul3A_204, %add3A_205 : i32
      %dma_start3A_207 = arith.constant 0 : i32
      %dma_start3A_208 = tpu.memref_slice %arg8[%add3A_206, %dma_start3A_207] : memref<256x64xf32, #tpu.memory_space<vmem>> -> memref<1x64xf32, #tpu.memory_space<vmem>>
      %dma_start3A_209 = tpu.memref_squeeze %dma_start3A_208 : memref<1x64xf32, #tpu.memory_space<vmem>> -> memref<64xf32, #tpu.memory_space<vmem>>
      %dma_start3A_210 = arith.constant 0 : i32
      %dma_start3A_211 = tpu.memref_slice %arg3[%squeeze3A_202, %dma_start3A_210] : memref<1000000x64xf32, #tpu.memory_space<hbm>> -> memref<1x64xf32, #tpu.memory_space<hbm>>
      %dma_start3A_212 = tpu.memref_squeeze %dma_start3A_211 : memref<1x64xf32, #tpu.memory_space<hbm>> -> memref<64xf32, #tpu.memory_space<hbm>>
      %dma_start3A_213 = arith.constant 0 : i32
      %dma_start3A_214 = tpu.memref_slice %arg8[%add3A_206, %dma_start3A_213] : memref<256x64xf32, #tpu.memory_space<vmem>> -> memref<1x64xf32, #tpu.memory_space<vmem>>
      %dma_start3A_215 = tpu.memref_squeeze %dma_start3A_214 : memref<1x64xf32, #tpu.memory_space<vmem>> -> memref<64xf32, #tpu.memory_space<vmem>>
      %dma_start3A_216 = arith.constant 0 : i32
      %dma_start3A_217 = tpu.memref_slice %arg3[%squeeze3A_202, %dma_start3A_216] : memref<1000000x64xf32, #tpu.memory_space<hbm>> -> memref<1x64xf32, #tpu.memory_space<hbm>>
      %dma_start3A_218 = tpu.memref_squeeze %dma_start3A_217 : memref<1x64xf32, #tpu.memory_space<hbm>> -> memref<64xf32, #tpu.memory_space<hbm>>
      tpu.enqueue_dma source(%dma_start3A_218 : memref<64xf32, #tpu.memory_space<hbm>>) target(%dma_start3A_215 : memref<64xf32, #tpu.memory_space<vmem>>) target_semaphore(%arg13 : memref<!tpu.dma_semaphore, #tpu.memory_space<semaphore_mem>>)
      %slice3A_219 = vector.extract_strided_slice %get3A_130 {offsets = [5], sizes = [1], strides = [1]} : vector<16xi32> to vector<1xi32>
      %squeeze3A_220 = vector.extract %slice3A_219[0] : i32 from vector<1xi32>
      %mul3A_221 = arith.constant 16 : i32
      %mul3A_222 = arith.muli %scan3A_126, %mul3A_221 : i32
      %add3A_223 = arith.constant 5 : i32
      %add3A_224 = arith.addi %mul3A_222, %add3A_223 : i32
      %dma_start3A_225 = arith.constant 0 : i32
      %dma_start3A_226 = tpu.memref_slice %arg8[%add3A_224, %dma_start3A_225] : memref<256x64xf32, #tpu.memory_space<vmem>> -> memref<1x64xf32, #tpu.memory_space<vmem>>
      %dma_start3A_227 = tpu.memref_squeeze %dma_start3A_226 : memref<1x64xf32, #tpu.memory_space<vmem>> -> memref<64xf32, #tpu.memory_space<vmem>>
      %dma_start3A_228 = arith.constant 0 : i32
      %dma_start3A_229 = tpu.memref_slice %arg3[%squeeze3A_220, %dma_start3A_228] : memref<1000000x64xf32, #tpu.memory_space<hbm>> -> memref<1x64xf32, #tpu.memory_space<hbm>>
      %dma_start3A_230 = tpu.memref_squeeze %dma_start3A_229 : memref<1x64xf32, #tpu.memory_space<hbm>> -> memref<64xf32, #tpu.memory_space<hbm>>
      %dma_start3A_231 = arith.constant 0 : i32
      %dma_start3A_232 = tpu.memref_slice %arg8[%add3A_224, %dma_start3A_231] : memref<256x64xf32, #tpu.memory_space<vmem>> -> memref<1x64xf32, #tpu.memory_space<vmem>>
      %dma_start3A_233 = tpu.memref_squeeze %dma_start3A_232 : memref<1x64xf32, #tpu.memory_space<vmem>> -> memref<64xf32, #tpu.memory_space<vmem>>
      %dma_start3A_234 = arith.constant 0 : i32
      %dma_start3A_235 = tpu.memref_slice %arg3[%squeeze3A_220, %dma_start3A_234] : memref<1000000x64xf32, #tpu.memory_space<hbm>> -> memref<1x64xf32, #tpu.memory_space<hbm>>
      %dma_start3A_236 = tpu.memref_squeeze %dma_start3A_235 : memref<1x64xf32, #tpu.memory_space<hbm>> -> memref<64xf32, #tpu.memory_space<hbm>>
      tpu.enqueue_dma source(%dma_start3A_236 : memref<64xf32, #tpu.memory_space<hbm>>) target(%dma_start3A_233 : memref<64xf32, #tpu.memory_space<vmem>>) target_semaphore(%arg13 : memref<!tpu.dma_semaphore, #tpu.memory_space<semaphore_mem>>)
      %slice3A_237 = vector.extract_strided_slice %get3A_130 {offsets = [6], sizes = [1], strides = [1]} : vector<16xi32> to vector<1xi32>
      %squeeze3A_238 = vector.extract %slice3A_237[0] : i32 from vector<1xi32>
      %mul3A_239 = arith.constant 16 : i32
      %mul3A_240 = arith.muli %scan3A_126, %mul3A_239 : i32
      %add3A_241 = arith.constant 6 : i32
      %add3A_242 = arith.addi %mul3A_240, %add3A_241 : i32
      %dma_start3A_243 = arith.constant 0 : i32
      %dma_start3A_244 = tpu.memref_slice %arg8[%add3A_242, %dma_start3A_243] : memref<256x64xf32, #tpu.memory_space<vmem>> -> memref<1x64xf32, #tpu.memory_space<vmem>>
      %dma_start3A_245 = tpu.memref_squeeze %dma_start3A_244 : memref<1x64xf32, #tpu.memory_space<vmem>> -> memref<64xf32, #tpu.memory_space<vmem>>
      %dma_start3A_246 = arith.constant 0 : i32
      %dma_start3A_247 = tpu.memref_slice %arg3[%squeeze3A_238, %dma_start3A_246] : memref<1000000x64xf32, #tpu.memory_space<hbm>> -> memref<1x64xf32, #tpu.memory_space<hbm>>
      %dma_start3A_248 = tpu.memref_squeeze %dma_start3A_247 : memref<1x64xf32, #tpu.memory_space<hbm>> -> memref<64xf32, #tpu.memory_space<hbm>>
      %dma_start3A_249 = arith.constant 0 : i32
      %dma_start3A_250 = tpu.memref_slice %arg8[%add3A_242, %dma_start3A_249] : memref<256x64xf32, #tpu.memory_space<vmem>> -> memref<1x64xf32, #tpu.memory_space<vmem>>
      %dma_start3A_251 = tpu.memref_squeeze %dma_start3A_250 : memref<1x64xf32, #tpu.memory_space<vmem>> -> memref<64xf32, #tpu.memory_space<vmem>>
      %dma_start3A_252 = arith.constant 0 : i32
      %dma_start3A_253 = tpu.memref_slice %arg3[%squeeze3A_238, %dma_start3A_252] : memref<1000000x64xf32, #tpu.memory_space<hbm>> -> memref<1x64xf32, #tpu.memory_space<hbm>>
      %dma_start3A_254 = tpu.memref_squeeze %dma_start3A_253 : memref<1x64xf32, #tpu.memory_space<hbm>> -> memref<64xf32, #tpu.memory_space<hbm>>
      tpu.enqueue_dma source(%dma_start3A_254 : memref<64xf32, #tpu.memory_space<hbm>>) target(%dma_start3A_251 : memref<64xf32, #tpu.memory_space<vmem>>) target_semaphore(%arg13 : memref<!tpu.dma_semaphore, #tpu.memory_space<semaphore_mem>>)
      %slice3A_255 = vector.extract_strided_slice %get3A_130 {offsets = [7], sizes = [1], strides = [1]} : vector<16xi32> to vector<1xi32>
      %squeeze3A_256 = vector.extract %slice3A_255[0] : i32 from vector<1xi32>
      %mul3A_257 = arith.constant 16 : i32
      %mul3A_258 = arith.muli %scan3A_126, %mul3A_257 : i32
      %add3A_259 = arith.constant 7 : i32
      %add3A_260 = arith.addi %mul3A_258, %add3A_259 : i32
      %dma_start3A_261 = arith.constant 0 : i32
      %dma_start3A_262 = tpu.memref_slice %arg8[%add3A_260, %dma_start3A_261] : memref<256x64xf32, #tpu.memory_space<vmem>> -> memref<1x64xf32, #tpu.memory_space<vmem>>
      %dma_start3A_263 = tpu.memref_squeeze %dma_start3A_262 : memref<1x64xf32, #tpu.memory_space<vmem>> -> memref<64xf32, #tpu.memory_space<vmem>>
      %dma_start3A_264 = arith.constant 0 : i32
      %dma_start3A_265 = tpu.memref_slice %arg3[%squeeze3A_256, %dma_start3A_264] : memref<1000000x64xf32, #tpu.memory_space<hbm>> -> memref<1x64xf32, #tpu.memory_space<hbm>>
      %dma_start3A_266 = tpu.memref_squeeze %dma_start3A_265 : memref<1x64xf32, #tpu.memory_space<hbm>> -> memref<64xf32, #tpu.memory_space<hbm>>
      %dma_start3A_267 = arith.constant 0 : i32
      %dma_start3A_268 = tpu.memref_slice %arg8[%add3A_260, %dma_start3A_267] : memref<256x64xf32, #tpu.memory_space<vmem>> -> memref<1x64xf32, #tpu.memory_space<vmem>>
      %dma_start3A_269 = tpu.memref_squeeze %dma_start3A_268 : memref<1x64xf32, #tpu.memory_space<vmem>> -> memref<64xf32, #tpu.memory_space<vmem>>
      %dma_start3A_270 = arith.constant 0 : i32
      %dma_start3A_271 = tpu.memref_slice %arg3[%squeeze3A_256, %dma_start3A_270] : memref<1000000x64xf32, #tpu.memory_space<hbm>> -> memref<1x64xf32, #tpu.memory_space<hbm>>
      %dma_start3A_272 = tpu.memref_squeeze %dma_start3A_271 : memref<1x64xf32, #tpu.memory_space<hbm>> -> memref<64xf32, #tpu.memory_space<hbm>>
      tpu.enqueue_dma source(%dma_start3A_272 : memref<64xf32, #tpu.memory_space<hbm>>) target(%dma_start3A_269 : memref<64xf32, #tpu.memory_space<vmem>>) target_semaphore(%arg13 : memref<!tpu.dma_semaphore, #tpu.memory_space<semaphore_mem>>)
      %slice3A_273 = vector.extract_strided_slice %get3A_130 {offsets = [8], sizes = [1], strides = [1]} : vector<16xi32> to vector<1xi32>
      %squeeze3A_274 = vector.extract %slice3A_273[0] : i32 from vector<1xi32>
      %mul3A_275 = arith.constant 16 : i32
      %mul3A_276 = arith.muli %scan3A_126, %mul3A_275 : i32
      %add3A_277 = arith.constant 8 : i32
      %add3A_278 = arith.addi %mul3A_276, %add3A_277 : i32
      %dma_start3A_279 = arith.constant 0 : i32
      %dma_start3A_280 = tpu.memref_slice %arg8[%add3A_278, %dma_start3A_279] : memref<256x64xf32, #tpu.memory_space<vmem>> -> memref<1x64xf32, #tpu.memory_space<vmem>>
      %dma_start3A_281 = tpu.memref_squeeze %dma_start3A_280 : memref<1x64xf32, #tpu.memory_space<vmem>> -> memref<64xf32, #tpu.memory_space<vmem>>
      %dma_start3A_282 = arith.constant 0 : i32
      %dma_start3A_283 = tpu.memref_slice %arg3[%squeeze3A_274, %dma_start3A_282] : memref<1000000x64xf32, #tpu.memory_space<hbm>> -> memref<1x64xf32, #tpu.memory_space<hbm>>
      %dma_start3A_284 = tpu.memref_squeeze %dma_start3A_283 : memref<1x64xf32, #tpu.memory_space<hbm>> -> memref<64xf32, #tpu.memory_space<hbm>>
      %dma_start3A_285 = arith.constant 0 : i32
      %dma_start3A_286 = tpu.memref_slice %arg8[%add3A_278, %dma_start3A_285] : memref<256x64xf32, #tpu.memory_space<vmem>> -> memref<1x64xf32, #tpu.memory_space<vmem>>
      %dma_start3A_287 = tpu.memref_squeeze %dma_start3A_286 : memref<1x64xf32, #tpu.memory_space<vmem>> -> memref<64xf32, #tpu.memory_space<vmem>>
      %dma_start3A_288 = arith.constant 0 : i32
      %dma_start3A_289 = tpu.memref_slice %arg3[%squeeze3A_274, %dma_start3A_288] : memref<1000000x64xf32, #tpu.memory_space<hbm>> -> memref<1x64xf32, #tpu.memory_space<hbm>>
      %dma_start3A_290 = tpu.memref_squeeze %dma_start3A_289 : memref<1x64xf32, #tpu.memory_space<hbm>> -> memref<64xf32, #tpu.memory_space<hbm>>
      tpu.enqueue_dma source(%dma_start3A_290 : memref<64xf32, #tpu.memory_space<hbm>>) target(%dma_start3A_287 : memref<64xf32, #tpu.memory_space<vmem>>) target_semaphore(%arg13 : memref<!tpu.dma_semaphore, #tpu.memory_space<semaphore_mem>>)
      %slice3A_291 = vector.extract_strided_slice %get3A_130 {offsets = [9], sizes = [1], strides = [1]} : vector<16xi32> to vector<1xi32>
      %squeeze3A_292 = vector.extract %slice3A_291[0] : i32 from vector<1xi32>
      %mul3A_293 = arith.constant 16 : i32
      %mul3A_294 = arith.muli %scan3A_126, %mul3A_293 : i32
      %add3A_295 = arith.constant 9 : i32
      %add3A_296 = arith.addi %mul3A_294, %add3A_295 : i32
      %dma_start3A_297 = arith.constant 0 : i32
      %dma_start3A_298 = tpu.memref_slice %arg8[%add3A_296, %dma_start3A_297] : memref<256x64xf32, #tpu.memory_space<vmem>> -> memref<1x64xf32, #tpu.memory_space<vmem>>
      %dma_start3A_299 = tpu.memref_squeeze %dma_start3A_298 : memref<1x64xf32, #tpu.memory_space<vmem>> -> memref<64xf32, #tpu.memory_space<vmem>>
      %dma_start3A_300 = arith.constant 0 : i32
      %dma_start3A_301 = tpu.memref_slice %arg3[%squeeze3A_292, %dma_start3A_300] : memref<1000000x64xf32, #tpu.memory_space<hbm>> -> memref<1x64xf32, #tpu.memory_space<hbm>>
      %dma_start3A_302 = tpu.memref_squeeze %dma_start3A_301 : memref<1x64xf32, #tpu.memory_space<hbm>> -> memref<64xf32, #tpu.memory_space<hbm>>
      %dma_start3A_303 = arith.constant 0 : i32
      %dma_start3A_304 = tpu.memref_slice %arg8[%add3A_296, %dma_start3A_303] : memref<256x64xf32, #tpu.memory_space<vmem>> -> memref<1x64xf32, #tpu.memory_space<vmem>>
      %dma_start3A_305 = tpu.memref_squeeze %dma_start3A_304 : memref<1x64xf32, #tpu.memory_space<vmem>> -> memref<64xf32, #tpu.memory_space<vmem>>
      %dma_start3A_306 = arith.constant 0 : i32
      %dma_start3A_307 = tpu.memref_slice %arg3[%squeeze3A_292, %dma_start3A_306] : memref<1000000x64xf32, #tpu.memory_space<hbm>> -> memref<1x64xf32, #tpu.memory_space<hbm>>
      %dma_start3A_308 = tpu.memref_squeeze %dma_start3A_307 : memref<1x64xf32, #tpu.memory_space<hbm>> -> memref<64xf32, #tpu.memory_space<hbm>>
      tpu.enqueue_dma source(%dma_start3A_308 : memref<64xf32, #tpu.memory_space<hbm>>) target(%dma_start3A_305 : memref<64xf32, #tpu.memory_space<vmem>>) target_semaphore(%arg13 : memref<!tpu.dma_semaphore, #tpu.memory_space<semaphore_mem>>)
      %slice3A_309 = vector.extract_strided_slice %get3A_130 {offsets = [10], sizes = [1], strides = [1]} : vector<16xi32> to vector<1xi32>
      %squeeze3A_310 = vector.extract %slice3A_309[0] : i32 from vector<1xi32>
      %mul3A_311 = arith.constant 16 : i32
      %mul3A_312 = arith.muli %scan3A_126, %mul3A_311 : i32
      %add3A_313 = arith.constant 10 : i32
      %add3A_314 = arith.addi %mul3A_312, %add3A_313 : i32
      %dma_start3A_315 = arith.constant 0 : i32
      %dma_start3A_316 = tpu.memref_slice %arg8[%add3A_314, %dma_start3A_315] : memref<256x64xf32, #tpu.memory_space<vmem>> -> memref<1x64xf32, #tpu.memory_space<vmem>>
      %dma_start3A_317 = tpu.memref_squeeze %dma_start3A_316 : memref<1x64xf32, #tpu.memory_space<vmem>> -> memref<64xf32, #tpu.memory_space<vmem>>
      %dma_start3A_318 = arith.constant 0 : i32
      %dma_start3A_319 = tpu.memref_slice %arg3[%squeeze3A_310, %dma_start3A_318] : memref<1000000x64xf32, #tpu.memory_space<hbm>> -> memref<1x64xf32, #tpu.memory_space<hbm>>
      %dma_start3A_320 = tpu.memref_squeeze %dma_start3A_319 : memref<1x64xf32, #tpu.memory_space<hbm>> -> memref<64xf32, #tpu.memory_space<hbm>>
      %dma_start3A_321 = arith.constant 0 : i32
      %dma_start3A_322 = tpu.memref_slice %arg8[%add3A_314, %dma_start3A_321] : memref<256x64xf32, #tpu.memory_space<vmem>> -> memref<1x64xf32, #tpu.memory_space<vmem>>
      %dma_start3A_323 = tpu.memref_squeeze %dma_start3A_322 : memref<1x64xf32, #tpu.memory_space<vmem>> -> memref<64xf32, #tpu.memory_space<vmem>>
      %dma_start3A_324 = arith.constant 0 : i32
      %dma_start3A_325 = tpu.memref_slice %arg3[%squeeze3A_310, %dma_start3A_324] : memref<1000000x64xf32, #tpu.memory_space<hbm>> -> memref<1x64xf32, #tpu.memory_space<hbm>>
      %dma_start3A_326 = tpu.memref_squeeze %dma_start3A_325 : memref<1x64xf32, #tpu.memory_space<hbm>> -> memref<64xf32, #tpu.memory_space<hbm>>
      tpu.enqueue_dma source(%dma_start3A_326 : memref<64xf32, #tpu.memory_space<hbm>>) target(%dma_start3A_323 : memref<64xf32, #tpu.memory_space<vmem>>) target_semaphore(%arg13 : memref<!tpu.dma_semaphore, #tpu.memory_space<semaphore_mem>>)
      %slice3A_327 = vector.extract_strided_slice %get3A_130 {offsets = [11], sizes = [1], strides = [1]} : vector<16xi32> to vector<1xi32>
      %squeeze3A_328 = vector.extract %slice3A_327[0] : i32 from vector<1xi32>
      %mul3A_329 = arith.constant 16 : i32
      %mul3A_330 = arith.muli %scan3A_126, %mul3A_329 : i32
      %add3A_331 = arith.constant 11 : i32
      %add3A_332 = arith.addi %mul3A_330, %add3A_331 : i32
      %dma_start3A_333 = arith.constant 0 : i32
      %dma_start3A_334 = tpu.memref_slice %arg8[%add3A_332, %dma_start3A_333] : memref<256x64xf32, #tpu.memory_space<vmem>> -> memref<1x64xf32, #tpu.memory_space<vmem>>
      %dma_start3A_335 = tpu.memref_squeeze %dma_start3A_334 : memref<1x64xf32, #tpu.memory_space<vmem>> -> memref<64xf32, #tpu.memory_space<vmem>>
      %dma_start3A_336 = arith.constant 0 : i32
      %dma_start3A_337 = tpu.memref_slice %arg3[%squeeze3A_328, %dma_start3A_336] : memref<1000000x64xf32, #tpu.memory_space<hbm>> -> memref<1x64xf32, #tpu.memory_space<hbm>>
      %dma_start3A_338 = tpu.memref_squeeze %dma_start3A_337 : memref<1x64xf32, #tpu.memory_space<hbm>> -> memref<64xf32, #tpu.memory_space<hbm>>
      %dma_start3A_339 = arith.constant 0 : i32
      %dma_start3A_340 = tpu.memref_slice %arg8[%add3A_332, %dma_start3A_339] : memref<256x64xf32, #tpu.memory_space<vmem>> -> memref<1x64xf32, #tpu.memory_space<vmem>>
      %dma_start3A_341 = tpu.memref_squeeze %dma_start3A_340 : memref<1x64xf32, #tpu.memory_space<vmem>> -> memref<64xf32, #tpu.memory_space<vmem>>
      %dma_start3A_342 = arith.constant 0 : i32
      %dma_start3A_343 = tpu.memref_slice %arg3[%squeeze3A_328, %dma_start3A_342] : memref<1000000x64xf32, #tpu.memory_space<hbm>> -> memref<1x64xf32, #tpu.memory_space<hbm>>
      %dma_start3A_344 = tpu.memref_squeeze %dma_start3A_343 : memref<1x64xf32, #tpu.memory_space<hbm>> -> memref<64xf32, #tpu.memory_space<hbm>>
      tpu.enqueue_dma source(%dma_start3A_344 : memref<64xf32, #tpu.memory_space<hbm>>) target(%dma_start3A_341 : memref<64xf32, #tpu.memory_space<vmem>>) target_semaphore(%arg13 : memref<!tpu.dma_semaphore, #tpu.memory_space<semaphore_mem>>)
      %slice3A_345 = vector.extract_strided_slice %get3A_130 {offsets = [12], sizes = [1], strides = [1]} : vector<16xi32> to vector<1xi32>
      %squeeze3A_346 = vector.extract %slice3A_345[0] : i32 from vector<1xi32>
      %mul3A_347 = arith.constant 16 : i32
      %mul3A_348 = arith.muli %scan3A_126, %mul3A_347 : i32
      %add3A_349 = arith.constant 12 : i32
      %add3A_350 = arith.addi %mul3A_348, %add3A_349 : i32
      %dma_start3A_351 = arith.constant 0 : i32
      %dma_start3A_352 = tpu.memref_slice %arg8[%add3A_350, %dma_start3A_351] : memref<256x64xf32, #tpu.memory_space<vmem>> -> memref<1x64xf32, #tpu.memory_space<vmem>>
      %dma_start3A_353 = tpu.memref_squeeze %dma_start3A_352 : memref<1x64xf32, #tpu.memory_space<vmem>> -> memref<64xf32, #tpu.memory_space<vmem>>
      %dma_start3A_354 = arith.constant 0 : i32
      %dma_start3A_355 = tpu.memref_slice %arg3[%squeeze3A_346, %dma_start3A_354] : memref<1000000x64xf32, #tpu.memory_space<hbm>> -> memref<1x64xf32, #tpu.memory_space<hbm>>
      %dma_start3A_356 = tpu.memref_squeeze %dma_start3A_355 : memref<1x64xf32, #tpu.memory_space<hbm>> -> memref<64xf32, #tpu.memory_space<hbm>>
      %dma_start3A_357 = arith.constant 0 : i32
      %dma_start3A_358 = tpu.memref_slice %arg8[%add3A_350, %dma_start3A_357] : memref<256x64xf32, #tpu.memory_space<vmem>> -> memref<1x64xf32, #tpu.memory_space<vmem>>
      %dma_start3A_359 = tpu.memref_squeeze %dma_start3A_358 : memref<1x64xf32, #tpu.memory_space<vmem>> -> memref<64xf32, #tpu.memory_space<vmem>>
      %dma_start3A_360 = arith.constant 0 : i32
      %dma_start3A_361 = tpu.memref_slice %arg3[%squeeze3A_346, %dma_start3A_360] : memref<1000000x64xf32, #tpu.memory_space<hbm>> -> memref<1x64xf32, #tpu.memory_space<hbm>>
      %dma_start3A_362 = tpu.memref_squeeze %dma_start3A_361 : memref<1x64xf32, #tpu.memory_space<hbm>> -> memref<64xf32, #tpu.memory_space<hbm>>
      tpu.enqueue_dma source(%dma_start3A_362 : memref<64xf32, #tpu.memory_space<hbm>>) target(%dma_start3A_359 : memref<64xf32, #tpu.memory_space<vmem>>) target_semaphore(%arg13 : memref<!tpu.dma_semaphore, #tpu.memory_space<semaphore_mem>>)
      %slice3A_363 = vector.extract_strided_slice %get3A_130 {offsets = [13], sizes = [1], strides = [1]} : vector<16xi32> to vector<1xi32>
      %squeeze3A_364 = vector.extract %slice3A_363[0] : i32 from vector<1xi32>
      %mul3A_365 = arith.constant 16 : i32
      %mul3A_366 = arith.muli %scan3A_126, %mul3A_365 : i32
      %add3A_367 = arith.constant 13 : i32
      %add3A_368 = arith.addi %mul3A_366, %add3A_367 : i32
      %dma_start3A_369 = arith.constant 0 : i32
      %dma_start3A_370 = tpu.memref_slice %arg8[%add3A_368, %dma_start3A_369] : memref<256x64xf32, #tpu.memory_space<vmem>> -> memref<1x64xf32, #tpu.memory_space<vmem>>
      %dma_start3A_371 = tpu.memref_squeeze %dma_start3A_370 : memref<1x64xf32, #tpu.memory_space<vmem>> -> memref<64xf32, #tpu.memory_space<vmem>>
      %dma_start3A_372 = arith.constant 0 : i32
      %dma_start3A_373 = tpu.memref_slice %arg3[%squeeze3A_364, %dma_start3A_372] : memref<1000000x64xf32, #tpu.memory_space<hbm>> -> memref<1x64xf32, #tpu.memory_space<hbm>>
      %dma_start3A_374 = tpu.memref_squeeze %dma_start3A_373 : memref<1x64xf32, #tpu.memory_space<hbm>> -> memref<64xf32, #tpu.memory_space<hbm>>
      %dma_start3A_375 = arith.constant 0 : i32
      %dma_start3A_376 = tpu.memref_slice %arg8[%add3A_368, %dma_start3A_375] : memref<256x64xf32, #tpu.memory_space<vmem>> -> memref<1x64xf32, #tpu.memory_space<vmem>>
      %dma_start3A_377 = tpu.memref_squeeze %dma_start3A_376 : memref<1x64xf32, #tpu.memory_space<vmem>> -> memref<64xf32, #tpu.memory_space<vmem>>
      %dma_start3A_378 = arith.constant 0 : i32
      %dma_start3A_379 = tpu.memref_slice %arg3[%squeeze3A_364, %dma_start3A_378] : memref<1000000x64xf32, #tpu.memory_space<hbm>> -> memref<1x64xf32, #tpu.memory_space<hbm>>
      %dma_start3A_380 = tpu.memref_squeeze %dma_start3A_379 : memref<1x64xf32, #tpu.memory_space<hbm>> -> memref<64xf32, #tpu.memory_space<hbm>>
      tpu.enqueue_dma source(%dma_start3A_380 : memref<64xf32, #tpu.memory_space<hbm>>) target(%dma_start3A_377 : memref<64xf32, #tpu.memory_space<vmem>>) target_semaphore(%arg13 : memref<!tpu.dma_semaphore, #tpu.memory_space<semaphore_mem>>)
      %slice3A_381 = vector.extract_strided_slice %get3A_130 {offsets = [14], sizes = [1], strides = [1]} : vector<16xi32> to vector<1xi32>
      %squeeze3A_382 = vector.extract %slice3A_381[0] : i32 from vector<1xi32>
      %mul3A_383 = arith.constant 16 : i32
      %mul3A_384 = arith.muli %scan3A_126, %mul3A_383 : i32
      %add3A_385 = arith.constant 14 : i32
      %add3A_386 = arith.addi %mul3A_384, %add3A_385 : i32
      %dma_start3A_387 = arith.constant 0 : i32
      %dma_start3A_388 = tpu.memref_slice %arg8[%add3A_386, %dma_start3A_387] : memref<256x64xf32, #tpu.memory_space<vmem>> -> memref<1x64xf32, #tpu.memory_space<vmem>>
      %dma_start3A_389 = tpu.memref_squeeze %dma_start3A_388 : memref<1x64xf32, #tpu.memory_space<vmem>> -> memref<64xf32, #tpu.memory_space<vmem>>
      %dma_start3A_390 = arith.constant 0 : i32
      %dma_start3A_391 = tpu.memref_slice %arg3[%squeeze3A_382, %dma_start3A_390] : memref<1000000x64xf32, #tpu.memory_space<hbm>> -> memref<1x64xf32, #tpu.memory_space<hbm>>
      %dma_start3A_392 = tpu.memref_squeeze %dma_start3A_391 : memref<1x64xf32, #tpu.memory_space<hbm>> -> memref<64xf32, #tpu.memory_space<hbm>>
      %dma_start3A_393 = arith.constant 0 : i32
      %dma_start3A_394 = tpu.memref_slice %arg8[%add3A_386, %dma_start3A_393] : memref<256x64xf32, #tpu.memory_space<vmem>> -> memref<1x64xf32, #tpu.memory_space<vmem>>
      %dma_start3A_395 = tpu.memref_squeeze %dma_start3A_394 : memref<1x64xf32, #tpu.memory_space<vmem>> -> memref<64xf32, #tpu.memory_space<vmem>>
      %dma_start3A_396 = arith.constant 0 : i32
      %dma_start3A_397 = tpu.memref_slice %arg3[%squeeze3A_382, %dma_start3A_396] : memref<1000000x64xf32, #tpu.memory_space<hbm>> -> memref<1x64xf32, #tpu.memory_space<hbm>>
      %dma_start3A_398 = tpu.memref_squeeze %dma_start3A_397 : memref<1x64xf32, #tpu.memory_space<hbm>> -> memref<64xf32, #tpu.memory_space<hbm>>
      tpu.enqueue_dma source(%dma_start3A_398 : memref<64xf32, #tpu.memory_space<hbm>>) target(%dma_start3A_395 : memref<64xf32, #tpu.memory_space<vmem>>) target_semaphore(%arg13 : memref<!tpu.dma_semaphore, #tpu.memory_space<semaphore_mem>>)
      %slice3A_399 = vector.extract_strided_slice %get3A_130 {offsets = [15], sizes = [1], strides = [1]} : vector<16xi32> to vector<1xi32>
      %squeeze3A_400 = vector.extract %slice3A_399[0] : i32 from vector<1xi32>
      %mul3A_401 = arith.constant 16 : i32
      %mul3A_402 = arith.muli %scan3A_126, %mul3A_401 : i32
      %add3A_403 = arith.constant 15 : i32
      %add3A_404 = arith.addi %mul3A_402, %add3A_403 : i32
      %dma_start3A_405 = arith.constant 0 : i32
      %dma_start3A_406 = tpu.memref_slice %arg8[%add3A_404, %dma_start3A_405] : memref<256x64xf32, #tpu.memory_space<vmem>> -> memref<1x64xf32, #tpu.memory_space<vmem>>
      %dma_start3A_407 = tpu.memref_squeeze %dma_start3A_406 : memref<1x64xf32, #tpu.memory_space<vmem>> -> memref<64xf32, #tpu.memory_space<vmem>>
      %dma_start3A_408 = arith.constant 0 : i32
      %dma_start3A_409 = tpu.memref_slice %arg3[%squeeze3A_400, %dma_start3A_408] : memref<1000000x64xf32, #tpu.memory_space<hbm>> -> memref<1x64xf32, #tpu.memory_space<hbm>>
      %dma_start3A_410 = tpu.memref_squeeze %dma_start3A_409 : memref<1x64xf32, #tpu.memory_space<hbm>> -> memref<64xf32, #tpu.memory_space<hbm>>
      %dma_start3A_411 = arith.constant 0 : i32
      %dma_start3A_412 = tpu.memref_slice %arg8[%add3A_404, %dma_start3A_411] : memref<256x64xf32, #tpu.memory_space<vmem>> -> memref<1x64xf32, #tpu.memory_space<vmem>>
      %dma_start3A_413 = tpu.memref_squeeze %dma_start3A_412 : memref<1x64xf32, #tpu.memory_space<vmem>> -> memref<64xf32, #tpu.memory_space<vmem>>
      %dma_start3A_414 = arith.constant 0 : i32
      %dma_start3A_415 = tpu.memref_slice %arg3[%squeeze3A_400, %dma_start3A_414] : memref<1000000x64xf32, #tpu.memory_space<hbm>> -> memref<1x64xf32, #tpu.memory_space<hbm>>
      %dma_start3A_416 = tpu.memref_squeeze %dma_start3A_415 : memref<1x64xf32, #tpu.memory_space<hbm>> -> memref<64xf32, #tpu.memory_space<hbm>>
      tpu.enqueue_dma source(%dma_start3A_416 : memref<64xf32, #tpu.memory_space<hbm>>) target(%dma_start3A_413 : memref<64xf32, #tpu.memory_space<vmem>>) target_semaphore(%arg13 : memref<!tpu.dma_semaphore, #tpu.memory_space<semaphore_mem>>)
    }
    %scan3A_103 = arith.constant 16 : i32
    %dma_wait3A_104 = arith.constant 0 : i32
    %dma_wait3A_105 = tpu.memref_slice %arg2[%dma_wait3A_104] : memref<819200xi32, #tpu.memory_space<hbm>> -> memref<32768xi32, #tpu.memory_space<hbm>>
    %dma_wait3A_106 = arith.constant 0 : i32
    %dma_wait3A_107 = tpu.memref_slice %arg2[%dma_wait3A_106] : memref<819200xi32, #tpu.memory_space<hbm>> -> memref<32768xi32, #tpu.memory_space<hbm>>
    tpu.wait_dma2 semaphore(%arg13 : memref<!tpu.dma_semaphore, #tpu.memory_space<semaphore_mem>>) src(%dma_wait3A_107 : memref<32768xi32, #tpu.memory_space<hbm>>) dst(%arg9 : memref<32768xi32, #tpu.memory_space<vmem>>)
    %add3A_108 = arith.constant 25344 : i32
    %add3A_109 = arith.addi %mul3A_2, %add3A_108 : i32
    %dma_start3A_110 = arith.constant 0 : i32
    %dma_start3A_111 = tpu.memref_slice %arg4[%add3A_109, %dma_start3A_110] : memref<819200x64xf32, #tpu.memory_space<hbm>> -> memref<256x64xf32, #tpu.memory_space<hbm>>
    %dma_start3A_112 = arith.constant 0 : i32
    %dma_start3A_113 = tpu.memref_slice %arg4[%add3A_109, %dma_start3A_112] : memref<819200x64xf32, #tpu.memory_space<hbm>> -> memref<256x64xf32, #tpu.memory_space<hbm>>
    tpu.enqueue_dma source(%arg8 : memref<256x64xf32, #tpu.memory_space<vmem>>) target(%dma_start3A_113 : memref<256x64xf32, #tpu.memory_space<hbm>>) target_semaphore(%arg15 : memref<!tpu.dma_semaphore, #tpu.memory_space<semaphore_mem>>)
    %dma_wait3A_114 = arith.constant 0 : i32
    %dma_wait3A_115 = arith.constant 0 : i32
    %dma_wait3A_116 = tpu.memref_slice %arg4[%dma_wait3A_114, %dma_wait3A_115] : memref<819200x64xf32, #tpu.memory_space<hbm>> -> memref<256x64xf32, #tpu.memory_space<hbm>>
    %dma_wait3A_117 = arith.constant 0 : i32
    %dma_wait3A_118 = arith.constant 0 : i32
    %dma_wait3A_119 = tpu.memref_slice %arg4[%dma_wait3A_117, %dma_wait3A_118] : memref<819200x64xf32, #tpu.memory_space<hbm>> -> memref<256x64xf32, #tpu.memory_space<hbm>>
    tpu.wait_dma2 semaphore(%arg14 : memref<!tpu.dma_semaphore, #tpu.memory_space<semaphore_mem>>) src(%arg7 : memref<256x64xf32, #tpu.memory_space<vmem>>) dst(%dma_wait3A_119 : memref<256x64xf32, #tpu.memory_space<hbm>>)
    %dma_wait3A_120 = arith.constant 0 : i32
    %dma_wait3A_121 = arith.constant 0 : i32
    %dma_wait3A_122 = tpu.memref_slice %arg4[%dma_wait3A_120, %dma_wait3A_121] : memref<819200x64xf32, #tpu.memory_space<hbm>> -> memref<256x64xf32, #tpu.memory_space<hbm>>
    %dma_wait3A_123 = arith.constant 0 : i32
    %dma_wait3A_124 = arith.constant 0 : i32
    %dma_wait3A_125 = tpu.memref_slice %arg4[%dma_wait3A_123, %dma_wait3A_124] : memref<819200x64xf32, #tpu.memory_space<hbm>> -> memref<256x64xf32, #tpu.memory_space<hbm>>
    tpu.wait_dma2 semaphore(%arg15 : memref<!tpu.dma_semaphore, #tpu.memory_space<semaphore_mem>>) src(%arg8 : memref<256x64xf32, #tpu.memory_space<vmem>>) dst(%dma_wait3A_125 : memref<256x64xf32, #tpu.memory_space<hbm>>)
    return
  }
}

module attributes {stable_mosaic.version = 14 : i64} {
  func.func @_mask_body(%arg0: i32, %arg1: memref<256x200xi32, #tpu.memory_space<vmem>>, %arg2: memref<256x200xi32, #tpu.memory_space<vmem>>) attributes {dimension_semantics = [#tpu.dimension_semantics<arbitrary>], iteration_bounds = array<i64: 16>, scalar_prefetch = 0 : i64, scratch_operands = 0 : i64, tpu.core_type = #tpu.core_type<tc>, window_params = [{transform_indices = @transform_0, window_bounds = array<i64: 256, 200>}, {transform_indices = @transform_1, window_bounds = array<i64: 256, 200>}]} {
    %get3A = arith.constant 0 : index
    %get3A_0 = arith.constant 0 : index
    %get3A_1 = vector.load %arg1[%get3A, %get3A_0] : memref<256x200xi32, #tpu.memory_space<vmem>>, vector<256x200xi32>
    %eq3A = arith.constant 0 : i32
    %eq3A_2 = vector.broadcast %eq3A : i32 to vector<256x200xi32>
    %eq3A_3 = arith.cmpi eq, %get3A_1, %eq3A_2 : vector<256x200xi32>
    %swap3A = arith.constant 0 : index
    %swap3A_4 = arith.constant 0 : index
    %swap3A_5 = vector.load %arg2[%swap3A, %swap3A_4] : memref<256x200xi32, #tpu.memory_space<vmem>>, vector<256x200xi32>
    %swap3A_6 = arith.extui %eq3A_3 : vector<256x200xi1> to vector<256x200xi32>
    %swap3A_7 = arith.constant dense<0> : vector<256x200xi32>
    %swap3A_8 = arith.cmpi ne, %swap3A_5, %swap3A_7 : vector<256x200xi32>
    tpu.vector_store %arg2[%swap3A, %swap3A_4], %swap3A_6 {strides = array<i32>} : memref<256x200xi32, #tpu.memory_space<vmem>>, vector<256x200xi32>,
    return
  }
  func.func @transform_0(%arg0: i32) -> (i32, i32) {
    %c0_i32 = arith.constant 0 : i32
    %c0_i32_0 = arith.constant 0 : i32
    return %arg0, %c0_i32 : i32, i32
  }
  func.func @transform_1(%arg0: i32) -> (i32, i32) {
    %c0_i32 = arith.constant 0 : i32
    %c0_i32_0 = arith.constant 0 : i32
    return %arg0, %c0_i32 : i32, i32
  }
}

</mosaic_0001>

<sc_bundles>
// kernel: kernel.4.cloned.1.call-start
scs
__scs_entry_jumppad:
0x0: {  	(pc) =	sbr.rel $0x88, $3  }
0x1: {  	(tag) =	ssettag $0x0;
	lr =	simm.s32 $0x1  }
0x2: {  	[smem:$0x3F9F] =	sst lr;
	_ =	strace $0xD0000000  }
0x3: {  	_ = 	snop  }
0x4: {  	_ = 	snop  }
0x5: {  	_ = 	snop  }
0x6: {  	_ = 	snop  }
0x7: {  	_ = 	snop  }
__scs_overlays_trampoline_lowered:
0x8: {  	[smem:$0x3FAE] =	sst s0  }
0x9: {  	[smem:$0x3FAF] =	sst s1  }
0xa: {  	[smem:$0x3FB0] =	sst s2  }
0xb: {  	[smem:$0x3FB1] =	sst s3  }
0xc: {  	[smem:$0x3FB2] =	sst s4  }
0xd: {  	[smem:$0x3FB3] =	sst s5  }
0xe: {  	[smem:$0x3FB4] =	sst s6  }
0xf: {  	[smem:$0x3FB5] =	sst s7  }
0x10: {  	[smem:$0x3FB6] =	sst s8  }
0x11: {  	[smem:$0x3FB7] =	sst s9;
	s0 =	simm.s32 @!p0 $0x0  }
0x12: {  	s1 =	sld [smem:$0x3F9D];
	s0 =	simm.s32 @p0 $0x1  }
0x13: {  	[smem:$0x3FB8] =	sst s0;
	s0 =	simm.s32 @!p1 $0x0  }
0x14: {  	s2 =	sld [smem:$0x3F9C];
	s0 =	simm.s32 @p1 $0x1  }
0x15: {  	[smem:$0x3FB9] =	sst s0;
	s0 =	simm.s32 @!p2 $0x0  }
0x16: {  	s3 =	sld [smem:$0x3FDB];
	s0 =	simm.s32 @p2 $0x1  }
0x17: {  	s4 =	simm.s32 $0x1BF5;
	[smem:$0x3FBB] =	sst s0  }
0x18: {  	s0 =	sld [smem:$0x3F9E];
	_ =	swait.ge [sflag:s4], $0x0  }
0x19: {  	s7 =	sld [smem:$0x3F9F]  }
0x1a: {  	s8 =	sadd.s32 $0xFFFFE003, lr  }
0x1b: {  	s9 =	sadd.s32 $0xFFFFFEF7, lr;
	s5 =	simm.s32 $0xFFFFFFFF;
	p2 =	slt.u32 s8, $0xFFFFF086  }
0x1c: {  	p1 =	slt.u32 s9, $0xF7A;
	s5 =	simm.s32 @!p2 $0x0  }
0x1d: {  	s5 =	simm.s32 @p1 $0x1;
	p0 =	seq.s32 s7, s2  }
0x1e: {  	s7 =	smul.u32 @!p0 $0xF7A, s2;
	p2 =	seq.s32 @!p0 s5, $0x0  }
0x1f: {  	s9 =	smul.u32 $0xF7A, s1;
	s8 =	simm.s32 @!p0 $0x1BF5;
	p2 =	por !p2, p0  }
0x20: {  	[sflag:s8] =	ssyncset.s32 @!p0 $0xFFFFF086;
	s6 =	sadd.s32 @!p0 s3, s7;
	s7 =	simm.s32 @!p0 $0x108  }
0x21: {  	s3 =	sadd.s32 s3, s9;
	s6 =	sadd.s32 @!p0 $0x88, s6;
	s7 =	simm.s32 @p2 $0x1082  }
0x22: {  	[simem:s7], [sflag:s8] =	dma.local @!p0 [hbm:s6], $0xF7A  }
0x23: {  	s9 =	sor.u32 $0xD0000000, s2;
	s6 =	simm.s32 $0x108;
	_ =	swait.ge @!p0 [sflag:s8], $0x0  }
0x24: {  	s3 =	sadd.s32 $0x88, s3;
	s6 =	simm.s32 @!p1 $0x1082;
	[sflag:s4] =	ssyncset.s32 $0xFFFFF086  }
0x25: {  	[simem:s6], [sflag:s4] =	dma.local [hbm:s3], $0xF7A  }
0x26: {  	[smem:$0x3F9F] =	sst s1;
	(tag) =	ssettag s2;
	_ =	strace s9  }
0x27: {  	s1 =	sld [smem:$0x3FAF]  }
0x28: {  	s2 =	sld [smem:$0x3FB0]  }
0x29: {  	s4 =	sld [smem:$0x3FB2]  }
0x2a: {  	p0 =	seq.s32 s5, $0x0;
	s5 =	sld [smem:$0x3FB3]  }
0x2b: {  	s6 =	sld [smem:$0x3FB4]  }
0x2c: {  	s7 =	sld [smem:$0x3FB5]  }
0x2d: {  	s3 =	simm.s32 $0x108;
	s8 =	sld [smem:$0x3FB6]  }
0x2e: {  	s3 =	simm.s32 @!p0 $0x1082;
	s9 =	sld [smem:$0x3FB7]  }
0x2f: {  	lr =	sadd.s32 s0, s3;
	s0 =	sld [smem:$0x3FAE]  }
0x30: {  	s3 =	sld [smem:$0x3FB1]  }
0x31: {  	[smem:$0x3FBA] =	sst s10  }
0x32: {  	s10 =	sld [smem:$0x3FB8];
	_ =	sdelay $0x3  }
0x33: {  	p0 =	seq.s32 s10, $0x1;
	s10 =	sld [smem:$0x3FBA];
	_ =	sdelay $0x3  }
0x34: {  	[smem:$0x3FBA] =	sst s10  }
0x35: {  	s10 =	sld [smem:$0x3FB9];
	_ =	sdelay $0x3  }
0x36: {  	p1 =	seq.s32 s10, $0x1;
	s10 =	sld [smem:$0x3FBA];
	_ =	sdelay $0x3  }
0x37: {  	[smem:$0x3FBA] =	sst s10  }
0x38: {  	s10 =	sld [smem:$0x3FBB]  }
0x39: {  	_ = 	snop;
	(pc) =	sbr.ind lr, $3  }
0x3a: {  	_ = 	snop  }
0x3b: {  	_ = 	snop  }
0x3c: {  	p2 =	seq.s32 s10, $0x1;
	s10 =	sld [smem:$0x3FBA]  }
0x3d: {  	_ =	shalt  }
0x3e: {  	_ =	shalt  }
0x3f: {  	_ =	shalt  }
0x40: {  	_ =	shalt  }
0x41: {  	_ =	shalt  }
0x42: {  	_ =	shalt  }
0x43: {  	_ =	shalt  }
0x44: {  	_ =	shalt  }
0x45: {  	_ =	shalt  }
0x46: {  	_ =	shalt  }
0x47: {  	_ =	shalt  }
0x48: {  	_ =	shalt  }
0x49: {  	_ =	shalt  }
0x4a: {  	_ =	shalt  }
0x4b: {  	_ =	shalt  }
0x4c: {  	_ =	shalt  }
0x4d: {  	_ =	shalt  }
0x4e: {  	_ =	shalt  }
0x4f: {  	_ =	shalt  }
0x50: {  	_ =	shalt  }
0x51: {  	_ =	shalt  }
0x52: {  	_ =	shalt  }
0x53: {  	_ =	shalt  }
0x54: {  	_ =	shalt  }
0x55: {  	_ =	shalt  }
0x56: {  	_ =	shalt  }
0x57: {  	_ =	shalt  }
0x58: {  	_ =	shalt  }
0x59: {  	_ =	shalt  }
0x5a: {  	_ =	shalt  }
0x5b: {  	_ =	shalt  }
0x5c: {  	_ =	shalt  }
0x5d: {  	_ =	shalt  }
0x5e: {  	_ =	shalt  }
0x5f: {  	_ =	shalt  }
0x60: {  	_ =	shalt  }
0x61: {  	_ =	shalt  }
0x62: {  	_ =	shalt  }
0x63: {  	_ =	shalt  }
0x64: {  	_ =	shalt  }
0x65: {  	_ =	shalt  }
0x66: {  	_ =	shalt  }
0x67: {  	_ =	shalt  }
0x68: {  	_ =	shalt  }
0x69: {  	_ =	shalt  }
0x6a: {  	_ =	shalt  }
0x6b: {  	_ =	shalt  }
0x6c: {  	_ =	shalt  }
0x6d: {  	_ =	shalt  }
0x6e: {  	_ =	shalt  }
0x6f: {  	_ =	shalt  }
0x70: {  	_ =	shalt  }
0x71: {  	_ =	shalt  }
0x72: {  	_ =	shalt  }
0x73: {  	_ =	shalt  }
0x74: {  	_ =	shalt  }
0x75: {  	_ =	shalt  }
0x76: {  	_ =	shalt  }
0x77: {  	_ =	shalt  }
0x78: {  	_ =	shalt  }
0x79: {  	_ =	shalt  }
0x7a: {  	_ =	shalt  }
0x7b: {  	_ =	shalt  }
0x7c: {  	_ =	shalt  }
0x7d: {  	_ =	shalt  }
0x7e: {  	_ =	shalt  }
0x7f: {  	_ =	shalt  }
0x80: {  	_ =	shalt  }
0x81: {  	_ =	shalt  }
0x82: {  	_ =	shalt  }
0x83: {  	_ =	shalt  }
0x84: {  	_ =	shalt  }
0x85: {  	_ =	shalt  }
0x86: {  	_ =	shalt  }
0x87: {  	_ =	shalt  }
.Lfunc_end0:
.L_simem_size_0:
called_computation.1_lowered:
.L_overlay_start_0:
0x88: {  	s2 =	sld [smem:$0x3FD9]  }
0x89: {  	s3 =	sld [smem:$0x3FFE];
	_ =	sdelay $0x1  }
0x8a: {  	s1 =	srdreg.scid  }
0x8b: {  	s0 =	sand.u32 $0x1, s1  }
0x8c: {  	s14 =	sshll.u32 s0, $0xA;
	s2 =	sadd.s32 s3, s2  }
0x8d: {  	s2 =	sadd.s32 s2, s14  }
0x8e: {  	[smem:$0x3FC6] =	sst s2  }
0x8f: {  	_ = 	snop  }
0x90: {  	s2 =	sld [smem:$0x3FD0];
	_ =	sdelay $0x2  }
0x91: {  	s15 =	simm.s32 $0xA;
	s4 =	simm.s32 $0x10  }
0x92: {  	[smem:s4], [sflag:s15] =	dma.local [hbm:s2], $0x1  }
0x93: {  	_ =	swait.eq [sflag:s15], $0x1  }
0x94: {  	[sflag:s15] =	ssyncset.done $0x0  }
0x95: {  	[sflag:s15] =	ssyncadd.s32 $0xFFFFFFFF  }
0x96: {  	s16 =	sld [smem:$0x10];
	(tm) =	ssettm $0x1  }
0x97: {  	s17 =	sld [smem:$0x3FFB];
	_ =	sdelay $0x3  }
0x98: {  	_ =	strace s17  }
0x99: {  	s3 =	sld [smem:$0x3FFC];
	_ =	sdelay $0x3  }
0x9a: {  	_ =	strace s3  }
0x9b: {  	s3 =	sld [smem:$0x3FFD];
	_ =	sdelay $0x3  }
0x9c: {  	_ =	strace s3  }
0x9d: {  	_ =	strace $0x8FFFFFFF  }
0x9e: {  	s18 =	sld [smem:$0x3FDB];
	_ =	sdelay $0x1  }
0x9f: {  	s19 =	simm.s32 $_scs_section_size  }
0xa0: {  	s5 =	simm.s32 $_size__tile_overlayer_lowered;
	s6 =	simm.s32 $_tile_overlayer_lowered  }
0xa1: {  	s22 =	simm.s32 $0x1BFF;
	s21 =	sshll.u32 s6, $0x1;
	s3 =	sadd.s32 s19, s18  }
0xa2: {  	s7 =	simm.s32 $0x0;
	s20 =	sshll.u32 s5, $0x1;
	s5 =	sadd.s32 s21, s3  }
0xa3: {  	[timem:s7], [sflag:s22] =	dma.local [hbm:s5], s20  }
0xa4: {  	_ =	swait.ge [sflag:s22], s20  }
0xa5: {  	s4 =	ssub.s32 $0x0, s20;
	[sflag:s22] =	ssyncset.done $0x0  }
0xa6: {  	[sflag:s22] =	ssyncadd.s32 s4;
	_ =	sdelay $0x1  }
0xa7: {  	s23 =	simm.s32 $0x1B8B  }
0xa8: {  	_ =	swait.ge [sflag:s23], $0x1  }
0xa9: {  	[sflag:s23] =	ssyncset.done $0x0  }
0xaa: {  	s25 =	simm.s32 $0x1B8E;
	s24 =	sld [smem:$0x3FFE];
	[sflag:s23] =	ssyncadd.s32 $0xFFFFFFFF  }
0xab: {  	s26 =	simm.s32 $execute0_lowered;
	[smem:$0x3FD2] =	sst s25  }
0xac: {  	s5 =	sshll.u32 s26, $0x1;
	_ =	strace $0x80000046;
	[dreg:$0x1] =	wrdreg $0xFFFFFFFF  }
0xad: {  	s28 =	simm.s32 $_size_execute0_lowered;
	s3 =	sadd.s32 s3, s5;
	[dreg:$0x0] =	wrdreg $0x0  }
0xae: {  	s5 =	sshll.u32 s28, $0x1;
	[dreg:$0x2] =	wrdreg s3  }
0xaf: {  	[dreg:$0x3] =	wrdreg s5  }
0xb0: {  	[dreg:$0x4] =	wrdreg $0xC0  }
0xb1: {  	_ =	task [dreg:s7], $0x5FFFF  }
0xb2: {  	[dreg:$0x1] =	wrdreg $0xFFFFFFFF  }
0xb3: {  	[dreg:$0x0] =	wrdreg $0x60  }
0xb4: {  	[dreg:$0x2] =	wrdreg s16  }
0xb5: {  	[dreg:$0x3] =	wrdreg s24  }
0xb6: {  	[dreg:$0x4] =	wrdreg $0x9  }
0xb7: {  	_ =	task.clear_ibuf [dreg:s7], $0x5FFFF;
	_ =	strace $0x90000046  }
0xb8: {  	s29 =	simm.s32 $0x9;
	_ =	strace $0x80000048  }
0xb9: {  	_ =	swait.ge [sflag:s29], $0x1  }
0xba: {  	[sflag:s29] =	ssyncadd.s32 $0xFFFFFFFF  }
0xbb: {  	_ =	strace $0x90000048  }
0xbc: {  	_ =	sfence  }
0xbd: {  	s30 =	sld [smem:$0x0];
	_ =	sdelay $0x2  }
0xbe: {  	s31 =	sshll.u32 s1, $0xD;
	s1 =	sshrl.u32 s1, $0x2  }
0xbf: {  	s3 =	sand.u32 $0x4000, s31;
	s1 =	sadd.s32 s1, s30  }
0xc0: {  	s0 =	sor.u32 s3, s0;
	s1 =	sshll.u32 s1, $0x11  }
0xc1: {  	s0 =	sor.u32 s1, s0  }
0xc2: {  	s0 =	sadd.s32 $0x8F2B, s0  }
0xc3: {  	[sflag:s0] =	ssyncadd.remote.s32 $0x1  }
0xc4: {  	_ =	sfence.sel $0xFFFF  }
0xc5: {  	[dreg:$0x0] =	wrdreg $0xFFFFFFFF;
	(pc) =	sbr.abs _section_cstart, $3  }
0xc6: {  	[dreg:$0x1] =	wrdreg $0xFFFFFFFF  }
0xc7: {  	_ =	task.clear_ibuf [dreg:s7], $0x2FFFF;
	_ =	strace $0x9FFFFFFF  }
0xc8: {  	(tm) =	ssettm $0x7FFFFFFF  }
0xc9: {  	_ =	shalt  }
tec
execute0_lowered:
.L_overlay_start_1:
0x0: {  	(tag) =	ssettag $0x1  }
0x1: {  	s1 =	srdreg.scid;
	s2 =	stileid.u32  }
0x2: {  	s1 =	sand.u32 $0x1, s1;
	s4 =	sshll.u32 s2, $0x1  }
0x3: {  	s6 =	rddreg [dreg:$0x0];
	s7 =	sor.u32 s1, s4  }
0x4: {  	s0 =	rddreg [dreg:$0x1];
	s3 =	simm.s32 $0x0;
	s8 =	smul.u32 $0x6400, s7  }
0x5: {  	[smem:$0x7FF] =	sst s3;
	s21 =	smul.u32 $0x64000, s7  }
0x6: {  	s5 =	sadd.s32 $0xF63000, s0;
	s1 =	ssub.s32 $0x2, s1;
	s7 =	smul.u32 $0x320000, s7  }
0x7: {  	_ =	strace $0x80000047;
	s4 =	sadd.s32 $0x20C00, s0;
	s19 =	sshrl.u32 s1, $0x1  }
0x8: {  	s0 =	ssub.s32 s1, s19;
	s1 =	sadd.s32 s5, s21;
	[dreg:$0x4] =	wrdreg s7  }
0x9: {  	s20 =	sor.u32 $0x100, s8;
	[dreg:$0x7] =	wrdreg s1  }
0xa: {  	s28 =	simm.s32 $0x6;
	s29 =	sor.u32 $0x200, s8;
	[dreg:$0x3] =	wrdreg s20  }
0xb: {  	s9 =	sshrl.u32 s8, $0x3;
	s30 =	sor.u32 $0x300, s8;
	[dreg:$0xb] =	wrdreg s29  }
0xc: {  	s24 =	sshrl.u32 s7, $0x3;
	s0 =	smax.u32 s0, $0x1;
	[dreg:$0xc] =	wrdreg s30  }
0xd: {  	s10 =	sshrl.u32 s20, $0x3;
	s11 =	sadd.s32 s6, s9;
	[dreg:$0xf] =	wrdreg s0  }
0xe: {  	s21 =	simm.s32 $0x3;
	s6 =	sadd.s32 s6, s10;
	[dreg:$0x5] =	wrdreg s11  }
0xf: {  	s23 =	sshll.u32 s20, $0x4;
	s22 =	sadd.s32 $0x40, s11;
	[dreg:$0x6] =	wrdreg s6  }
0x10: {  	s26 =	sadd.s32 s5, s24;
	s1 =	sadd.s32 s5, s23;
	[dreg:$0x8] =	wrdreg s22  }
0x11: {  	s20 =	simm.s32 $0x1;
	s25 =	sadd.s32 $0x60, s11;
	[dreg:$0x9] =	wrdreg s1  }
0x12: {  	s24 =	simm.s32 $0x4;
	s31 =	sadd.s32 $0x62000, s26;
	[dreg:$0xa] =	wrdreg s25  }
0x13: {  	s23 =	simm.s32 $0x2;
	[dreg:$0xd] =	wrdreg s31;
	s1 =	sadd.s32 $0x63000, s26  }
0x14: {  	s26 =	simm.s32 $0x5;
	[dreg:$0xe] =	wrdreg s1;
	s1 =	simm.s32 $0x0  }
.LBB2_1:
0x15: {  	[dreg:$0x10] =	wrdreg s1  }
0x16: {  	s0 =	rddreg [dreg:$0x5]  }
0x17: {  	[tilespmem:s3], [sflag:$0x1] =	stream.linear.gather [hbm4b:s0+s3], $0x100, $0x38;
	[tilespmem:$0x10200] =	vst v63  }
0x18: {  	s29 =	rddreg [dreg:$0x6];
	s31 =	simm.s32 $0x100  }
0x19: {  	[tilespmem:s31], [sflag:$0x2] =	stream.linear.gather [hbm4b:s29+s3], $0x100, $0x38;
	[tilespmem:$0x10200] =	vst v63  }
0x1a: {  	_ =	swait.ge [sflag:s20], $0x100  }
0x1b: {  	[sflag:s20] =	ssyncset.done $0x0  }
0x1c: {  	[sflag:s20] =	ssyncadd.s32 $0xFFFFFF00  }
0x1d: {  	v0 =	vld [tilespmem:s3+$0x0];
	_ =	sdelay $0x4  }
0x1e: {  	v0 =	vshll.u32 v0, $0x4  }
0x1f: {  	(v2sf) =	vpush v0, $0x0  }
0x20: {  	(v2sf) =	vpush v0, $0x1  }
0x21: {  	(v2sf) =	vpush v0, $0x2;
	_ =	sdelay $0x1  }
0x22: {  	(v2sf) =	vpush v0, $0x4;
	_ =	sdelay $0x1  }
0x23: {  	(v2sf) =	vpush v0, $0x3  }
0x24: {  	(v2sf) =	vpush v0, $0x5  }
0x25: {  	s30 =	simm.s32 $0x0;
	s1 =	simm.s32 $0x0;
	s0 =	simm.s32 $0x2000;
	(v2sf) =	vpush v0, $0x6  }
.LBB2_2:
0x26: {  	p0 =	sne.s32 s0, $0x1E000  }
0x27: {  	s18 =	sadd.s32 $0x280, s30;
	s11 =	sadd.s32 $0x780, s30;
	s9 =	smov.u32 s0  }
0x28: {  	s0 =	sadd.s32 $0x2000, s0;
	s16 =	sadd.s32 $0x580, s30;
	s10 =	sadd.s32 $0x800, s30;
	(v2sf) =	vpush v0, $0x7  }
0x29: {  	s8 =	sadd.s32 $0x480, s30;
	s13 =	sadd.s32 $0x600, s30;
	s31 =	sadd.s32 $0x880, s30  }
0x2a: {  	s29 =	sadd.s32 $0x200, s30;
	s19 =	sadd.s32 $0x400, s30;
	(v2sf) =	vpush v0, $0x8  }
0x2b: {  	s22 =	sadd.s32 $0x500, s30;
	s1 =	sadd.s32 $0x10, s1  }
0x2c: {  	s25 =	sadd.s32 $0x300, s30;
	s12 =	sadd.s32 $0x700, s30;
	s17 =	spop (v2sf);
	(v2sf) =	vpush v0, $0x9  }
0x2d: {  	s2 =	sand.u32 $0x1FFFFFF0, s17;
	s17 =	sadd.s32 $0x680, s30;
	s6 =	spop (v2sf)  }
0x2e: {  	s2 =	sadd.s32 s4, s2;
	s6 =	sand.u32 $0x1FFFFFF0, s6;
	s7 =	spop (v2sf);
	(v2sf) =	vpush v0, $0xA  }
0x2f: {  	[tilespmem:s29], [sflag:$0x3] =	stream.linear.gather [hbm4b:s2+s3], $0x80, $0x38;
	[tilespmem:$0x10200] =	vst v63  }
0x30: {  	s2 =	sadd.s32 s4, s6;
	s6 =	sadd.s32 $0x380, s30;
	s29 =	spop (v2sf);
	(v2sf) =	vpush v0, $0xB  }
0x31: {  	[tilespmem:s18], [sflag:$0x3] =	stream.linear.gather [hbm4b:s2+s3], $0x80, $0x38;
	[tilespmem:$0x10200] =	vst v63  }
0x32: {  	s2 =	sand.u32 $0x1FFFFFF0, s7;
	s7 =	sand.u32 $0x1FFFFFF0, s29;
	s18 =	spop (v2sf);
	(v2sf) =	vpush v0, $0xC  }
0x33: {  	s2 =	sadd.s32 s4, s2;
	s18 =	sand.u32 $0x1FFFFFF0, s18;
	s29 =	spop (v2sf)  }
0x34: {  	[tilespmem:s25], [sflag:$0x3] =	stream.linear.gather [hbm4b:s2+s3], $0x80, $0x38;
	(v2sf) =	vpush v0, $0xD;
	[tilespmem:$0x10200] =	vst v63  }
0x35: {  	s2 =	sadd.s32 s4, s18;
	s18 =	sand.u32 $0x1FFFFFF0, s29;
	s25 =	spop (v2sf)  }
0x36: {  	[tilespmem:s6], [sflag:$0x3] =	stream.linear.gather [hbm4b:s2+s3], $0x80, $0x38;
	(v2sf) =	vpush v0, $0xE;
	[tilespmem:$0x10200] =	vst v63  }
0x37: {  	s2 =	sadd.s32 s4, s7;
	s6 =	sand.u32 $0x1FFFFFF0, s25;
	s7 =	spop (v2sf)  }
0x38: {  	[tilespmem:s19], [sflag:$0x3] =	stream.linear.gather [hbm4b:s2+s3], $0x80, $0x38;
	(v2sf) =	vpush v0, $0xF;
	[tilespmem:$0x10200] =	vst v63  }
0x39: {  	s2 =	sadd.s32 s4, s18;
	s7 =	sand.u32 $0x1FFFFFF0, s7;
	s18 =	spop (v2sf)  }
0x3a: {  	[tilespmem:s8], [sflag:$0x3] =	stream.linear.gather [hbm4b:s2+s3], $0x80, $0x38;
	[tilespmem:$0x10200] =	vst v63  }
0x3b: {  	s2 =	sadd.s32 s4, s6;
	s6 =	sand.u32 $0x1FFFFFF0, s18;
	s8 =	spop (v2sf)  }
0x3c: {  	[tilespmem:s22], [sflag:$0x3] =	stream.linear.gather [hbm4b:s2+s3], $0x80, $0x38;
	[tilespmem:$0x10200] =	vst v63  }
0x3d: {  	s2 =	sadd.s32 s4, s7;
	s7 =	sand.u32 $0x1FFFFFF0, s8;
	s8 =	spop (v2sf)  }
0x3e: {  	[tilespmem:s16], [sflag:$0x3] =	stream.linear.gather [hbm4b:s2+s3], $0x80, $0x38;
	[tilespmem:$0x10200] =	vst v63  }
0x3f: {  	s2 =	sadd.s32 s4, s6;
	s6 =	sand.u32 $0x1FFFFFF0, s8;
	s8 =	spop (v2sf)  }
0x40: {  	[tilespmem:s13], [sflag:$0x3] =	stream.linear.gather [hbm4b:s2+s3], $0x80, $0x38;
	[tilespmem:$0x10200] =	vst v63  }
0x41: {  	s2 =	sadd.s32 s4, s7;
	s7 =	sand.u32 $0x1FFFFFF0, s8;
	s8 =	spop (v2sf)  }
0x42: {  	[tilespmem:s17], [sflag:$0x3] =	stream.linear.gather [hbm4b:s2+s3], $0x80, $0x38;
	[tilespmem:$0x10200] =	vst v63  }
0x43: {  	s2 =	sadd.s32 s4, s6;
	s6 =	sand.u32 $0x1FFFFFF0, s8;
	s8 =	spop (v2sf)  }
0x44: {  	[tilespmem:s12], [sflag:$0x3] =	stream.linear.gather [hbm4b:s2+s3], $0x80, $0x38;
	[tilespmem:$0x10200] =	vst v63  }
0x45: {  	s2 =	sadd.s32 s4, s7;
	s7 =	sand.u32 $0x1FFFFFF0, s8;
	s8 =	spop (v2sf)  }
0x46: {  	[tilespmem:s11], [sflag:$0x3] =	stream.linear.gather [hbm4b:s2+s3], $0x80, $0x38;
	[tilespmem:$0x10200] =	vst v63  }
0x47: {  	s2 =	sadd.s32 s4, s6;
	s6 =	sand.u32 $0x1FFFFFF0, s8;
	s8 =	spop (v2sf)  }
0x48: {  	[tilespmem:s10], [sflag:$0x3] =	stream.linear.gather [hbm4b:s2+s3], $0x80, $0x38;
	[tilespmem:$0x10200] =	vst v63  }
0x49: {  	s2 =	sadd.s32 s4, s7;
	s7 =	sand.u32 $0x1FFFFFF0, s8  }
0x4a: {  	[tilespmem:s31], [sflag:$0x3] =	stream.linear.gather [hbm4b:s2+s3], $0x80, $0x38;
	[tilespmem:$0x10200] =	vst v63  }
0x4b: {  	s6 =	sadd.s32 s4, s6;
	s2 =	sadd.s32 $0x900, s30  }
0x4c: {  	[tilespmem:s2], [sflag:$0x3] =	stream.linear.gather [hbm4b:s6+s3], $0x80, $0x38;
	[tilespmem:$0x10200] =	vst v63  }
0x4d: {  	s2 =	sadd.s32 $0x980, s30;
	s6 =	sadd.s32 s4, s7  }
0x4e: {  	[tilespmem:s2], [sflag:$0x3] =	stream.linear.gather [hbm4b:s6+s3], $0x80, $0x38;
	[tilespmem:$0x10200] =	vst v63  }
0x4f: {  	v0 =	vld [tilespmem:s1+$0x0];
	_ =	sdelay $0x4  }
0x50: {  	v0 =	vshll.u32 v0, $0x4  }
0x51: {  	(v2sf) =	vpush v0, $0x0  }
0x52: {  	(v2sf) =	vpush v0, $0x1  }
0x53: {  	(v2sf) =	vpush v0, $0x2;
	_ =	sdelay $0x1  }
0x54: {  	(v2sf) =	vpush v0, $0x4  }
.Ltmp0:
0x55: {  	(pc) =	sbr.rel @p0 .LBB2_2-.Ltmp0, $3  }
0x56: {  	(v2sf) =	vpush v0, $0x3  }
0x57: {  	(v2sf) =	vpush v0, $0x5;
	_ =	sdelay $0x1  }
0x58: {  	s30 =	sshra.s32 s9, $0x2;
	(v2sf) =	vpush v0, $0x6  }
0x59: {  	_ =	sdelay $0x1  }
0x5a: {  	s2 =	sadd.s32 $0x280, s30;
	s9 =	sadd.s32 $0x780, s30  }
0x5b: {  	s6 =	sadd.s32 $0x580, s30;
	s0 =	sadd.s32 $0x800, s30;
	(v2sf) =	vpush v0, $0x7;
	s7 =	sadd.s32 $0x480, s30  }
0x5c: {  	s8 =	sadd.s32 $0x600, s30;
	s1 =	sadd.s32 $0x880, s30;
	s10 =	sadd.s32 $0x200, s30  }
0x5d: {  	s11 =	sadd.s32 $0x400, s30;
	s12 =	sadd.s32 $0x500, s30;
	(v2sf) =	vpush v0, $0x8;
	s13 =	spop (v2sf)  }
0x5e: {  	s16 =	sadd.s32 $0x300, s30;
	s13 =	sand.u32 $0x1FFFFFF0, s13;
	s17 =	spop (v2sf)  }
0x5f: {  	(v2sf) =	vpush v0, $0x9;
	s13 =	sadd.s32 s4, s13;
	s17 =	sand.u32 $0x1FFFFFF0, s17;
	s18 =	spop (v2sf)  }
0x60: {  	[tilespmem:s10], [sflag:$0x3] =	stream.linear.gather [hbm4b:s13+s3], $0x80, $0x38;
	[tilespmem:$0x10200] =	vst v63  }
0x61: {  	s19 =	sadd.s32 $0x380, s30;
	(v2sf) =	vpush v0, $0xA;
	s29 =	sadd.s32 s4, s17;
	s31 =	spop (v2sf)  }
0x62: {  	[tilespmem:s2], [sflag:$0x3] =	stream.linear.gather [hbm4b:s29+s3], $0x80, $0x38;
	[tilespmem:$0x10200] =	vst v63  }
0x63: {  	s10 =	sadd.s32 $0x700, s30;
	s14 =	sand.u32 $0x1FFFFFF0, s18;
	(v2sf) =	vpush v0, $0xB;
	s15 =	spop (v2sf)  }
0x64: {  	s13 =	sadd.s32 s4, s14;
	s2 =	sadd.s32 $0x680, s30;
	s18 =	sand.u32 $0x1FFFFFF0, s15  }
0x65: {  	(v2sf) =	vpush v0, $0xC;
	[tilespmem:s16], [sflag:$0x3] =	stream.linear.gather [hbm4b:s13+s3], $0x80, $0x38;
	[tilespmem:$0x10200] =	vst v63  }
0x66: {  	s22 =	sand.u32 $0x1FFFFFF0, s31;
	s25 =	spop (v2sf);
	s29 =	sadd.s32 s4, s18  }
0x67: {  	(v2sf) =	vpush v0, $0xD;
	[tilespmem:s19], [sflag:$0x3] =	stream.linear.gather [hbm4b:s29+s3], $0x80, $0x38;
	[tilespmem:$0x10200] =	vst v63  }
0x68: {  	s13 =	sadd.s32 s4, s22;
	s16 =	sand.u32 $0x1FFFFFF0, s25;
	s31 =	spop (v2sf)  }
0x69: {  	(v2sf) =	vpush v0, $0xE;
	[tilespmem:s11], [sflag:$0x3] =	stream.linear.gather [hbm4b:s13+s3], $0x80, $0x38;
	[tilespmem:$0x10200] =	vst v63  }
0x6a: {  	s16 =	sadd.s32 s4, s16;
	s14 =	sand.u32 $0x1FFFFFF0, s31;
	s15 =	spop (v2sf)  }
0x6b: {  	(v2sf) =	vpush v0, $0xF;
	[tilespmem:s7], [sflag:$0x3] =	stream.linear.gather [hbm4b:s16+s3], $0x80, $0x38;
	[tilespmem:$0x10200] =	vst v63  }
0x6c: {  	s17 =	sand.u32 $0x1FFFFFF0, s15;
	s18 =	spop (v2sf);
	s11 =	sadd.s32 s4, s14  }
0x6d: {  	[tilespmem:s12], [sflag:$0x3] =	stream.linear.gather [hbm4b:s11+s3], $0x80, $0x38;
	[tilespmem:$0x10200] =	vst v63  }
0x6e: {  	s19 =	sand.u32 $0x1FFFFFF0, s18;
	s7 =	sadd.s32 s4, s17;
	s22 =	spop (v2sf)  }
0x6f: {  	[tilespmem:s6], [sflag:$0x3] =	stream.linear.gather [hbm4b:s7+s3], $0x80, $0x38;
	[tilespmem:$0x10200] =	vst v63  }
0x70: {  	s11 =	sadd.s32 s4, s19;
	s25 =	sand.u32 $0x1FFFFFF0, s22;
	s29 =	spop (v2sf)  }
0x71: {  	[tilespmem:s8], [sflag:$0x3] =	stream.linear.gather [hbm4b:s11+s3], $0x80, $0x38;
	[tilespmem:$0x10200] =	vst v63  }
0x72: {  	s7 =	sand.u32 $0x1FFFFFF0, s29;
	s6 =	sadd.s32 s4, s25;
	s31 =	spop (v2sf)  }
0x73: {  	[tilespmem:s2], [sflag:$0x3] =	stream.linear.gather [hbm4b:s6+s3], $0x80, $0x38;
	[tilespmem:$0x10200] =	vst v63  }
0x74: {  	s7 =	sadd.s32 s4, s7;
	s8 =	sand.u32 $0x1FFFFFF0, s31;
	s11 =	spop (v2sf)  }
0x75: {  	[tilespmem:s10], [sflag:$0x3] =	stream.linear.gather [hbm4b:s7+s3], $0x80, $0x38;
	[tilespmem:$0x10200] =	vst v63  }
0x76: {  	s2 =	sadd.s32 s4, s8;
	s6 =	sand.u32 $0x1FFFFFF0, s11;
	s12 =	spop (v2sf)  }
0x77: {  	[tilespmem:s9], [sflag:$0x3] =	stream.linear.gather [hbm4b:s2+s3], $0x80, $0x38;
	[tilespmem:$0x10200] =	vst v63  }
0x78: {  	s13 =	sand.u32 $0x1FFFFFF0, s12;
	s6 =	sadd.s32 s4, s6;
	s14 =	spop (v2sf)  }
0x79: {  	[tilespmem:s0], [sflag:$0x3] =	stream.linear.gather [hbm4b:s6+s3], $0x80, $0x38;
	[tilespmem:$0x10200] =	vst v63  }
0x7a: {  	s15 =	sand.u32 $0x1FFFFFF0, s14;
	s16 =	spop (v2sf);
	s2 =	sadd.s32 s4, s13  }
0x7b: {  	[tilespmem:s1], [sflag:$0x3] =	stream.linear.gather [hbm4b:s2+s3], $0x80, $0x38;
	[tilespmem:$0x10200] =	vst v63  }
0x7c: {  	s18 =	sadd.s32 $0x900, s30;
	s17 =	sand.u32 $0x1FFFFFF0, s16;
	s0 =	sadd.s32 s4, s15  }
0x7d: {  	[tilespmem:s18], [sflag:$0x3] =	stream.linear.gather [hbm4b:s0+s3], $0x80, $0x38;
	[tilespmem:$0x10200] =	vst v63  }
0x7e: {  	s19 =	sadd.s32 $0x980, s30;
	s1 =	sadd.s32 s4, s17  }
0x7f: {  	[tilespmem:s19], [sflag:$0x3] =	stream.linear.gather [hbm4b:s1+s3], $0x80, $0x38;
	[tilespmem:$0x10200] =	vst v63  }
0x80: {  	_ =	swait.ge [sflag:s21], $0x8000  }
0x81: {  	s22 =	simm.s32 $0x0;
	[sflag:s21] =	ssyncset.done $0x0  }
0x82: {  	s29 =	simm.s32 $0x200;
	s25 =	rddreg [dreg:$0x7];
	[sflag:s21] =	ssyncadd.s32 $0xFFFF8000  }
0x83: {  	[hbm4b:s25+s22] =	stream.linear.scatter [tilespmem:s29], [sflag:$0x5], $0x8000, $0x38;
	[tilespmem:$0x10200] =	vst v63  }
0x84: {  	s31 =	rddreg [dreg:$0x8]  }
0x85: {  	[tilespmem:s22], [sflag:$0x1] =	stream.linear.gather [hbm4b:s31+s22], $0x100, $0x38;
	[tilespmem:$0x10200] =	vst v63  }
0x86: {  	_ =	swait.ge [sflag:s23], $0x100  }
0x87: {  	[sflag:s23] =	ssyncset.done $0x0  }
0x88: {  	s0 =	simm.s32 $0x100;
	[sflag:s23] =	ssyncadd.s32 $0xFFFFFF00  }
0x89: {  	v0 =	vld [tilespmem:s0+$0x0];
	_ =	sdelay $0x4  }
0x8a: {  	v0 =	vshll.u32 v0, $0x4  }
0x8b: {  	(v2sf) =	vpush v0, $0x0  }
0x8c: {  	(v2sf) =	vpush v0, $0x1  }
0x8d: {  	(v2sf) =	vpush v0, $0x2;
	_ =	sdelay $0x1  }
0x8e: {  	(v2sf) =	vpush v0, $0x4;
	_ =	sdelay $0x1  }
0x8f: {  	(v2sf) =	vpush v0, $0x3  }
0x90: {  	(v2sf) =	vpush v0, $0x5  }
0x91: {  	s30 =	simm.s32 $0x0;
	s1 =	simm.s32 $0x2000;
	(v2sf) =	vpush v0, $0x6  }
.LBB2_4:
0x92: {  	p0 =	sne.s32 s1, $0x1E000  }
0x93: {  	s2 =	sadd.s32 $0x8280, s30;
	s11 =	sadd.s32 $0x8780, s30;
	s9 =	smov.u32 s1  }
0x94: {  	s1 =	sadd.s32 $0x2000, s1;
	s16 =	sadd.s32 $0x8580, s30;
	s10 =	sadd.s32 $0x8800, s30;
	(v2sf) =	vpush v0, $0x7  }
0x95: {  	s8 =	sadd.s32 $0x8480, s30;
	s13 =	sadd.s32 $0x8600, s30;
	s31 =	sadd.s32 $0x8880, s30  }
0x96: {  	s6 =	sadd.s32 $0x8200, s30;
	s7 =	sadd.s32 $0x8400, s30;
	(v2sf) =	vpush v0, $0x8  }
0x97: {  	s18 =	sadd.s32 $0x8500, s30;
	s0 =	sadd.s32 $0x10, s0  }
0x98: {  	s19 =	sadd.s32 $0x8300, s30;
	s12 =	sadd.s32 $0x8700, s30;
	s17 =	spop (v2sf);
	(v2sf) =	vpush v0, $0x9  }
0x99: {  	s22 =	sand.u32 $0x1FFFFFF0, s17;
	s17 =	sadd.s32 $0x8680, s30;
	s25 =	spop (v2sf)  }
0x9a: {  	s22 =	sadd.s32 s4, s22;
	s25 =	sand.u32 $0x1FFFFFF0, s25;
	s29 =	spop (v2sf);
	(v2sf) =	vpush v0, $0xA  }
0x9b: {  	[tilespmem:s6], [sflag:$0x4] =	stream.linear.gather [hbm4b:s22+s3], $0x80, $0x38;
	[tilespmem:$0x10200] =	vst v63  }
0x9c: {  	s6 =	sadd.s32 s4, s25;
	s22 =	sadd.s32 $0x8380, s30;
	s25 =	spop (v2sf);
	(v2sf) =	vpush v0, $0xB  }
0x9d: {  	[tilespmem:s2], [sflag:$0x4] =	stream.linear.gather [hbm4b:s6+s3], $0x80, $0x38;
	[tilespmem:$0x10200] =	vst v63  }
0x9e: {  	s2 =	sand.u32 $0x1FFFFFF0, s29;
	s6 =	sand.u32 $0x1FFFFFF0, s25;
	s25 =	spop (v2sf);
	(v2sf) =	vpush v0, $0xC  }
0x9f: {  	s2 =	sadd.s32 s4, s2;
	s25 =	sand.u32 $0x1FFFFFF0, s25;
	s29 =	spop (v2sf)  }
0xa0: {  	[tilespmem:s19], [sflag:$0x4] =	stream.linear.gather [hbm4b:s2+s3], $0x80, $0x38;
	(v2sf) =	vpush v0, $0xD;
	[tilespmem:$0x10200] =	vst v63  }
0xa1: {  	s2 =	sadd.s32 s4, s25;
	s19 =	sand.u32 $0x1FFFFFF0, s29;
	s25 =	spop (v2sf)  }
0xa2: {  	[tilespmem:s22], [sflag:$0x4] =	stream.linear.gather [hbm4b:s2+s3], $0x80, $0x38;
	(v2sf) =	vpush v0, $0xE;
	[tilespmem:$0x10200] =	vst v63  }
0xa3: {  	s2 =	sadd.s32 s4, s6;
	s6 =	sand.u32 $0x1FFFFFF0, s25;
	s22 =	spop (v2sf)  }
0xa4: {  	[tilespmem:s7], [sflag:$0x4] =	stream.linear.gather [hbm4b:s2+s3], $0x80, $0x38;
	(v2sf) =	vpush v0, $0xF;
	[tilespmem:$0x10200] =	vst v63  }
0xa5: {  	s2 =	sadd.s32 s4, s19;
	s7 =	sand.u32 $0x1FFFFFF0, s22;
	s19 =	spop (v2sf)  }
0xa6: {  	[tilespmem:s8], [sflag:$0x4] =	stream.linear.gather [hbm4b:s2+s3], $0x80, $0x38;
	[tilespmem:$0x10200] =	vst v63  }
0xa7: {  	s2 =	sadd.s32 s4, s6;
	s6 =	sand.u32 $0x1FFFFFF0, s19;
	s8 =	spop (v2sf)  }
0xa8: {  	[tilespmem:s18], [sflag:$0x4] =	stream.linear.gather [hbm4b:s2+s3], $0x80, $0x38;
	[tilespmem:$0x10200] =	vst v63  }
0xa9: {  	s2 =	sadd.s32 s4, s7;
	s7 =	sand.u32 $0x1FFFFFF0, s8;
	s8 =	spop (v2sf)  }
0xaa: {  	[tilespmem:s16], [sflag:$0x4] =	stream.linear.gather [hbm4b:s2+s3], $0x80, $0x38;
	[tilespmem:$0x10200] =	vst v63  }
0xab: {  	s2 =	sadd.s32 s4, s6;
	s6 =	sand.u32 $0x1FFFFFF0, s8;
	s8 =	spop (v2sf)  }
0xac: {  	[tilespmem:s13], [sflag:$0x4] =	stream.linear.gather [hbm4b:s2+s3], $0x80, $0x38;
	[tilespmem:$0x10200] =	vst v63  }
0xad: {  	s2 =	sadd.s32 s4, s7;
	s7 =	sand.u32 $0x1FFFFFF0, s8;
	s8 =	spop (v2sf)  }
0xae: {  	[tilespmem:s17], [sflag:$0x4] =	stream.linear.gather [hbm4b:s2+s3], $0x80, $0x38;
	[tilespmem:$0x10200] =	vst v63  }
0xaf: {  	s2 =	sadd.s32 s4, s6;
	s6 =	sand.u32 $0x1FFFFFF0, s8;
	s8 =	spop (v2sf)  }
0xb0: {  	[tilespmem:s12], [sflag:$0x4] =	stream.linear.gather [hbm4b:s2+s3], $0x80, $0x38;
	[tilespmem:$0x10200] =	vst v63  }
0xb1: {  	s2 =	sadd.s32 s4, s7;
	s7 =	sand.u32 $0x1FFFFFF0, s8;
	s8 =	spop (v2sf)  }
0xb2: {  	[tilespmem:s11], [sflag:$0x4] =	stream.linear.gather [hbm4b:s2+s3], $0x80, $0x38;
	[tilespmem:$0x10200] =	vst v63  }
0xb3: {  	s2 =	sadd.s32 s4, s6;
	s6 =	sand.u32 $0x1FFFFFF0, s8;
	s8 =	spop (v2sf)  }
0xb4: {  	[tilespmem:s10], [sflag:$0x4] =	stream.linear.gather [hbm4b:s2+s3], $0x80, $0x38;
	[tilespmem:$0x10200] =	vst v63  }
0xb5: {  	s2 =	sadd.s32 s4, s7;
	s7 =	sand.u32 $0x1FFFFFF0, s8  }
0xb6: {  	[tilespmem:s31], [sflag:$0x4] =	stream.linear.gather [hbm4b:s2+s3], $0x80, $0x38;
	[tilespmem:$0x10200] =	vst v63  }
0xb7: {  	s6 =	sadd.s32 s4, s6;
	s2 =	sadd.s32 $0x8900, s30  }
0xb8: {  	[tilespmem:s2], [sflag:$0x4] =	stream.linear.gather [hbm4b:s6+s3], $0x80, $0x38;
	[tilespmem:$0x10200] =	vst v63  }
0xb9: {  	s2 =	sadd.s32 $0x8980, s30;
	s6 =	sadd.s32 s4, s7  }
0xba: {  	[tilespmem:s2], [sflag:$0x4] =	stream.linear.gather [hbm4b:s6+s3], $0x80, $0x38;
	[tilespmem:$0x10200] =	vst v63  }
0xbb: {  	v0 =	vld [tilespmem:s0+$0x0];
	_ =	sdelay $0x4  }
0xbc: {  	v0 =	vshll.u32 v0, $0x4  }
0xbd: {  	(v2sf) =	vpush v0, $0x0  }
0xbe: {  	(v2sf) =	vpush v0, $0x1  }
0xbf: {  	(v2sf) =	vpush v0, $0x2;
	_ =	sdelay $0x1  }
0xc0: {  	(v2sf) =	vpush v0, $0x4  }
.Ltmp1:
0xc1: {  	(pc) =	sbr.rel @p0 .LBB2_4-.Ltmp1, $3  }
0xc2: {  	(v2sf) =	vpush v0, $0x3  }
0xc3: {  	(v2sf) =	vpush v0, $0x5;
	_ =	sdelay $0x1  }
0xc4: {  	s30 =	sshra.s32 s9, $0x2;
	(v2sf) =	vpush v0, $0x6  }
0xc5: {  	_ =	sdelay $0x1  }
0xc6: {  	s2 =	sadd.s32 $0x8280, s30;
	s9 =	sadd.s32 $0x8780, s30  }
0xc7: {  	s6 =	sadd.s32 $0x8580, s30;
	s0 =	sadd.s32 $0x8800, s30;
	(v2sf) =	vpush v0, $0x7;
	s7 =	sadd.s32 $0x8480, s30  }
0xc8: {  	s8 =	sadd.s32 $0x8600, s30;
	s1 =	sadd.s32 $0x8880, s30;
	s10 =	sadd.s32 $0x8200, s30  }
0xc9: {  	s11 =	sadd.s32 $0x8400, s30;
	s12 =	sadd.s32 $0x8500, s30;
	(v2sf) =	vpush v0, $0x8;
	s13 =	spop (v2sf)  }
0xca: {  	s16 =	sadd.s32 $0x8300, s30;
	s13 =	sand.u32 $0x1FFFFFF0, s13;
	s17 =	spop (v2sf)  }
0xcb: {  	(v2sf) =	vpush v0, $0x9;
	s13 =	sadd.s32 s4, s13;
	s17 =	sand.u32 $0x1FFFFFF0, s17;
	s18 =	spop (v2sf)  }
0xcc: {  	[tilespmem:s10], [sflag:$0x4] =	stream.linear.gather [hbm4b:s13+s3], $0x80, $0x38;
	[tilespmem:$0x10200] =	vst v63  }
0xcd: {  	s19 =	sadd.s32 $0x8380, s30;
	(v2sf) =	vpush v0, $0xA;
	s29 =	sadd.s32 s4, s17;
	s31 =	spop (v2sf)  }
0xce: {  	[tilespmem:s2], [sflag:$0x4] =	stream.linear.gather [hbm4b:s29+s3], $0x80, $0x38;
	[tilespmem:$0x10200] =	vst v63  }
0xcf: {  	s10 =	sadd.s32 $0x8700, s30;
	s14 =	sand.u32 $0x1FFFFFF0, s18;
	(v2sf) =	vpush v0, $0xB;
	s15 =	spop (v2sf)  }
0xd0: {  	s13 =	sadd.s32 s4, s14;
	s2 =	sadd.s32 $0x8680, s30;
	s18 =	sand.u32 $0x1FFFFFF0, s15  }
0xd1: {  	(v2sf) =	vpush v0, $0xC;
	[tilespmem:s16], [sflag:$0x4] =	stream.linear.gather [hbm4b:s13+s3], $0x80, $0x38;
	[tilespmem:$0x10200] =	vst v63  }
0xd2: {  	s22 =	sand.u32 $0x1FFFFFF0, s31;
	s25 =	spop (v2sf);
	s29 =	sadd.s32 s4, s18  }
0xd3: {  	(v2sf) =	vpush v0, $0xD;
	[tilespmem:s19], [sflag:$0x4] =	stream.linear.gather [hbm4b:s29+s3], $0x80, $0x38;
	[tilespmem:$0x10200] =	vst v63  }
0xd4: {  	s13 =	sadd.s32 s4, s22;
	s16 =	sand.u32 $0x1FFFFFF0, s25;
	s31 =	spop (v2sf)  }
0xd5: {  	(v2sf) =	vpush v0, $0xE;
	[tilespmem:s11], [sflag:$0x4] =	stream.linear.gather [hbm4b:s13+s3], $0x80, $0x38;
	[tilespmem:$0x10200] =	vst v63  }
0xd6: {  	s16 =	sadd.s32 s4, s16;
	s14 =	sand.u32 $0x1FFFFFF0, s31;
	s15 =	spop (v2sf)  }
0xd7: {  	(v2sf) =	vpush v0, $0xF;
	[tilespmem:s7], [sflag:$0x4] =	stream.linear.gather [hbm4b:s16+s3], $0x80, $0x38;
	[tilespmem:$0x10200] =	vst v63  }
0xd8: {  	s17 =	sand.u32 $0x1FFFFFF0, s15;
	s18 =	spop (v2sf);
	s11 =	sadd.s32 s4, s14  }
0xd9: {  	[tilespmem:s12], [sflag:$0x4] =	stream.linear.gather [hbm4b:s11+s3], $0x80, $0x38;
	[tilespmem:$0x10200] =	vst v63  }
0xda: {  	s19 =	sand.u32 $0x1FFFFFF0, s18;
	s7 =	sadd.s32 s4, s17;
	s22 =	spop (v2sf)  }
0xdb: {  	[tilespmem:s6], [sflag:$0x4] =	stream.linear.gather [hbm4b:s7+s3], $0x80, $0x38;
	[tilespmem:$0x10200] =	vst v63  }
0xdc: {  	s11 =	sadd.s32 s4, s19;
	s25 =	sand.u32 $0x1FFFFFF0, s22;
	s29 =	spop (v2sf)  }
0xdd: {  	[tilespmem:s8], [sflag:$0x4] =	stream.linear.gather [hbm4b:s11+s3], $0x80, $0x38;
	[tilespmem:$0x10200] =	vst v63  }
0xde: {  	s7 =	sand.u32 $0x1FFFFFF0, s29;
	s6 =	sadd.s32 s4, s25;
	s31 =	spop (v2sf)  }
0xdf: {  	[tilespmem:s2], [sflag:$0x4] =	stream.linear.gather [hbm4b:s6+s3], $0x80, $0x38;
	[tilespmem:$0x10200] =	vst v63  }
0xe0: {  	s7 =	sadd.s32 s4, s7;
	s11 =	sand.u32 $0x1FFFFFF0, s31;
	s12 =	spop (v2sf)  }
0xe1: {  	[tilespmem:s10], [sflag:$0x4] =	stream.linear.gather [hbm4b:s7+s3], $0x80, $0x38;
	[tilespmem:$0x10200] =	vst v63  }
0xe2: {  	s2 =	sadd.s32 s4, s11;
	s6 =	sand.u32 $0x1FFFFFF0, s12;
	s13 =	spop (v2sf)  }
0xe3: {  	[tilespmem:s9], [sflag:$0x4] =	stream.linear.gather [hbm4b:s2+s3], $0x80, $0x38;
	[tilespmem:$0x10200] =	vst v63  }
0xe4: {  	s14 =	sand.u32 $0x1FFFFFF0, s13;
	s6 =	sadd.s32 s4, s6;
	s15 =	spop (v2sf)  }
0xe5: {  	[tilespmem:s0], [sflag:$0x4] =	stream.linear.gather [hbm4b:s6+s3], $0x80, $0x38;
	[tilespmem:$0x10200] =	vst v63  }
0xe6: {  	s16 =	sand.u32 $0x1FFFFFF0, s15;
	s17 =	spop (v2sf);
	s2 =	sadd.s32 s4, s14  }
0xe7: {  	[tilespmem:s1], [sflag:$0x4] =	stream.linear.gather [hbm4b:s2+s3], $0x80, $0x38;
	[tilespmem:$0x10200] =	vst v63  }
0xe8: {  	s19 =	sadd.s32 $0x8900, s30;
	s18 =	sand.u32 $0x1FFFFFF0, s17;
	s0 =	sadd.s32 s4, s16  }
0xe9: {  	[tilespmem:s19], [sflag:$0x4] =	stream.linear.gather [hbm4b:s0+s3], $0x80, $0x38;
	[tilespmem:$0x10200] =	vst v63  }
0xea: {  	s22 =	sadd.s32 $0x8980, s30;
	s1 =	sadd.s32 s4, s18  }
0xeb: {  	[tilespmem:s22], [sflag:$0x4] =	stream.linear.gather [hbm4b:s1+s3], $0x80, $0x38;
	[tilespmem:$0x10200] =	vst v63  }
0xec: {  	_ =	swait.ge [sflag:s24], $0x8000  }
0xed: {  	s29 =	simm.s32 $0x8200;
	[sflag:s24] =	ssyncset.done $0x0  }
0xee: {  	s1 =	simm.s32 $0x0;
	s25 =	rddreg [dreg:$0x9];
	[sflag:s24] =	ssyncadd.s32 $0xFFFF8000  }
0xef: {  	[hbm4b:s25+s1] =	stream.linear.scatter [tilespmem:s29], [sflag:$0x6], $0x8000, $0x38;
	[tilespmem:$0x10200] =	vst v63  }
0xf0: {  	s31 =	simm.s32 $0x100;
	s30 =	rddreg [dreg:$0xa]  }
0xf1: {  	[tilespmem:s31], [sflag:$0x2] =	stream.linear.gather [hbm4b:s30+s1], $0x100, $0x38;
	[tilespmem:$0x10200] =	vst v63  }
0xf2: {  	_ =	swait.ge [sflag:s26], $0x8000  }
0xf3: {  	[sflag:s26] =	ssyncset.done $0x0  }
0xf4: {  	[sflag:s26] =	ssyncadd.s32 $0xFFFF8000  }
0xf5: {  	_ =	swait.ge [sflag:s20], $0x100  }
0xf6: {  	[sflag:s20] =	ssyncset.done $0x0  }
0xf7: {  	[sflag:s20] =	ssyncadd.s32 $0xFFFFFF00  }
0xf8: {  	v0 =	vld [tilespmem:s1+$0x0];
	_ =	sdelay $0x4  }
0xf9: {  	v0 =	vshll.u32 v0, $0x4  }
0xfa: {  	(v2sf) =	vpush v0, $0x0  }
0xfb: {  	(v2sf) =	vpush v0, $0x1  }
0xfc: {  	(v2sf) =	vpush v0, $0x2;
	_ =	sdelay $0x1  }
0xfd: {  	(v2sf) =	vpush v0, $0x4;
	_ =	sdelay $0x1  }
0xfe: {  	(v2sf) =	vpush v0, $0x3  }
0xff: {  	(v2sf) =	vpush v0, $0x5  }
0x100: {  	s9 =	simm.s32 $0x2000;
	s0 =	simm.s32 $0x0;
	(v2sf) =	vpush v0, $0x6  }
.LBB2_6:
0x101: {  	p0 =	sne.s32 s9, $0x1E000  }
0x102: {  	s2 =	sadd.s32 $0x280, s0;
	s11 =	sadd.s32 $0x780, s0;
	s30 =	smov.u32 s9  }
0x103: {  	s9 =	sadd.s32 $0x2000, s9;
	s16 =	sadd.s32 $0x580, s0;
	s10 =	sadd.s32 $0x800, s0;
	(v2sf) =	vpush v0, $0x7  }
0x104: {  	s8 =	sadd.s32 $0x480, s0;
	s13 =	sadd.s32 $0x600, s0;
	s31 =	sadd.s32 $0x880, s0  }
0x105: {  	s6 =	sadd.s32 $0x200, s0;
	s7 =	sadd.s32 $0x400, s0;
	(v2sf) =	vpush v0, $0x8  }
0x106: {  	s18 =	sadd.s32 $0x500, s0;
	s1 =	sadd.s32 $0x10, s1  }
0x107: {  	s19 =	sadd.s32 $0x300, s0;
	s12 =	sadd.s32 $0x700, s0;
	s17 =	spop (v2sf);
	(v2sf) =	vpush v0, $0x9  }
0x108: {  	s22 =	sand.u32 $0x1FFFFFF0, s17;
	s17 =	sadd.s32 $0x680, s0;
	s25 =	spop (v2sf)  }
0x109: {  	s22 =	sadd.s32 s4, s22;
	s25 =	sand.u32 $0x1FFFFFF0, s25;
	s29 =	spop (v2sf);
	(v2sf) =	vpush v0, $0xA  }
0x10a: {  	[tilespmem:s6], [sflag:$0x3] =	stream.linear.gather [hbm4b:s22+s3], $0x80, $0x38;
	[tilespmem:$0x10200] =	vst v63  }
0x10b: {  	s6 =	sadd.s32 s4, s25;
	s22 =	sadd.s32 $0x380, s0;
	s25 =	spop (v2sf);
	(v2sf) =	vpush v0, $0xB  }
0x10c: {  	[tilespmem:s2], [sflag:$0x3] =	stream.linear.gather [hbm4b:s6+s3], $0x80, $0x38;
	[tilespmem:$0x10200] =	vst v63  }
0x10d: {  	s2 =	sand.u32 $0x1FFFFFF0, s29;
	s6 =	sand.u32 $0x1FFFFFF0, s25;
	s25 =	spop (v2sf);
	(v2sf) =	vpush v0, $0xC  }
0x10e: {  	s2 =	sadd.s32 s4, s2;
	s25 =	sand.u32 $0x1FFFFFF0, s25;
	s29 =	spop (v2sf)  }
0x10f: {  	[tilespmem:s19], [sflag:$0x3] =	stream.linear.gather [hbm4b:s2+s3], $0x80, $0x38;
	(v2sf) =	vpush v0, $0xD;
	[tilespmem:$0x10200] =	vst v63  }
0x110: {  	s2 =	sadd.s32 s4, s25;
	s19 =	sand.u32 $0x1FFFFFF0, s29;
	s25 =	spop (v2sf)  }
0x111: {  	[tilespmem:s22], [sflag:$0x3] =	stream.linear.gather [hbm4b:s2+s3], $0x80, $0x38;
	(v2sf) =	vpush v0, $0xE;
	[tilespmem:$0x10200] =	vst v63  }
0x112: {  	s2 =	sadd.s32 s4, s6;
	s6 =	sand.u32 $0x1FFFFFF0, s25;
	s22 =	spop (v2sf)  }
0x113: {  	[tilespmem:s7], [sflag:$0x3] =	stream.linear.gather [hbm4b:s2+s3], $0x80, $0x38;
	(v2sf) =	vpush v0, $0xF;
	[tilespmem:$0x10200] =	vst v63  }
0x114: {  	s2 =	sadd.s32 s4, s19;
	s7 =	sand.u32 $0x1FFFFFF0, s22;
	s19 =	spop (v2sf)  }
0x115: {  	[tilespmem:s8], [sflag:$0x3] =	stream.linear.gather [hbm4b:s2+s3], $0x80, $0x38;
	[tilespmem:$0x10200] =	vst v63  }
0x116: {  	s2 =	sadd.s32 s4, s6;
	s6 =	sand.u32 $0x1FFFFFF0, s19;
	s8 =	spop (v2sf)  }
0x117: {  	[tilespmem:s18], [sflag:$0x3] =	stream.linear.gather [hbm4b:s2+s3], $0x80, $0x38;
	[tilespmem:$0x10200] =	vst v63  }
0x118: {  	s2 =	sadd.s32 s4, s7;
	s7 =	sand.u32 $0x1FFFFFF0, s8;
	s8 =	spop (v2sf)  }
0x119: {  	[tilespmem:s16], [sflag:$0x3] =	stream.linear.gather [hbm4b:s2+s3], $0x80, $0x38;
	[tilespmem:$0x10200] =	vst v63  }
0x11a: {  	s2 =	sadd.s32 s4, s6;
	s6 =	sand.u32 $0x1FFFFFF0, s8;
	s8 =	spop (v2sf)  }
0x11b: {  	[tilespmem:s13], [sflag:$0x3] =	stream.linear.gather [hbm4b:s2+s3], $0x80, $0x38;
	[tilespmem:$0x10200] =	vst v63  }
0x11c: {  	s2 =	sadd.s32 s4, s7;
	s7 =	sand.u32 $0x1FFFFFF0, s8;
	s8 =	spop (v2sf)  }
0x11d: {  	[tilespmem:s17], [sflag:$0x3] =	stream.linear.gather [hbm4b:s2+s3], $0x80, $0x38;
	[tilespmem:$0x10200] =	vst v63  }
0x11e: {  	s2 =	sadd.s32 s4, s6;
	s6 =	sand.u32 $0x1FFFFFF0, s8;
	s8 =	spop (v2sf)  }
0x11f: {  	[tilespmem:s12], [sflag:$0x3] =	stream.linear.gather [hbm4b:s2+s3], $0x80, $0x38;
	[tilespmem:$0x10200] =	vst v63  }
0x120: {  	s2 =	sadd.s32 s4, s7;
	s7 =	sand.u32 $0x1FFFFFF0, s8;
	s8 =	spop (v2sf)  }
0x121: {  	[tilespmem:s11], [sflag:$0x3] =	stream.linear.gather [hbm4b:s2+s3], $0x80, $0x38;
	[tilespmem:$0x10200] =	vst v63  }
0x122: {  	s2 =	sadd.s32 s4, s6;
	s6 =	sand.u32 $0x1FFFFFF0, s8;
	s8 =	spop (v2sf)  }
0x123: {  	[tilespmem:s10], [sflag:$0x3] =	stream.linear.gather [hbm4b:s2+s3], $0x80, $0x38;
	[tilespmem:$0x10200] =	vst v63  }
0x124: {  	s2 =	sadd.s32 s4, s7;
	s7 =	sand.u32 $0x1FFFFFF0, s8  }
0x125: {  	[tilespmem:s31], [sflag:$0x3] =	stream.linear.gather [hbm4b:s2+s3], $0x80, $0x38;
	[tilespmem:$0x10200] =	vst v63  }
0x126: {  	s6 =	sadd.s32 s4, s6;
	s2 =	sadd.s32 $0x900, s0  }
0x127: {  	[tilespmem:s2], [sflag:$0x3] =	stream.linear.gather [hbm4b:s6+s3], $0x80, $0x38;
	[tilespmem:$0x10200] =	vst v63  }
0x128: {  	s0 =	sadd.s32 $0x980, s0;
	s2 =	sadd.s32 s4, s7  }
0x129: {  	[tilespmem:s0], [sflag:$0x3] =	stream.linear.gather [hbm4b:s2+s3], $0x80, $0x38;
	[tilespmem:$0x10200] =	vst v63  }
0x12a: {  	v0 =	vld [tilespmem:s1+$0x0];
	_ =	sdelay $0x4  }
0x12b: {  	v0 =	vshll.u32 v0, $0x4  }
0x12c: {  	(v2sf) =	vpush v0, $0x0  }
0x12d: {  	(v2sf) =	vpush v0, $0x1  }
0x12e: {  	(v2sf) =	vpush v0, $0x2;
	_ =	sdelay $0x1  }
0x12f: {  	(v2sf) =	vpush v0, $0x4  }
.Ltmp2:
0x130: {  	(pc) =	sbr.rel @p0 .LBB2_6-.Ltmp2, $3  }
0x131: {  	(v2sf) =	vpush v0, $0x3  }
0x132: {  	(v2sf) =	vpush v0, $0x5;
	_ =	sdelay $0x1  }
0x133: {  	s0 =	sshra.s32 s30, $0x2;
	(v2sf) =	vpush v0, $0x6  }
0x134: {  	_ =	sdelay $0x1  }
0x135: {  	s2 =	sadd.s32 $0x280, s0;
	s10 =	sadd.s32 $0x780, s0  }
0x136: {  	s6 =	sadd.s32 $0x580, s0;
	s1 =	sadd.s32 $0x800, s0;
	(v2sf) =	vpush v0, $0x7;
	s7 =	sadd.s32 $0x480, s0  }
0x137: {  	s8 =	sadd.s32 $0x600, s0;
	s9 =	sadd.s32 $0x880, s0;
	s11 =	sadd.s32 $0x200, s0  }
0x138: {  	s12 =	sadd.s32 $0x400, s0;
	s13 =	sadd.s32 $0x500, s0;
	(v2sf) =	vpush v0, $0x8;
	s16 =	spop (v2sf)  }
0x139: {  	s17 =	sadd.s32 $0x300, s0;
	s16 =	sand.u32 $0x1FFFFFF0, s16;
	s18 =	spop (v2sf)  }
0x13a: {  	(v2sf) =	vpush v0, $0x9;
	s16 =	sadd.s32 s4, s16;
	s18 =	sand.u32 $0x1FFFFFF0, s18;
	s19 =	spop (v2sf)  }
0x13b: {  	[tilespmem:s11], [sflag:$0x3] =	stream.linear.gather [hbm4b:s16+s3], $0x80, $0x38;
	[tilespmem:$0x10200] =	vst v63  }
0x13c: {  	s22 =	sadd.s32 $0x380, s0;
	(v2sf) =	vpush v0, $0xA;
	s25 =	sadd.s32 s4, s18;
	s29 =	spop (v2sf)  }
0x13d: {  	[tilespmem:s2], [sflag:$0x3] =	stream.linear.gather [hbm4b:s25+s3], $0x80, $0x38;
	[tilespmem:$0x10200] =	vst v63  }
0x13e: {  	s11 =	sadd.s32 $0x700, s0;
	s31 =	sand.u32 $0x1FFFFFF0, s19;
	(v2sf) =	vpush v0, $0xB;
	s14 =	spop (v2sf)  }
0x13f: {  	s16 =	sadd.s32 s4, s31;
	s2 =	sadd.s32 $0x680, s0;
	s19 =	sand.u32 $0x1FFFFFF0, s14  }
0x140: {  	(v2sf) =	vpush v0, $0xC;
	[tilespmem:s17], [sflag:$0x3] =	stream.linear.gather [hbm4b:s16+s3], $0x80, $0x38;
	[tilespmem:$0x10200] =	vst v63  }
0x141: {  	s15 =	sand.u32 $0x1FFFFFF0, s29;
	s25 =	spop (v2sf);
	s29 =	sadd.s32 s4, s19  }
0x142: {  	(v2sf) =	vpush v0, $0xD;
	[tilespmem:s22], [sflag:$0x3] =	stream.linear.gather [hbm4b:s29+s3], $0x80, $0x38;
	[tilespmem:$0x10200] =	vst v63  }
0x143: {  	s16 =	sadd.s32 s4, s15;
	s17 =	sand.u32 $0x1FFFFFF0, s25;
	s31 =	spop (v2sf)  }
0x144: {  	(v2sf) =	vpush v0, $0xE;
	[tilespmem:s12], [sflag:$0x3] =	stream.linear.gather [hbm4b:s16+s3], $0x80, $0x38;
	[tilespmem:$0x10200] =	vst v63  }
0x145: {  	s17 =	sadd.s32 s4, s17;
	s14 =	sand.u32 $0x1FFFFFF0, s31;
	s15 =	spop (v2sf)  }
0x146: {  	(v2sf) =	vpush v0, $0xF;
	[tilespmem:s7], [sflag:$0x3] =	stream.linear.gather [hbm4b:s17+s3], $0x80, $0x38;
	[tilespmem:$0x10200] =	vst v63  }
0x147: {  	s18 =	sand.u32 $0x1FFFFFF0, s15;
	s19 =	spop (v2sf);
	s12 =	sadd.s32 s4, s14  }
0x148: {  	[tilespmem:s13], [sflag:$0x3] =	stream.linear.gather [hbm4b:s12+s3], $0x80, $0x38;
	[tilespmem:$0x10200] =	vst v63  }
0x149: {  	s22 =	sand.u32 $0x1FFFFFF0, s19;
	s7 =	sadd.s32 s4, s18;
	s25 =	spop (v2sf)  }
0x14a: {  	[tilespmem:s6], [sflag:$0x3] =	stream.linear.gather [hbm4b:s7+s3], $0x80, $0x38;
	[tilespmem:$0x10200] =	vst v63  }
0x14b: {  	s12 =	sadd.s32 s4, s22;
	s29 =	sand.u32 $0x1FFFFFF0, s25;
	s31 =	spop (v2sf)  }
0x14c: {  	[tilespmem:s8], [sflag:$0x3] =	stream.linear.gather [hbm4b:s12+s3], $0x80, $0x38;
	[tilespmem:$0x10200] =	vst v63  }
0x14d: {  	s7 =	sand.u32 $0x1FFFFFF0, s31;
	s6 =	sadd.s32 s4, s29;
	s12 =	spop (v2sf)  }
0x14e: {  	[tilespmem:s2], [sflag:$0x3] =	stream.linear.gather [hbm4b:s6+s3], $0x80, $0x38;
	[tilespmem:$0x10200] =	vst v63  }
0x14f: {  	s7 =	sadd.s32 s4, s7;
	s13 =	sand.u32 $0x1FFFFFF0, s12;
	s14 =	spop (v2sf)  }
0x150: {  	[tilespmem:s11], [sflag:$0x3] =	stream.linear.gather [hbm4b:s7+s3], $0x80, $0x38;
	[tilespmem:$0x10200] =	vst v63  }
0x151: {  	s2 =	sadd.s32 s4, s13;
	s6 =	sand.u32 $0x1FFFFFF0, s14;
	s15 =	spop (v2sf)  }
0x152: {  	[tilespmem:s10], [sflag:$0x3] =	stream.linear.gather [hbm4b:s2+s3], $0x80, $0x38;
	[tilespmem:$0x10200] =	vst v63  }
0x153: {  	s16 =	sand.u32 $0x1FFFFFF0, s15;
	s6 =	sadd.s32 s4, s6;
	s17 =	spop (v2sf)  }
0x154: {  	[tilespmem:s1], [sflag:$0x3] =	stream.linear.gather [hbm4b:s6+s3], $0x80, $0x38;
	[tilespmem:$0x10200] =	vst v63  }
0x155: {  	s18 =	sand.u32 $0x1FFFFFF0, s17;
	s19 =	spop (v2sf);
	s2 =	sadd.s32 s4, s16  }
0x156: {  	[tilespmem:s9], [sflag:$0x3] =	stream.linear.gather [hbm4b:s2+s3], $0x80, $0x38;
	[tilespmem:$0x10200] =	vst v63  }
0x157: {  	s25 =	sadd.s32 $0x900, s0;
	s22 =	sand.u32 $0x1FFFFFF0, s19;
	s1 =	sadd.s32 s4, s18  }
0x158: {  	[tilespmem:s25], [sflag:$0x3] =	stream.linear.gather [hbm4b:s1+s3], $0x80, $0x38;
	[tilespmem:$0x10200] =	vst v63  }
0x159: {  	s30 =	simm.s32 $0x1;
	s29 =	sadd.s32 $0x980, s0;
	s31 =	sadd.s32 s4, s22  }
0x15a: {  	[tilespmem:s29], [sflag:$0x3] =	stream.linear.gather [hbm4b:s31+s3], $0x80, $0x38;
	[tilespmem:$0x10200] =	vst v63  }
.LBB2_8:
0x15b: {  	_ =	swait.ge [sflag:s21], $0x8000  }
0x15c: {  	s0 =	sshll.u32 s30, $0x10;
	s1 =	rddreg [dreg:$0x4]  }
0x15d: {  	s31 =	sshll.u32 s30, $0x9;
	s22 =	simm.s32 $0x0;
	s0 =	sadd.s32 s1, s0  }
0x15e: {  	s2 =	simm.s32 $0x200;
	[sflag:s21] =	ssyncset.done $0x0;
	s0 =	sshrl.u32 s0, $0x3  }
0x15f: {  	s25 =	rddreg [dreg:$0xb];
	[sflag:s21] =	ssyncadd.s32 $0xFFFF8000;
	s0 =	sadd.s32 s5, s0  }
0x160: {  	[hbm4b:s0+s22] =	stream.linear.scatter [tilespmem:s2], [sflag:$0x5], $0x8000, $0x38;
	[tilespmem:$0x10200] =	vst v63  }
0x161: {  	s0 =	sadd.s32 s31, s25  }
0x162: {  	s29 =	rddreg [dreg:$0x0];
	s0 =	sshrl.u32 s0, $0x3  }
0x163: {  	s0 =	sadd.s32 s29, s0  }
0x164: {  	[tilespmem:s22], [sflag:$0x1] =	stream.linear.gather [hbm4b:s0+s22], $0x100, $0x38;
	[tilespmem:$0x10200] =	vst v63  }
0x165: {  	_ =	swait.ge [sflag:s28], $0x8000  }
0x166: {  	[sflag:s28] =	ssyncset.done $0x0  }
0x167: {  	[sflag:s28] =	ssyncadd.s32 $0xFFFF8000  }
0x168: {  	_ =	swait.ge [sflag:s23], $0x100  }
0x169: {  	[sflag:s23] =	ssyncset.done $0x0  }
0x16a: {  	s1 =	simm.s32 $0x100;
	[sflag:s23] =	ssyncadd.s32 $0xFFFFFF00  }
0x16b: {  	v0 =	vld [tilespmem:s1+$0x0];
	_ =	sdelay $0x4  }
0x16c: {  	v0 =	vshll.u32 v0, $0x4  }
0x16d: {  	(v2sf) =	vpush v0, $0x0  }
0x16e: {  	(v2sf) =	vpush v0, $0x1  }
0x16f: {  	(v2sf) =	vpush v0, $0x2;
	_ =	sdelay $0x1  }
0x170: {  	(v2sf) =	vpush v0, $0x4;
	_ =	sdelay $0x1  }
0x171: {  	(v2sf) =	vpush v0, $0x3  }
0x172: {  	(v2sf) =	vpush v0, $0x5  }
0x173: {  	s9 =	simm.s32 $0x2000;
	s0 =	simm.s32 $0x0;
	(v2sf) =	vpush v0, $0x6  }
.LBB2_9:
0x174: {  	p0 =	sne.s32 s9, $0x1E000  }
0x175: {  	s2 =	sadd.s32 $0x8280, s0;
	s13 =	sadd.s32 $0x8780, s0;
	s10 =	smov.u32 s9  }
0x176: {  	s9 =	sadd.s32 $0x2000, s9;
	s18 =	sadd.s32 $0x8580, s0;
	s11 =	sadd.s32 $0x8800, s0;
	(v2sf) =	vpush v0, $0x7  }
0x177: {  	s29 =	sadd.s32 $0x8480, s0;
	s17 =	sadd.s32 $0x8600, s0;
	s12 =	sadd.s32 $0x8880, s0  }
0x178: {  	s6 =	sadd.s32 $0x8200, s0;
	s7 =	sadd.s32 $0x8400, s0;
	(v2sf) =	vpush v0, $0x8  }
0x179: {  	s19 =	sadd.s32 $0x8500, s0;
	s1 =	sadd.s32 $0x10, s1  }
0x17a: {  	s22 =	sadd.s32 $0x8300, s0;
	s16 =	sadd.s32 $0x8700, s0;
	s8 =	spop (v2sf);
	(v2sf) =	vpush v0, $0x9  }
0x17b: {  	s25 =	sand.u32 $0x1FFFFFF0, s8;
	s8 =	sadd.s32 $0x8680, s0;
	s14 =	spop (v2sf)  }
0x17c: {  	s25 =	sadd.s32 s4, s25;
	s14 =	sand.u32 $0x1FFFFFF0, s14;
	s15 =	spop (v2sf);
	(v2sf) =	vpush v0, $0xA  }
0x17d: {  	[tilespmem:s6], [sflag:$0x4] =	stream.linear.gather [hbm4b:s25+s3], $0x80, $0x38;
	[tilespmem:$0x10200] =	vst v63  }
0x17e: {  	s6 =	sadd.s32 s4, s14;
	s14 =	sadd.s32 $0x8380, s0;
	s25 =	spop (v2sf);
	(v2sf) =	vpush v0, $0xB  }
0x17f: {  	[tilespmem:s2], [sflag:$0x4] =	stream.linear.gather [hbm4b:s6+s3], $0x80, $0x38;
	[tilespmem:$0x10200] =	vst v63  }
0x180: {  	s2 =	sand.u32 $0x1FFFFFF0, s15;
	s6 =	sand.u32 $0x1FFFFFF0, s25;
	s15 =	spop (v2sf);
	(v2sf) =	vpush v0, $0xC  }
0x181: {  	s2 =	sadd.s32 s4, s2;
	s15 =	sand.u32 $0x1FFFFFF0, s15;
	s25 =	spop (v2sf)  }
0x182: {  	[tilespmem:s22], [sflag:$0x4] =	stream.linear.gather [hbm4b:s2+s3], $0x80, $0x38;
	(v2sf) =	vpush v0, $0xD;
	[tilespmem:$0x10200] =	vst v63  }
0x183: {  	s2 =	sadd.s32 s4, s15;
	s15 =	sand.u32 $0x1FFFFFF0, s25;
	s22 =	spop (v2sf)  }
0x184: {  	[tilespmem:s14], [sflag:$0x4] =	stream.linear.gather [hbm4b:s2+s3], $0x80, $0x38;
	(v2sf) =	vpush v0, $0xE;
	[tilespmem:$0x10200] =	vst v63  }
0x185: {  	s2 =	sadd.s32 s4, s6;
	s6 =	sand.u32 $0x1FFFFFF0, s22;
	s14 =	spop (v2sf)  }
0x186: {  	[tilespmem:s7], [sflag:$0x4] =	stream.linear.gather [hbm4b:s2+s3], $0x80, $0x38;
	(v2sf) =	vpush v0, $0xF;
	[tilespmem:$0x10200] =	vst v63  }
0x187: {  	s2 =	sadd.s32 s4, s15;
	s7 =	sand.u32 $0x1FFFFFF0, s14;
	s14 =	spop (v2sf)  }
0x188: {  	[tilespmem:s29], [sflag:$0x4] =	stream.linear.gather [hbm4b:s2+s3], $0x80, $0x38;
	[tilespmem:$0x10200] =	vst v63  }
0x189: {  	s2 =	sadd.s32 s4, s6;
	s6 =	sand.u32 $0x1FFFFFF0, s14;
	s14 =	spop (v2sf)  }
0x18a: {  	[tilespmem:s19], [sflag:$0x4] =	stream.linear.gather [hbm4b:s2+s3], $0x80, $0x38;
	[tilespmem:$0x10200] =	vst v63  }
0x18b: {  	s2 =	sadd.s32 s4, s7;
	s7 =	sand.u32 $0x1FFFFFF0, s14;
	s14 =	spop (v2sf)  }
0x18c: {  	[tilespmem:s18], [sflag:$0x4] =	stream.linear.gather [hbm4b:s2+s3], $0x80, $0x38;
	[tilespmem:$0x10200] =	vst v63  }
0x18d: {  	s2 =	sadd.s32 s4, s6;
	s6 =	sand.u32 $0x1FFFFFF0, s14;
	s14 =	spop (v2sf)  }
0x18e: {  	[tilespmem:s17], [sflag:$0x4] =	stream.linear.gather [hbm4b:s2+s3], $0x80, $0x38;
	[tilespmem:$0x10200] =	vst v63  }
0x18f: {  	s2 =	sadd.s32 s4, s7;
	s7 =	sand.u32 $0x1FFFFFF0, s14;
	s14 =	spop (v2sf)  }
0x190: {  	[tilespmem:s8], [sflag:$0x4] =	stream.linear.gather [hbm4b:s2+s3], $0x80, $0x38;
	[tilespmem:$0x10200] =	vst v63  }
0x191: {  	s2 =	sadd.s32 s4, s6;
	s6 =	sand.u32 $0x1FFFFFF0, s14;
	s8 =	spop (v2sf)  }
0x192: {  	[tilespmem:s16], [sflag:$0x4] =	stream.linear.gather [hbm4b:s2+s3], $0x80, $0x38;
	[tilespmem:$0x10200] =	vst v63  }
0x193: {  	s2 =	sadd.s32 s4, s7;
	s7 =	sand.u32 $0x1FFFFFF0, s8;
	s8 =	spop (v2sf)  }
0x194: {  	[tilespmem:s13], [sflag:$0x4] =	stream.linear.gather [hbm4b:s2+s3], $0x80, $0x38;
	[tilespmem:$0x10200] =	vst v63  }
0x195: {  	s2 =	sadd.s32 s4, s6;
	s6 =	sand.u32 $0x1FFFFFF0, s8;
	s8 =	spop (v2sf)  }
0x196: {  	[tilespmem:s11], [sflag:$0x4] =	stream.linear.gather [hbm4b:s2+s3], $0x80, $0x38;
	[tilespmem:$0x10200] =	vst v63  }
0x197: {  	s2 =	sadd.s32 s4, s7;
	s7 =	sand.u32 $0x1FFFFFF0, s8  }
0x198: {  	[tilespmem:s12], [sflag:$0x4] =	stream.linear.gather [hbm4b:s2+s3], $0x80, $0x38;
	[tilespmem:$0x10200] =	vst v63  }
0x199: {  	s6 =	sadd.s32 s4, s6;
	s2 =	sadd.s32 $0x8900, s0  }
0x19a: {  	[tilespmem:s2], [sflag:$0x4] =	stream.linear.gather [hbm4b:s6+s3], $0x80, $0x38;
	[tilespmem:$0x10200] =	vst v63  }
0x19b: {  	s0 =	sadd.s32 $0x8980, s0;
	s2 =	sadd.s32 s4, s7  }
0x19c: {  	[tilespmem:s0], [sflag:$0x4] =	stream.linear.gather [hbm4b:s2+s3], $0x80, $0x38;
	[tilespmem:$0x10200] =	vst v63  }
0x19d: {  	v0 =	vld [tilespmem:s1+$0x0];
	_ =	sdelay $0x4  }
0x19e: {  	v0 =	vshll.u32 v0, $0x4  }
0x19f: {  	(v2sf) =	vpush v0, $0x0  }
0x1a0: {  	(v2sf) =	vpush v0, $0x1  }
0x1a1: {  	(v2sf) =	vpush v0, $0x2;
	_ =	sdelay $0x1  }
0x1a2: {  	(v2sf) =	vpush v0, $0x4  }
.Ltmp3:
0x1a3: {  	(pc) =	sbr.rel @p0 .LBB2_9-.Ltmp3, $3  }
0x1a4: {  	(v2sf) =	vpush v0, $0x3  }
0x1a5: {  	(v2sf) =	vpush v0, $0x5;
	_ =	sdelay $0x1  }
0x1a6: {  	s0 =	sshra.s32 s10, $0x2;
	(v2sf) =	vpush v0, $0x6  }
0x1a7: {  	_ =	sdelay $0x4  }
0x1a8: {  	s1 =	spop (v2sf)  }
0x1a9: {  	s1 =	sand.u32 $0x1FFFFFF0, s1  }
0x1aa: {  	s6 =	sadd.s32 $0x8200, s0;
	(v2sf) =	vpush v0, $0x7;
	s2 =	spop (v2sf);
	s1 =	sadd.s32 s4, s1  }
0x1ab: {  	[tilespmem:s6], [sflag:$0x4] =	stream.linear.gather [hbm4b:s1+s3], $0x80, $0x38;
	[tilespmem:$0x10200] =	vst v63  }
0x1ac: {  	s2 =	sand.u32 $0x1FFFFFF0, s2;
	s7 =	spop (v2sf);
	s6 =	sadd.s32 $0x8280, s0  }
0x1ad: {  	s2 =	sadd.s32 s4, s2;
	s8 =	sand.u32 $0x1FFFFFF0, s7;
	s10 =	spop (v2sf)  }
0x1ae: {  	[tilespmem:s6], [sflag:$0x4] =	stream.linear.gather [hbm4b:s2+s3], $0x80, $0x38;
	[tilespmem:$0x10200] =	vst v63  }
0x1af: {  	s9 =	sadd.s32 $0x8300, s0;
	s1 =	sadd.s32 s4, s8;
	s11 =	spop (v2sf);
	(v2sf) =	vpush v0, $0x8  }
0x1b0: {  	[tilespmem:s9], [sflag:$0x4] =	stream.linear.gather [hbm4b:s1+s3], $0x80, $0x38;
	[tilespmem:$0x10200] =	vst v63  }
0x1b1: {  	s1 =	sand.u32 $0x1FFFFFF0, s11;
	(v2sf) =	vpush v0, $0x9  }
0x1b2: {  	s12 =	sadd.s32 $0x8380, s0;
	s13 =	sand.u32 $0x1FFFFFF0, s10;
	s1 =	sadd.s32 s4, s1  }
0x1b3: {  	(v2sf) =	vpush v0, $0xA;
	[tilespmem:s12], [sflag:$0x4] =	stream.linear.gather [hbm4b:s1+s3], $0x80, $0x38;
	[tilespmem:$0x10200] =	vst v63  }
0x1b4: {  	s14 =	sadd.s32 $0x8400, s0;
	s15 =	spop (v2sf);
	s1 =	sadd.s32 s4, s13  }
0x1b5: {  	[tilespmem:s14], [sflag:$0x4] =	stream.linear.gather [hbm4b:s1+s3], $0x80, $0x38;
	[tilespmem:$0x10200] =	vst v63  }
0x1b6: {  	s1 =	sand.u32 $0x1FFFFFF0, s15  }
0x1b7: {  	s16 =	sadd.s32 $0x8480, s0;
	s17 =	spop (v2sf);
	s1 =	sadd.s32 s4, s1  }
0x1b8: {  	[tilespmem:s16], [sflag:$0x4] =	stream.linear.gather [hbm4b:s1+s3], $0x80, $0x38;
	[tilespmem:$0x10200] =	vst v63  }
0x1b9: {  	s19 =	spop (v2sf);
	(v2sf) =	vpush v0, $0xB  }
0x1ba: {  	s1 =	sand.u32 $0x1FFFFFF0, s17  }
0x1bb: {  	s18 =	sadd.s32 $0x8500, s0;
	s1 =	sadd.s32 s4, s1  }
0x1bc: {  	[tilespmem:s18], [sflag:$0x4] =	stream.linear.gather [hbm4b:s1+s3], $0x80, $0x38;
	[tilespmem:$0x10200] =	vst v63  }
0x1bd: {  	s1 =	sand.u32 $0x1FFFFFF0, s19  }
0x1be: {  	s22 =	sadd.s32 $0x8580, s0;
	s1 =	sadd.s32 s4, s1;
	s25 =	spop (v2sf);
	(v2sf) =	vpush v0, $0xC  }
0x1bf: {  	[tilespmem:s22], [sflag:$0x4] =	stream.linear.gather [hbm4b:s1+s3], $0x80, $0x38;
	[tilespmem:$0x10200] =	vst v63  }
0x1c0: {  	s2 =	spop (v2sf);
	(v2sf) =	vpush v0, $0xD  }
0x1c1: {  	s1 =	sand.u32 $0x1FFFFFF0, s25  }
0x1c2: {  	s29 =	sadd.s32 $0x8600, s0;
	s1 =	sadd.s32 s4, s1;
	s7 =	spop (v2sf)  }
0x1c3: {  	(v2sf) =	vpush v0, $0xE;
	[tilespmem:s29], [sflag:$0x4] =	stream.linear.gather [hbm4b:s1+s3], $0x80, $0x38;
	[tilespmem:$0x10200] =	vst v63  }
0x1c4: {  	s1 =	sand.u32 $0x1FFFFFF0, s2  }
0x1c5: {  	s6 =	sadd.s32 $0x8680, s0;
	s1 =	sadd.s32 s4, s1  }
0x1c6: {  	[tilespmem:s6], [sflag:$0x4] =	stream.linear.gather [hbm4b:s1+s3], $0x80, $0x38;
	[tilespmem:$0x10200] =	vst v63  }
0x1c7: {  	s1 =	sand.u32 $0x1FFFFFF0, s7  }
0x1c8: {  	s8 =	sadd.s32 $0x8700, s0;
	s1 =	sadd.s32 s4, s1;
	s9 =	spop (v2sf);
	(v2sf) =	vpush v0, $0xF  }
0x1c9: {  	[tilespmem:s8], [sflag:$0x4] =	stream.linear.gather [hbm4b:s1+s3], $0x80, $0x38;
	[tilespmem:$0x10200] =	vst v63  }
0x1ca: {  	s1 =	sand.u32 $0x1FFFFFF0, s9  }
0x1cb: {  	s10 =	sadd.s32 $0x8780, s0;
	s1 =	sadd.s32 s4, s1  }
0x1cc: {  	[tilespmem:s10], [sflag:$0x4] =	stream.linear.gather [hbm4b:s1+s3], $0x80, $0x38;
	[tilespmem:$0x10200] =	vst v63  }
0x1cd: {  	s11 =	spop (v2sf)  }
0x1ce: {  	s1 =	sand.u32 $0x1FFFFFF0, s11  }
0x1cf: {  	s12 =	sadd.s32 $0x8800, s0;
	s13 =	spop (v2sf);
	s1 =	sadd.s32 s4, s1  }
0x1d0: {  	[tilespmem:s12], [sflag:$0x4] =	stream.linear.gather [hbm4b:s1+s3], $0x80, $0x38;
	[tilespmem:$0x10200] =	vst v63  }
0x1d1: {  	s1 =	sand.u32 $0x1FFFFFF0, s13  }
0x1d2: {  	s14 =	sadd.s32 $0x8880, s0;
	s15 =	spop (v2sf);
	s1 =	sadd.s32 s4, s1  }
0x1d3: {  	[tilespmem:s14], [sflag:$0x4] =	stream.linear.gather [hbm4b:s1+s3], $0x80, $0x38;
	[tilespmem:$0x10200] =	vst v63  }
0x1d4: {  	s1 =	sand.u32 $0x1FFFFFF0, s15  }
0x1d5: {  	s16 =	sadd.s32 $0x8900, s0;
	s1 =	sadd.s32 s4, s1  }
0x1d6: {  	[tilespmem:s16], [sflag:$0x4] =	stream.linear.gather [hbm4b:s1+s3], $0x80, $0x38;
	[tilespmem:$0x10200] =	vst v63  }
0x1d7: {  	s17 =	spop (v2sf)  }
0x1d8: {  	s1 =	sand.u32 $0x1FFFFFF0, s17  }
0x1d9: {  	s18 =	sadd.s32 $0x8980, s0;
	s1 =	sadd.s32 s4, s1  }
0x1da: {  	[tilespmem:s18], [sflag:$0x4] =	stream.linear.gather [hbm4b:s1+s3], $0x80, $0x38;
	[tilespmem:$0x10200] =	vst v63  }
0x1db: {  	_ =	swait.ge [sflag:s24], $0x8000  }
0x1dc: {  	s19 =	rddreg [dreg:$0x3]  }
0x1dd: {  	s22 =	simm.s32 $0x8200;
	s0 =	sadd.s32 s31, s19  }
0x1de: {  	s1 =	simm.s32 $0x0;
	[sflag:s24] =	ssyncset.done $0x0;
	s0 =	sshll.u32 s0, $0x4  }
0x1df: {  	s25 =	rddreg [dreg:$0xc];
	[sflag:s24] =	ssyncadd.s32 $0xFFFF8000;
	s0 =	sadd.s32 s5, s0  }
0x1e0: {  	[hbm4b:s0+s1] =	stream.linear.scatter [tilespmem:s22], [sflag:$0x6], $0x8000, $0x38;
	[tilespmem:$0x10200] =	vst v63  }
0x1e1: {  	s0 =	sadd.s32 s31, s25  }
0x1e2: {  	s29 =	rddreg [dreg:$0x0];
	s0 =	sshrl.u32 s0, $0x3  }
0x1e3: {  	s31 =	simm.s32 $0x100;
	s0 =	sadd.s32 s29, s0  }
0x1e4: {  	[tilespmem:s31], [sflag:$0x2] =	stream.linear.gather [hbm4b:s0+s1], $0x100, $0x38;
	[tilespmem:$0x10200] =	vst v63  }
0x1e5: {  	_ =	swait.ge [sflag:s26], $0x8000  }
0x1e6: {  	[sflag:s26] =	ssyncset.done $0x0  }
0x1e7: {  	[sflag:s26] =	ssyncadd.s32 $0xFFFF8000  }
0x1e8: {  	_ =	swait.ge [sflag:s20], $0x100  }
0x1e9: {  	[sflag:s20] =	ssyncset.done $0x0  }
0x1ea: {  	[sflag:s20] =	ssyncadd.s32 $0xFFFFFF00  }
0x1eb: {  	v0 =	vld [tilespmem:s1+$0x0];
	_ =	sdelay $0x4  }
0x1ec: {  	v0 =	vshll.u32 v0, $0x4  }
0x1ed: {  	(v2sf) =	vpush v0, $0x0  }
0x1ee: {  	(v2sf) =	vpush v0, $0x1  }
0x1ef: {  	(v2sf) =	vpush v0, $0x2;
	_ =	sdelay $0x1  }
0x1f0: {  	(v2sf) =	vpush v0, $0x4;
	_ =	sdelay $0x1  }
0x1f1: {  	(v2sf) =	vpush v0, $0x3  }
0x1f2: {  	(v2sf) =	vpush v0, $0x5  }
0x1f3: {  	s9 =	simm.s32 $0x2000;
	s0 =	simm.s32 $0x0;
	(v2sf) =	vpush v0, $0x6  }
.LBB2_11:
0x1f4: {  	p0 =	sne.s32 s9, $0x1E000  }
0x1f5: {  	s2 =	sadd.s32 $0x280, s0;
	s13 =	sadd.s32 $0x780, s0;
	s10 =	smov.u32 s9  }
0x1f6: {  	s9 =	sadd.s32 $0x2000, s9;
	s18 =	sadd.s32 $0x580, s0;
	s11 =	sadd.s32 $0x800, s0;
	(v2sf) =	vpush v0, $0x7  }
0x1f7: {  	s29 =	sadd.s32 $0x480, s0;
	s17 =	sadd.s32 $0x600, s0;
	s12 =	sadd.s32 $0x880, s0  }
0x1f8: {  	s6 =	sadd.s32 $0x200, s0;
	s7 =	sadd.s32 $0x400, s0;
	(v2sf) =	vpush v0, $0x8  }
0x1f9: {  	s14 =	sadd.s32 $0x500, s0;
	s1 =	sadd.s32 $0x10, s1  }
0x1fa: {  	s15 =	sadd.s32 $0x300, s0;
	s16 =	sadd.s32 $0x700, s0;
	s8 =	spop (v2sf);
	(v2sf) =	vpush v0, $0x9  }
0x1fb: {  	s19 =	sand.u32 $0x1FFFFFF0, s8;
	s8 =	sadd.s32 $0x680, s0;
	s22 =	spop (v2sf)  }
0x1fc: {  	s19 =	sadd.s32 s4, s19;
	s22 =	sand.u32 $0x1FFFFFF0, s22;
	s25 =	spop (v2sf);
	(v2sf) =	vpush v0, $0xA  }
0x1fd: {  	[tilespmem:s6], [sflag:$0x3] =	stream.linear.gather [hbm4b:s19+s3], $0x80, $0x38;
	[tilespmem:$0x10200] =	vst v63  }
0x1fe: {  	s6 =	sadd.s32 s4, s22;
	s19 =	sadd.s32 $0x380, s0;
	s22 =	spop (v2sf);
	(v2sf) =	vpush v0, $0xB  }
0x1ff: {  	[tilespmem:s2], [sflag:$0x3] =	stream.linear.gather [hbm4b:s6+s3], $0x80, $0x38;
	[tilespmem:$0x10200] =	vst v63  }
0x200: {  	s2 =	sand.u32 $0x1FFFFFF0, s25;
	s6 =	sand.u32 $0x1FFFFFF0, s22;
	s22 =	spop (v2sf);
	(v2sf) =	vpush v0, $0xC  }
0x201: {  	s2 =	sadd.s32 s4, s2;
	s22 =	sand.u32 $0x1FFFFFF0, s22;
	s25 =	spop (v2sf)  }
0x202: {  	[tilespmem:s15], [sflag:$0x3] =	stream.linear.gather [hbm4b:s2+s3], $0x80, $0x38;
	(v2sf) =	vpush v0, $0xD;
	[tilespmem:$0x10200] =	vst v63  }
0x203: {  	s2 =	sadd.s32 s4, s22;
	s15 =	sand.u32 $0x1FFFFFF0, s25;
	s22 =	spop (v2sf)  }
0x204: {  	[tilespmem:s19], [sflag:$0x3] =	stream.linear.gather [hbm4b:s2+s3], $0x80, $0x38;
	(v2sf) =	vpush v0, $0xE;
	[tilespmem:$0x10200] =	vst v63  }
0x205: {  	s2 =	sadd.s32 s4, s6;
	s6 =	sand.u32 $0x1FFFFFF0, s22;
	s19 =	spop (v2sf)  }
0x206: {  	[tilespmem:s7], [sflag:$0x3] =	stream.linear.gather [hbm4b:s2+s3], $0x80, $0x38;
	(v2sf) =	vpush v0, $0xF;
	[tilespmem:$0x10200] =	vst v63  }
0x207: {  	s2 =	sadd.s32 s4, s15;
	s7 =	sand.u32 $0x1FFFFFF0, s19;
	s15 =	spop (v2sf)  }
0x208: {  	[tilespmem:s29], [sflag:$0x3] =	stream.linear.gather [hbm4b:s2+s3], $0x80, $0x38;
	[tilespmem:$0x10200] =	vst v63  }
0x209: {  	s2 =	sadd.s32 s4, s6;
	s6 =	sand.u32 $0x1FFFFFF0, s15;
	s15 =	spop (v2sf)  }
0x20a: {  	[tilespmem:s14], [sflag:$0x3] =	stream.linear.gather [hbm4b:s2+s3], $0x80, $0x38;
	[tilespmem:$0x10200] =	vst v63  }
0x20b: {  	s2 =	sadd.s32 s4, s7;
	s7 =	sand.u32 $0x1FFFFFF0, s15;
	s14 =	spop (v2sf)  }
0x20c: {  	[tilespmem:s18], [sflag:$0x3] =	stream.linear.gather [hbm4b:s2+s3], $0x80, $0x38;
	[tilespmem:$0x10200] =	vst v63  }
0x20d: {  	s2 =	sadd.s32 s4, s6;
	s6 =	sand.u32 $0x1FFFFFF0, s14;
	s14 =	spop (v2sf)  }
0x20e: {  	[tilespmem:s17], [sflag:$0x3] =	stream.linear.gather [hbm4b:s2+s3], $0x80, $0x38;
	[tilespmem:$0x10200] =	vst v63  }
0x20f: {  	s2 =	sadd.s32 s4, s7;
	s7 =	sand.u32 $0x1FFFFFF0, s14;
	s14 =	spop (v2sf)  }
0x210: {  	[tilespmem:s8], [sflag:$0x3] =	stream.linear.gather [hbm4b:s2+s3], $0x80, $0x38;
	[tilespmem:$0x10200] =	vst v63  }
0x211: {  	s2 =	sadd.s32 s4, s6;
	s6 =	sand.u32 $0x1FFFFFF0, s14;
	s8 =	spop (v2sf)  }
0x212: {  	[tilespmem:s16], [sflag:$0x3] =	stream.linear.gather [hbm4b:s2+s3], $0x80, $0x38;
	[tilespmem:$0x10200] =	vst v63  }
0x213: {  	s2 =	sadd.s32 s4, s7;
	s7 =	sand.u32 $0x1FFFFFF0, s8;
	s8 =	spop (v2sf)  }
0x214: {  	[tilespmem:s13], [sflag:$0x3] =	stream.linear.gather [hbm4b:s2+s3], $0x80, $0x38;
	[tilespmem:$0x10200] =	vst v63  }
0x215: {  	s2 =	sadd.s32 s4, s6;
	s6 =	sand.u32 $0x1FFFFFF0, s8;
	s8 =	spop (v2sf)  }
0x216: {  	[tilespmem:s11], [sflag:$0x3] =	stream.linear.gather [hbm4b:s2+s3], $0x80, $0x38;
	[tilespmem:$0x10200] =	vst v63  }
0x217: {  	s2 =	sadd.s32 s4, s7;
	s7 =	sand.u32 $0x1FFFFFF0, s8  }
0x218: {  	[tilespmem:s12], [sflag:$0x3] =	stream.linear.gather [hbm4b:s2+s3], $0x80, $0x38;
	[tilespmem:$0x10200] =	vst v63  }
0x219: {  	s6 =	sadd.s32 s4, s6;
	s2 =	sadd.s32 $0x900, s0  }
0x21a: {  	[tilespmem:s2], [sflag:$0x3] =	stream.linear.gather [hbm4b:s6+s3], $0x80, $0x38;
	[tilespmem:$0x10200] =	vst v63  }
0x21b: {  	s0 =	sadd.s32 $0x980, s0;
	s2 =	sadd.s32 s4, s7  }
0x21c: {  	[tilespmem:s0], [sflag:$0x3] =	stream.linear.gather [hbm4b:s2+s3], $0x80, $0x38;
	[tilespmem:$0x10200] =	vst v63  }
0x21d: {  	v0 =	vld [tilespmem:s1+$0x0];
	_ =	sdelay $0x4  }
0x21e: {  	v0 =	vshll.u32 v0, $0x4  }
0x21f: {  	(v2sf) =	vpush v0, $0x0  }
0x220: {  	(v2sf) =	vpush v0, $0x1  }
0x221: {  	(v2sf) =	vpush v0, $0x2;
	_ =	sdelay $0x1  }
0x222: {  	(v2sf) =	vpush v0, $0x4  }
.Ltmp4:
0x223: {  	(pc) =	sbr.rel @p0 .LBB2_11-.Ltmp4, $3  }
0x224: {  	(v2sf) =	vpush v0, $0x3  }
0x225: {  	(v2sf) =	vpush v0, $0x5;
	_ =	sdelay $0x1  }
0x226: {  	s0 =	sshra.s32 s10, $0x2;
	(v2sf) =	vpush v0, $0x6  }
0x227: {  	_ =	sdelay $0x1  }
0x228: {  	s2 =	sadd.s32 $0x280, s0;
	s10 =	sadd.s32 $0x780, s0  }
0x229: {  	s6 =	sadd.s32 $0x580, s0;
	s1 =	sadd.s32 $0x800, s0;
	(v2sf) =	vpush v0, $0x7;
	s7 =	sadd.s32 $0x480, s0  }
0x22a: {  	s8 =	sadd.s32 $0x600, s0;
	s9 =	sadd.s32 $0x880, s0;
	s11 =	sadd.s32 $0x200, s0  }
0x22b: {  	s12 =	sadd.s32 $0x400, s0;
	s13 =	sadd.s32 $0x500, s0;
	(v2sf) =	vpush v0, $0x8;
	s14 =	spop (v2sf)  }
0x22c: {  	s15 =	sadd.s32 $0x300, s0;
	s14 =	sand.u32 $0x1FFFFFF0, s14;
	s16 =	spop (v2sf)  }
0x22d: {  	(v2sf) =	vpush v0, $0x9;
	s14 =	sadd.s32 s4, s14;
	s16 =	sand.u32 $0x1FFFFFF0, s16;
	s17 =	spop (v2sf)  }
0x22e: {  	[tilespmem:s11], [sflag:$0x3] =	stream.linear.gather [hbm4b:s14+s3], $0x80, $0x38;
	[tilespmem:$0x10200] =	vst v63  }
0x22f: {  	s18 =	sadd.s32 $0x380, s0;
	(v2sf) =	vpush v0, $0xA;
	s29 =	sadd.s32 s4, s16;
	s31 =	spop (v2sf)  }
0x230: {  	[tilespmem:s2], [sflag:$0x3] =	stream.linear.gather [hbm4b:s29+s3], $0x80, $0x38;
	[tilespmem:$0x10200] =	vst v63  }
0x231: {  	s11 =	sadd.s32 $0x700, s0;
	s17 =	sand.u32 $0x1FFFFFF0, s17;
	(v2sf) =	vpush v0, $0xB;
	s19 =	spop (v2sf)  }
0x232: {  	s14 =	sadd.s32 s4, s17;
	s2 =	sadd.s32 $0x680, s0;
	s17 =	sand.u32 $0x1FFFFFF0, s19  }
0x233: {  	(v2sf) =	vpush v0, $0xC;
	[tilespmem:s15], [sflag:$0x3] =	stream.linear.gather [hbm4b:s14+s3], $0x80, $0x38;
	[tilespmem:$0x10200] =	vst v63  }
0x234: {  	s22 =	sand.u32 $0x1FFFFFF0, s31;
	s25 =	spop (v2sf);
	s29 =	sadd.s32 s4, s17  }
0x235: {  	(v2sf) =	vpush v0, $0xD;
	[tilespmem:s18], [sflag:$0x3] =	stream.linear.gather [hbm4b:s29+s3], $0x80, $0x38;
	[tilespmem:$0x10200] =	vst v63  }
0x236: {  	s14 =	sadd.s32 s4, s22;
	s15 =	sand.u32 $0x1FFFFFF0, s25;
	s31 =	spop (v2sf)  }
0x237: {  	[tilespmem:s12], [sflag:$0x3] =	stream.linear.gather [hbm4b:s14+s3], $0x80, $0x38;
	[tilespmem:$0x10200] =	vst v63  }
0x238: {  	s15 =	sadd.s32 s4, s15;
	s16 =	sand.u32 $0x1FFFFFF0, s31;
	s17 =	spop (v2sf)  }
0x239: {  	(v2sf) =	vpush v0, $0xE;
	[tilespmem:s7], [sflag:$0x3] =	stream.linear.gather [hbm4b:s15+s3], $0x80, $0x38;
	[tilespmem:$0x10200] =	vst v63  }
0x23a: {  	s18 =	sand.u32 $0x1FFFFFF0, s17;
	s19 =	spop (v2sf);
	s12 =	sadd.s32 s4, s16  }
0x23b: {  	(v2sf) =	vpush v0, $0xF;
	[tilespmem:s13], [sflag:$0x3] =	stream.linear.gather [hbm4b:s12+s3], $0x80, $0x38;
	[tilespmem:$0x10200] =	vst v63  }
0x23c: {  	s22 =	sand.u32 $0x1FFFFFF0, s19;
	s7 =	sadd.s32 s4, s18;
	s25 =	spop (v2sf)  }
0x23d: {  	[tilespmem:s6], [sflag:$0x3] =	stream.linear.gather [hbm4b:s7+s3], $0x80, $0x38;
	[tilespmem:$0x10200] =	vst v63  }
0x23e: {  	s12 =	sadd.s32 s4, s22;
	s29 =	sand.u32 $0x1FFFFFF0, s25;
	s31 =	spop (v2sf)  }
0x23f: {  	[tilespmem:s8], [sflag:$0x3] =	stream.linear.gather [hbm4b:s12+s3], $0x80, $0x38;
	[tilespmem:$0x10200] =	vst v63  }
0x240: {  	s7 =	sand.u32 $0x1FFFFFF0, s31;
	s6 =	sadd.s32 s4, s29;
	s12 =	spop (v2sf)  }
0x241: {  	[tilespmem:s2], [sflag:$0x3] =	stream.linear.gather [hbm4b:s6+s3], $0x80, $0x38;
	[tilespmem:$0x10200] =	vst v63  }
0x242: {  	s7 =	sadd.s32 s4, s7;
	s13 =	sand.u32 $0x1FFFFFF0, s12;
	s14 =	spop (v2sf)  }
0x243: {  	[tilespmem:s11], [sflag:$0x3] =	stream.linear.gather [hbm4b:s7+s3], $0x80, $0x38;
	[tilespmem:$0x10200] =	vst v63  }
0x244: {  	s2 =	sadd.s32 s4, s13;
	s6 =	sand.u32 $0x1FFFFFF0, s14;
	s15 =	spop (v2sf)  }
0x245: {  	[tilespmem:s10], [sflag:$0x3] =	stream.linear.gather [hbm4b:s2+s3], $0x80, $0x38;
	[tilespmem:$0x10200] =	vst v63  }
0x246: {  	s30 =	sadd.s32 $0x1, s30;
	s16 =	sand.u32 $0x1FFFFFF0, s15;
	s6 =	sadd.s32 s4, s6  }
0x247: {  	[tilespmem:s1], [sflag:$0x3] =	stream.linear.gather [hbm4b:s6+s3], $0x80, $0x38;
	[tilespmem:$0x10200] =	vst v63  }
0x248: {  	p0 =	sne.s32 s30, $0x31;
	s17 =	spop (v2sf);
	s2 =	sadd.s32 s4, s16  }
0x249: {  	[tilespmem:s9], [sflag:$0x3] =	stream.linear.gather [hbm4b:s2+s3], $0x80, $0x38;
	[tilespmem:$0x10200] =	vst v63  }
.Ltmp5:
0x24a: {  	s18 =	sand.u32 $0x1FFFFFF0, s17;
	s19 =	spop (v2sf);
	(pc) =	sbr.rel @p0 .LBB2_8-.Ltmp5, $4  }
0x24b: {  	s25 =	sadd.s32 $0x900, s0;
	s22 =	sand.u32 $0x1FFFFFF0, s19;
	s1 =	sadd.s32 s4, s18  }
0x24c: {  	[tilespmem:s25], [sflag:$0x3] =	stream.linear.gather [hbm4b:s1+s3], $0x80, $0x38;
	[tilespmem:$0x10200] =	vst v63  }
0x24d: {  	s29 =	sadd.s32 $0x980, s0;
	s31 =	sadd.s32 s4, s22  }
0x24e: {  	[tilespmem:s29], [sflag:$0x3] =	stream.linear.gather [hbm4b:s31+s3], $0x80, $0x38;
	[tilespmem:$0x10200] =	vst v63  }
0x24f: {  	_ =	swait.ge [sflag:s21], $0x8000  }
0x250: {  	s0 =	simm.s32 $0x0;
	[sflag:s21] =	ssyncset.done $0x0  }
0x251: {  	s2 =	simm.s32 $0x200;
	s1 =	rddreg [dreg:$0xd];
	[sflag:s21] =	ssyncadd.s32 $0xFFFF8000  }
0x252: {  	[hbm4b:s1+s0] =	stream.linear.scatter [tilespmem:s2], [sflag:$0x5], $0x8000, $0x38;
	[tilespmem:$0x10200] =	vst v63  }
0x253: {  	_ =	swait.ge [sflag:s28], $0x8000  }
0x254: {  	[sflag:s28] =	ssyncset.done $0x0  }
0x255: {  	[sflag:s28] =	ssyncadd.s32 $0xFFFF8000  }
0x256: {  	_ =	swait.ge [sflag:s23], $0x100  }
0x257: {  	[sflag:s23] =	ssyncset.done $0x0  }
0x258: {  	s1 =	simm.s32 $0x100;
	[sflag:s23] =	ssyncadd.s32 $0xFFFFFF00  }
0x259: {  	v0 =	vld [tilespmem:s1+$0x0];
	_ =	sdelay $0x4  }
0x25a: {  	v0 =	vshll.u32 v0, $0x4  }
0x25b: {  	(v2sf) =	vpush v0, $0x0  }
0x25c: {  	(v2sf) =	vpush v0, $0x1  }
0x25d: {  	(v2sf) =	vpush v0, $0x2;
	_ =	sdelay $0x1  }
0x25e: {  	(v2sf) =	vpush v0, $0x4;
	_ =	sdelay $0x1  }
0x25f: {  	(v2sf) =	vpush v0, $0x3  }
0x260: {  	(v2sf) =	vpush v0, $0x5  }
0x261: {  	s9 =	simm.s32 $0x2000;
	s0 =	simm.s32 $0x0;
	(v2sf) =	vpush v0, $0x6  }
.LBB2_14:
0x262: {  	p0 =	sne.s32 s9, $0x1E000  }
0x263: {  	s2 =	sadd.s32 $0x8280, s0;
	s13 =	sadd.s32 $0x8780, s0;
	s10 =	smov.u32 s9  }
0x264: {  	s9 =	sadd.s32 $0x2000, s9;
	s18 =	sadd.s32 $0x8580, s0;
	s11 =	sadd.s32 $0x8800, s0;
	(v2sf) =	vpush v0, $0x7  }
0x265: {  	s29 =	sadd.s32 $0x8480, s0;
	s17 =	sadd.s32 $0x8600, s0;
	s12 =	sadd.s32 $0x8880, s0  }
0x266: {  	s6 =	sadd.s32 $0x8200, s0;
	s7 =	sadd.s32 $0x8400, s0;
	(v2sf) =	vpush v0, $0x8  }
0x267: {  	s14 =	sadd.s32 $0x8500, s0;
	s1 =	sadd.s32 $0x10, s1  }
0x268: {  	s15 =	sadd.s32 $0x8300, s0;
	s16 =	sadd.s32 $0x8700, s0;
	s8 =	spop (v2sf);
	(v2sf) =	vpush v0, $0x9  }
0x269: {  	s19 =	sand.u32 $0x1FFFFFF0, s8;
	s8 =	sadd.s32 $0x8680, s0;
	s22 =	spop (v2sf)  }
0x26a: {  	s19 =	sadd.s32 s4, s19;
	s22 =	sand.u32 $0x1FFFFFF0, s22;
	s25 =	spop (v2sf);
	(v2sf) =	vpush v0, $0xA  }
0x26b: {  	[tilespmem:s6], [sflag:$0x4] =	stream.linear.gather [hbm4b:s19+s3], $0x80, $0x38;
	[tilespmem:$0x10200] =	vst v63  }
0x26c: {  	s6 =	sadd.s32 s4, s22;
	s19 =	sadd.s32 $0x8380, s0;
	s22 =	spop (v2sf);
	(v2sf) =	vpush v0, $0xB  }
0x26d: {  	[tilespmem:s2], [sflag:$0x4] =	stream.linear.gather [hbm4b:s6+s3], $0x80, $0x38;
	[tilespmem:$0x10200] =	vst v63  }
0x26e: {  	s2 =	sand.u32 $0x1FFFFFF0, s25;
	s6 =	sand.u32 $0x1FFFFFF0, s22;
	s22 =	spop (v2sf);
	(v2sf) =	vpush v0, $0xC  }
0x26f: {  	s2 =	sadd.s32 s4, s2;
	s22 =	sand.u32 $0x1FFFFFF0, s22;
	s25 =	spop (v2sf)  }
0x270: {  	[tilespmem:s15], [sflag:$0x4] =	stream.linear.gather [hbm4b:s2+s3], $0x80, $0x38;
	(v2sf) =	vpush v0, $0xD;
	[tilespmem:$0x10200] =	vst v63  }
0x271: {  	s2 =	sadd.s32 s4, s22;
	s15 =	sand.u32 $0x1FFFFFF0, s25;
	s22 =	spop (v2sf)  }
0x272: {  	[tilespmem:s19], [sflag:$0x4] =	stream.linear.gather [hbm4b:s2+s3], $0x80, $0x38;
	(v2sf) =	vpush v0, $0xE;
	[tilespmem:$0x10200] =	vst v63  }
0x273: {  	s2 =	sadd.s32 s4, s6;
	s6 =	sand.u32 $0x1FFFFFF0, s22;
	s19 =	spop (v2sf)  }
0x274: {  	[tilespmem:s7], [sflag:$0x4] =	stream.linear.gather [hbm4b:s2+s3], $0x80, $0x38;
	(v2sf) =	vpush v0, $0xF;
	[tilespmem:$0x10200] =	vst v63  }
0x275: {  	s2 =	sadd.s32 s4, s15;
	s7 =	sand.u32 $0x1FFFFFF0, s19;
	s15 =	spop (v2sf)  }
0x276: {  	[tilespmem:s29], [sflag:$0x4] =	stream.linear.gather [hbm4b:s2+s3], $0x80, $0x38;
	[tilespmem:$0x10200] =	vst v63  }
0x277: {  	s2 =	sadd.s32 s4, s6;
	s6 =	sand.u32 $0x1FFFFFF0, s15;
	s15 =	spop (v2sf)  }
0x278: {  	[tilespmem:s14], [sflag:$0x4] =	stream.linear.gather [hbm4b:s2+s3], $0x80, $0x38;
	[tilespmem:$0x10200] =	vst v63  }
0x279: {  	s2 =	sadd.s32 s4, s7;
	s7 =	sand.u32 $0x1FFFFFF0, s15;
	s14 =	spop (v2sf)  }
0x27a: {  	[tilespmem:s18], [sflag:$0x4] =	stream.linear.gather [hbm4b:s2+s3], $0x80, $0x38;
	[tilespmem:$0x10200] =	vst v63  }
0x27b: {  	s2 =	sadd.s32 s4, s6;
	s6 =	sand.u32 $0x1FFFFFF0, s14;
	s14 =	spop (v2sf)  }
0x27c: {  	[tilespmem:s17], [sflag:$0x4] =	stream.linear.gather [hbm4b:s2+s3], $0x80, $0x38;
	[tilespmem:$0x10200] =	vst v63  }
0x27d: {  	s2 =	sadd.s32 s4, s7;
	s7 =	sand.u32 $0x1FFFFFF0, s14;
	s14 =	spop (v2sf)  }
0x27e: {  	[tilespmem:s8], [sflag:$0x4] =	stream.linear.gather [hbm4b:s2+s3], $0x80, $0x38;
	[tilespmem:$0x10200] =	vst v63  }
0x27f: {  	s2 =	sadd.s32 s4, s6;
	s6 =	sand.u32 $0x1FFFFFF0, s14;
	s8 =	spop (v2sf)  }
0x280: {  	[tilespmem:s16], [sflag:$0x4] =	stream.linear.gather [hbm4b:s2+s3], $0x80, $0x38;
	[tilespmem:$0x10200] =	vst v63  }
0x281: {  	s2 =	sadd.s32 s4, s7;
	s7 =	sand.u32 $0x1FFFFFF0, s8;
	s8 =	spop (v2sf)  }
0x282: {  	[tilespmem:s13], [sflag:$0x4] =	stream.linear.gather [hbm4b:s2+s3], $0x80, $0x38;
	[tilespmem:$0x10200] =	vst v63  }
0x283: {  	s2 =	sadd.s32 s4, s6;
	s6 =	sand.u32 $0x1FFFFFF0, s8;
	s8 =	spop (v2sf)  }
0x284: {  	[tilespmem:s11], [sflag:$0x4] =	stream.linear.gather [hbm4b:s2+s3], $0x80, $0x38;
	[tilespmem:$0x10200] =	vst v63  }
0x285: {  	s2 =	sadd.s32 s4, s7;
	s7 =	sand.u32 $0x1FFFFFF0, s8  }
0x286: {  	[tilespmem:s12], [sflag:$0x4] =	stream.linear.gather [hbm4b:s2+s3], $0x80, $0x38;
	[tilespmem:$0x10200] =	vst v63  }
0x287: {  	s6 =	sadd.s32 s4, s6;
	s2 =	sadd.s32 $0x8900, s0  }
0x288: {  	[tilespmem:s2], [sflag:$0x4] =	stream.linear.gather [hbm4b:s6+s3], $0x80, $0x38;
	[tilespmem:$0x10200] =	vst v63  }
0x289: {  	s0 =	sadd.s32 $0x8980, s0;
	s2 =	sadd.s32 s4, s7  }
0x28a: {  	[tilespmem:s0], [sflag:$0x4] =	stream.linear.gather [hbm4b:s2+s3], $0x80, $0x38;
	[tilespmem:$0x10200] =	vst v63  }
0x28b: {  	v0 =	vld [tilespmem:s1+$0x0];
	_ =	sdelay $0x4  }
0x28c: {  	v0 =	vshll.u32 v0, $0x4  }
0x28d: {  	(v2sf) =	vpush v0, $0x0  }
0x28e: {  	(v2sf) =	vpush v0, $0x1  }
0x28f: {  	(v2sf) =	vpush v0, $0x2;
	_ =	sdelay $0x1  }
0x290: {  	(v2sf) =	vpush v0, $0x4  }
.Ltmp6:
0x291: {  	(pc) =	sbr.rel @p0 .LBB2_14-.Ltmp6, $3  }
0x292: {  	(v2sf) =	vpush v0, $0x3  }
0x293: {  	(v2sf) =	vpush v0, $0x5;
	_ =	sdelay $0x1  }
0x294: {  	s0 =	sshra.s32 s10, $0x2;
	(v2sf) =	vpush v0, $0x6  }
0x295: {  	_ =	sdelay $0x1  }
0x296: {  	s2 =	sadd.s32 $0x8280, s0;
	s10 =	sadd.s32 $0x8780, s0  }
0x297: {  	s6 =	sadd.s32 $0x8580, s0;
	s1 =	sadd.s32 $0x8800, s0;
	(v2sf) =	vpush v0, $0x7;
	s7 =	sadd.s32 $0x8480, s0  }
0x298: {  	s8 =	sadd.s32 $0x8600, s0;
	s9 =	sadd.s32 $0x8880, s0;
	s11 =	sadd.s32 $0x8200, s0  }
0x299: {  	s12 =	sadd.s32 $0x8400, s0;
	s13 =	sadd.s32 $0x8500, s0;
	(v2sf) =	vpush v0, $0x8;
	s14 =	spop (v2sf)  }
0x29a: {  	s15 =	sadd.s32 $0x8300, s0;
	s14 =	sand.u32 $0x1FFFFFF0, s14;
	s16 =	spop (v2sf)  }
0x29b: {  	(v2sf) =	vpush v0, $0x9;
	s14 =	sadd.s32 s4, s14;
	s16 =	sand.u32 $0x1FFFFFF0, s16;
	s17 =	spop (v2sf)  }
0x29c: {  	[tilespmem:s11], [sflag:$0x4] =	stream.linear.gather [hbm4b:s14+s3], $0x80, $0x38;
	[tilespmem:$0x10200] =	vst v63  }
0x29d: {  	s18 =	sadd.s32 $0x8380, s0;
	(v2sf) =	vpush v0, $0xA;
	s30 =	sadd.s32 s4, s16;
	s31 =	spop (v2sf)  }
0x29e: {  	[tilespmem:s2], [sflag:$0x4] =	stream.linear.gather [hbm4b:s30+s3], $0x80, $0x38;
	[tilespmem:$0x10200] =	vst v63  }
0x29f: {  	s11 =	sadd.s32 $0x8700, s0;
	s17 =	sand.u32 $0x1FFFFFF0, s17;
	(v2sf) =	vpush v0, $0xB;
	s19 =	spop (v2sf)  }
0x2a0: {  	s14 =	sadd.s32 s4, s17;
	s2 =	sadd.s32 $0x8680, s0;
	s17 =	sand.u32 $0x1FFFFFF0, s19  }
0x2a1: {  	(v2sf) =	vpush v0, $0xC;
	[tilespmem:s15], [sflag:$0x4] =	stream.linear.gather [hbm4b:s14+s3], $0x80, $0x38;
	[tilespmem:$0x10200] =	vst v63  }
0x2a2: {  	s22 =	sand.u32 $0x1FFFFFF0, s31;
	s25 =	spop (v2sf);
	s29 =	sadd.s32 s4, s17  }
0x2a3: {  	(v2sf) =	vpush v0, $0xD;
	[tilespmem:s18], [sflag:$0x4] =	stream.linear.gather [hbm4b:s29+s3], $0x80, $0x38;
	[tilespmem:$0x10200] =	vst v63  }
0x2a4: {  	s14 =	sadd.s32 s4, s22;
	s15 =	sand.u32 $0x1FFFFFF0, s25;
	s30 =	spop (v2sf)  }
0x2a5: {  	(v2sf) =	vpush v0, $0xE;
	[tilespmem:s12], [sflag:$0x4] =	stream.linear.gather [hbm4b:s14+s3], $0x80, $0x38;
	[tilespmem:$0x10200] =	vst v63  }
0x2a6: {  	s15 =	sadd.s32 s4, s15;
	s31 =	sand.u32 $0x1FFFFFF0, s30;
	s16 =	spop (v2sf)  }
0x2a7: {  	(v2sf) =	vpush v0, $0xF;
	[tilespmem:s7], [sflag:$0x4] =	stream.linear.gather [hbm4b:s15+s3], $0x80, $0x38;
	[tilespmem:$0x10200] =	vst v63  }
0x2a8: {  	s17 =	sand.u32 $0x1FFFFFF0, s16;
	s18 =	spop (v2sf);
	s12 =	sadd.s32 s4, s31  }
0x2a9: {  	[tilespmem:s13], [sflag:$0x4] =	stream.linear.gather [hbm4b:s12+s3], $0x80, $0x38;
	[tilespmem:$0x10200] =	vst v63  }
0x2aa: {  	s19 =	sand.u32 $0x1FFFFFF0, s18;
	s7 =	sadd.s32 s4, s17;
	s22 =	spop (v2sf)  }
0x2ab: {  	[tilespmem:s6], [sflag:$0x4] =	stream.linear.gather [hbm4b:s7+s3], $0x80, $0x38;
	[tilespmem:$0x10200] =	vst v63  }
0x2ac: {  	s12 =	sadd.s32 s4, s19;
	s25 =	sand.u32 $0x1FFFFFF0, s22;
	s29 =	spop (v2sf)  }
0x2ad: {  	[tilespmem:s8], [sflag:$0x4] =	stream.linear.gather [hbm4b:s12+s3], $0x80, $0x38;
	[tilespmem:$0x10200] =	vst v63  }
0x2ae: {  	s7 =	sand.u32 $0x1FFFFFF0, s29;
	s6 =	sadd.s32 s4, s25;
	s30 =	spop (v2sf)  }
0x2af: {  	[tilespmem:s2], [sflag:$0x4] =	stream.linear.gather [hbm4b:s6+s3], $0x80, $0x38;
	[tilespmem:$0x10200] =	vst v63  }
0x2b0: {  	s7 =	sadd.s32 s4, s7;
	s31 =	sand.u32 $0x1FFFFFF0, s30;
	s8 =	spop (v2sf)  }
0x2b1: {  	[tilespmem:s11], [sflag:$0x4] =	stream.linear.gather [hbm4b:s7+s3], $0x80, $0x38;
	[tilespmem:$0x10200] =	vst v63  }
0x2b2: {  	s2 =	sadd.s32 s4, s31;
	s6 =	sand.u32 $0x1FFFFFF0, s8;
	s12 =	spop (v2sf)  }
0x2b3: {  	[tilespmem:s10], [sflag:$0x4] =	stream.linear.gather [hbm4b:s2+s3], $0x80, $0x38;
	[tilespmem:$0x10200] =	vst v63  }
0x2b4: {  	s13 =	sand.u32 $0x1FFFFFF0, s12;
	s6 =	sadd.s32 s4, s6;
	s14 =	spop (v2sf)  }
0x2b5: {  	[tilespmem:s1], [sflag:$0x4] =	stream.linear.gather [hbm4b:s6+s3], $0x80, $0x38;
	[tilespmem:$0x10200] =	vst v63  }
0x2b6: {  	s15 =	sand.u32 $0x1FFFFFF0, s14;
	s16 =	spop (v2sf);
	s2 =	sadd.s32 s4, s13  }
0x2b7: {  	[tilespmem:s9], [sflag:$0x4] =	stream.linear.gather [hbm4b:s2+s3], $0x80, $0x38;
	[tilespmem:$0x10200] =	vst v63  }
0x2b8: {  	s18 =	sadd.s32 $0x8900, s0;
	s17 =	sand.u32 $0x1FFFFFF0, s16;
	s1 =	sadd.s32 s4, s15  }
0x2b9: {  	[tilespmem:s18], [sflag:$0x4] =	stream.linear.gather [hbm4b:s1+s3], $0x80, $0x38;
	[tilespmem:$0x10200] =	vst v63  }
0x2ba: {  	s19 =	sadd.s32 $0x8980, s0;
	s22 =	sadd.s32 s4, s17  }
0x2bb: {  	[tilespmem:s19], [sflag:$0x4] =	stream.linear.gather [hbm4b:s22+s3], $0x80, $0x38;
	[tilespmem:$0x10200] =	vst v63  }
0x2bc: {  	_ =	swait.ge [sflag:s24], $0x8000  }
0x2bd: {  	[sflag:s24] =	ssyncset.done $0x0  }
0x2be: {  	s29 =	simm.s32 $0x8200;
	s25 =	rddreg [dreg:$0xe];
	[sflag:s24] =	ssyncadd.s32 $0xFFFF8000  }
0x2bf: {  	[hbm4b:s25+s3] =	stream.linear.scatter [tilespmem:s29], [sflag:$0x6], $0x8000, $0x38;
	[tilespmem:$0x10200] =	vst v63  }
0x2c0: {  	_ =	swait.ge [sflag:s26], $0x8000  }
0x2c1: {  	[sflag:s26] =	ssyncset.done $0x0  }
0x2c2: {  	[sflag:s26] =	ssyncadd.s32 $0xFFFF8000  }
0x2c3: {  	_ =	swait.ge [sflag:s28], $0x8000  }
0x2c4: {  	s30 =	rddreg [dreg:$0x10]  }
0x2c5: {  	s31 =	rddreg [dreg:$0xf];
	s1 =	sadd.s32 $0x1, s30  }
0x2c6: {  	p0 =	sne.s32 s1, s31  }
.Ltmp7:
0x2c7: {  	_ = 	snop;
	(pc) =	sbr.rel @p0 .LBB2_1-.Ltmp7, $3  }
0x2c8: {  	_ =	sdelay $0x1  }
0x2c9: {  	[sflag:s28] =	ssyncset.done $0x0  }
0x2ca: {  	[sflag:s28] =	ssyncadd.s32 $0xFFFF8000  }
0x2cb: {  	_ =	sfence.sel $0x180000  }
0x2cc: {  	[bflag:$0x0] =	sbarrier.arrive $0xFFFF  }
0x2cd: {  	_ =	strace $0x90000047  }
0x2ce: {  	s0 =	stileid.u32;
	[bflag:$0x2] =	sbarrier.arrive $0xFFFF  }
0x2cf: {  	p0 =	sne.s32 s0, $0x0;
	s0 =	rddreg [dreg:$0x2]  }
0x2d0: {  	s0 =	sadd.s32 @!p0 $0x100000, s0  }
0x2d1: {  	[sflag:s0] =	ssyncadd.tile.s32 @!p0 $0x1;
	_ =	shalt  }
.Lfunc_end2:
_tile_overlayer_lowered:
.L_overlay_start_2:
0x2d2: {  	(tag) =	ssettag $0x2  }
0x2d3: {  	s0 =	rddreg [dreg:$0x0];
	s2 =	stileid.u32  }
0x2d4: {  	s1 =	rddreg [dreg:$0x1];
	p0 =	sne.s32 s2, $0x0  }
0x2d5: {  	s3 =	rddreg [dreg:$0x2];
	[bflag:$0x3] =	sbarrier.arrive $0xFFFF;
	s2 =	simm.s32 @!p0 $0x1C07  }
0x2d6: {  	[timem:s3], [sflag:s2] =	dma.local @!p0 [hbm:s0], s1  }
0x2d7: {  	s0 =	simm.s32 @!p0 $0x7  }
0x2d8: {  	_ =	swait.ge @!p0 [sflag:s0], s1  }
0x2d9: {  	s1 =	ssub.s32 @!p0 $0x0, s1;
	[sflag:s0] =	ssyncset.done @!p0 $0x0  }
0x2da: {  	[sflag:s0] =	ssyncadd.s32 @!p0 s1  }
0x2db: {  	[bflag:$0x3] =	sbarrier.arrive $0xFFFF  }
0x2dc: {  	_ =	shalt  }

// kernel: sparse-core-data-format-call.cloned.1.call-start
scs
called_computation_lowered:
.L_overlay_start_0:
0x0: {  	s2 =	sld [smem:$0x3FD9]  }
0x1: {  	s3 =	sld [smem:$0x3FFE];
	_ =	sdelay $0x1  }
0x2: {  	s1 =	srdreg.scid  }
0x3: {  	s0 =	sand.u32 $0x1, s1  }
0x4: {  	s15 =	sshll.u32 s0, $0xA;
	s2 =	sadd.s32 s3, s2  }
0x5: {  	s2 =	sadd.s32 s2, s15  }
0x6: {  	[smem:$0x3FC6] =	sst s2  }
0x7: {  	_ = 	snop  }
0x8: {  	s2 =	sld [smem:$0x3FD0];
	_ =	sdelay $0x2  }
0x9: {  	s16 =	simm.s32 $0xA;
	s4 =	simm.s32 $0x10  }
0xa: {  	[smem:s4], [sflag:s16] =	dma.local [hbm:s2], $0x1  }
0xb: {  	_ =	swait.eq [sflag:s16], $0x1  }
0xc: {  	[sflag:s16] =	ssyncset.done $0x0  }
0xd: {  	[sflag:s16] =	ssyncadd.s32 $0xFFFFFFFF  }
0xe: {  	s17 =	sld [smem:$0x10];
	(tm) =	ssettm $0x1  }
0xf: {  	s18 =	sld [smem:$0x3FFB];
	_ =	sdelay $0x3  }
0x10: {  	_ =	strace s18  }
0x11: {  	s3 =	sld [smem:$0x3FFC];
	_ =	sdelay $0x3  }
0x12: {  	_ =	strace s3  }
0x13: {  	s3 =	sld [smem:$0x3FFD];
	_ =	sdelay $0x3  }
0x14: {  	_ =	strace s3  }
0x15: {  	_ =	strace $0x8FFFFFFF  }
0x16: {  	s19 =	sld [smem:$0x3FDB];
	_ =	sdelay $0x1  }
0x17: {  	s20 =	simm.s32 $_scs_section_size  }
0x18: {  	s5 =	simm.s32 $_size__tile_overlayer_lowered;
	s6 =	simm.s32 $_tile_overlayer_lowered  }
0x19: {  	s23 =	simm.s32 $0x1BFF;
	s22 =	sshll.u32 s6, $0x1;
	s3 =	sadd.s32 s20, s19  }
0x1a: {  	s7 =	simm.s32 $0x0;
	s21 =	sshll.u32 s5, $0x1;
	s5 =	sadd.s32 s22, s3  }
0x1b: {  	[timem:s7], [sflag:s23] =	dma.local [hbm:s5], s21  }
0x1c: {  	_ =	swait.ge [sflag:s23], s21  }
0x1d: {  	s4 =	ssub.s32 $0x0, s21;
	[sflag:s23] =	ssyncset.done $0x0  }
0x1e: {  	[sflag:s23] =	ssyncadd.s32 s4;
	_ =	sdelay $0x1  }
0x1f: {  	s24 =	simm.s32 $0x1B8B  }
0x20: {  	_ =	swait.ge [sflag:s24], $0x1  }
0x21: {  	[sflag:s24] =	ssyncset.done $0x0  }
0x22: {  	s26 =	simm.s32 $0x1B8E;
	s25 =	sld [smem:$0x3FFE];
	[sflag:s24] =	ssyncadd.s32 $0xFFFFFFFF  }
0x23: {  	s27 =	simm.s32 $execute0_lowered;
	[smem:$0x3FD2] =	sst s26  }
0x24: {  	s5 =	sshll.u32 s27, $0x1;
	_ =	strace $0x80000049;
	[dreg:$0x1] =	wrdreg $0xFFFFFFFF  }
0x25: {  	s28 =	simm.s32 $_size_execute0_lowered;
	s3 =	sadd.s32 s3, s5;
	[dreg:$0x0] =	wrdreg $0x0  }
0x26: {  	s5 =	sshll.u32 s28, $0x1;
	[dreg:$0x2] =	wrdreg s3  }
0x27: {  	[dreg:$0x3] =	wrdreg s5  }
0x28: {  	[dreg:$0x4] =	wrdreg $0xC0  }
0x29: {  	_ =	task [dreg:s7], $0x5FFFF  }
0x2a: {  	[dreg:$0x1] =	wrdreg $0xFFFFFFFF  }
0x2b: {  	[dreg:$0x0] =	wrdreg $0x60  }
0x2c: {  	[dreg:$0x2] =	wrdreg s25  }
0x2d: {  	[dreg:$0x3] =	wrdreg s17  }
0x2e: {  	[dreg:$0x4] =	wrdreg $0x9  }
0x2f: {  	_ =	task.clear_ibuf [dreg:s7], $0x5FFFF;
	_ =	strace $0x90000049  }
0x30: {  	s29 =	simm.s32 $0x9;
	_ =	strace $0x8000004B  }
0x31: {  	_ =	swait.ge [sflag:s29], $0x1  }
0x32: {  	[sflag:s29] =	ssyncadd.s32 $0xFFFFFFFF  }
0x33: {  	_ =	strace $0x9000004B  }
0x34: {  	_ =	sfence  }
0x35: {  	s30 =	sld [smem:$0x0];
	_ =	sdelay $0x2  }
0x36: {  	s31 =	sshll.u32 s1, $0xD;
	s1 =	sshrl.u32 s1, $0x2  }
0x37: {  	s3 =	sand.u32 $0x4000, s31;
	s1 =	sadd.s32 s1, s30  }
0x38: {  	s0 =	sor.u32 s3, s0;
	s1 =	sshll.u32 s1, $0x11  }
0x39: {  	s0 =	sor.u32 s1, s0  }
0x3a: {  	s0 =	sadd.s32 $0x8F2B, s0  }
0x3b: {  	[sflag:s0] =	ssyncadd.remote.s32 $0x1  }
0x3c: {  	_ =	sfence.sel $0xFFFF  }
0x3d: {  	[dreg:$0x0] =	wrdreg $0xFFFFFFFF;
	(pc) =	sbr.abs _section_cstart, $3  }
0x3e: {  	[dreg:$0x1] =	wrdreg $0xFFFFFFFF  }
0x3f: {  	_ =	task.clear_ibuf [dreg:s7], $0x2FFFF;
	_ =	strace $0x9FFFFFFF  }
0x40: {  	(tm) =	ssettm $0x7FFFFFFF  }
0x41: {  	_ =	shalt  }
tec
execute0_lowered:
.L_overlay_start_1:
0x0: {  	(tag) =	ssettag $0x1  }
0x1: {  	s0 =	srdreg.scid  }
0x2: {  	s1 =	sshll.u32 s0, $0x4  }
0x3: {  	s0 =	stileid.u32;
	s1 =	sand.u32 $0x10, s1  }
0x4: {  	s1 =	sor.u32 s0, s1  }
0x5: {  	s6 =	rddreg [dreg:$0x0];
	s4 =	simm.s32 $0x1;
	s2 =	sshll.u32 s1, $0x7  }
0x6: {  	s7 =	simm.s32 $0x2;
	s12 =	simm.s32 $0x0;
	s1 =	ssub.s32 $0x1000, s2  }
0x7: {  	s8 =	simm.s32 $0x8000;
	s13 =	simm.s32 $0x0;
	s3 =	sand.u32 $0xF80, s1  }
0x8: {  	s9 =	simm.s32 $0x0;
	s5 =	sshrl.u32 s1, $0xC;
	p0 =	sne.s32 s3, $0x0  }
.Ltmp0:
0x9: {  	s1 =	rddreg [dreg:$0x2];
	s4 =	simm.s32 @!p0 $0x0;
	(pc) =	sbr.rel .LBB1_1-.Ltmp0, $4  }
0xa: {  	s11 =	simm.s32 $0x0;
	s3 =	rddreg [dreg:$0x1];
	s5 =	sadd.s32 s4, s5  }
0xb: {  	_ =	strace $0x8000004A;
	s4 =	simm.s32 $0x1;
	s5 =	smul.u32 $0xC8, s5  }
0xc: {  	s6 =	sadd.s32 $0xF63000, s6;
	s10 =	smov.u32 s2;
	[sflag:s4] =	ssyncpa.u1 $0x0  }
0xd: {  	p0 =	por $0x0, $0x0;
	[sflag:s7] =	ssyncpa.u1 $0x0;
	s7 =	sor.u32 $0x1, s5  }
.LBB1_4:
0xe: {  	s16 =	sshll.u32 s13, $0x3;
	s17 =	sand.u32 $0x78, s13  }
0xf: {  	s30 =	sand.u32 $0x7E00, s13;
	s12 =	sshll.u32 s12, $0xF;
	s16 =	sand.u32 $0xC00, s16  }
0x10: {  	[tilespmem:s15+$0x810 ss:$0x81] =	vst.msk $0xffff, v2;
	s31 =	sand.u32 $0x7, s13;
	s16 =	sor.u32 s17, s16;
	s17 =	sadd.s32 s3, s30  }
0x11: {  	[tilespmem:s15+$0x1020 ss:$0x81] =	vst.msk $0xffff, v0;
	s13 =	sshll.u32 s31, $0x12;
	s12 =	sadd.s32 s12, s17;
	s16 =	sshrl.u32 s16, $0x3  }
0x12: {  	[tilespmem:s15+$0x0 ss:$0x81] =	vst.msk $0xffff, v1;
	s13 =	sor.u32 $0x400, s13;
	s12 =	sadd.s32 s16, s12  }
0x13: {  	[hbm4b:s12+s13] =	stream.strided.scatter [tilespmem:s14], [sflag:$0x2], $0x2000, s8, s13, $0x20;
	[tilespmem:$0x8080] =	vst v63  }
.LBB1_5:
0x14: {  	s14 =	sadd.s32 $0x1, s9  }
0x15: {  	s12 =	sadd.s32 $0x1000, s10;
	s16 =	smov.u32 s10;
	p2 =	sgt.s32 s14, $0xC7  }
0x16: {  	s16 =	smov.u32 @p2 s12  }
0x17: {  	s14 =	simm.s32 @p2 $0x0;
	p2 =	sgt.s32 s16, $0xFFF  }
0x18: {  	s16 =	smov.u32 @p2 s2;
	p2 =	sne.s32 s11, s7  }
.Ltmp1:
0x19: {  	p1 =	slt.u32 s11, $0x2;
	(pc) =	sbr.rel @!p2 .LBB1_6-.Ltmp1, $4  }
0x1a: {  	s15 =	simm.s32 @!p1 $0x2  }
0x1b: {  	s13 =	smov.u32 s10;
	p0 =	por !p0, !p0;
	_ =	swait.ge @!p1 [sflag:s15], $0x2000  }
0x1c: {  	s12 =	smov.u32 s9;
	[sflag:s15] =	ssyncset.done @!p1 $0x0;
	s9 =	smov.u32 s14  }
0x1d: {  	s11 =	sadd.s32 $0x1, s11;
	[sflag:s15] =	ssyncadd.s32 @!p1 $0xFFFFE000;
	s10 =	smov.u32 s16  }
.LBB1_1:
0x1e: {  	p1 =	sge.u32 s11, s5  }
0x1f: {  	s14 =	sand.u32 @!p1 $0x1FFFFFF, s9  }
0x20: {  	s15 =	smulhi.u32 @!p1 $0x147AE15, s14;
	_ =	sdelay $0x1  }
0x21: {  	s15 =	smul.u32 @!p1 $0xC8, s15  }
0x22: {  	s16 =	sxor.u32 @!p1 $0xFFFFFFFF, s11;
	s17 =	smul.u32 @!p1 $0xC80, s10  }
0x23: {  	s31 =	sadd.s32 $0xFFFFFFFF, s11;
	s16 =	sshll.u32 @!p1 s16, $0xD;
	s14 =	ssub.s32 @!p1 s14, s15  }
0x24: {  	s15 =	sand.u32 @!p1 $0x2000, s16;
	s16 =	sadd.s32 @!p1 s6, s17;
	s14 =	sshll.u32 @!p1 s14, $0x4  }
0x25: {  	s17 =	simm.s32 @!p1 $0x6400;
	s14 =	sadd.s32 @!p1 s14, s16;
	s16 =	simm.s32 @!p1 $0x40  }
0x26: {  	[tilespmem:s15], [sflag:$0x1] =	stream.strided.gather @!p1 [hbm4b:s14+s16], $0x2000, s17, s16, $0x38;
	[tilespmem:$0x8080] =	vst v63  }
0x27: {  	p1 =	sge.u32 s31, s5  }
.Ltmp2:
0x28: {  	_ = 	snop;
	(pc) =	sbr.rel @p1 .LBB1_5-.Ltmp2, $1  }
0x29: {  	_ =	sdelay $0x3  }
0x2a: {  	s14 =	simm.s32 $0x1  }
0x2b: {  	_ =	swait.ge [sflag:s4], $0x2000;
	s14 =	simm.s32 @!p0 $0x0  }
0x2c: {  	[sflag:s4] =	ssyncset.done $0x0;
	s15 =	sshll.u32 s14, $0xD  }
0x2d: {  	[sflag:s4] =	ssyncadd.s32 $0xFFFFE000;
	s18 =	sor.u32 $0x20, s15  }
0x2e: {  	s14 =	smul.u32 $0x8100, s14;
	v3 =	vld [tilespmem:s18+$0x10]  }
0x2f: {  	s30 =	sand.u32 $0x1, s11;
	v2 =	vld [tilespmem:s18+$0xFFFFFFF0]  }
0x30: {  	s15 =	smul.u32 $0x8100, s30;
	s14 =	sshrl.u32 s14, $0x2;
	v0 =	vld [tilespmem:s18+$0x0]  }
0x31: {  	v1 =	vld [tilespmem:s18+$0xFFFFFFE0];
	s16 =	sor.u32 $0x4000, s14  }
0x32: {  	s31 =	sshrl.u32 s15, $0x2;
	s15 =	sadd.s32 $0x0, s16  }
0x33: {  	s17 =	simm.s32 $0x4;
	s18 =	sadd.s32 $0x40, s18;
	s14 =	sor.u32 $0x4000, s31;
	[tilespmem:s15+$0x1830 ss:$0x81] =	vst.msk $0xffff, v3  }
.LBB1_3:
0x34: {  	v3 =	vld [tilespmem:s18+$0x10];
	p1 =	sne.s32 s17, $0x1FC;
	[tilespmem:s15+$0x810 ss:$0x81] =	vst.msk $0xffff, v2;
	s19 =	smov.u32 s17;
	s17 =	sadd.s32 $0x4, s17  }
.Ltmp3:
0x35: {  	v2 =	vld [tilespmem:s18+$0xFFFFFFF0];
	[tilespmem:s15+$0x1020 ss:$0x81] =	vst.msk $0xffff, v0;
	(pc) =	sbr.rel @p1 .LBB1_3-.Ltmp3, $4  }
0x36: {  	v0 =	vld [tilespmem:s18+$0x0];
	[tilespmem:s15+$0x0 ss:$0x81] =	vst.msk $0xffff, v1  }
0x37: {  	s15 =	sshra.s32 s19, $0x2;
	v1 =	vld [tilespmem:s18+$0xFFFFFFE0]  }
0x38: {  	s15 =	sadd.s32 s15, s16  }
0x39: {  	s18 =	sadd.s32 $0x40, s18;
	[tilespmem:s15+$0x1830 ss:$0x81] =	vst.msk $0xffff, v3  }
.Ltmp4:
0x3a: {  	_ = 	snop;
	(pc) =	sbr.rel .LBB1_4-.Ltmp4, $1  }
0x3b: {  	_ =	sdelay $0x3  }
.LBB1_6:
0x3c: {  	_ =	sfence.sel $0x180000  }
0x3d: {  	s2 =	simm.s32 $0x1;
	[bflag:$0x0] =	sbarrier.arrive $0xFFFF  }
0x3e: {  	s31 =	simm.s32 $0x2;
	[sflag:s2] =	ssyncpa.u1 $0x1  }
0x3f: {  	[sflag:s31] =	ssyncpa.u1 $0x1  }
0x40: {  	p0 =	sne.s32 s0, $0x0;
	_ =	strace $0x9000004A  }
0x41: {  	s0 =	sadd.s32 @!p0 $0x100000, s1;
	[bflag:$0x2] =	sbarrier.arrive $0xFFFF  }
0x42: {  	[sflag:s0] =	ssyncadd.tile.s32 @!p0 $0x1;
	_ =	shalt  }
.Lfunc_end1:
_tile_overlayer_lowered:
.L_overlay_start_2:
0x43: {  	(tag) =	ssettag $0x2  }
0x44: {  	s0 =	rddreg [dreg:$0x0];
	s2 =	stileid.u32  }
0x45: {  	s1 =	rddreg [dreg:$0x1];
	p0 =	sne.s32 s2, $0x0  }
0x46: {  	s3 =	rddreg [dreg:$0x2];
	[bflag:$0x3] =	sbarrier.arrive $0xFFFF;
	s2 =	simm.s32 @!p0 $0x1C01  }
0x47: {  	[timem:s3], [sflag:s2] =	dma.local @!p0 [hbm:s0], s1  }
0x48: {  	s0 =	simm.s32 @!p0 $0x1  }
0x49: {  	_ =	swait.ge @!p0 [sflag:s0], s1  }
0x4a: {  	s1 =	ssub.s32 @!p0 $0x0, s1;
	[sflag:s0] =	ssyncset.done @!p0 $0x0  }
0x4b: {  	[sflag:s0] =	ssyncadd.s32 @!p0 s1  }
0x4c: {  	[bflag:$0x3] =	sbarrier.arrive $0xFFFF  }
0x4d: {  	_ =	shalt  }

</sc_bundles>
